<compile_context>
chip_gen: v7x
topology: tpu7x:2x2x1
jax: 0.10.2.dev20260603
libtpu: 0.0.44.dev20260713+nightly
codegen_flags: <defaults>
</compile_context>

<pallas_src>
import functools

import jax
import jax.numpy as jnp
from jax import lax
from jax.experimental import pallas as pl
from jax.experimental.pallas import tpu as pltpu
from jax.experimental.pallas import tpu_sc as plsc

B = 4096
T = 200
D = 64
BF = B * T
NC = 2
NS = 16
NW = NC * NS
PER_W = BF // NW
SUB = 40
K = 10
CH = K * SUB
NCH = PER_W // CH
TPW = B // NW
NBUF = 4
L = 16


def _body(tok_hbm, table_hbm, pos_hbm, out_hbm,
          pidx_v, pos_sh, idx0, idx1, idx2, idx3, rows0, rows1, rows2, rows3,
          *sems):
    idx_v = [idx0, idx1, idx2, idx3]
    rows_v = [rows0, rows1, rows2, rows3]
    sem_ld = sems[0:4]
    sem_tab = sems[4:8]
    sem_pos = sems[8:12]
    sem_out = sems[12:16]

    cid = lax.axis_index("c")
    sid = lax.axis_index("s")
    wid = sid * NC + cid
    row0 = wid * TPW

    for i in range(CH // L):
        v = lax.iota(jnp.int32, L) + (i * L)
        pidx_v[pl.ds(i * L, L)] = jnp.where(v >= T, v - T, v)

    @pl.when(sid == 0)
    def _fill_pos():
        pltpu.sync_copy(pos_hbm, pos_sh)

    plsc.subcore_barrier()

    def fire_ld(j, b):
        pltpu.make_async_copy(
            tok_hbm.at[pl.ds(row0 + 2 * j, 2)], idx_v[b], sem_ld[b]).start()

    def drain_ld(b):
        pltpu.make_async_copy(
            tok_hbm.at[pl.ds(0, 2)], idx_v[b], sem_ld[b]).wait()

    def fire_tab(b):
        for q in range(2):
            for h in range(5):
                pltpu.async_copy(
                    table_hbm.at[idx_v[b].at[q, pl.ds(h * SUB, SUB)]],
                    rows_v[b].at[q, pl.ds(h * SUB, SUB)], sem_tab[b])

    def drain_tab(b):
        for q in range(2):
            for h in range(5):
                pltpu.make_async_copy(
                    table_hbm.at[pl.ds(0, SUB)],
                    rows_v[b].at[q, pl.ds(h * SUB, SUB)], sem_tab[b]).wait()

    def fire_pos(b):
        for g in range(K):
            pltpu.async_copy(
                pos_sh.at[pidx_v.at[pl.ds(g * SUB, SUB)]],
                rows_v[b].at[g // 5, pl.ds((g % 5) * SUB, SUB)], sem_pos[b],
                add=True)

    def drain_pos(b):
        for g in range(K):
            pltpu.make_async_copy(
                table_hbm.at[pl.ds(0, SUB)],
                rows_v[b].at[g // 5, pl.ds((g % 5) * SUB, SUB)],
                sem_pos[b]).wait()

    def fire_out(j, b):
        pltpu.make_async_copy(
            rows_v[b], out_hbm.at[pl.ds(row0 + 2 * j, 2)], sem_out[b]
        ).start()

    def drain_out(b):
        pltpu.make_async_copy(
            rows_v[b], out_hbm.at[pl.ds(row0, 2)], sem_out[b]).wait()

    n_macro = (NCH + 3 + 3) // 4

    @pl.loop(0, n_macro)
    def _macro(m):
        for s in range(4):
            i = m * 4 + s

            bA = s

            @pl.when(i < NCH)
            def _a():
                fire_ld(i, bA)

            jB = i - 1
            bB = (s - 1) % 4

            @pl.when(jnp.logical_and(jB >= 0, jB < NCH))
            def _b():
                drain_ld(bB)

                @pl.when(jB >= NBUF)
                def _reuse():
                    drain_out(bB)

                fire_tab(bB)

            jC = i - 2
            bC = (s - 2) % 4

            @pl.when(jnp.logical_and(jC >= 0, jC < NCH))
            def _c():
                drain_tab(bC)
                fire_pos(bC)

            jD = i - 3
            bD = (s - 3) % 4

            @pl.when(jnp.logical_and(jD >= 0, jD < NCH))
            def _d():
                drain_pos(bD)
                fire_out(jD, bD)

    for j in range(NCH - NBUF, NCH):
        drain_out(j % 4)


@functools.partial(
    pl.kernel,
    out_type=jax.ShapeDtypeStruct((B, T, D), jnp.float32),
    mesh=plsc.VectorSubcoreMesh(core_axis_name="c", subcore_axis_name="s"),
    scratch_types=[
        pltpu.VMEM((CH,), jnp.int32),
        pltpu.VMEM_SHARED((T, D), jnp.float32),
        pltpu.VMEM((2, T), jnp.int32),
        pltpu.VMEM((2, T), jnp.int32),
        pltpu.VMEM((2, T), jnp.int32),
        pltpu.VMEM((2, T), jnp.int32),
        pltpu.VMEM((2, T, D), jnp.float32),
        pltpu.VMEM((2, T, D), jnp.float32),
        pltpu.VMEM((2, T, D), jnp.float32),
        pltpu.VMEM((2, T, D), jnp.float32),
    ] + [pltpu.SemaphoreType.DMA] * 16,
    compiler_params=pltpu.CompilerParams(use_tc_tiling_on_sc=False),
)
def _lookup(tok_hbm, table_hbm, pos_hbm, out_hbm, *scratch):
    _body(tok_hbm, table_hbm, pos_hbm, out_hbm, *scratch)


def kernel(tokens, tokens_embed, positional_embed):
    return _lookup(tokens.astype(jnp.int32), tokens_embed, positional_embed)

# --- scband reference (transcript-rebuilt; emitter-appended) ---
"""Pipeline reference for scband-clipembedding-90263032692933 (READ-ONLY COPY).

The authoritative reference and input builder live on the scoring server;
editing this copy changes nothing except your own understanding.
"""

import jax, jax.numpy as jnp
import numpy as np

N_VOCAB = 1000000
N_EMBED = 64
N_TOKENS = 200
BATCH = 4096

def setup_inputs(seed: int = 0) -> dict:
    key = jax.random.key(seed)
    k1, k2, k3 = jax.random.split(key, 3)
    tokens = jax.random.randint(k1, (BATCH, N_TOKENS), 0, N_VOCAB, dtype=jnp.int64) if jax.config.jax_enable_x64 else jax.random.randint(k1, (BATCH, N_TOKENS), 0, N_VOCAB, dtype=jnp.int32)
    tokens_embed = jax.random.normal(k2, (N_VOCAB, N_EMBED), dtype=jnp.float32) * 0.02
    positional_embed = jax.random.normal(k3, (N_TOKENS, N_EMBED), dtype=jnp.float32) * 0.02
    return {"tokens": tokens, "tokens_embed": tokens_embed, "positional_embed": positional_embed}

def reference(tokens, tokens_embed, positional_embed):
    # x = self.tokens_embed(tokens)
    x = jnp.take(tokens_embed, tokens, axis=0)  # [B, T, D] gather
    # x += self.positional_embed  (broadcast over batch)
    x = x + positional_embed
    return x

if __name__ == "__main__":
    import jax
    _d = setup_inputs()
    print(jax.jit(kernel)(*tuple(_d.values())))

</pallas_src>

<mosaic_0001>
#map = affine_map<(d0, d1) -> (0, 0)>
#map1 = affine_map<(d0, d1) -> (0, 0, 0)>
module attributes {stable_mosaic.version = 14 : i64} {
  func.func @_lookup(%arg0: i32, %arg1: i32, %arg2: memref<4096x200xi32, #tpu.memory_space<hbm>>, %arg3: memref<1000000x64xf32, #tpu.memory_space<hbm>>, %arg4: memref<200x64xf32, #tpu.memory_space<hbm>>, %arg5: memref<4096x200x64xf32, #tpu.memory_space<hbm>>, %arg6: memref<400xi32, #tpu.memory_space<vmem>>, %arg7: memref<200x64xf32, #tpu.memory_space<vmem_shared>>, %arg8: memref<2x200xi32, #tpu.memory_space<vmem>>, %arg9: memref<2x200xi32, #tpu.memory_space<vmem>>, %arg10: memref<2x200xi32, #tpu.memory_space<vmem>>, %arg11: memref<2x200xi32, #tpu.memory_space<vmem>>, %arg12: memref<2x200x64xf32, #tpu.memory_space<vmem>>, %arg13: memref<2x200x64xf32, #tpu.memory_space<vmem>>, %arg14: memref<2x200x64xf32, #tpu.memory_space<vmem>>, %arg15: memref<2x200x64xf32, #tpu.memory_space<vmem>>, %arg16: memref<!tpu.dma_semaphore, #tpu.memory_space<semaphore_mem>>, %arg17: memref<!tpu.dma_semaphore, #tpu.memory_space<semaphore_mem>>, %arg18: memref<!tpu.dma_semaphore, #tpu.memory_space<semaphore_mem>>, %arg19: memref<!tpu.dma_semaphore, #tpu.memory_space<semaphore_mem>>, %arg20: memref<!tpu.dma_semaphore, #tpu.memory_space<semaphore_mem>>, %arg21: memref<!tpu.dma_semaphore, #tpu.memory_space<semaphore_mem>>, %arg22: memref<!tpu.dma_semaphore, #tpu.memory_space<semaphore_mem>>, %arg23: memref<!tpu.dma_semaphore, #tpu.memory_space<semaphore_mem>>, %arg24: memref<!tpu.dma_semaphore, #tpu.memory_space<semaphore_mem>>, %arg25: memref<!tpu.dma_semaphore, #tpu.memory_space<semaphore_mem>>, %arg26: memref<!tpu.dma_semaphore, #tpu.memory_space<semaphore_mem>>, %arg27: memref<!tpu.dma_semaphore, #tpu.memory_space<semaphore_mem>>, %arg28: memref<!tpu.dma_semaphore, #tpu.memory_space<semaphore_mem>>, %arg29: memref<!tpu.dma_semaphore, #tpu.memory_space<semaphore_mem>>, %arg30: memref<!tpu.dma_semaphore, #tpu.memory_space<semaphore_mem>>, %arg31: memref<!tpu.dma_semaphore, #tpu.memory_space<semaphore_mem>>) attributes {dimension_semantics = [#tpu.dimension_semantics<core_parallel>, #tpu.dimension_semantics<subcore_parallel>], iteration_bounds = array<i64: 2, 16>, scalar_prefetch = 0 : i64, scratch_operands = 26 : i64, tpu.core_type = #tpu.core_type<sc_vector_subcore>, window_params = [{transform_indices = #map}, {transform_indices = #map}, {transform_indices = #map}, {transform_indices = #map1}]} {
    %mul3A = arith.constant 2 : i32
    %mul3A_0 = arith.muli %arg1, %mul3A : i32
    %add3A = arith.addi %mul3A_0, %arg0 : i32
    %mul3A_1 = arith.constant 128 : i32
    %mul3A_2 = arith.muli %add3A, %mul3A_1 : i32
    %iota3A = tpu.iota {dimensions = array<i32: 0>} : vector<16xi32>
    %add3A_3 = arith.constant 0 : i32
    %add3A_4 = vector.broadcast %add3A_3 : i32 to vector<16xi32>
    %add3A_5 = arith.addi %iota3A, %add3A_4 : vector<16xi32>
    %ge3A = arith.constant 200 : i32
    %ge3A_6 = vector.broadcast %ge3A : i32 to vector<16xi32>
    %ge3A_7 = arith.cmpi sge, %add3A_5, %ge3A_6 : vector<16xi32>
    %sub3A = arith.constant 200 : i32
    %sub3A_8 = vector.broadcast %sub3A : i32 to vector<16xi32>
    %sub3A_9 = arith.subi %add3A_5, %sub3A_8 : vector<16xi32>
    %select_n3A = arith.select %ge3A_7, %sub3A_9, %add3A_5 : vector<16xi1>, vector<16xi32>
    %swap3A = arith.constant 0 : index
    %swap3A_10 = tpu.vector_load %arg6[%swap3A] {strides = array<i32>} : memref<400xi32, #tpu.memory_space<vmem>>, vector<16xi32>,
    %swap3A_11 = vector.shape_cast %swap3A_10 : vector<16xi32> to vector<16xi32>
    %swap3A_12 = vector.shape_cast %select_n3A : vector<16xi32> to vector<16xi32>
    tpu.vector_store %arg6[%swap3A], %swap3A_12 {strides = array<i32>} : memref<400xi32, #tpu.memory_space<vmem>>, vector<16xi32>,
    %iota3A_13 = tpu.iota {dimensions = array<i32: 0>} : vector<16xi32>
    %add3A_14 = arith.constant 16 : i32
    %add3A_15 = vector.broadcast %add3A_14 : i32 to vector<16xi32>
    %add3A_16 = arith.addi %iota3A_13, %add3A_15 : vector<16xi32>
    %ge3A_17 = arith.constant 200 : i32
    %ge3A_18 = vector.broadcast %ge3A_17 : i32 to vector<16xi32>
    %ge3A_19 = arith.cmpi sge, %add3A_16, %ge3A_18 : vector<16xi32>
    %sub3A_20 = arith.constant 200 : i32
    %sub3A_21 = vector.broadcast %sub3A_20 : i32 to vector<16xi32>
    %sub3A_22 = arith.subi %add3A_16, %sub3A_21 : vector<16xi32>
    %select_n3A_23 = arith.select %ge3A_19, %sub3A_22, %add3A_16 : vector<16xi1>, vector<16xi32>
    %swap3A_24 = arith.constant 16 : index
    %swap3A_25 = tpu.vector_load %arg6[%swap3A_24] {strides = array<i32>} : memref<400xi32, #tpu.memory_space<vmem>>, vector<16xi32>,
    %swap3A_26 = vector.shape_cast %swap3A_25 : vector<16xi32> to vector<16xi32>
    %swap3A_27 = vector.shape_cast %select_n3A_23 : vector<16xi32> to vector<16xi32>
    tpu.vector_store %arg6[%swap3A_24], %swap3A_27 {strides = array<i32>} : memref<400xi32, #tpu.memory_space<vmem>>, vector<16xi32>,
    %iota3A_28 = tpu.iota {dimensions = array<i32: 0>} : vector<16xi32>
    %add3A_29 = arith.constant 32 : i32
    %add3A_30 = vector.broadcast %add3A_29 : i32 to vector<16xi32>
    %add3A_31 = arith.addi %iota3A_28, %add3A_30 : vector<16xi32>
    %ge3A_32 = arith.constant 200 : i32
    %ge3A_33 = vector.broadcast %ge3A_32 : i32 to vector<16xi32>
    %ge3A_34 = arith.cmpi sge, %add3A_31, %ge3A_33 : vector<16xi32>
    %sub3A_35 = arith.constant 200 : i32
    %sub3A_36 = vector.broadcast %sub3A_35 : i32 to vector<16xi32>
    %sub3A_37 = arith.subi %add3A_31, %sub3A_36 : vector<16xi32>
    %select_n3A_38 = arith.select %ge3A_34, %sub3A_37, %add3A_31 : vector<16xi1>, vector<16xi32>
    %swap3A_39 = arith.constant 32 : index
    %swap3A_40 = tpu.vector_load %arg6[%swap3A_39] {strides = array<i32>} : memref<400xi32, #tpu.memory_space<vmem>>, vector<16xi32>,
    %swap3A_41 = vector.shape_cast %swap3A_40 : vector<16xi32> to vector<16xi32>
    %swap3A_42 = vector.shape_cast %select_n3A_38 : vector<16xi32> to vector<16xi32>
    tpu.vector_store %arg6[%swap3A_39], %swap3A_42 {strides = array<i32>} : memref<400xi32, #tpu.memory_space<vmem>>, vector<16xi32>,
    %iota3A_43 = tpu.iota {dimensions = array<i32: 0>} : vector<16xi32>
    %add3A_44 = arith.constant 48 : i32
    %add3A_45 = vector.broadcast %add3A_44 : i32 to vector<16xi32>
    %add3A_46 = arith.addi %iota3A_43, %add3A_45 : vector<16xi32>
    %ge3A_47 = arith.constant 200 : i32
    %ge3A_48 = vector.broadcast %ge3A_47 : i32 to vector<16xi32>
    %ge3A_49 = arith.cmpi sge, %add3A_46, %ge3A_48 : vector<16xi32>
    %sub3A_50 = arith.constant 200 : i32
    %sub3A_51 = vector.broadcast %sub3A_50 : i32 to vector<16xi32>
    %sub3A_52 = arith.subi %add3A_46, %sub3A_51 : vector<16xi32>
    %select_n3A_53 = arith.select %ge3A_49, %sub3A_52, %add3A_46 : vector<16xi1>, vector<16xi32>
    %swap3A_54 = arith.constant 48 : index
    %swap3A_55 = tpu.vector_load %arg6[%swap3A_54] {strides = array<i32>} : memref<400xi32, #tpu.memory_space<vmem>>, vector<16xi32>,
    %swap3A_56 = vector.shape_cast %swap3A_55 : vector<16xi32> to vector<16xi32>
    %swap3A_57 = vector.shape_cast %select_n3A_53 : vector<16xi32> to vector<16xi32>
    tpu.vector_store %arg6[%swap3A_54], %swap3A_57 {strides = array<i32>} : memref<400xi32, #tpu.memory_space<vmem>>, vector<16xi32>,
    %iota3A_58 = tpu.iota {dimensions = array<i32: 0>} : vector<16xi32>
    %add3A_59 = arith.constant 64 : i32
    %add3A_60 = vector.broadcast %add3A_59 : i32 to vector<16xi32>
    %add3A_61 = arith.addi %iota3A_58, %add3A_60 : vector<16xi32>
    %ge3A_62 = arith.constant 200 : i32
    %ge3A_63 = vector.broadcast %ge3A_62 : i32 to vector<16xi32>
    %ge3A_64 = arith.cmpi sge, %add3A_61, %ge3A_63 : vector<16xi32>
    %sub3A_65 = arith.constant 200 : i32
    %sub3A_66 = vector.broadcast %sub3A_65 : i32 to vector<16xi32>
    %sub3A_67 = arith.subi %add3A_61, %sub3A_66 : vector<16xi32>
    %select_n3A_68 = arith.select %ge3A_64, %sub3A_67, %add3A_61 : vector<16xi1>, vector<16xi32>
    %swap3A_69 = arith.constant 64 : index
    %swap3A_70 = tpu.vector_load %arg6[%swap3A_69] {strides = array<i32>} : memref<400xi32, #tpu.memory_space<vmem>>, vector<16xi32>,
    %swap3A_71 = vector.shape_cast %swap3A_70 : vector<16xi32> to vector<16xi32>
    %swap3A_72 = vector.shape_cast %select_n3A_68 : vector<16xi32> to vector<16xi32>
    tpu.vector_store %arg6[%swap3A_69], %swap3A_72 {strides = array<i32>} : memref<400xi32, #tpu.memory_space<vmem>>, vector<16xi32>,
    %iota3A_73 = tpu.iota {dimensions = array<i32: 0>} : vector<16xi32>
    %add3A_74 = arith.constant 80 : i32
    %add3A_75 = vector.broadcast %add3A_74 : i32 to vector<16xi32>
    %add3A_76 = arith.addi %iota3A_73, %add3A_75 : vector<16xi32>
    %ge3A_77 = arith.constant 200 : i32
    %ge3A_78 = vector.broadcast %ge3A_77 : i32 to vector<16xi32>
    %ge3A_79 = arith.cmpi sge, %add3A_76, %ge3A_78 : vector<16xi32>
    %sub3A_80 = arith.constant 200 : i32
    %sub3A_81 = vector.broadcast %sub3A_80 : i32 to vector<16xi32>
    %sub3A_82 = arith.subi %add3A_76, %sub3A_81 : vector<16xi32>
    %select_n3A_83 = arith.select %ge3A_79, %sub3A_82, %add3A_76 : vector<16xi1>, vector<16xi32>
    %swap3A_84 = arith.constant 80 : index
    %swap3A_85 = tpu.vector_load %arg6[%swap3A_84] {strides = array<i32>} : memref<400xi32, #tpu.memory_space<vmem>>, vector<16xi32>,
    %swap3A_86 = vector.shape_cast %swap3A_85 : vector<16xi32> to vector<16xi32>
    %swap3A_87 = vector.shape_cast %select_n3A_83 : vector<16xi32> to vector<16xi32>
    tpu.vector_store %arg6[%swap3A_84], %swap3A_87 {strides = array<i32>} : memref<400xi32, #tpu.memory_space<vmem>>, vector<16xi32>,
    %iota3A_88 = tpu.iota {dimensions = array<i32: 0>} : vector<16xi32>
    %add3A_89 = arith.constant 96 : i32
    %add3A_90 = vector.broadcast %add3A_89 : i32 to vector<16xi32>
    %add3A_91 = arith.addi %iota3A_88, %add3A_90 : vector<16xi32>
    %ge3A_92 = arith.constant 200 : i32
    %ge3A_93 = vector.broadcast %ge3A_92 : i32 to vector<16xi32>
    %ge3A_94 = arith.cmpi sge, %add3A_91, %ge3A_93 : vector<16xi32>
    %sub3A_95 = arith.constant 200 : i32
    %sub3A_96 = vector.broadcast %sub3A_95 : i32 to vector<16xi32>
    %sub3A_97 = arith.subi %add3A_91, %sub3A_96 : vector<16xi32>
    %select_n3A_98 = arith.select %ge3A_94, %sub3A_97, %add3A_91 : vector<16xi1>, vector<16xi32>
    %swap3A_99 = arith.constant 96 : index
    %swap3A_100 = tpu.vector_load %arg6[%swap3A_99] {strides = array<i32>} : memref<400xi32, #tpu.memory_space<vmem>>, vector<16xi32>,
    %swap3A_101 = vector.shape_cast %swap3A_100 : vector<16xi32> to vector<16xi32>
    %swap3A_102 = vector.shape_cast %select_n3A_98 : vector<16xi32> to vector<16xi32>
    tpu.vector_store %arg6[%swap3A_99], %swap3A_102 {strides = array<i32>} : memref<400xi32, #tpu.memory_space<vmem>>, vector<16xi32>,
    %iota3A_103 = tpu.iota {dimensions = array<i32: 0>} : vector<16xi32>
    %add3A_104 = arith.constant 112 : i32
    %add3A_105 = vector.broadcast %add3A_104 : i32 to vector<16xi32>
    %add3A_106 = arith.addi %iota3A_103, %add3A_105 : vector<16xi32>
    %ge3A_107 = arith.constant 200 : i32
    %ge3A_108 = vector.broadcast %ge3A_107 : i32 to vector<16xi32>
    %ge3A_109 = arith.cmpi sge, %add3A_106, %ge3A_108 : vector<16xi32>
    %sub3A_110 = arith.constant 200 : i32
    %sub3A_111 = vector.broadcast %sub3A_110 : i32 to vector<16xi32>
    %sub3A_112 = arith.subi %add3A_106, %sub3A_111 : vector<16xi32>
    %select_n3A_113 = arith.select %ge3A_109, %sub3A_112, %add3A_106 : vector<16xi1>, vector<16xi32>
    %swap3A_114 = arith.constant 112 : index
    %swap3A_115 = tpu.vector_load %arg6[%swap3A_114] {strides = array<i32>} : memref<400xi32, #tpu.memory_space<vmem>>, vector<16xi32>,
    %swap3A_116 = vector.shape_cast %swap3A_115 : vector<16xi32> to vector<16xi32>
    %swap3A_117 = vector.shape_cast %select_n3A_113 : vector<16xi32> to vector<16xi32>
    tpu.vector_store %arg6[%swap3A_114], %swap3A_117 {strides = array<i32>} : memref<400xi32, #tpu.memory_space<vmem>>, vector<16xi32>,
    %iota3A_118 = tpu.iota {dimensions = array<i32: 0>} : vector<16xi32>
    %add3A_119 = arith.constant 128 : i32
    %add3A_120 = vector.broadcast %add3A_119 : i32 to vector<16xi32>
    %add3A_121 = arith.addi %iota3A_118, %add3A_120 : vector<16xi32>
    %ge3A_122 = arith.constant 200 : i32
    %ge3A_123 = vector.broadcast %ge3A_122 : i32 to vector<16xi32>
    %ge3A_124 = arith.cmpi sge, %add3A_121, %ge3A_123 : vector<16xi32>
    %sub3A_125 = arith.constant 200 : i32
    %sub3A_126 = vector.broadcast %sub3A_125 : i32 to vector<16xi32>
    %sub3A_127 = arith.subi %add3A_121, %sub3A_126 : vector<16xi32>
    %select_n3A_128 = arith.select %ge3A_124, %sub3A_127, %add3A_121 : vector<16xi1>, vector<16xi32>
    %swap3A_129 = arith.constant 128 : index
    %swap3A_130 = tpu.vector_load %arg6[%swap3A_129] {strides = array<i32>} : memref<400xi32, #tpu.memory_space<vmem>>, vector<16xi32>,
    %swap3A_131 = vector.shape_cast %swap3A_130 : vector<16xi32> to vector<16xi32>
    %swap3A_132 = vector.shape_cast %select_n3A_128 : vector<16xi32> to vector<16xi32>
    tpu.vector_store %arg6[%swap3A_129], %swap3A_132 {strides = array<i32>} : memref<400xi32, #tpu.memory_space<vmem>>, vector<16xi32>,
    %iota3A_133 = tpu.iota {dimensions = array<i32: 0>} : vector<16xi32>
    %add3A_134 = arith.constant 144 : i32
    %add3A_135 = vector.broadcast %add3A_134 : i32 to vector<16xi32>
    %add3A_136 = arith.addi %iota3A_133, %add3A_135 : vector<16xi32>
    %ge3A_137 = arith.constant 200 : i32
    %ge3A_138 = vector.broadcast %ge3A_137 : i32 to vector<16xi32>
    %ge3A_139 = arith.cmpi sge, %add3A_136, %ge3A_138 : vector<16xi32>
    %sub3A_140 = arith.constant 200 : i32
    %sub3A_141 = vector.broadcast %sub3A_140 : i32 to vector<16xi32>
    %sub3A_142 = arith.subi %add3A_136, %sub3A_141 : vector<16xi32>
    %select_n3A_143 = arith.select %ge3A_139, %sub3A_142, %add3A_136 : vector<16xi1>, vector<16xi32>
    %swap3A_144 = arith.constant 144 : index
    %swap3A_145 = tpu.vector_load %arg6[%swap3A_144] {strides = array<i32>} : memref<400xi32, #tpu.memory_space<vmem>>, vector<16xi32>,
    %swap3A_146 = vector.shape_cast %swap3A_145 : vector<16xi32> to vector<16xi32>
    %swap3A_147 = vector.shape_cast %select_n3A_143 : vector<16xi32> to vector<16xi32>
    tpu.vector_store %arg6[%swap3A_144], %swap3A_147 {strides = array<i32>} : memref<400xi32, #tpu.memory_space<vmem>>, vector<16xi32>,
    %iota3A_148 = tpu.iota {dimensions = array<i32: 0>} : vector<16xi32>
    %add3A_149 = arith.constant 160 : i32
    %add3A_150 = vector.broadcast %add3A_149 : i32 to vector<16xi32>
    %add3A_151 = arith.addi %iota3A_148, %add3A_150 : vector<16xi32>
    %ge3A_152 = arith.constant 200 : i32
    %ge3A_153 = vector.broadcast %ge3A_152 : i32 to vector<16xi32>
    %ge3A_154 = arith.cmpi sge, %add3A_151, %ge3A_153 : vector<16xi32>
    %sub3A_155 = arith.constant 200 : i32
    %sub3A_156 = vector.broadcast %sub3A_155 : i32 to vector<16xi32>
    %sub3A_157 = arith.subi %add3A_151, %sub3A_156 : vector<16xi32>
    %select_n3A_158 = arith.select %ge3A_154, %sub3A_157, %add3A_151 : vector<16xi1>, vector<16xi32>
    %swap3A_159 = arith.constant 160 : index
    %swap3A_160 = tpu.vector_load %arg6[%swap3A_159] {strides = array<i32>} : memref<400xi32, #tpu.memory_space<vmem>>, vector<16xi32>,
    %swap3A_161 = vector.shape_cast %swap3A_160 : vector<16xi32> to vector<16xi32>
    %swap3A_162 = vector.shape_cast %select_n3A_158 : vector<16xi32> to vector<16xi32>
    tpu.vector_store %arg6[%swap3A_159], %swap3A_162 {strides = array<i32>} : memref<400xi32, #tpu.memory_space<vmem>>, vector<16xi32>,
    %iota3A_163 = tpu.iota {dimensions = array<i32: 0>} : vector<16xi32>
    %add3A_164 = arith.constant 176 : i32
    %add3A_165 = vector.broadcast %add3A_164 : i32 to vector<16xi32>
    %add3A_166 = arith.addi %iota3A_163, %add3A_165 : vector<16xi32>
    %ge3A_167 = arith.constant 200 : i32
    %ge3A_168 = vector.broadcast %ge3A_167 : i32 to vector<16xi32>
    %ge3A_169 = arith.cmpi sge, %add3A_166, %ge3A_168 : vector<16xi32>
    %sub3A_170 = arith.constant 200 : i32
    %sub3A_171 = vector.broadcast %sub3A_170 : i32 to vector<16xi32>
    %sub3A_172 = arith.subi %add3A_166, %sub3A_171 : vector<16xi32>
    %select_n3A_173 = arith.select %ge3A_169, %sub3A_172, %add3A_166 : vector<16xi1>, vector<16xi32>
    %swap3A_174 = arith.constant 176 : index
    %swap3A_175 = tpu.vector_load %arg6[%swap3A_174] {strides = array<i32>} : memref<400xi32, #tpu.memory_space<vmem>>, vector<16xi32>,
    %swap3A_176 = vector.shape_cast %swap3A_175 : vector<16xi32> to vector<16xi32>
    %swap3A_177 = vector.shape_cast %select_n3A_173 : vector<16xi32> to vector<16xi32>
    tpu.vector_store %arg6[%swap3A_174], %swap3A_177 {strides = array<i32>} : memref<400xi32, #tpu.memory_space<vmem>>, vector<16xi32>,
    %iota3A_178 = tpu.iota {dimensions = array<i32: 0>} : vector<16xi32>
    %add3A_179 = arith.constant 192 : i32
    %add3A_180 = vector.broadcast %add3A_179 : i32 to vector<16xi32>
    %add3A_181 = arith.addi %iota3A_178, %add3A_180 : vector<16xi32>
    %ge3A_182 = arith.constant 200 : i32
    %ge3A_183 = vector.broadcast %ge3A_182 : i32 to vector<16xi32>
    %ge3A_184 = arith.cmpi sge, %add3A_181, %ge3A_183 : vector<16xi32>
    %sub3A_185 = arith.constant 200 : i32
    %sub3A_186 = vector.broadcast %sub3A_185 : i32 to vector<16xi32>
    %sub3A_187 = arith.subi %add3A_181, %sub3A_186 : vector<16xi32>
    %select_n3A_188 = arith.select %ge3A_184, %sub3A_187, %add3A_181 : vector<16xi1>, vector<16xi32>
    %swap3A_189 = arith.constant 192 : index
    %swap3A_190 = tpu.vector_load %arg6[%swap3A_189] {strides = array<i32>} : memref<400xi32, #tpu.memory_space<vmem>>, vector<16xi32>,
    %swap3A_191 = vector.shape_cast %swap3A_190 : vector<16xi32> to vector<16xi32>
    %swap3A_192 = vector.shape_cast %select_n3A_188 : vector<16xi32> to vector<16xi32>
    tpu.vector_store %arg6[%swap3A_189], %swap3A_192 {strides = array<i32>} : memref<400xi32, #tpu.memory_space<vmem>>, vector<16xi32>,
    %iota3A_193 = tpu.iota {dimensions = array<i32: 0>} : vector<16xi32>
    %add3A_194 = arith.constant 208 : i32
    %add3A_195 = vector.broadcast %add3A_194 : i32 to vector<16xi32>
    %add3A_196 = arith.addi %iota3A_193, %add3A_195 : vector<16xi32>
    %ge3A_197 = arith.constant 200 : i32
    %ge3A_198 = vector.broadcast %ge3A_197 : i32 to vector<16xi32>
    %ge3A_199 = arith.cmpi sge, %add3A_196, %ge3A_198 : vector<16xi32>
    %sub3A_200 = arith.constant 200 : i32
    %sub3A_201 = vector.broadcast %sub3A_200 : i32 to vector<16xi32>
    %sub3A_202 = arith.subi %add3A_196, %sub3A_201 : vector<16xi32>
    %select_n3A_203 = arith.select %ge3A_199, %sub3A_202, %add3A_196 : vector<16xi1>, vector<16xi32>
    %swap3A_204 = arith.constant 208 : index
    %swap3A_205 = tpu.vector_load %arg6[%swap3A_204] {strides = array<i32>} : memref<400xi32, #tpu.memory_space<vmem>>, vector<16xi32>,
    %swap3A_206 = vector.shape_cast %swap3A_205 : vector<16xi32> to vector<16xi32>
    %swap3A_207 = vector.shape_cast %select_n3A_203 : vector<16xi32> to vector<16xi32>
    tpu.vector_store %arg6[%swap3A_204], %swap3A_207 {strides = array<i32>} : memref<400xi32, #tpu.memory_space<vmem>>, vector<16xi32>,
    %iota3A_208 = tpu.iota {dimensions = array<i32: 0>} : vector<16xi32>
    %add3A_209 = arith.constant 224 : i32
    %add3A_210 = vector.broadcast %add3A_209 : i32 to vector<16xi32>
    %add3A_211 = arith.addi %iota3A_208, %add3A_210 : vector<16xi32>
    %ge3A_212 = arith.constant 200 : i32
    %ge3A_213 = vector.broadcast %ge3A_212 : i32 to vector<16xi32>
    %ge3A_214 = arith.cmpi sge, %add3A_211, %ge3A_213 : vector<16xi32>
    %sub3A_215 = arith.constant 200 : i32
    %sub3A_216 = vector.broadcast %sub3A_215 : i32 to vector<16xi32>
    %sub3A_217 = arith.subi %add3A_211, %sub3A_216 : vector<16xi32>
    %select_n3A_218 = arith.select %ge3A_214, %sub3A_217, %add3A_211 : vector<16xi1>, vector<16xi32>
    %swap3A_219 = arith.constant 224 : index
    %swap3A_220 = tpu.vector_load %arg6[%swap3A_219] {strides = array<i32>} : memref<400xi32, #tpu.memory_space<vmem>>, vector<16xi32>,
    %swap3A_221 = vector.shape_cast %swap3A_220 : vector<16xi32> to vector<16xi32>
    %swap3A_222 = vector.shape_cast %select_n3A_218 : vector<16xi32> to vector<16xi32>
    tpu.vector_store %arg6[%swap3A_219], %swap3A_222 {strides = array<i32>} : memref<400xi32, #tpu.memory_space<vmem>>, vector<16xi32>,
    %iota3A_223 = tpu.iota {dimensions = array<i32: 0>} : vector<16xi32>
    %add3A_224 = arith.constant 240 : i32
    %add3A_225 = vector.broadcast %add3A_224 : i32 to vector<16xi32>
    %add3A_226 = arith.addi %iota3A_223, %add3A_225 : vector<16xi32>
    %ge3A_227 = arith.constant 200 : i32
    %ge3A_228 = vector.broadcast %ge3A_227 : i32 to vector<16xi32>
    %ge3A_229 = arith.cmpi sge, %add3A_226, %ge3A_228 : vector<16xi32>
    %sub3A_230 = arith.constant 200 : i32
    %sub3A_231 = vector.broadcast %sub3A_230 : i32 to vector<16xi32>
    %sub3A_232 = arith.subi %add3A_226, %sub3A_231 : vector<16xi32>
    %select_n3A_233 = arith.select %ge3A_229, %sub3A_232, %add3A_226 : vector<16xi1>, vector<16xi32>
    %swap3A_234 = arith.constant 240 : index
    %swap3A_235 = tpu.vector_load %arg6[%swap3A_234] {strides = array<i32>} : memref<400xi32, #tpu.memory_space<vmem>>, vector<16xi32>,
    %swap3A_236 = vector.shape_cast %swap3A_235 : vector<16xi32> to vector<16xi32>
    %swap3A_237 = vector.shape_cast %select_n3A_233 : vector<16xi32> to vector<16xi32>
    tpu.vector_store %arg6[%swap3A_234], %swap3A_237 {strides = array<i32>} : memref<400xi32, #tpu.memory_space<vmem>>, vector<16xi32>,
    %iota3A_238 = tpu.iota {dimensions = array<i32: 0>} : vector<16xi32>
    %add3A_239 = arith.constant 256 : i32
    %add3A_240 = vector.broadcast %add3A_239 : i32 to vector<16xi32>
    %add3A_241 = arith.addi %iota3A_238, %add3A_240 : vector<16xi32>
    %ge3A_242 = arith.constant 200 : i32
    %ge3A_243 = vector.broadcast %ge3A_242 : i32 to vector<16xi32>
    %ge3A_244 = arith.cmpi sge, %add3A_241, %ge3A_243 : vector<16xi32>
    %sub3A_245 = arith.constant 200 : i32
    %sub3A_246 = vector.broadcast %sub3A_245 : i32 to vector<16xi32>
    %sub3A_247 = arith.subi %add3A_241, %sub3A_246 : vector<16xi32>
    %select_n3A_248 = arith.select %ge3A_244, %sub3A_247, %add3A_241 : vector<16xi1>, vector<16xi32>
    %swap3A_249 = arith.constant 256 : index
    %swap3A_250 = tpu.vector_load %arg6[%swap3A_249] {strides = array<i32>} : memref<400xi32, #tpu.memory_space<vmem>>, vector<16xi32>,
    %swap3A_251 = vector.shape_cast %swap3A_250 : vector<16xi32> to vector<16xi32>
    %swap3A_252 = vector.shape_cast %select_n3A_248 : vector<16xi32> to vector<16xi32>
    tpu.vector_store %arg6[%swap3A_249], %swap3A_252 {strides = array<i32>} : memref<400xi32, #tpu.memory_space<vmem>>, vector<16xi32>,
    %iota3A_253 = tpu.iota {dimensions = array<i32: 0>} : vector<16xi32>
    %add3A_254 = arith.constant 272 : i32
    %add3A_255 = vector.broadcast %add3A_254 : i32 to vector<16xi32>
    %add3A_256 = arith.addi %iota3A_253, %add3A_255 : vector<16xi32>
    %ge3A_257 = arith.constant 200 : i32
    %ge3A_258 = vector.broadcast %ge3A_257 : i32 to vector<16xi32>
    %ge3A_259 = arith.cmpi sge, %add3A_256, %ge3A_258 : vector<16xi32>
    %sub3A_260 = arith.constant 200 : i32
    %sub3A_261 = vector.broadcast %sub3A_260 : i32 to vector<16xi32>
    %sub3A_262 = arith.subi %add3A_256, %sub3A_261 : vector<16xi32>
    %select_n3A_263 = arith.select %ge3A_259, %sub3A_262, %add3A_256 : vector<16xi1>, vector<16xi32>
    %swap3A_264 = arith.constant 272 : index
    %swap3A_265 = tpu.vector_load %arg6[%swap3A_264] {strides = array<i32>} : memref<400xi32, #tpu.memory_space<vmem>>, vector<16xi32>,
    %swap3A_266 = vector.shape_cast %swap3A_265 : vector<16xi32> to vector<16xi32>
    %swap3A_267 = vector.shape_cast %select_n3A_263 : vector<16xi32> to vector<16xi32>
    tpu.vector_store %arg6[%swap3A_264], %swap3A_267 {strides = array<i32>} : memref<400xi32, #tpu.memory_space<vmem>>, vector<16xi32>,
    %iota3A_268 = tpu.iota {dimensions = array<i32: 0>} : vector<16xi32>
    %add3A_269 = arith.constant 288 : i32
    %add3A_270 = vector.broadcast %add3A_269 : i32 to vector<16xi32>
    %add3A_271 = arith.addi %iota3A_268, %add3A_270 : vector<16xi32>
    %ge3A_272 = arith.constant 200 : i32
    %ge3A_273 = vector.broadcast %ge3A_272 : i32 to vector<16xi32>
    %ge3A_274 = arith.cmpi sge, %add3A_271, %ge3A_273 : vector<16xi32>
    %sub3A_275 = arith.constant 200 : i32
    %sub3A_276 = vector.broadcast %sub3A_275 : i32 to vector<16xi32>
    %sub3A_277 = arith.subi %add3A_271, %sub3A_276 : vector<16xi32>
    %select_n3A_278 = arith.select %ge3A_274, %sub3A_277, %add3A_271 : vector<16xi1>, vector<16xi32>
    %swap3A_279 = arith.constant 288 : index
    %swap3A_280 = tpu.vector_load %arg6[%swap3A_279] {strides = array<i32>} : memref<400xi32, #tpu.memory_space<vmem>>, vector<16xi32>,
    %swap3A_281 = vector.shape_cast %swap3A_280 : vector<16xi32> to vector<16xi32>
    %swap3A_282 = vector.shape_cast %select_n3A_278 : vector<16xi32> to vector<16xi32>
    tpu.vector_store %arg6[%swap3A_279], %swap3A_282 {strides = array<i32>} : memref<400xi32, #tpu.memory_space<vmem>>, vector<16xi32>,
    %iota3A_283 = tpu.iota {dimensions = array<i32: 0>} : vector<16xi32>
    %add3A_284 = arith.constant 304 : i32
    %add3A_285 = vector.broadcast %add3A_284 : i32 to vector<16xi32>
    %add3A_286 = arith.addi %iota3A_283, %add3A_285 : vector<16xi32>
    %ge3A_287 = arith.constant 200 : i32
    %ge3A_288 = vector.broadcast %ge3A_287 : i32 to vector<16xi32>
    %ge3A_289 = arith.cmpi sge, %add3A_286, %ge3A_288 : vector<16xi32>
    %sub3A_290 = arith.constant 200 : i32
    %sub3A_291 = vector.broadcast %sub3A_290 : i32 to vector<16xi32>
    %sub3A_292 = arith.subi %add3A_286, %sub3A_291 : vector<16xi32>
    %select_n3A_293 = arith.select %ge3A_289, %sub3A_292, %add3A_286 : vector<16xi1>, vector<16xi32>
    %swap3A_294 = arith.constant 304 : index
    %swap3A_295 = tpu.vector_load %arg6[%swap3A_294] {strides = array<i32>} : memref<400xi32, #tpu.memory_space<vmem>>, vector<16xi32>,
    %swap3A_296 = vector.shape_cast %swap3A_295 : vector<16xi32> to vector<16xi32>
    %swap3A_297 = vector.shape_cast %select_n3A_293 : vector<16xi32> to vector<16xi32>
    tpu.vector_store %arg6[%swap3A_294], %swap3A_297 {strides = array<i32>} : memref<400xi32, #tpu.memory_space<vmem>>, vector<16xi32>,
    %iota3A_298 = tpu.iota {dimensions = array<i32: 0>} : vector<16xi32>
    %add3A_299 = arith.constant 320 : i32
    %add3A_300 = vector.broadcast %add3A_299 : i32 to vector<16xi32>
    %add3A_301 = arith.addi %iota3A_298, %add3A_300 : vector<16xi32>
    %ge3A_302 = arith.constant 200 : i32
    %ge3A_303 = vector.broadcast %ge3A_302 : i32 to vector<16xi32>
    %ge3A_304 = arith.cmpi sge, %add3A_301, %ge3A_303 : vector<16xi32>
    %sub3A_305 = arith.constant 200 : i32
    %sub3A_306 = vector.broadcast %sub3A_305 : i32 to vector<16xi32>
    %sub3A_307 = arith.subi %add3A_301, %sub3A_306 : vector<16xi32>
    %select_n3A_308 = arith.select %ge3A_304, %sub3A_307, %add3A_301 : vector<16xi1>, vector<16xi32>
    %swap3A_309 = arith.constant 320 : index
    %swap3A_310 = tpu.vector_load %arg6[%swap3A_309] {strides = array<i32>} : memref<400xi32, #tpu.memory_space<vmem>>, vector<16xi32>,
    %swap3A_311 = vector.shape_cast %swap3A_310 : vector<16xi32> to vector<16xi32>
    %swap3A_312 = vector.shape_cast %select_n3A_308 : vector<16xi32> to vector<16xi32>
    tpu.vector_store %arg6[%swap3A_309], %swap3A_312 {strides = array<i32>} : memref<400xi32, #tpu.memory_space<vmem>>, vector<16xi32>,
    %iota3A_313 = tpu.iota {dimensions = array<i32: 0>} : vector<16xi32>
    %add3A_314 = arith.constant 336 : i32
    %add3A_315 = vector.broadcast %add3A_314 : i32 to vector<16xi32>
    %add3A_316 = arith.addi %iota3A_313, %add3A_315 : vector<16xi32>
    %ge3A_317 = arith.constant 200 : i32
    %ge3A_318 = vector.broadcast %ge3A_317 : i32 to vector<16xi32>
    %ge3A_319 = arith.cmpi sge, %add3A_316, %ge3A_318 : vector<16xi32>
    %sub3A_320 = arith.constant 200 : i32
    %sub3A_321 = vector.broadcast %sub3A_320 : i32 to vector<16xi32>
    %sub3A_322 = arith.subi %add3A_316, %sub3A_321 : vector<16xi32>
    %select_n3A_323 = arith.select %ge3A_319, %sub3A_322, %add3A_316 : vector<16xi1>, vector<16xi32>
    %swap3A_324 = arith.constant 336 : index
    %swap3A_325 = tpu.vector_load %arg6[%swap3A_324] {strides = array<i32>} : memref<400xi32, #tpu.memory_space<vmem>>, vector<16xi32>,
    %swap3A_326 = vector.shape_cast %swap3A_325 : vector<16xi32> to vector<16xi32>
    %swap3A_327 = vector.shape_cast %select_n3A_323 : vector<16xi32> to vector<16xi32>
    tpu.vector_store %arg6[%swap3A_324], %swap3A_327 {strides = array<i32>} : memref<400xi32, #tpu.memory_space<vmem>>, vector<16xi32>,
    %iota3A_328 = tpu.iota {dimensions = array<i32: 0>} : vector<16xi32>
    %add3A_329 = arith.constant 352 : i32
    %add3A_330 = vector.broadcast %add3A_329 : i32 to vector<16xi32>
    %add3A_331 = arith.addi %iota3A_328, %add3A_330 : vector<16xi32>
    %ge3A_332 = arith.constant 200 : i32
    %ge3A_333 = vector.broadcast %ge3A_332 : i32 to vector<16xi32>
    %ge3A_334 = arith.cmpi sge, %add3A_331, %ge3A_333 : vector<16xi32>
    %sub3A_335 = arith.constant 200 : i32
    %sub3A_336 = vector.broadcast %sub3A_335 : i32 to vector<16xi32>
    %sub3A_337 = arith.subi %add3A_331, %sub3A_336 : vector<16xi32>
    %select_n3A_338 = arith.select %ge3A_334, %sub3A_337, %add3A_331 : vector<16xi1>, vector<16xi32>
    %swap3A_339 = arith.constant 352 : index
    %swap3A_340 = tpu.vector_load %arg6[%swap3A_339] {strides = array<i32>} : memref<400xi32, #tpu.memory_space<vmem>>, vector<16xi32>,
    %swap3A_341 = vector.shape_cast %swap3A_340 : vector<16xi32> to vector<16xi32>
    %swap3A_342 = vector.shape_cast %select_n3A_338 : vector<16xi32> to vector<16xi32>
    tpu.vector_store %arg6[%swap3A_339], %swap3A_342 {strides = array<i32>} : memref<400xi32, #tpu.memory_space<vmem>>, vector<16xi32>,
    %iota3A_343 = tpu.iota {dimensions = array<i32: 0>} : vector<16xi32>
    %add3A_344 = arith.constant 368 : i32
    %add3A_345 = vector.broadcast %add3A_344 : i32 to vector<16xi32>
    %add3A_346 = arith.addi %iota3A_343, %add3A_345 : vector<16xi32>
    %ge3A_347 = arith.constant 200 : i32
    %ge3A_348 = vector.broadcast %ge3A_347 : i32 to vector<16xi32>
    %ge3A_349 = arith.cmpi sge, %add3A_346, %ge3A_348 : vector<16xi32>
    %sub3A_350 = arith.constant 200 : i32
    %sub3A_351 = vector.broadcast %sub3A_350 : i32 to vector<16xi32>
    %sub3A_352 = arith.subi %add3A_346, %sub3A_351 : vector<16xi32>
    %select_n3A_353 = arith.select %ge3A_349, %sub3A_352, %add3A_346 : vector<16xi1>, vector<16xi32>
    %swap3A_354 = arith.constant 368 : index
    %swap3A_355 = tpu.vector_load %arg6[%swap3A_354] {strides = array<i32>} : memref<400xi32, #tpu.memory_space<vmem>>, vector<16xi32>,
    %swap3A_356 = vector.shape_cast %swap3A_355 : vector<16xi32> to vector<16xi32>
    %swap3A_357 = vector.shape_cast %select_n3A_353 : vector<16xi32> to vector<16xi32>
    tpu.vector_store %arg6[%swap3A_354], %swap3A_357 {strides = array<i32>} : memref<400xi32, #tpu.memory_space<vmem>>, vector<16xi32>,
    %iota3A_358 = tpu.iota {dimensions = array<i32: 0>} : vector<16xi32>
    %add3A_359 = arith.constant 384 : i32
    %add3A_360 = vector.broadcast %add3A_359 : i32 to vector<16xi32>
    %add3A_361 = arith.addi %iota3A_358, %add3A_360 : vector<16xi32>
    %ge3A_362 = arith.constant 200 : i32
    %ge3A_363 = vector.broadcast %ge3A_362 : i32 to vector<16xi32>
    %ge3A_364 = arith.cmpi sge, %add3A_361, %ge3A_363 : vector<16xi32>
    %sub3A_365 = arith.constant 200 : i32
    %sub3A_366 = vector.broadcast %sub3A_365 : i32 to vector<16xi32>
    %sub3A_367 = arith.subi %add3A_361, %sub3A_366 : vector<16xi32>
    %select_n3A_368 = arith.select %ge3A_364, %sub3A_367, %add3A_361 : vector<16xi1>, vector<16xi32>
    %swap3A_369 = arith.constant 384 : index
    %swap3A_370 = tpu.vector_load %arg6[%swap3A_369] {strides = array<i32>} : memref<400xi32, #tpu.memory_space<vmem>>, vector<16xi32>,
    %swap3A_371 = vector.shape_cast %swap3A_370 : vector<16xi32> to vector<16xi32>
    %swap3A_372 = vector.shape_cast %select_n3A_368 : vector<16xi32> to vector<16xi32>
    tpu.vector_store %arg6[%swap3A_369], %swap3A_372 {strides = array<i32>} : memref<400xi32, #tpu.memory_space<vmem>>, vector<16xi32>,
    %eq3A = arith.constant 0 : i32
    %eq3A_373 = arith.cmpi eq, %arg1, %eq3A : i32
    %convert_element_type3A = arith.extui %eq3A_373 : i1 to i32
    %cond3A = arith.constant 0 : i32
    %cond3A_374 = arith.cmpi ne, %convert_element_type3A, %cond3A : i32
    scf.if %cond3A_374 {
      "tpu.region"() ({
        %run_scoped3A = tpu.sem_alloc : memref<!tpu.dma_semaphore, #tpu.memory_space<semaphore_mem>>
        tpu.enqueue_dma source(%arg4 : memref<200x64xf32, #tpu.memory_space<hbm>>) target(%arg7 : memref<200x64xf32, #tpu.memory_space<vmem_shared>>) target_semaphore(%run_scoped3A : memref<!tpu.dma_semaphore, #tpu.memory_space<semaphore_mem>>)
        tpu.wait_dma2 semaphore(%run_scoped3A : memref<!tpu.dma_semaphore, #tpu.memory_space<semaphore_mem>>) src(%arg4 : memref<200x64xf32, #tpu.memory_space<hbm>>) dst(%arg7 : memref<200x64xf32, #tpu.memory_space<vmem_shared>>)
        tpu.yield
      }) : () -> ()
    } else {
    }
    %barrier3A = arith.constant 0 : index
    tpu.barrier barrier_id(%barrier3A)
    %scan3A = arith.constant 0 : i32
    %scan3A_375 = arith.constant 17 : i32
    %scan3A_376 = arith.addi %scan3A, %scan3A_375 : i32
    %scan3A_377 = arith.constant 1 : i32
    scf.for %scan3A_402 = %scan3A to %scan3A_376 step %scan3A_377  : i32 {
      %mul3A_403 = arith.constant 1 : i32
      %mul3A_404 = arith.muli %scan3A_402, %mul3A_403 : i32
      %add3A_405 = arith.constant 0 : i32
      %add3A_406 = arith.addi %add3A_405, %mul3A_404 : i32
      %mul3A_407 = arith.constant 4 : i32
      %mul3A_408 = arith.muli %add3A_406, %mul3A_407 : i32
      %add3A_409 = arith.constant 0 : i32
      %add3A_410 = arith.addi %mul3A_408, %add3A_409 : i32
      %lt3A = arith.constant 64 : i32
      %lt3A_411 = arith.cmpi slt, %add3A_410, %lt3A : i32
      %convert_element_type3A_412 = arith.extui %lt3A_411 : i1 to i32
      %cond3A_413 = arith.constant 0 : i32
      %cond3A_414 = arith.cmpi ne, %convert_element_type3A_412, %cond3A_413 : i32
      scf.if %cond3A_414 {
        %mul3A_561 = arith.constant 2 : i32
        %mul3A_562 = arith.muli %mul3A_561, %add3A_410 : i32
        %add3A_563 = arith.addi %mul3A_2, %mul3A_562 : i32
        %dma_start3A = arith.constant 0 : i32
        %dma_start3A_564 = tpu.memref_slice %arg2[%add3A_563, %dma_start3A] : memref<4096x200xi32, #tpu.memory_space<hbm>> -> memref<2x200xi32, #tpu.memory_space<hbm>>
        %dma_start3A_565 = arith.constant 0 : i32
        %dma_start3A_566 = tpu.memref_slice %arg2[%add3A_563, %dma_start3A_565] : memref<4096x200xi32, #tpu.memory_space<hbm>> -> memref<2x200xi32, #tpu.memory_space<hbm>>
        tpu.enqueue_dma source(%dma_start3A_566 : memref<2x200xi32, #tpu.memory_space<hbm>>) target(%arg8 : memref<2x200xi32, #tpu.memory_space<vmem>>) target_semaphore(%arg16 : memref<!tpu.dma_semaphore, #tpu.memory_space<semaphore_mem>>)
      } else {
      }
      %sub3A_415 = arith.constant 1 : i32
      %sub3A_416 = arith.subi %add3A_410, %sub3A_415 : i32
      %ge3A_417 = arith.constant 0 : i32
      %ge3A_418 = arith.cmpi sge, %sub3A_416, %ge3A_417 : i32
      %lt3A_419 = arith.constant 64 : i32
      %lt3A_420 = arith.cmpi slt, %sub3A_416, %lt3A_419 : i32
      %and3A = arith.andi %ge3A_418, %lt3A_420 : i1
      %convert_element_type3A_421 = arith.extui %and3A : i1 to i32
      %cond3A_422 = arith.constant 0 : i32
      %cond3A_423 = arith.cmpi ne, %convert_element_type3A_421, %cond3A_422 : i32
      scf.if %cond3A_423 {
        %dma_wait3A_561 = arith.constant 0 : i32
        %dma_wait3A_562 = arith.constant 0 : i32
        %dma_wait3A_563 = tpu.memref_slice %arg2[%dma_wait3A_561, %dma_wait3A_562] : memref<4096x200xi32, #tpu.memory_space<hbm>> -> memref<2x200xi32, #tpu.memory_space<hbm>>
        %dma_wait3A_564 = arith.constant 0 : i32
        %dma_wait3A_565 = arith.constant 0 : i32
        %dma_wait3A_566 = tpu.memref_slice %arg2[%dma_wait3A_564, %dma_wait3A_565] : memref<4096x200xi32, #tpu.memory_space<hbm>> -> memref<2x200xi32, #tpu.memory_space<hbm>>
        tpu.wait_dma2 semaphore(%arg19 : memref<!tpu.dma_semaphore, #tpu.memory_space<semaphore_mem>>) src(%dma_wait3A_566 : memref<2x200xi32, #tpu.memory_space<hbm>>) dst(%arg11 : memref<2x200xi32, #tpu.memory_space<vmem>>)
        %ge3A_567 = arith.constant 4 : i32
        %ge3A_568 = arith.cmpi sge, %sub3A_416, %ge3A_567 : i32
        %convert_element_type3A_569 = arith.extui %ge3A_568 : i1 to i32
        %cond3A_570 = arith.constant 0 : i32
        %cond3A_571 = arith.cmpi ne, %convert_element_type3A_569, %cond3A_570 : i32
        scf.if %cond3A_571 {
          %dma_wait3A_691 = arith.constant 0 : i32
          %dma_wait3A_692 = arith.constant 0 : i32
          %dma_wait3A_693 = tpu.memref_slice %arg5[%mul3A_2, %dma_wait3A_691, %dma_wait3A_692] : memref<4096x200x64xf32, #tpu.memory_space<hbm>> -> memref<2x200x64xf32, #tpu.memory_space<hbm>>
          %dma_wait3A_694 = arith.constant 0 : i32
          %dma_wait3A_695 = arith.constant 0 : i32
          %dma_wait3A_696 = tpu.memref_slice %arg5[%mul3A_2, %dma_wait3A_694, %dma_wait3A_695] : memref<4096x200x64xf32, #tpu.memory_space<hbm>> -> memref<2x200x64xf32, #tpu.memory_space<hbm>>
          tpu.wait_dma2 semaphore(%arg31 : memref<!tpu.dma_semaphore, #tpu.memory_space<semaphore_mem>>) src(%arg15 : memref<2x200x64xf32, #tpu.memory_space<vmem>>) dst(%dma_wait3A_696 : memref<2x200x64xf32, #tpu.memory_space<hbm>>)
        } else {
        }
        %dma_start3A = arith.constant 0 : i32
        %dma_start3A_572 = arith.constant 0 : i32
        %dma_start3A_573 = arith.constant 0 : i32
        %dma_start3A_574 = arith.constant 0 : i32
        %dma_start3A_575 = tpu.memref_slice %arg15[%dma_start3A_572, %dma_start3A_573, %dma_start3A_574] : memref<2x200x64xf32, #tpu.memory_space<vmem>> -> memref<1x40x64xf32, #tpu.memory_space<vmem>>
        %dma_start3A_576 = tpu.memref_squeeze %dma_start3A_575 : memref<1x40x64xf32, #tpu.memory_space<vmem>> -> memref<40x64xf32, #tpu.memory_space<vmem>>
        %dma_start3A_577 = arith.constant 0 : i32
        %dma_start3A_578 = tpu.memref_slice %arg11[%dma_start3A, %dma_start3A_577] : memref<2x200xi32, #tpu.memory_space<vmem>> -> memref<1x40xi32, #tpu.memory_space<vmem>>
        %dma_start3A_579 = tpu.memref_squeeze %dma_start3A_578 : memref<1x40xi32, #tpu.memory_space<vmem>> -> memref<40xi32, #tpu.memory_space<vmem>>
        %dma_start3A_580 = arith.constant 0 : i32
        %dma_start3A_581 = arith.constant 0 : i32
        %dma_start3A_582 = tpu.memref_slice %arg3[%dma_start3A_580, %dma_start3A_581] : memref<1000000x64xf32, #tpu.memory_space<hbm>> -> memref<1000000x64xf32, #tpu.memory_space<hbm>>
        tpu.enqueue_indirect_dma source(%dma_start3A_582 : memref<1000000x64xf32, #tpu.memory_space<hbm>>) target(%dma_start3A_576 : memref<40x64xf32, #tpu.memory_space<vmem>>) offsets(%dma_start3A_579 : memref<40xi32, #tpu.memory_space<vmem>>) semaphore(%arg23 : memref<!tpu.dma_semaphore, #tpu.memory_space<semaphore_mem>>)
        %dma_start3A_583 = arith.constant 0 : i32
        %dma_start3A_584 = arith.constant 0 : i32
        %dma_start3A_585 = arith.constant 40 : i32
        %dma_start3A_586 = arith.constant 0 : i32
        %dma_start3A_587 = tpu.memref_slice %arg15[%dma_start3A_584, %dma_start3A_585, %dma_start3A_586] : memref<2x200x64xf32, #tpu.memory_space<vmem>> -> memref<1x40x64xf32, #tpu.memory_space<vmem>>
        %dma_start3A_588 = tpu.memref_squeeze %dma_start3A_587 : memref<1x40x64xf32, #tpu.memory_space<vmem>> -> memref<40x64xf32, #tpu.memory_space<vmem>>
        %dma_start3A_589 = arith.constant 40 : i32
        %dma_start3A_590 = tpu.memref_slice %arg11[%dma_start3A_583, %dma_start3A_589] : memref<2x200xi32, #tpu.memory_space<vmem>> -> memref<1x40xi32, #tpu.memory_space<vmem>>
        %dma_start3A_591 = tpu.memref_squeeze %dma_start3A_590 : memref<1x40xi32, #tpu.memory_space<vmem>> -> memref<40xi32, #tpu.memory_space<vmem>>
        %dma_start3A_592 = arith.constant 0 : i32
        %dma_start3A_593 = arith.constant 0 : i32
        %dma_start3A_594 = tpu.memref_slice %arg3[%dma_start3A_592, %dma_start3A_593] : memref<1000000x64xf32, #tpu.memory_space<hbm>> -> memref<1000000x64xf32, #tpu.memory_space<hbm>>
        tpu.enqueue_indirect_dma source(%dma_start3A_594 : memref<1000000x64xf32, #tpu.memory_space<hbm>>) target(%dma_start3A_588 : memref<40x64xf32, #tpu.memory_space<vmem>>) offsets(%dma_start3A_591 : memref<40xi32, #tpu.memory_space<vmem>>) semaphore(%arg23 : memref<!tpu.dma_semaphore, #tpu.memory_space<semaphore_mem>>)
        %dma_start3A_595 = arith.constant 0 : i32
        %dma_start3A_596 = arith.constant 0 : i32
        %dma_start3A_597 = arith.constant 80 : i32
        %dma_start3A_598 = arith.constant 0 : i32
        %dma_start3A_599 = tpu.memref_slice %arg15[%dma_start3A_596, %dma_start3A_597, %dma_start3A_598] : memref<2x200x64xf32, #tpu.memory_space<vmem>> -> memref<1x40x64xf32, #tpu.memory_space<vmem>>
        %dma_start3A_600 = tpu.memref_squeeze %dma_start3A_599 : memref<1x40x64xf32, #tpu.memory_space<vmem>> -> memref<40x64xf32, #tpu.memory_space<vmem>>
        %dma_start3A_601 = arith.constant 80 : i32
        %dma_start3A_602 = tpu.memref_slice %arg11[%dma_start3A_595, %dma_start3A_601] : memref<2x200xi32, #tpu.memory_space<vmem>> -> memref<1x40xi32, #tpu.memory_space<vmem>>
        %dma_start3A_603 = tpu.memref_squeeze %dma_start3A_602 : memref<1x40xi32, #tpu.memory_space<vmem>> -> memref<40xi32, #tpu.memory_space<vmem>>
        %dma_start3A_604 = arith.constant 0 : i32
        %dma_start3A_605 = arith.constant 0 : i32
        %dma_start3A_606 = tpu.memref_slice %arg3[%dma_start3A_604, %dma_start3A_605] : memref<1000000x64xf32, #tpu.memory_space<hbm>> -> memref<1000000x64xf32, #tpu.memory_space<hbm>>
        tpu.enqueue_indirect_dma source(%dma_start3A_606 : memref<1000000x64xf32, #tpu.memory_space<hbm>>) target(%dma_start3A_600 : memref<40x64xf32, #tpu.memory_space<vmem>>) offsets(%dma_start3A_603 : memref<40xi32, #tpu.memory_space<vmem>>) semaphore(%arg23 : memref<!tpu.dma_semaphore, #tpu.memory_space<semaphore_mem>>)
        %dma_start3A_607 = arith.constant 0 : i32
        %dma_start3A_608 = arith.constant 0 : i32
        %dma_start3A_609 = arith.constant 120 : i32
        %dma_start3A_610 = arith.constant 0 : i32
        %dma_start3A_611 = tpu.memref_slice %arg15[%dma_start3A_608, %dma_start3A_609, %dma_start3A_610] : memref<2x200x64xf32, #tpu.memory_space<vmem>> -> memref<1x40x64xf32, #tpu.memory_space<vmem>>
        %dma_start3A_612 = tpu.memref_squeeze %dma_start3A_611 : memref<1x40x64xf32, #tpu.memory_space<vmem>> -> memref<40x64xf32, #tpu.memory_space<vmem>>
        %dma_start3A_613 = arith.constant 120 : i32
        %dma_start3A_614 = tpu.memref_slice %arg11[%dma_start3A_607, %dma_start3A_613] : memref<2x200xi32, #tpu.memory_space<vmem>> -> memref<1x40xi32, #tpu.memory_space<vmem>>
        %dma_start3A_615 = tpu.memref_squeeze %dma_start3A_614 : memref<1x40xi32, #tpu.memory_space<vmem>> -> memref<40xi32, #tpu.memory_space<vmem>>
        %dma_start3A_616 = arith.constant 0 : i32
        %dma_start3A_617 = arith.constant 0 : i32
        %dma_start3A_618 = tpu.memref_slice %arg3[%dma_start3A_616, %dma_start3A_617] : memref<1000000x64xf32, #tpu.memory_space<hbm>> -> memref<1000000x64xf32, #tpu.memory_space<hbm>>
        tpu.enqueue_indirect_dma source(%dma_start3A_618 : memref<1000000x64xf32, #tpu.memory_space<hbm>>) target(%dma_start3A_612 : memref<40x64xf32, #tpu.memory_space<vmem>>) offsets(%dma_start3A_615 : memref<40xi32, #tpu.memory_space<vmem>>) semaphore(%arg23 : memref<!tpu.dma_semaphore, #tpu.memory_space<semaphore_mem>>)
        %dma_start3A_619 = arith.constant 0 : i32
        %dma_start3A_620 = arith.constant 0 : i32
        %dma_start3A_621 = arith.constant 160 : i32
        %dma_start3A_622 = arith.constant 0 : i32
        %dma_start3A_623 = tpu.memref_slice %arg15[%dma_start3A_620, %dma_start3A_621, %dma_start3A_622] : memref<2x200x64xf32, #tpu.memory_space<vmem>> -> memref<1x40x64xf32, #tpu.memory_space<vmem>>
        %dma_start3A_624 = tpu.memref_squeeze %dma_start3A_623 : memref<1x40x64xf32, #tpu.memory_space<vmem>> -> memref<40x64xf32, #tpu.memory_space<vmem>>
        %dma_start3A_625 = arith.constant 160 : i32
        %dma_start3A_626 = tpu.memref_slice %arg11[%dma_start3A_619, %dma_start3A_625] : memref<2x200xi32, #tpu.memory_space<vmem>> -> memref<1x40xi32, #tpu.memory_space<vmem>>
        %dma_start3A_627 = tpu.memref_squeeze %dma_start3A_626 : memref<1x40xi32, #tpu.memory_space<vmem>> -> memref<40xi32, #tpu.memory_space<vmem>>
        %dma_start3A_628 = arith.constant 0 : i32
        %dma_start3A_629 = arith.constant 0 : i32
        %dma_start3A_630 = tpu.memref_slice %arg3[%dma_start3A_628, %dma_start3A_629] : memref<1000000x64xf32, #tpu.memory_space<hbm>> -> memref<1000000x64xf32, #tpu.memory_space<hbm>>
        tpu.enqueue_indirect_dma source(%dma_start3A_630 : memref<1000000x64xf32, #tpu.memory_space<hbm>>) target(%dma_start3A_624 : memref<40x64xf32, #tpu.memory_space<vmem>>) offsets(%dma_start3A_627 : memref<40xi32, #tpu.memory_space<vmem>>) semaphore(%arg23 : memref<!tpu.dma_semaphore, #tpu.memory_space<semaphore_mem>>)
        %dma_start3A_631 = arith.constant 1 : i32
        %dma_start3A_632 = arith.constant 1 : i32
        %dma_start3A_633 = arith.constant 0 : i32
        %dma_start3A_634 = arith.constant 0 : i32
        %dma_start3A_635 = tpu.memref_slice %arg15[%dma_start3A_632, %dma_start3A_633, %dma_start3A_634] : memref<2x200x64xf32, #tpu.memory_space<vmem>> -> memref<1x40x64xf32, #tpu.memory_space<vmem>>
        %dma_start3A_636 = tpu.memref_squeeze %dma_start3A_635 : memref<1x40x64xf32, #tpu.memory_space<vmem>> -> memref<40x64xf32, #tpu.memory_space<vmem>>
        %dma_start3A_637 = arith.constant 0 : i32
        %dma_start3A_638 = tpu.memref_slice %arg11[%dma_start3A_631, %dma_start3A_637] : memref<2x200xi32, #tpu.memory_space<vmem>> -> memref<1x40xi32, #tpu.memory_space<vmem>>
        %dma_start3A_639 = tpu.memref_squeeze %dma_start3A_638 : memref<1x40xi32, #tpu.memory_space<vmem>> -> memref<40xi32, #tpu.memory_space<vmem>>
        %dma_start3A_640 = arith.constant 0 : i32
        %dma_start3A_641 = arith.constant 0 : i32
        %dma_start3A_642 = tpu.memref_slice %arg3[%dma_start3A_640, %dma_start3A_641] : memref<1000000x64xf32, #tpu.memory_space<hbm>> -> memref<1000000x64xf32, #tpu.memory_space<hbm>>
        tpu.enqueue_indirect_dma source(%dma_start3A_642 : memref<1000000x64xf32, #tpu.memory_space<hbm>>) target(%dma_start3A_636 : memref<40x64xf32, #tpu.memory_space<vmem>>) offsets(%dma_start3A_639 : memref<40xi32, #tpu.memory_space<vmem>>) semaphore(%arg23 : memref<!tpu.dma_semaphore, #tpu.memory_space<semaphore_mem>>)
        %dma_start3A_643 = arith.constant 1 : i32
        %dma_start3A_644 = arith.constant 1 : i32
        %dma_start3A_645 = arith.constant 40 : i32
        %dma_start3A_646 = arith.constant 0 : i32
        %dma_start3A_647 = tpu.memref_slice %arg15[%dma_start3A_644, %dma_start3A_645, %dma_start3A_646] : memref<2x200x64xf32, #tpu.memory_space<vmem>> -> memref<1x40x64xf32, #tpu.memory_space<vmem>>
        %dma_start3A_648 = tpu.memref_squeeze %dma_start3A_647 : memref<1x40x64xf32, #tpu.memory_space<vmem>> -> memref<40x64xf32, #tpu.memory_space<vmem>>
        %dma_start3A_649 = arith.constant 40 : i32
        %dma_start3A_650 = tpu.memref_slice %arg11[%dma_start3A_643, %dma_start3A_649] : memref<2x200xi32, #tpu.memory_space<vmem>> -> memref<1x40xi32, #tpu.memory_space<vmem>>
        %dma_start3A_651 = tpu.memref_squeeze %dma_start3A_650 : memref<1x40xi32, #tpu.memory_space<vmem>> -> memref<40xi32, #tpu.memory_space<vmem>>
        %dma_start3A_652 = arith.constant 0 : i32
        %dma_start3A_653 = arith.constant 0 : i32
        %dma_start3A_654 = tpu.memref_slice %arg3[%dma_start3A_652, %dma_start3A_653] : memref<1000000x64xf32, #tpu.memory_space<hbm>> -> memref<1000000x64xf32, #tpu.memory_space<hbm>>
        tpu.enqueue_indirect_dma source(%dma_start3A_654 : memref<1000000x64xf32, #tpu.memory_space<hbm>>) target(%dma_start3A_648 : memref<40x64xf32, #tpu.memory_space<vmem>>) offsets(%dma_start3A_651 : memref<40xi32, #tpu.memory_space<vmem>>) semaphore(%arg23 : memref<!tpu.dma_semaphore, #tpu.memory_space<semaphore_mem>>)
        %dma_start3A_655 = arith.constant 1 : i32
        %dma_start3A_656 = arith.constant 1 : i32
        %dma_start3A_657 = arith.constant 80 : i32
        %dma_start3A_658 = arith.constant 0 : i32
        %dma_start3A_659 = tpu.memref_slice %arg15[%dma_start3A_656, %dma_start3A_657, %dma_start3A_658] : memref<2x200x64xf32, #tpu.memory_space<vmem>> -> memref<1x40x64xf32, #tpu.memory_space<vmem>>
        %dma_start3A_660 = tpu.memref_squeeze %dma_start3A_659 : memref<1x40x64xf32, #tpu.memory_space<vmem>> -> memref<40x64xf32, #tpu.memory_space<vmem>>
        %dma_start3A_661 = arith.constant 80 : i32
        %dma_start3A_662 = tpu.memref_slice %arg11[%dma_start3A_655, %dma_start3A_661] : memref<2x200xi32, #tpu.memory_space<vmem>> -> memref<1x40xi32, #tpu.memory_space<vmem>>
        %dma_start3A_663 = tpu.memref_squeeze %dma_start3A_662 : memref<1x40xi32, #tpu.memory_space<vmem>> -> memref<40xi32, #tpu.memory_space<vmem>>
        %dma_start3A_664 = arith.constant 0 : i32
        %dma_start3A_665 = arith.constant 0 : i32
        %dma_start3A_666 = tpu.memref_slice %arg3[%dma_start3A_664, %dma_start3A_665] : memref<1000000x64xf32, #tpu.memory_space<hbm>> -> memref<1000000x64xf32, #tpu.memory_space<hbm>>
        tpu.enqueue_indirect_dma source(%dma_start3A_666 : memref<1000000x64xf32, #tpu.memory_space<hbm>>) target(%dma_start3A_660 : memref<40x64xf32, #tpu.memory_space<vmem>>) offsets(%dma_start3A_663 : memref<40xi32, #tpu.memory_space<vmem>>) semaphore(%arg23 : memref<!tpu.dma_semaphore, #tpu.memory_space<semaphore_mem>>)
        %dma_start3A_667 = arith.constant 1 : i32
        %dma_start3A_668 = arith.constant 1 : i32
        %dma_start3A_669 = arith.constant 120 : i32
        %dma_start3A_670 = arith.constant 0 : i32
        %dma_start3A_671 = tpu.memref_slice %arg15[%dma_start3A_668, %dma_start3A_669, %dma_start3A_670] : memref<2x200x64xf32, #tpu.memory_space<vmem>> -> memref<1x40x64xf32, #tpu.memory_space<vmem>>
        %dma_start3A_672 = tpu.memref_squeeze %dma_start3A_671 : memref<1x40x64xf32, #tpu.memory_space<vmem>> -> memref<40x64xf32, #tpu.memory_space<vmem>>
        %dma_start3A_673 = arith.constant 120 : i32
        %dma_start3A_674 = tpu.memref_slice %arg11[%dma_start3A_667, %dma_start3A_673] : memref<2x200xi32, #tpu.memory_space<vmem>> -> memref<1x40xi32, #tpu.memory_space<vmem>>
        %dma_start3A_675 = tpu.memref_squeeze %dma_start3A_674 : memref<1x40xi32, #tpu.memory_space<vmem>> -> memref<40xi32, #tpu.memory_space<vmem>>
        %dma_start3A_676 = arith.constant 0 : i32
        %dma_start3A_677 = arith.constant 0 : i32
        %dma_start3A_678 = tpu.memref_slice %arg3[%dma_start3A_676, %dma_start3A_677] : memref<1000000x64xf32, #tpu.memory_space<hbm>> -> memref<1000000x64xf32, #tpu.memory_space<hbm>>
        tpu.enqueue_indirect_dma source(%dma_start3A_678 : memref<1000000x64xf32, #tpu.memory_space<hbm>>) target(%dma_start3A_672 : memref<40x64xf32, #tpu.memory_space<vmem>>) offsets(%dma_start3A_675 : memref<40xi32, #tpu.memory_space<vmem>>) semaphore(%arg23 : memref<!tpu.dma_semaphore, #tpu.memory_space<semaphore_mem>>)
        %dma_start3A_679 = arith.constant 1 : i32
        %dma_start3A_680 = arith.constant 1 : i32
        %dma_start3A_681 = arith.constant 160 : i32
        %dma_start3A_682 = arith.constant 0 : i32
        %dma_start3A_683 = tpu.memref_slice %arg15[%dma_start3A_680, %dma_start3A_681, %dma_start3A_682] : memref<2x200x64xf32, #tpu.memory_space<vmem>> -> memref<1x40x64xf32, #tpu.memory_space<vmem>>
        %dma_start3A_684 = tpu.memref_squeeze %dma_start3A_683 : memref<1x40x64xf32, #tpu.memory_space<vmem>> -> memref<40x64xf32, #tpu.memory_space<vmem>>
        %dma_start3A_685 = arith.constant 160 : i32
        %dma_start3A_686 = tpu.memref_slice %arg11[%dma_start3A_679, %dma_start3A_685] : memref<2x200xi32, #tpu.memory_space<vmem>> -> memref<1x40xi32, #tpu.memory_space<vmem>>
        %dma_start3A_687 = tpu.memref_squeeze %dma_start3A_686 : memref<1x40xi32, #tpu.memory_space<vmem>> -> memref<40xi32, #tpu.memory_space<vmem>>
        %dma_start3A_688 = arith.constant 0 : i32
        %dma_start3A_689 = arith.constant 0 : i32
        %dma_start3A_690 = tpu.memref_slice %arg3[%dma_start3A_688, %dma_start3A_689] : memref<1000000x64xf32, #tpu.memory_space<hbm>> -> memref<1000000x64xf32, #tpu.memory_space<hbm>>
        tpu.enqueue_indirect_dma source(%dma_start3A_690 : memref<1000000x64xf32, #tpu.memory_space<hbm>>) target(%dma_start3A_684 : memref<40x64xf32, #tpu.memory_space<vmem>>) offsets(%dma_start3A_687 : memref<40xi32, #tpu.memory_space<vmem>>) semaphore(%arg23 : memref<!tpu.dma_semaphore, #tpu.memory_space<semaphore_mem>>)
      } else {
      }
      %sub3A_424 = arith.constant 2 : i32
      %sub3A_425 = arith.subi %add3A_410, %sub3A_424 : i32
      %ge3A_426 = arith.constant 0 : i32
      %ge3A_427 = arith.cmpi sge, %sub3A_425, %ge3A_426 : i32
      %lt3A_428 = arith.constant 64 : i32
      %lt3A_429 = arith.cmpi slt, %sub3A_425, %lt3A_428 : i32
      %and3A_430 = arith.andi %ge3A_427, %lt3A_429 : i1
      %convert_element_type3A_431 = arith.extui %and3A_430 : i1 to i32
      %cond3A_432 = arith.constant 0 : i32
      %cond3A_433 = arith.cmpi ne, %convert_element_type3A_431, %cond3A_432 : i32
      scf.if %cond3A_433 {
        %dma_wait3A_561 = arith.constant 0 : i32
        %dma_wait3A_562 = arith.constant 0 : i32
        %dma_wait3A_563 = arith.constant 0 : i32
        %dma_wait3A_564 = tpu.memref_slice %arg14[%dma_wait3A_561, %dma_wait3A_562, %dma_wait3A_563] : memref<2x200x64xf32, #tpu.memory_space<vmem>> -> memref<1x40x64xf32, #tpu.memory_space<vmem>>
        %dma_wait3A_565 = tpu.memref_squeeze %dma_wait3A_564 : memref<1x40x64xf32, #tpu.memory_space<vmem>> -> memref<40x64xf32, #tpu.memory_space<vmem>>
        %dma_wait3A_566 = arith.constant 0 : i32
        %dma_wait3A_567 = arith.constant 0 : i32
        %dma_wait3A_568 = tpu.memref_slice %arg3[%dma_wait3A_566, %dma_wait3A_567] : memref<1000000x64xf32, #tpu.memory_space<hbm>> -> memref<40x64xf32, #tpu.memory_space<hbm>>
        %dma_wait3A_569 = arith.constant 0 : i32
        %dma_wait3A_570 = arith.constant 0 : i32
        %dma_wait3A_571 = tpu.memref_slice %arg14[%dma_wait3A_561, %dma_wait3A_569, %dma_wait3A_570] : memref<2x200x64xf32, #tpu.memory_space<vmem>> -> memref<1x40x64xf32, #tpu.memory_space<vmem>>
        %dma_wait3A_572 = tpu.memref_squeeze %dma_wait3A_571 : memref<1x40x64xf32, #tpu.memory_space<vmem>> -> memref<40x64xf32, #tpu.memory_space<vmem>>
        %dma_wait3A_573 = arith.constant 0 : i32
        %dma_wait3A_574 = arith.constant 0 : i32
        %dma_wait3A_575 = tpu.memref_slice %arg3[%dma_wait3A_573, %dma_wait3A_574] : memref<1000000x64xf32, #tpu.memory_space<hbm>> -> memref<40x64xf32, #tpu.memory_space<hbm>>
        tpu.wait_dma2 semaphore(%arg22 : memref<!tpu.dma_semaphore, #tpu.memory_space<semaphore_mem>>) src(%dma_wait3A_575 : memref<40x64xf32, #tpu.memory_space<hbm>>) dst(%dma_wait3A_572 : memref<40x64xf32, #tpu.memory_space<vmem>>)
        %dma_wait3A_576 = arith.constant 0 : i32
        %dma_wait3A_577 = arith.constant 40 : i32
        %dma_wait3A_578 = arith.constant 0 : i32
        %dma_wait3A_579 = tpu.memref_slice %arg14[%dma_wait3A_576, %dma_wait3A_577, %dma_wait3A_578] : memref<2x200x64xf32, #tpu.memory_space<vmem>> -> memref<1x40x64xf32, #tpu.memory_space<vmem>>
        %dma_wait3A_580 = tpu.memref_squeeze %dma_wait3A_579 : memref<1x40x64xf32, #tpu.memory_space<vmem>> -> memref<40x64xf32, #tpu.memory_space<vmem>>
        %dma_wait3A_581 = arith.constant 0 : i32
        %dma_wait3A_582 = arith.constant 0 : i32
        %dma_wait3A_583 = tpu.memref_slice %arg3[%dma_wait3A_581, %dma_wait3A_582] : memref<1000000x64xf32, #tpu.memory_space<hbm>> -> memref<40x64xf32, #tpu.memory_space<hbm>>
        %dma_wait3A_584 = arith.constant 40 : i32
        %dma_wait3A_585 = arith.constant 0 : i32
        %dma_wait3A_586 = tpu.memref_slice %arg14[%dma_wait3A_576, %dma_wait3A_584, %dma_wait3A_585] : memref<2x200x64xf32, #tpu.memory_space<vmem>> -> memref<1x40x64xf32, #tpu.memory_space<vmem>>
        %dma_wait3A_587 = tpu.memref_squeeze %dma_wait3A_586 : memref<1x40x64xf32, #tpu.memory_space<vmem>> -> memref<40x64xf32, #tpu.memory_space<vmem>>
        %dma_wait3A_588 = arith.constant 0 : i32
        %dma_wait3A_589 = arith.constant 0 : i32
        %dma_wait3A_590 = tpu.memref_slice %arg3[%dma_wait3A_588, %dma_wait3A_589] : memref<1000000x64xf32, #tpu.memory_space<hbm>> -> memref<40x64xf32, #tpu.memory_space<hbm>>
        tpu.wait_dma2 semaphore(%arg22 : memref<!tpu.dma_semaphore, #tpu.memory_space<semaphore_mem>>) src(%dma_wait3A_590 : memref<40x64xf32, #tpu.memory_space<hbm>>) dst(%dma_wait3A_587 : memref<40x64xf32, #tpu.memory_space<vmem>>)
        %dma_wait3A_591 = arith.constant 0 : i32
        %dma_wait3A_592 = arith.constant 80 : i32
        %dma_wait3A_593 = arith.constant 0 : i32
        %dma_wait3A_594 = tpu.memref_slice %arg14[%dma_wait3A_591, %dma_wait3A_592, %dma_wait3A_593] : memref<2x200x64xf32, #tpu.memory_space<vmem>> -> memref<1x40x64xf32, #tpu.memory_space<vmem>>
        %dma_wait3A_595 = tpu.memref_squeeze %dma_wait3A_594 : memref<1x40x64xf32, #tpu.memory_space<vmem>> -> memref<40x64xf32, #tpu.memory_space<vmem>>
        %dma_wait3A_596 = arith.constant 0 : i32
        %dma_wait3A_597 = arith.constant 0 : i32
        %dma_wait3A_598 = tpu.memref_slice %arg3[%dma_wait3A_596, %dma_wait3A_597] : memref<1000000x64xf32, #tpu.memory_space<hbm>> -> memref<40x64xf32, #tpu.memory_space<hbm>>
        %dma_wait3A_599 = arith.constant 80 : i32
        %dma_wait3A_600 = arith.constant 0 : i32
        %dma_wait3A_601 = tpu.memref_slice %arg14[%dma_wait3A_591, %dma_wait3A_599, %dma_wait3A_600] : memref<2x200x64xf32, #tpu.memory_space<vmem>> -> memref<1x40x64xf32, #tpu.memory_space<vmem>>
        %dma_wait3A_602 = tpu.memref_squeeze %dma_wait3A_601 : memref<1x40x64xf32, #tpu.memory_space<vmem>> -> memref<40x64xf32, #tpu.memory_space<vmem>>
        %dma_wait3A_603 = arith.constant 0 : i32
        %dma_wait3A_604 = arith.constant 0 : i32
        %dma_wait3A_605 = tpu.memref_slice %arg3[%dma_wait3A_603, %dma_wait3A_604] : memref<1000000x64xf32, #tpu.memory_space<hbm>> -> memref<40x64xf32, #tpu.memory_space<hbm>>
        tpu.wait_dma2 semaphore(%arg22 : memref<!tpu.dma_semaphore, #tpu.memory_space<semaphore_mem>>) src(%dma_wait3A_605 : memref<40x64xf32, #tpu.memory_space<hbm>>) dst(%dma_wait3A_602 : memref<40x64xf32, #tpu.memory_space<vmem>>)
        %dma_wait3A_606 = arith.constant 0 : i32
        %dma_wait3A_607 = arith.constant 120 : i32
        %dma_wait3A_608 = arith.constant 0 : i32
        %dma_wait3A_609 = tpu.memref_slice %arg14[%dma_wait3A_606, %dma_wait3A_607, %dma_wait3A_608] : memref<2x200x64xf32, #tpu.memory_space<vmem>> -> memref<1x40x64xf32, #tpu.memory_space<vmem>>
        %dma_wait3A_610 = tpu.memref_squeeze %dma_wait3A_609 : memref<1x40x64xf32, #tpu.memory_space<vmem>> -> memref<40x64xf32, #tpu.memory_space<vmem>>
        %dma_wait3A_611 = arith.constant 0 : i32
        %dma_wait3A_612 = arith.constant 0 : i32
        %dma_wait3A_613 = tpu.memref_slice %arg3[%dma_wait3A_611, %dma_wait3A_612] : memref<1000000x64xf32, #tpu.memory_space<hbm>> -> memref<40x64xf32, #tpu.memory_space<hbm>>
        %dma_wait3A_614 = arith.constant 120 : i32
        %dma_wait3A_615 = arith.constant 0 : i32
        %dma_wait3A_616 = tpu.memref_slice %arg14[%dma_wait3A_606, %dma_wait3A_614, %dma_wait3A_615] : memref<2x200x64xf32, #tpu.memory_space<vmem>> -> memref<1x40x64xf32, #tpu.memory_space<vmem>>
        %dma_wait3A_617 = tpu.memref_squeeze %dma_wait3A_616 : memref<1x40x64xf32, #tpu.memory_space<vmem>> -> memref<40x64xf32, #tpu.memory_space<vmem>>
        %dma_wait3A_618 = arith.constant 0 : i32
        %dma_wait3A_619 = arith.constant 0 : i32
        %dma_wait3A_620 = tpu.memref_slice %arg3[%dma_wait3A_618, %dma_wait3A_619] : memref<1000000x64xf32, #tpu.memory_space<hbm>> -> memref<40x64xf32, #tpu.memory_space<hbm>>
        tpu.wait_dma2 semaphore(%arg22 : memref<!tpu.dma_semaphore, #tpu.memory_space<semaphore_mem>>) src(%dma_wait3A_620 : memref<40x64xf32, #tpu.memory_space<hbm>>) dst(%dma_wait3A_617 : memref<40x64xf32, #tpu.memory_space<vmem>>)
        %dma_wait3A_621 = arith.constant 0 : i32
        %dma_wait3A_622 = arith.constant 160 : i32
        %dma_wait3A_623 = arith.constant 0 : i32
        %dma_wait3A_624 = tpu.memref_slice %arg14[%dma_wait3A_621, %dma_wait3A_622, %dma_wait3A_623] : memref<2x200x64xf32, #tpu.memory_space<vmem>> -> memref<1x40x64xf32, #tpu.memory_space<vmem>>
        %dma_wait3A_625 = tpu.memref_squeeze %dma_wait3A_624 : memref<1x40x64xf32, #tpu.memory_space<vmem>> -> memref<40x64xf32, #tpu.memory_space<vmem>>
        %dma_wait3A_626 = arith.constant 0 : i32
        %dma_wait3A_627 = arith.constant 0 : i32
        %dma_wait3A_628 = tpu.memref_slice %arg3[%dma_wait3A_626, %dma_wait3A_627] : memref<1000000x64xf32, #tpu.memory_space<hbm>> -> memref<40x64xf32, #tpu.memory_space<hbm>>
        %dma_wait3A_629 = arith.constant 160 : i32
        %dma_wait3A_630 = arith.constant 0 : i32
        %dma_wait3A_631 = tpu.memref_slice %arg14[%dma_wait3A_621, %dma_wait3A_629, %dma_wait3A_630] : memref<2x200x64xf32, #tpu.memory_space<vmem>> -> memref<1x40x64xf32, #tpu.memory_space<vmem>>
        %dma_wait3A_632 = tpu.memref_squeeze %dma_wait3A_631 : memref<1x40x64xf32, #tpu.memory_space<vmem>> -> memref<40x64xf32, #tpu.memory_space<vmem>>
        %dma_wait3A_633 = arith.constant 0 : i32
        %dma_wait3A_634 = arith.constant 0 : i32
        %dma_wait3A_635 = tpu.memref_slice %arg3[%dma_wait3A_633, %dma_wait3A_634] : memref<1000000x64xf32, #tpu.memory_space<hbm>> -> memref<40x64xf32, #tpu.memory_space<hbm>>
        tpu.wait_dma2 semaphore(%arg22 : memref<!tpu.dma_semaphore, #tpu.memory_space<semaphore_mem>>) src(%dma_wait3A_635 : memref<40x64xf32, #tpu.memory_space<hbm>>) dst(%dma_wait3A_632 : memref<40x64xf32, #tpu.memory_space<vmem>>)
        %dma_wait3A_636 = arith.constant 1 : i32
        %dma_wait3A_637 = arith.constant 0 : i32
        %dma_wait3A_638 = arith.constant 0 : i32
        %dma_wait3A_639 = tpu.memref_slice %arg14[%dma_wait3A_636, %dma_wait3A_637, %dma_wait3A_638] : memref<2x200x64xf32, #tpu.memory_space<vmem>> -> memref<1x40x64xf32, #tpu.memory_space<vmem>>
        %dma_wait3A_640 = tpu.memref_squeeze %dma_wait3A_639 : memref<1x40x64xf32, #tpu.memory_space<vmem>> -> memref<40x64xf32, #tpu.memory_space<vmem>>
        %dma_wait3A_641 = arith.constant 0 : i32
        %dma_wait3A_642 = arith.constant 0 : i32
        %dma_wait3A_643 = tpu.memref_slice %arg3[%dma_wait3A_641, %dma_wait3A_642] : memref<1000000x64xf32, #tpu.memory_space<hbm>> -> memref<40x64xf32, #tpu.memory_space<hbm>>
        %dma_wait3A_644 = arith.constant 0 : i32
        %dma_wait3A_645 = arith.constant 0 : i32
        %dma_wait3A_646 = tpu.memref_slice %arg14[%dma_wait3A_636, %dma_wait3A_644, %dma_wait3A_645] : memref<2x200x64xf32, #tpu.memory_space<vmem>> -> memref<1x40x64xf32, #tpu.memory_space<vmem>>
        %dma_wait3A_647 = tpu.memref_squeeze %dma_wait3A_646 : memref<1x40x64xf32, #tpu.memory_space<vmem>> -> memref<40x64xf32, #tpu.memory_space<vmem>>
        %dma_wait3A_648 = arith.constant 0 : i32
        %dma_wait3A_649 = arith.constant 0 : i32
        %dma_wait3A_650 = tpu.memref_slice %arg3[%dma_wait3A_648, %dma_wait3A_649] : memref<1000000x64xf32, #tpu.memory_space<hbm>> -> memref<40x64xf32, #tpu.memory_space<hbm>>
        tpu.wait_dma2 semaphore(%arg22 : memref<!tpu.dma_semaphore, #tpu.memory_space<semaphore_mem>>) src(%dma_wait3A_650 : memref<40x64xf32, #tpu.memory_space<hbm>>) dst(%dma_wait3A_647 : memref<40x64xf32, #tpu.memory_space<vmem>>)
        %dma_wait3A_651 = arith.constant 1 : i32
        %dma_wait3A_652 = arith.constant 40 : i32
        %dma_wait3A_653 = arith.constant 0 : i32
        %dma_wait3A_654 = tpu.memref_slice %arg14[%dma_wait3A_651, %dma_wait3A_652, %dma_wait3A_653] : memref<2x200x64xf32, #tpu.memory_space<vmem>> -> memref<1x40x64xf32, #tpu.memory_space<vmem>>
        %dma_wait3A_655 = tpu.memref_squeeze %dma_wait3A_654 : memref<1x40x64xf32, #tpu.memory_space<vmem>> -> memref<40x64xf32, #tpu.memory_space<vmem>>
        %dma_wait3A_656 = arith.constant 0 : i32
        %dma_wait3A_657 = arith.constant 0 : i32
        %dma_wait3A_658 = tpu.memref_slice %arg3[%dma_wait3A_656, %dma_wait3A_657] : memref<1000000x64xf32, #tpu.memory_space<hbm>> -> memref<40x64xf32, #tpu.memory_space<hbm>>
        %dma_wait3A_659 = arith.constant 40 : i32
        %dma_wait3A_660 = arith.constant 0 : i32
        %dma_wait3A_661 = tpu.memref_slice %arg14[%dma_wait3A_651, %dma_wait3A_659, %dma_wait3A_660] : memref<2x200x64xf32, #tpu.memory_space<vmem>> -> memref<1x40x64xf32, #tpu.memory_space<vmem>>
        %dma_wait3A_662 = tpu.memref_squeeze %dma_wait3A_661 : memref<1x40x64xf32, #tpu.memory_space<vmem>> -> memref<40x64xf32, #tpu.memory_space<vmem>>
        %dma_wait3A_663 = arith.constant 0 : i32
        %dma_wait3A_664 = arith.constant 0 : i32
        %dma_wait3A_665 = tpu.memref_slice %arg3[%dma_wait3A_663, %dma_wait3A_664] : memref<1000000x64xf32, #tpu.memory_space<hbm>> -> memref<40x64xf32, #tpu.memory_space<hbm>>
        tpu.wait_dma2 semaphore(%arg22 : memref<!tpu.dma_semaphore, #tpu.memory_space<semaphore_mem>>) src(%dma_wait3A_665 : memref<40x64xf32, #tpu.memory_space<hbm>>) dst(%dma_wait3A_662 : memref<40x64xf32, #tpu.memory_space<vmem>>)
        %dma_wait3A_666 = arith.constant 1 : i32
        %dma_wait3A_667 = arith.constant 80 : i32
        %dma_wait3A_668 = arith.constant 0 : i32
        %dma_wait3A_669 = tpu.memref_slice %arg14[%dma_wait3A_666, %dma_wait3A_667, %dma_wait3A_668] : memref<2x200x64xf32, #tpu.memory_space<vmem>> -> memref<1x40x64xf32, #tpu.memory_space<vmem>>
        %dma_wait3A_670 = tpu.memref_squeeze %dma_wait3A_669 : memref<1x40x64xf32, #tpu.memory_space<vmem>> -> memref<40x64xf32, #tpu.memory_space<vmem>>
        %dma_wait3A_671 = arith.constant 0 : i32
        %dma_wait3A_672 = arith.constant 0 : i32
        %dma_wait3A_673 = tpu.memref_slice %arg3[%dma_wait3A_671, %dma_wait3A_672] : memref<1000000x64xf32, #tpu.memory_space<hbm>> -> memref<40x64xf32, #tpu.memory_space<hbm>>
        %dma_wait3A_674 = arith.constant 80 : i32
        %dma_wait3A_675 = arith.constant 0 : i32
        %dma_wait3A_676 = tpu.memref_slice %arg14[%dma_wait3A_666, %dma_wait3A_674, %dma_wait3A_675] : memref<2x200x64xf32, #tpu.memory_space<vmem>> -> memref<1x40x64xf32, #tpu.memory_space<vmem>>
        %dma_wait3A_677 = tpu.memref_squeeze %dma_wait3A_676 : memref<1x40x64xf32, #tpu.memory_space<vmem>> -> memref<40x64xf32, #tpu.memory_space<vmem>>
        %dma_wait3A_678 = arith.constant 0 : i32
        %dma_wait3A_679 = arith.constant 0 : i32
        %dma_wait3A_680 = tpu.memref_slice %arg3[%dma_wait3A_678, %dma_wait3A_679] : memref<1000000x64xf32, #tpu.memory_space<hbm>> -> memref<40x64xf32, #tpu.memory_space<hbm>>
        tpu.wait_dma2 semaphore(%arg22 : memref<!tpu.dma_semaphore, #tpu.memory_space<semaphore_mem>>) src(%dma_wait3A_680 : memref<40x64xf32, #tpu.memory_space<hbm>>) dst(%dma_wait3A_677 : memref<40x64xf32, #tpu.memory_space<vmem>>)
        %dma_wait3A_681 = arith.constant 1 : i32
        %dma_wait3A_682 = arith.constant 120 : i32
        %dma_wait3A_683 = arith.constant 0 : i32
        %dma_wait3A_684 = tpu.memref_slice %arg14[%dma_wait3A_681, %dma_wait3A_682, %dma_wait3A_683] : memref<2x200x64xf32, #tpu.memory_space<vmem>> -> memref<1x40x64xf32, #tpu.memory_space<vmem>>
        %dma_wait3A_685 = tpu.memref_squeeze %dma_wait3A_684 : memref<1x40x64xf32, #tpu.memory_space<vmem>> -> memref<40x64xf32, #tpu.memory_space<vmem>>
        %dma_wait3A_686 = arith.constant 0 : i32
        %dma_wait3A_687 = arith.constant 0 : i32
        %dma_wait3A_688 = tpu.memref_slice %arg3[%dma_wait3A_686, %dma_wait3A_687] : memref<1000000x64xf32, #tpu.memory_space<hbm>> -> memref<40x64xf32, #tpu.memory_space<hbm>>
        %dma_wait3A_689 = arith.constant 120 : i32
        %dma_wait3A_690 = arith.constant 0 : i32
        %dma_wait3A_691 = tpu.memref_slice %arg14[%dma_wait3A_681, %dma_wait3A_689, %dma_wait3A_690] : memref<2x200x64xf32, #tpu.memory_space<vmem>> -> memref<1x40x64xf32, #tpu.memory_space<vmem>>
        %dma_wait3A_692 = tpu.memref_squeeze %dma_wait3A_691 : memref<1x40x64xf32, #tpu.memory_space<vmem>> -> memref<40x64xf32, #tpu.memory_space<vmem>>
        %dma_wait3A_693 = arith.constant 0 : i32
        %dma_wait3A_694 = arith.constant 0 : i32
        %dma_wait3A_695 = tpu.memref_slice %arg3[%dma_wait3A_693, %dma_wait3A_694] : memref<1000000x64xf32, #tpu.memory_space<hbm>> -> memref<40x64xf32, #tpu.memory_space<hbm>>
        tpu.wait_dma2 semaphore(%arg22 : memref<!tpu.dma_semaphore, #tpu.memory_space<semaphore_mem>>) src(%dma_wait3A_695 : memref<40x64xf32, #tpu.memory_space<hbm>>) dst(%dma_wait3A_692 : memref<40x64xf32, #tpu.memory_space<vmem>>)
        %dma_wait3A_696 = arith.constant 1 : i32
        %dma_wait3A_697 = arith.constant 160 : i32
        %dma_wait3A_698 = arith.constant 0 : i32
        %dma_wait3A_699 = tpu.memref_slice %arg14[%dma_wait3A_696, %dma_wait3A_697, %dma_wait3A_698] : memref<2x200x64xf32, #tpu.memory_space<vmem>> -> memref<1x40x64xf32, #tpu.memory_space<vmem>>
        %dma_wait3A_700 = tpu.memref_squeeze %dma_wait3A_699 : memref<1x40x64xf32, #tpu.memory_space<vmem>> -> memref<40x64xf32, #tpu.memory_space<vmem>>
        %dma_wait3A_701 = arith.constant 0 : i32
        %dma_wait3A_702 = arith.constant 0 : i32
        %dma_wait3A_703 = tpu.memref_slice %arg3[%dma_wait3A_701, %dma_wait3A_702] : memref<1000000x64xf32, #tpu.memory_space<hbm>> -> memref<40x64xf32, #tpu.memory_space<hbm>>
        %dma_wait3A_704 = arith.constant 160 : i32
        %dma_wait3A_705 = arith.constant 0 : i32
        %dma_wait3A_706 = tpu.memref_slice %arg14[%dma_wait3A_696, %dma_wait3A_704, %dma_wait3A_705] : memref<2x200x64xf32, #tpu.memory_space<vmem>> -> memref<1x40x64xf32, #tpu.memory_space<vmem>>
        %dma_wait3A_707 = tpu.memref_squeeze %dma_wait3A_706 : memref<1x40x64xf32, #tpu.memory_space<vmem>> -> memref<40x64xf32, #tpu.memory_space<vmem>>
        %dma_wait3A_708 = arith.constant 0 : i32
        %dma_wait3A_709 = arith.constant 0 : i32
        %dma_wait3A_710 = tpu.memref_slice %arg3[%dma_wait3A_708, %dma_wait3A_709] : memref<1000000x64xf32, #tpu.memory_space<hbm>> -> memref<40x64xf32, #tpu.memory_space<hbm>>
        tpu.wait_dma2 semaphore(%arg22 : memref<!tpu.dma_semaphore, #tpu.memory_space<semaphore_mem>>) src(%dma_wait3A_710 : memref<40x64xf32, #tpu.memory_space<hbm>>) dst(%dma_wait3A_707 : memref<40x64xf32, #tpu.memory_space<vmem>>)
        %dma_start3A = arith.constant 0 : i32
        %dma_start3A_711 = arith.constant 0 : i32
        %dma_start3A_712 = arith.constant 0 : i32
        %dma_start3A_713 = tpu.memref_slice %arg14[%dma_start3A, %dma_start3A_711, %dma_start3A_712] : memref<2x200x64xf32, #tpu.memory_space<vmem>> -> memref<1x40x64xf32, #tpu.memory_space<vmem>>
        %dma_start3A_714 = tpu.memref_squeeze %dma_start3A_713 : memref<1x40x64xf32, #tpu.memory_space<vmem>> -> memref<40x64xf32, #tpu.memory_space<vmem>>
        %dma_start3A_715 = arith.constant 0 : i32
        %dma_start3A_716 = tpu.memref_slice %arg6[%dma_start3A_715] : memref<400xi32, #tpu.memory_space<vmem>> -> memref<40xi32, #tpu.memory_space<vmem>>
        %dma_start3A_717 = arith.constant 0 : i32
        %dma_start3A_718 = arith.constant 0 : i32
        %dma_start3A_719 = tpu.memref_slice %arg7[%dma_start3A_717, %dma_start3A_718] : memref<200x64xf32, #tpu.memory_space<vmem_shared>> -> memref<200x64xf32, #tpu.memory_space<vmem_shared>>
        tpu.enqueue_indirect_dma source(%dma_start3A_719 : memref<200x64xf32, #tpu.memory_space<vmem_shared>>) target(%dma_start3A_714 : memref<40x64xf32, #tpu.memory_space<vmem>>) offsets(%dma_start3A_716 : memref<40xi32, #tpu.memory_space<vmem>>) semaphore(%arg26 : memref<!tpu.dma_semaphore, #tpu.memory_space<semaphore_mem>>) {add = true}
        %dma_start3A_720 = arith.constant 0 : i32
        %dma_start3A_721 = arith.constant 40 : i32
        %dma_start3A_722 = arith.constant 0 : i32
        %dma_start3A_723 = tpu.memref_slice %arg14[%dma_start3A_720, %dma_start3A_721, %dma_start3A_722] : memref<2x200x64xf32, #tpu.memory_space<vmem>> -> memref<1x40x64xf32, #tpu.memory_space<vmem>>
        %dma_start3A_724 = tpu.memref_squeeze %dma_start3A_723 : memref<1x40x64xf32, #tpu.memory_space<vmem>> -> memref<40x64xf32, #tpu.memory_space<vmem>>
        %dma_start3A_725 = arith.constant 40 : i32
        %dma_start3A_726 = tpu.memref_slice %arg6[%dma_start3A_725] : memref<400xi32, #tpu.memory_space<vmem>> -> memref<40xi32, #tpu.memory_space<vmem>>
        %dma_start3A_727 = arith.constant 0 : i32
        %dma_start3A_728 = arith.constant 0 : i32
        %dma_start3A_729 = tpu.memref_slice %arg7[%dma_start3A_727, %dma_start3A_728] : memref<200x64xf32, #tpu.memory_space<vmem_shared>> -> memref<200x64xf32, #tpu.memory_space<vmem_shared>>
        tpu.enqueue_indirect_dma source(%dma_start3A_729 : memref<200x64xf32, #tpu.memory_space<vmem_shared>>) target(%dma_start3A_724 : memref<40x64xf32, #tpu.memory_space<vmem>>) offsets(%dma_start3A_726 : memref<40xi32, #tpu.memory_space<vmem>>) semaphore(%arg26 : memref<!tpu.dma_semaphore, #tpu.memory_space<semaphore_mem>>) {add = true}
        %dma_start3A_730 = arith.constant 0 : i32
        %dma_start3A_731 = arith.constant 80 : i32
        %dma_start3A_732 = arith.constant 0 : i32
        %dma_start3A_733 = tpu.memref_slice %arg14[%dma_start3A_730, %dma_start3A_731, %dma_start3A_732] : memref<2x200x64xf32, #tpu.memory_space<vmem>> -> memref<1x40x64xf32, #tpu.memory_space<vmem>>
        %dma_start3A_734 = tpu.memref_squeeze %dma_start3A_733 : memref<1x40x64xf32, #tpu.memory_space<vmem>> -> memref<40x64xf32, #tpu.memory_space<vmem>>
        %dma_start3A_735 = arith.constant 80 : i32
        %dma_start3A_736 = tpu.memref_slice %arg6[%dma_start3A_735] : memref<400xi32, #tpu.memory_space<vmem>> -> memref<40xi32, #tpu.memory_space<vmem>>
        %dma_start3A_737 = arith.constant 0 : i32
        %dma_start3A_738 = arith.constant 0 : i32
        %dma_start3A_739 = tpu.memref_slice %arg7[%dma_start3A_737, %dma_start3A_738] : memref<200x64xf32, #tpu.memory_space<vmem_shared>> -> memref<200x64xf32, #tpu.memory_space<vmem_shared>>
        tpu.enqueue_indirect_dma source(%dma_start3A_739 : memref<200x64xf32, #tpu.memory_space<vmem_shared>>) target(%dma_start3A_734 : memref<40x64xf32, #tpu.memory_space<vmem>>) offsets(%dma_start3A_736 : memref<40xi32, #tpu.memory_space<vmem>>) semaphore(%arg26 : memref<!tpu.dma_semaphore, #tpu.memory_space<semaphore_mem>>) {add = true}
        %dma_start3A_740 = arith.constant 0 : i32
        %dma_start3A_741 = arith.constant 120 : i32
        %dma_start3A_742 = arith.constant 0 : i32
        %dma_start3A_743 = tpu.memref_slice %arg14[%dma_start3A_740, %dma_start3A_741, %dma_start3A_742] : memref<2x200x64xf32, #tpu.memory_space<vmem>> -> memref<1x40x64xf32, #tpu.memory_space<vmem>>
        %dma_start3A_744 = tpu.memref_squeeze %dma_start3A_743 : memref<1x40x64xf32, #tpu.memory_space<vmem>> -> memref<40x64xf32, #tpu.memory_space<vmem>>
        %dma_start3A_745 = arith.constant 120 : i32
        %dma_start3A_746 = tpu.memref_slice %arg6[%dma_start3A_745] : memref<400xi32, #tpu.memory_space<vmem>> -> memref<40xi32, #tpu.memory_space<vmem>>
        %dma_start3A_747 = arith.constant 0 : i32
        %dma_start3A_748 = arith.constant 0 : i32
        %dma_start3A_749 = tpu.memref_slice %arg7[%dma_start3A_747, %dma_start3A_748] : memref<200x64xf32, #tpu.memory_space<vmem_shared>> -> memref<200x64xf32, #tpu.memory_space<vmem_shared>>
        tpu.enqueue_indirect_dma source(%dma_start3A_749 : memref<200x64xf32, #tpu.memory_space<vmem_shared>>) target(%dma_start3A_744 : memref<40x64xf32, #tpu.memory_space<vmem>>) offsets(%dma_start3A_746 : memref<40xi32, #tpu.memory_space<vmem>>) semaphore(%arg26 : memref<!tpu.dma_semaphore, #tpu.memory_space<semaphore_mem>>) {add = true}
        %dma_start3A_750 = arith.constant 0 : i32
        %dma_start3A_751 = arith.constant 160 : i32
        %dma_start3A_752 = arith.constant 0 : i32
        %dma_start3A_753 = tpu.memref_slice %arg14[%dma_start3A_750, %dma_start3A_751, %dma_start3A_752] : memref<2x200x64xf32, #tpu.memory_space<vmem>> -> memref<1x40x64xf32, #tpu.memory_space<vmem>>
        %dma_start3A_754 = tpu.memref_squeeze %dma_start3A_753 : memref<1x40x64xf32, #tpu.memory_space<vmem>> -> memref<40x64xf32, #tpu.memory_space<vmem>>
        %dma_start3A_755 = arith.constant 160 : i32
        %dma_start3A_756 = tpu.memref_slice %arg6[%dma_start3A_755] : memref<400xi32, #tpu.memory_space<vmem>> -> memref<40xi32, #tpu.memory_space<vmem>>
        %dma_start3A_757 = arith.constant 0 : i32
        %dma_start3A_758 = arith.constant 0 : i32
        %dma_start3A_759 = tpu.memref_slice %arg7[%dma_start3A_757, %dma_start3A_758] : memref<200x64xf32, #tpu.memory_space<vmem_shared>> -> memref<200x64xf32, #tpu.memory_space<vmem_shared>>
        tpu.enqueue_indirect_dma source(%dma_start3A_759 : memref<200x64xf32, #tpu.memory_space<vmem_shared>>) target(%dma_start3A_754 : memref<40x64xf32, #tpu.memory_space<vmem>>) offsets(%dma_start3A_756 : memref<40xi32, #tpu.memory_space<vmem>>) semaphore(%arg26 : memref<!tpu.dma_semaphore, #tpu.memory_space<semaphore_mem>>) {add = true}
        %dma_start3A_760 = arith.constant 1 : i32
        %dma_start3A_761 = arith.constant 0 : i32
        %dma_start3A_762 = arith.constant 0 : i32
        %dma_start3A_763 = tpu.memref_slice %arg14[%dma_start3A_760, %dma_start3A_761, %dma_start3A_762] : memref<2x200x64xf32, #tpu.memory_space<vmem>> -> memref<1x40x64xf32, #tpu.memory_space<vmem>>
        %dma_start3A_764 = tpu.memref_squeeze %dma_start3A_763 : memref<1x40x64xf32, #tpu.memory_space<vmem>> -> memref<40x64xf32, #tpu.memory_space<vmem>>
        %dma_start3A_765 = arith.constant 200 : i32
        %dma_start3A_766 = tpu.memref_slice %arg6[%dma_start3A_765] : memref<400xi32, #tpu.memory_space<vmem>> -> memref<40xi32, #tpu.memory_space<vmem>>
        %dma_start3A_767 = arith.constant 0 : i32
        %dma_start3A_768 = arith.constant 0 : i32
        %dma_start3A_769 = tpu.memref_slice %arg7[%dma_start3A_767, %dma_start3A_768] : memref<200x64xf32, #tpu.memory_space<vmem_shared>> -> memref<200x64xf32, #tpu.memory_space<vmem_shared>>
        tpu.enqueue_indirect_dma source(%dma_start3A_769 : memref<200x64xf32, #tpu.memory_space<vmem_shared>>) target(%dma_start3A_764 : memref<40x64xf32, #tpu.memory_space<vmem>>) offsets(%dma_start3A_766 : memref<40xi32, #tpu.memory_space<vmem>>) semaphore(%arg26 : memref<!tpu.dma_semaphore, #tpu.memory_space<semaphore_mem>>) {add = true}
        %dma_start3A_770 = arith.constant 1 : i32
        %dma_start3A_771 = arith.constant 40 : i32
        %dma_start3A_772 = arith.constant 0 : i32
        %dma_start3A_773 = tpu.memref_slice %arg14[%dma_start3A_770, %dma_start3A_771, %dma_start3A_772] : memref<2x200x64xf32, #tpu.memory_space<vmem>> -> memref<1x40x64xf32, #tpu.memory_space<vmem>>
        %dma_start3A_774 = tpu.memref_squeeze %dma_start3A_773 : memref<1x40x64xf32, #tpu.memory_space<vmem>> -> memref<40x64xf32, #tpu.memory_space<vmem>>
        %dma_start3A_775 = arith.constant 240 : i32
        %dma_start3A_776 = tpu.memref_slice %arg6[%dma_start3A_775] : memref<400xi32, #tpu.memory_space<vmem>> -> memref<40xi32, #tpu.memory_space<vmem>>
        %dma_start3A_777 = arith.constant 0 : i32
        %dma_start3A_778 = arith.constant 0 : i32
        %dma_start3A_779 = tpu.memref_slice %arg7[%dma_start3A_777, %dma_start3A_778] : memref<200x64xf32, #tpu.memory_space<vmem_shared>> -> memref<200x64xf32, #tpu.memory_space<vmem_shared>>
        tpu.enqueue_indirect_dma source(%dma_start3A_779 : memref<200x64xf32, #tpu.memory_space<vmem_shared>>) target(%dma_start3A_774 : memref<40x64xf32, #tpu.memory_space<vmem>>) offsets(%dma_start3A_776 : memref<40xi32, #tpu.memory_space<vmem>>) semaphore(%arg26 : memref<!tpu.dma_semaphore, #tpu.memory_space<semaphore_mem>>) {add = true}
        %dma_start3A_780 = arith.constant 1 : i32
        %dma_start3A_781 = arith.constant 80 : i32
        %dma_start3A_782 = arith.constant 0 : i32
        %dma_start3A_783 = tpu.memref_slice %arg14[%dma_start3A_780, %dma_start3A_781, %dma_start3A_782] : memref<2x200x64xf32, #tpu.memory_space<vmem>> -> memref<1x40x64xf32, #tpu.memory_space<vmem>>
        %dma_start3A_784 = tpu.memref_squeeze %dma_start3A_783 : memref<1x40x64xf32, #tpu.memory_space<vmem>> -> memref<40x64xf32, #tpu.memory_space<vmem>>
        %dma_start3A_785 = arith.constant 280 : i32
        %dma_start3A_786 = tpu.memref_slice %arg6[%dma_start3A_785] : memref<400xi32, #tpu.memory_space<vmem>> -> memref<40xi32, #tpu.memory_space<vmem>>
        %dma_start3A_787 = arith.constant 0 : i32
        %dma_start3A_788 = arith.constant 0 : i32
        %dma_start3A_789 = tpu.memref_slice %arg7[%dma_start3A_787, %dma_start3A_788] : memref<200x64xf32, #tpu.memory_space<vmem_shared>> -> memref<200x64xf32, #tpu.memory_space<vmem_shared>>
        tpu.enqueue_indirect_dma source(%dma_start3A_789 : memref<200x64xf32, #tpu.memory_space<vmem_shared>>) target(%dma_start3A_784 : memref<40x64xf32, #tpu.memory_space<vmem>>) offsets(%dma_start3A_786 : memref<40xi32, #tpu.memory_space<vmem>>) semaphore(%arg26 : memref<!tpu.dma_semaphore, #tpu.memory_space<semaphore_mem>>) {add = true}
        %dma_start3A_790 = arith.constant 1 : i32
        %dma_start3A_791 = arith.constant 120 : i32
        %dma_start3A_792 = arith.constant 0 : i32
        %dma_start3A_793 = tpu.memref_slice %arg14[%dma_start3A_790, %dma_start3A_791, %dma_start3A_792] : memref<2x200x64xf32, #tpu.memory_space<vmem>> -> memref<1x40x64xf32, #tpu.memory_space<vmem>>
        %dma_start3A_794 = tpu.memref_squeeze %dma_start3A_793 : memref<1x40x64xf32, #tpu.memory_space<vmem>> -> memref<40x64xf32, #tpu.memory_space<vmem>>
        %dma_start3A_795 = arith.constant 320 : i32
        %dma_start3A_796 = tpu.memref_slice %arg6[%dma_start3A_795] : memref<400xi32, #tpu.memory_space<vmem>> -> memref<40xi32, #tpu.memory_space<vmem>>
        %dma_start3A_797 = arith.constant 0 : i32
        %dma_start3A_798 = arith.constant 0 : i32
        %dma_start3A_799 = tpu.memref_slice %arg7[%dma_start3A_797, %dma_start3A_798] : memref<200x64xf32, #tpu.memory_space<vmem_shared>> -> memref<200x64xf32, #tpu.memory_space<vmem_shared>>
        tpu.enqueue_indirect_dma source(%dma_start3A_799 : memref<200x64xf32, #tpu.memory_space<vmem_shared>>) target(%dma_start3A_794 : memref<40x64xf32, #tpu.memory_space<vmem>>) offsets(%dma_start3A_796 : memref<40xi32, #tpu.memory_space<vmem>>) semaphore(%arg26 : memref<!tpu.dma_semaphore, #tpu.memory_space<semaphore_mem>>) {add = true}
        %dma_start3A_800 = arith.constant 1 : i32
        %dma_start3A_801 = arith.constant 160 : i32
        %dma_start3A_802 = arith.constant 0 : i32
        %dma_start3A_803 = tpu.memref_slice %arg14[%dma_start3A_800, %dma_start3A_801, %dma_start3A_802] : memref<2x200x64xf32, #tpu.memory_space<vmem>> -> memref<1x40x64xf32, #tpu.memory_space<vmem>>
        %dma_start3A_804 = tpu.memref_squeeze %dma_start3A_803 : memref<1x40x64xf32, #tpu.memory_space<vmem>> -> memref<40x64xf32, #tpu.memory_space<vmem>>
        %dma_start3A_805 = arith.constant 360 : i32
        %dma_start3A_806 = tpu.memref_slice %arg6[%dma_start3A_805] : memref<400xi32, #tpu.memory_space<vmem>> -> memref<40xi32, #tpu.memory_space<vmem>>
        %dma_start3A_807 = arith.constant 0 : i32
        %dma_start3A_808 = arith.constant 0 : i32
        %dma_start3A_809 = tpu.memref_slice %arg7[%dma_start3A_807, %dma_start3A_808] : memref<200x64xf32, #tpu.memory_space<vmem_shared>> -> memref<200x64xf32, #tpu.memory_space<vmem_shared>>
        tpu.enqueue_indirect_dma source(%dma_start3A_809 : memref<200x64xf32, #tpu.memory_space<vmem_shared>>) target(%dma_start3A_804 : memref<40x64xf32, #tpu.memory_space<vmem>>) offsets(%dma_start3A_806 : memref<40xi32, #tpu.memory_space<vmem>>) semaphore(%arg26 : memref<!tpu.dma_semaphore, #tpu.memory_space<semaphore_mem>>) {add = true}
      } else {
      }
      %sub3A_434 = arith.constant 3 : i32
      %sub3A_435 = arith.subi %add3A_410, %sub3A_434 : i32
      %ge3A_436 = arith.constant 0 : i32
      %ge3A_437 = arith.cmpi sge, %sub3A_435, %ge3A_436 : i32
      %lt3A_438 = arith.constant 64 : i32
      %lt3A_439 = arith.cmpi slt, %sub3A_435, %lt3A_438 : i32
      %and3A_440 = arith.andi %ge3A_437, %lt3A_439 : i1
      %convert_element_type3A_441 = arith.extui %and3A_440 : i1 to i32
      %cond3A_442 = arith.constant 0 : i32
      %cond3A_443 = arith.cmpi ne, %convert_element_type3A_441, %cond3A_442 : i32
      scf.if %cond3A_443 {
        %dma_wait3A_561 = arith.constant 0 : i32
        %dma_wait3A_562 = arith.constant 0 : i32
        %dma_wait3A_563 = arith.constant 0 : i32
        %dma_wait3A_564 = tpu.memref_slice %arg13[%dma_wait3A_561, %dma_wait3A_562, %dma_wait3A_563] : memref<2x200x64xf32, #tpu.memory_space<vmem>> -> memref<1x40x64xf32, #tpu.memory_space<vmem>>
        %dma_wait3A_565 = tpu.memref_squeeze %dma_wait3A_564 : memref<1x40x64xf32, #tpu.memory_space<vmem>> -> memref<40x64xf32, #tpu.memory_space<vmem>>
        %dma_wait3A_566 = arith.constant 0 : i32
        %dma_wait3A_567 = arith.constant 0 : i32
        %dma_wait3A_568 = tpu.memref_slice %arg3[%dma_wait3A_566, %dma_wait3A_567] : memref<1000000x64xf32, #tpu.memory_space<hbm>> -> memref<40x64xf32, #tpu.memory_space<hbm>>
        %dma_wait3A_569 = arith.constant 0 : i32
        %dma_wait3A_570 = arith.constant 0 : i32
        %dma_wait3A_571 = tpu.memref_slice %arg13[%dma_wait3A_561, %dma_wait3A_569, %dma_wait3A_570] : memref<2x200x64xf32, #tpu.memory_space<vmem>> -> memref<1x40x64xf32, #tpu.memory_space<vmem>>
        %dma_wait3A_572 = tpu.memref_squeeze %dma_wait3A_571 : memref<1x40x64xf32, #tpu.memory_space<vmem>> -> memref<40x64xf32, #tpu.memory_space<vmem>>
        %dma_wait3A_573 = arith.constant 0 : i32
        %dma_wait3A_574 = arith.constant 0 : i32
        %dma_wait3A_575 = tpu.memref_slice %arg3[%dma_wait3A_573, %dma_wait3A_574] : memref<1000000x64xf32, #tpu.memory_space<hbm>> -> memref<40x64xf32, #tpu.memory_space<hbm>>
        tpu.wait_dma2 semaphore(%arg25 : memref<!tpu.dma_semaphore, #tpu.memory_space<semaphore_mem>>) src(%dma_wait3A_575 : memref<40x64xf32, #tpu.memory_space<hbm>>) dst(%dma_wait3A_572 : memref<40x64xf32, #tpu.memory_space<vmem>>)
        %dma_wait3A_576 = arith.constant 0 : i32
        %dma_wait3A_577 = arith.constant 40 : i32
        %dma_wait3A_578 = arith.constant 0 : i32
        %dma_wait3A_579 = tpu.memref_slice %arg13[%dma_wait3A_576, %dma_wait3A_577, %dma_wait3A_578] : memref<2x200x64xf32, #tpu.memory_space<vmem>> -> memref<1x40x64xf32, #tpu.memory_space<vmem>>
        %dma_wait3A_580 = tpu.memref_squeeze %dma_wait3A_579 : memref<1x40x64xf32, #tpu.memory_space<vmem>> -> memref<40x64xf32, #tpu.memory_space<vmem>>
        %dma_wait3A_581 = arith.constant 0 : i32
        %dma_wait3A_582 = arith.constant 0 : i32
        %dma_wait3A_583 = tpu.memref_slice %arg3[%dma_wait3A_581, %dma_wait3A_582] : memref<1000000x64xf32, #tpu.memory_space<hbm>> -> memref<40x64xf32, #tpu.memory_space<hbm>>
        %dma_wait3A_584 = arith.constant 40 : i32
        %dma_wait3A_585 = arith.constant 0 : i32
        %dma_wait3A_586 = tpu.memref_slice %arg13[%dma_wait3A_576, %dma_wait3A_584, %dma_wait3A_585] : memref<2x200x64xf32, #tpu.memory_space<vmem>> -> memref<1x40x64xf32, #tpu.memory_space<vmem>>
        %dma_wait3A_587 = tpu.memref_squeeze %dma_wait3A_586 : memref<1x40x64xf32, #tpu.memory_space<vmem>> -> memref<40x64xf32, #tpu.memory_space<vmem>>
        %dma_wait3A_588 = arith.constant 0 : i32
        %dma_wait3A_589 = arith.constant 0 : i32
        %dma_wait3A_590 = tpu.memref_slice %arg3[%dma_wait3A_588, %dma_wait3A_589] : memref<1000000x64xf32, #tpu.memory_space<hbm>> -> memref<40x64xf32, #tpu.memory_space<hbm>>
        tpu.wait_dma2 semaphore(%arg25 : memref<!tpu.dma_semaphore, #tpu.memory_space<semaphore_mem>>) src(%dma_wait3A_590 : memref<40x64xf32, #tpu.memory_space<hbm>>) dst(%dma_wait3A_587 : memref<40x64xf32, #tpu.memory_space<vmem>>)
        %dma_wait3A_591 = arith.constant 0 : i32
        %dma_wait3A_592 = arith.constant 80 : i32
        %dma_wait3A_593 = arith.constant 0 : i32
        %dma_wait3A_594 = tpu.memref_slice %arg13[%dma_wait3A_591, %dma_wait3A_592, %dma_wait3A_593] : memref<2x200x64xf32, #tpu.memory_space<vmem>> -> memref<1x40x64xf32, #tpu.memory_space<vmem>>
        %dma_wait3A_595 = tpu.memref_squeeze %dma_wait3A_594 : memref<1x40x64xf32, #tpu.memory_space<vmem>> -> memref<40x64xf32, #tpu.memory_space<vmem>>
        %dma_wait3A_596 = arith.constant 0 : i32
        %dma_wait3A_597 = arith.constant 0 : i32
        %dma_wait3A_598 = tpu.memref_slice %arg3[%dma_wait3A_596, %dma_wait3A_597] : memref<1000000x64xf32, #tpu.memory_space<hbm>> -> memref<40x64xf32, #tpu.memory_space<hbm>>
        %dma_wait3A_599 = arith.constant 80 : i32
        %dma_wait3A_600 = arith.constant 0 : i32
        %dma_wait3A_601 = tpu.memref_slice %arg13[%dma_wait3A_591, %dma_wait3A_599, %dma_wait3A_600] : memref<2x200x64xf32, #tpu.memory_space<vmem>> -> memref<1x40x64xf32, #tpu.memory_space<vmem>>
        %dma_wait3A_602 = tpu.memref_squeeze %dma_wait3A_601 : memref<1x40x64xf32, #tpu.memory_space<vmem>> -> memref<40x64xf32, #tpu.memory_space<vmem>>
        %dma_wait3A_603 = arith.constant 0 : i32
        %dma_wait3A_604 = arith.constant 0 : i32
        %dma_wait3A_605 = tpu.memref_slice %arg3[%dma_wait3A_603, %dma_wait3A_604] : memref<1000000x64xf32, #tpu.memory_space<hbm>> -> memref<40x64xf32, #tpu.memory_space<hbm>>
        tpu.wait_dma2 semaphore(%arg25 : memref<!tpu.dma_semaphore, #tpu.memory_space<semaphore_mem>>) src(%dma_wait3A_605 : memref<40x64xf32, #tpu.memory_space<hbm>>) dst(%dma_wait3A_602 : memref<40x64xf32, #tpu.memory_space<vmem>>)
        %dma_wait3A_606 = arith.constant 0 : i32
        %dma_wait3A_607 = arith.constant 120 : i32
        %dma_wait3A_608 = arith.constant 0 : i32
        %dma_wait3A_609 = tpu.memref_slice %arg13[%dma_wait3A_606, %dma_wait3A_607, %dma_wait3A_608] : memref<2x200x64xf32, #tpu.memory_space<vmem>> -> memref<1x40x64xf32, #tpu.memory_space<vmem>>
        %dma_wait3A_610 = tpu.memref_squeeze %dma_wait3A_609 : memref<1x40x64xf32, #tpu.memory_space<vmem>> -> memref<40x64xf32, #tpu.memory_space<vmem>>
        %dma_wait3A_611 = arith.constant 0 : i32
        %dma_wait3A_612 = arith.constant 0 : i32
        %dma_wait3A_613 = tpu.memref_slice %arg3[%dma_wait3A_611, %dma_wait3A_612] : memref<1000000x64xf32, #tpu.memory_space<hbm>> -> memref<40x64xf32, #tpu.memory_space<hbm>>
        %dma_wait3A_614 = arith.constant 120 : i32
        %dma_wait3A_615 = arith.constant 0 : i32
        %dma_wait3A_616 = tpu.memref_slice %arg13[%dma_wait3A_606, %dma_wait3A_614, %dma_wait3A_615] : memref<2x200x64xf32, #tpu.memory_space<vmem>> -> memref<1x40x64xf32, #tpu.memory_space<vmem>>
        %dma_wait3A_617 = tpu.memref_squeeze %dma_wait3A_616 : memref<1x40x64xf32, #tpu.memory_space<vmem>> -> memref<40x64xf32, #tpu.memory_space<vmem>>
        %dma_wait3A_618 = arith.constant 0 : i32
        %dma_wait3A_619 = arith.constant 0 : i32
        %dma_wait3A_620 = tpu.memref_slice %arg3[%dma_wait3A_618, %dma_wait3A_619] : memref<1000000x64xf32, #tpu.memory_space<hbm>> -> memref<40x64xf32, #tpu.memory_space<hbm>>
        tpu.wait_dma2 semaphore(%arg25 : memref<!tpu.dma_semaphore, #tpu.memory_space<semaphore_mem>>) src(%dma_wait3A_620 : memref<40x64xf32, #tpu.memory_space<hbm>>) dst(%dma_wait3A_617 : memref<40x64xf32, #tpu.memory_space<vmem>>)
        %dma_wait3A_621 = arith.constant 0 : i32
        %dma_wait3A_622 = arith.constant 160 : i32
        %dma_wait3A_623 = arith.constant 0 : i32
        %dma_wait3A_624 = tpu.memref_slice %arg13[%dma_wait3A_621, %dma_wait3A_622, %dma_wait3A_623] : memref<2x200x64xf32, #tpu.memory_space<vmem>> -> memref<1x40x64xf32, #tpu.memory_space<vmem>>
        %dma_wait3A_625 = tpu.memref_squeeze %dma_wait3A_624 : memref<1x40x64xf32, #tpu.memory_space<vmem>> -> memref<40x64xf32, #tpu.memory_space<vmem>>
        %dma_wait3A_626 = arith.constant 0 : i32
        %dma_wait3A_627 = arith.constant 0 : i32
        %dma_wait3A_628 = tpu.memref_slice %arg3[%dma_wait3A_626, %dma_wait3A_627] : memref<1000000x64xf32, #tpu.memory_space<hbm>> -> memref<40x64xf32, #tpu.memory_space<hbm>>
        %dma_wait3A_629 = arith.constant 160 : i32
        %dma_wait3A_630 = arith.constant 0 : i32
        %dma_wait3A_631 = tpu.memref_slice %arg13[%dma_wait3A_621, %dma_wait3A_629, %dma_wait3A_630] : memref<2x200x64xf32, #tpu.memory_space<vmem>> -> memref<1x40x64xf32, #tpu.memory_space<vmem>>
        %dma_wait3A_632 = tpu.memref_squeeze %dma_wait3A_631 : memref<1x40x64xf32, #tpu.memory_space<vmem>> -> memref<40x64xf32, #tpu.memory_space<vmem>>
        %dma_wait3A_633 = arith.constant 0 : i32
        %dma_wait3A_634 = arith.constant 0 : i32
        %dma_wait3A_635 = tpu.memref_slice %arg3[%dma_wait3A_633, %dma_wait3A_634] : memref<1000000x64xf32, #tpu.memory_space<hbm>> -> memref<40x64xf32, #tpu.memory_space<hbm>>
        tpu.wait_dma2 semaphore(%arg25 : memref<!tpu.dma_semaphore, #tpu.memory_space<semaphore_mem>>) src(%dma_wait3A_635 : memref<40x64xf32, #tpu.memory_space<hbm>>) dst(%dma_wait3A_632 : memref<40x64xf32, #tpu.memory_space<vmem>>)
        %dma_wait3A_636 = arith.constant 1 : i32
        %dma_wait3A_637 = arith.constant 0 : i32
        %dma_wait3A_638 = arith.constant 0 : i32
        %dma_wait3A_639 = tpu.memref_slice %arg13[%dma_wait3A_636, %dma_wait3A_637, %dma_wait3A_638] : memref<2x200x64xf32, #tpu.memory_space<vmem>> -> memref<1x40x64xf32, #tpu.memory_space<vmem>>
        %dma_wait3A_640 = tpu.memref_squeeze %dma_wait3A_639 : memref<1x40x64xf32, #tpu.memory_space<vmem>> -> memref<40x64xf32, #tpu.memory_space<vmem>>
        %dma_wait3A_641 = arith.constant 0 : i32
        %dma_wait3A_642 = arith.constant 0 : i32
        %dma_wait3A_643 = tpu.memref_slice %arg3[%dma_wait3A_641, %dma_wait3A_642] : memref<1000000x64xf32, #tpu.memory_space<hbm>> -> memref<40x64xf32, #tpu.memory_space<hbm>>
        %dma_wait3A_644 = arith.constant 0 : i32
        %dma_wait3A_645 = arith.constant 0 : i32
        %dma_wait3A_646 = tpu.memref_slice %arg13[%dma_wait3A_636, %dma_wait3A_644, %dma_wait3A_645] : memref<2x200x64xf32, #tpu.memory_space<vmem>> -> memref<1x40x64xf32, #tpu.memory_space<vmem>>
        %dma_wait3A_647 = tpu.memref_squeeze %dma_wait3A_646 : memref<1x40x64xf32, #tpu.memory_space<vmem>> -> memref<40x64xf32, #tpu.memory_space<vmem>>
        %dma_wait3A_648 = arith.constant 0 : i32
        %dma_wait3A_649 = arith.constant 0 : i32
        %dma_wait3A_650 = tpu.memref_slice %arg3[%dma_wait3A_648, %dma_wait3A_649] : memref<1000000x64xf32, #tpu.memory_space<hbm>> -> memref<40x64xf32, #tpu.memory_space<hbm>>
        tpu.wait_dma2 semaphore(%arg25 : memref<!tpu.dma_semaphore, #tpu.memory_space<semaphore_mem>>) src(%dma_wait3A_650 : memref<40x64xf32, #tpu.memory_space<hbm>>) dst(%dma_wait3A_647 : memref<40x64xf32, #tpu.memory_space<vmem>>)
        %dma_wait3A_651 = arith.constant 1 : i32
        %dma_wait3A_652 = arith.constant 40 : i32
        %dma_wait3A_653 = arith.constant 0 : i32
        %dma_wait3A_654 = tpu.memref_slice %arg13[%dma_wait3A_651, %dma_wait3A_652, %dma_wait3A_653] : memref<2x200x64xf32, #tpu.memory_space<vmem>> -> memref<1x40x64xf32, #tpu.memory_space<vmem>>
        %dma_wait3A_655 = tpu.memref_squeeze %dma_wait3A_654 : memref<1x40x64xf32, #tpu.memory_space<vmem>> -> memref<40x64xf32, #tpu.memory_space<vmem>>
        %dma_wait3A_656 = arith.constant 0 : i32
        %dma_wait3A_657 = arith.constant 0 : i32
        %dma_wait3A_658 = tpu.memref_slice %arg3[%dma_wait3A_656, %dma_wait3A_657] : memref<1000000x64xf32, #tpu.memory_space<hbm>> -> memref<40x64xf32, #tpu.memory_space<hbm>>
        %dma_wait3A_659 = arith.constant 40 : i32
        %dma_wait3A_660 = arith.constant 0 : i32
        %dma_wait3A_661 = tpu.memref_slice %arg13[%dma_wait3A_651, %dma_wait3A_659, %dma_wait3A_660] : memref<2x200x64xf32, #tpu.memory_space<vmem>> -> memref<1x40x64xf32, #tpu.memory_space<vmem>>
        %dma_wait3A_662 = tpu.memref_squeeze %dma_wait3A_661 : memref<1x40x64xf32, #tpu.memory_space<vmem>> -> memref<40x64xf32, #tpu.memory_space<vmem>>
        %dma_wait3A_663 = arith.constant 0 : i32
        %dma_wait3A_664 = arith.constant 0 : i32
        %dma_wait3A_665 = tpu.memref_slice %arg3[%dma_wait3A_663, %dma_wait3A_664] : memref<1000000x64xf32, #tpu.memory_space<hbm>> -> memref<40x64xf32, #tpu.memory_space<hbm>>
        tpu.wait_dma2 semaphore(%arg25 : memref<!tpu.dma_semaphore, #tpu.memory_space<semaphore_mem>>) src(%dma_wait3A_665 : memref<40x64xf32, #tpu.memory_space<hbm>>) dst(%dma_wait3A_662 : memref<40x64xf32, #tpu.memory_space<vmem>>)
        %dma_wait3A_666 = arith.constant 1 : i32
        %dma_wait3A_667 = arith.constant 80 : i32
        %dma_wait3A_668 = arith.constant 0 : i32
        %dma_wait3A_669 = tpu.memref_slice %arg13[%dma_wait3A_666, %dma_wait3A_667, %dma_wait3A_668] : memref<2x200x64xf32, #tpu.memory_space<vmem>> -> memref<1x40x64xf32, #tpu.memory_space<vmem>>
        %dma_wait3A_670 = tpu.memref_squeeze %dma_wait3A_669 : memref<1x40x64xf32, #tpu.memory_space<vmem>> -> memref<40x64xf32, #tpu.memory_space<vmem>>
        %dma_wait3A_671 = arith.constant 0 : i32
        %dma_wait3A_672 = arith.constant 0 : i32
        %dma_wait3A_673 = tpu.memref_slice %arg3[%dma_wait3A_671, %dma_wait3A_672] : memref<1000000x64xf32, #tpu.memory_space<hbm>> -> memref<40x64xf32, #tpu.memory_space<hbm>>
        %dma_wait3A_674 = arith.constant 80 : i32
        %dma_wait3A_675 = arith.constant 0 : i32
        %dma_wait3A_676 = tpu.memref_slice %arg13[%dma_wait3A_666, %dma_wait3A_674, %dma_wait3A_675] : memref<2x200x64xf32, #tpu.memory_space<vmem>> -> memref<1x40x64xf32, #tpu.memory_space<vmem>>
        %dma_wait3A_677 = tpu.memref_squeeze %dma_wait3A_676 : memref<1x40x64xf32, #tpu.memory_space<vmem>> -> memref<40x64xf32, #tpu.memory_space<vmem>>
        %dma_wait3A_678 = arith.constant 0 : i32
        %dma_wait3A_679 = arith.constant 0 : i32
        %dma_wait3A_680 = tpu.memref_slice %arg3[%dma_wait3A_678, %dma_wait3A_679] : memref<1000000x64xf32, #tpu.memory_space<hbm>> -> memref<40x64xf32, #tpu.memory_space<hbm>>
        tpu.wait_dma2 semaphore(%arg25 : memref<!tpu.dma_semaphore, #tpu.memory_space<semaphore_mem>>) src(%dma_wait3A_680 : memref<40x64xf32, #tpu.memory_space<hbm>>) dst(%dma_wait3A_677 : memref<40x64xf32, #tpu.memory_space<vmem>>)
        %dma_wait3A_681 = arith.constant 1 : i32
        %dma_wait3A_682 = arith.constant 120 : i32
        %dma_wait3A_683 = arith.constant 0 : i32
        %dma_wait3A_684 = tpu.memref_slice %arg13[%dma_wait3A_681, %dma_wait3A_682, %dma_wait3A_683] : memref<2x200x64xf32, #tpu.memory_space<vmem>> -> memref<1x40x64xf32, #tpu.memory_space<vmem>>
        %dma_wait3A_685 = tpu.memref_squeeze %dma_wait3A_684 : memref<1x40x64xf32, #tpu.memory_space<vmem>> -> memref<40x64xf32, #tpu.memory_space<vmem>>
        %dma_wait3A_686 = arith.constant 0 : i32
        %dma_wait3A_687 = arith.constant 0 : i32
        %dma_wait3A_688 = tpu.memref_slice %arg3[%dma_wait3A_686, %dma_wait3A_687] : memref<1000000x64xf32, #tpu.memory_space<hbm>> -> memref<40x64xf32, #tpu.memory_space<hbm>>
        %dma_wait3A_689 = arith.constant 120 : i32
        %dma_wait3A_690 = arith.constant 0 : i32
        %dma_wait3A_691 = tpu.memref_slice %arg13[%dma_wait3A_681, %dma_wait3A_689, %dma_wait3A_690] : memref<2x200x64xf32, #tpu.memory_space<vmem>> -> memref<1x40x64xf32, #tpu.memory_space<vmem>>
        %dma_wait3A_692 = tpu.memref_squeeze %dma_wait3A_691 : memref<1x40x64xf32, #tpu.memory_space<vmem>> -> memref<40x64xf32, #tpu.memory_space<vmem>>
        %dma_wait3A_693 = arith.constant 0 : i32
        %dma_wait3A_694 = arith.constant 0 : i32
        %dma_wait3A_695 = tpu.memref_slice %arg3[%dma_wait3A_693, %dma_wait3A_694] : memref<1000000x64xf32, #tpu.memory_space<hbm>> -> memref<40x64xf32, #tpu.memory_space<hbm>>
        tpu.wait_dma2 semaphore(%arg25 : memref<!tpu.dma_semaphore, #tpu.memory_space<semaphore_mem>>) src(%dma_wait3A_695 : memref<40x64xf32, #tpu.memory_space<hbm>>) dst(%dma_wait3A_692 : memref<40x64xf32, #tpu.memory_space<vmem>>)
        %dma_wait3A_696 = arith.constant 1 : i32
        %dma_wait3A_697 = arith.constant 160 : i32
        %dma_wait3A_698 = arith.constant 0 : i32
        %dma_wait3A_699 = tpu.memref_slice %arg13[%dma_wait3A_696, %dma_wait3A_697, %dma_wait3A_698] : memref<2x200x64xf32, #tpu.memory_space<vmem>> -> memref<1x40x64xf32, #tpu.memory_space<vmem>>
        %dma_wait3A_700 = tpu.memref_squeeze %dma_wait3A_699 : memref<1x40x64xf32, #tpu.memory_space<vmem>> -> memref<40x64xf32, #tpu.memory_space<vmem>>
        %dma_wait3A_701 = arith.constant 0 : i32
        %dma_wait3A_702 = arith.constant 0 : i32
        %dma_wait3A_703 = tpu.memref_slice %arg3[%dma_wait3A_701, %dma_wait3A_702] : memref<1000000x64xf32, #tpu.memory_space<hbm>> -> memref<40x64xf32, #tpu.memory_space<hbm>>
        %dma_wait3A_704 = arith.constant 160 : i32
        %dma_wait3A_705 = arith.constant 0 : i32
        %dma_wait3A_706 = tpu.memref_slice %arg13[%dma_wait3A_696, %dma_wait3A_704, %dma_wait3A_705] : memref<2x200x64xf32, #tpu.memory_space<vmem>> -> memref<1x40x64xf32, #tpu.memory_space<vmem>>
        %dma_wait3A_707 = tpu.memref_squeeze %dma_wait3A_706 : memref<1x40x64xf32, #tpu.memory_space<vmem>> -> memref<40x64xf32, #tpu.memory_space<vmem>>
        %dma_wait3A_708 = arith.constant 0 : i32
        %dma_wait3A_709 = arith.constant 0 : i32
        %dma_wait3A_710 = tpu.memref_slice %arg3[%dma_wait3A_708, %dma_wait3A_709] : memref<1000000x64xf32, #tpu.memory_space<hbm>> -> memref<40x64xf32, #tpu.memory_space<hbm>>
        tpu.wait_dma2 semaphore(%arg25 : memref<!tpu.dma_semaphore, #tpu.memory_space<semaphore_mem>>) src(%dma_wait3A_710 : memref<40x64xf32, #tpu.memory_space<hbm>>) dst(%dma_wait3A_707 : memref<40x64xf32, #tpu.memory_space<vmem>>)
        %mul3A_711 = arith.constant 2 : i32
        %mul3A_712 = arith.muli %mul3A_711, %sub3A_435 : i32
        %add3A_713 = arith.addi %mul3A_2, %mul3A_712 : i32
        %dma_start3A = arith.constant 0 : i32
        %dma_start3A_714 = arith.constant 0 : i32
        %dma_start3A_715 = tpu.memref_slice %arg5[%add3A_713, %dma_start3A, %dma_start3A_714] : memref<4096x200x64xf32, #tpu.memory_space<hbm>> -> memref<2x200x64xf32, #tpu.memory_space<hbm>>
        %dma_start3A_716 = arith.constant 0 : i32
        %dma_start3A_717 = arith.constant 0 : i32
        %dma_start3A_718 = tpu.memref_slice %arg5[%add3A_713, %dma_start3A_716, %dma_start3A_717] : memref<4096x200x64xf32, #tpu.memory_space<hbm>> -> memref<2x200x64xf32, #tpu.memory_space<hbm>>
        tpu.enqueue_dma source(%arg13 : memref<2x200x64xf32, #tpu.memory_space<vmem>>) target(%dma_start3A_718 : memref<2x200x64xf32, #tpu.memory_space<hbm>>) target_semaphore(%arg29 : memref<!tpu.dma_semaphore, #tpu.memory_space<semaphore_mem>>)
      } else {
      }
      %mul3A_444 = arith.constant 4 : i32
      %mul3A_445 = arith.muli %add3A_406, %mul3A_444 : i32
      %add3A_446 = arith.constant 1 : i32
      %add3A_447 = arith.addi %mul3A_445, %add3A_446 : i32
      %lt3A_448 = arith.constant 64 : i32
      %lt3A_449 = arith.cmpi slt, %add3A_447, %lt3A_448 : i32
      %convert_element_type3A_450 = arith.extui %lt3A_449 : i1 to i32
      %cond3A_451 = arith.constant 0 : i32
      %cond3A_452 = arith.cmpi ne, %convert_element_type3A_450, %cond3A_451 : i32
      scf.if %cond3A_452 {
        %mul3A_561 = arith.constant 2 : i32
        %mul3A_562 = arith.muli %mul3A_561, %add3A_447 : i32
        %add3A_563 = arith.addi %mul3A_2, %mul3A_562 : i32
        %dma_start3A = arith.constant 0 : i32
        %dma_start3A_564 = tpu.memref_slice %arg2[%add3A_563, %dma_start3A] : memref<4096x200xi32, #tpu.memory_space<hbm>> -> memref<2x200xi32, #tpu.memory_space<hbm>>
        %dma_start3A_565 = arith.constant 0 : i32
        %dma_start3A_566 = tpu.memref_slice %arg2[%add3A_563, %dma_start3A_565] : memref<4096x200xi32, #tpu.memory_space<hbm>> -> memref<2x200xi32, #tpu.memory_space<hbm>>
        tpu.enqueue_dma source(%dma_start3A_566 : memref<2x200xi32, #tpu.memory_space<hbm>>) target(%arg9 : memref<2x200xi32, #tpu.memory_space<vmem>>) target_semaphore(%arg17 : memref<!tpu.dma_semaphore, #tpu.memory_space<semaphore_mem>>)
      } else {
      }
      %sub3A_453 = arith.constant 1 : i32
      %sub3A_454 = arith.subi %add3A_447, %sub3A_453 : i32
      %ge3A_455 = arith.constant 0 : i32
      %ge3A_456 = arith.cmpi sge, %sub3A_454, %ge3A_455 : i32
      %lt3A_457 = arith.constant 64 : i32
      %lt3A_458 = arith.cmpi slt, %sub3A_454, %lt3A_457 : i32
      %and3A_459 = arith.andi %ge3A_456, %lt3A_458 : i1
      %convert_element_type3A_460 = arith.extui %and3A_459 : i1 to i32
      %cond3A_461 = arith.constant 0 : i32
      %cond3A_462 = arith.cmpi ne, %convert_element_type3A_460, %cond3A_461 : i32
      scf.if %cond3A_462 {
        %dma_wait3A_561 = arith.constant 0 : i32
        %dma_wait3A_562 = arith.constant 0 : i32
        %dma_wait3A_563 = tpu.memref_slice %arg2[%dma_wait3A_561, %dma_wait3A_562] : memref<4096x200xi32, #tpu.memory_space<hbm>> -> memref<2x200xi32, #tpu.memory_space<hbm>>
        %dma_wait3A_564 = arith.constant 0 : i32
        %dma_wait3A_565 = arith.constant 0 : i32
        %dma_wait3A_566 = tpu.memref_slice %arg2[%dma_wait3A_564, %dma_wait3A_565] : memref<4096x200xi32, #tpu.memory_space<hbm>> -> memref<2x200xi32, #tpu.memory_space<hbm>>
        tpu.wait_dma2 semaphore(%arg16 : memref<!tpu.dma_semaphore, #tpu.memory_space<semaphore_mem>>) src(%dma_wait3A_566 : memref<2x200xi32, #tpu.memory_space<hbm>>) dst(%arg8 : memref<2x200xi32, #tpu.memory_space<vmem>>)
        %ge3A_567 = arith.constant 4 : i32
        %ge3A_568 = arith.cmpi sge, %sub3A_454, %ge3A_567 : i32
        %convert_element_type3A_569 = arith.extui %ge3A_568 : i1 to i32
        %cond3A_570 = arith.constant 0 : i32
        %cond3A_571 = arith.cmpi ne, %convert_element_type3A_569, %cond3A_570 : i32
        scf.if %cond3A_571 {
          %dma_wait3A_691 = arith.constant 0 : i32
          %dma_wait3A_692 = arith.constant 0 : i32
          %dma_wait3A_693 = tpu.memref_slice %arg5[%mul3A_2, %dma_wait3A_691, %dma_wait3A_692] : memref<4096x200x64xf32, #tpu.memory_space<hbm>> -> memref<2x200x64xf32, #tpu.memory_space<hbm>>
          %dma_wait3A_694 = arith.constant 0 : i32
          %dma_wait3A_695 = arith.constant 0 : i32
          %dma_wait3A_696 = tpu.memref_slice %arg5[%mul3A_2, %dma_wait3A_694, %dma_wait3A_695] : memref<4096x200x64xf32, #tpu.memory_space<hbm>> -> memref<2x200x64xf32, #tpu.memory_space<hbm>>
          tpu.wait_dma2 semaphore(%arg28 : memref<!tpu.dma_semaphore, #tpu.memory_space<semaphore_mem>>) src(%arg12 : memref<2x200x64xf32, #tpu.memory_space<vmem>>) dst(%dma_wait3A_696 : memref<2x200x64xf32, #tpu.memory_space<hbm>>)
        } else {
        }
        %dma_start3A = arith.constant 0 : i32
        %dma_start3A_572 = arith.constant 0 : i32
        %dma_start3A_573 = arith.constant 0 : i32
        %dma_start3A_574 = arith.constant 0 : i32
        %dma_start3A_575 = tpu.memref_slice %arg12[%dma_start3A_572, %dma_start3A_573, %dma_start3A_574] : memref<2x200x64xf32, #tpu.memory_space<vmem>> -> memref<1x40x64xf32, #tpu.memory_space<vmem>>
        %dma_start3A_576 = tpu.memref_squeeze %dma_start3A_575 : memref<1x40x64xf32, #tpu.memory_space<vmem>> -> memref<40x64xf32, #tpu.memory_space<vmem>>
        %dma_start3A_577 = arith.constant 0 : i32
        %dma_start3A_578 = tpu.memref_slice %arg8[%dma_start3A, %dma_start3A_577] : memref<2x200xi32, #tpu.memory_space<vmem>> -> memref<1x40xi32, #tpu.memory_space<vmem>>
        %dma_start3A_579 = tpu.memref_squeeze %dma_start3A_578 : memref<1x40xi32, #tpu.memory_space<vmem>> -> memref<40xi32, #tpu.memory_space<vmem>>
        %dma_start3A_580 = arith.constant 0 : i32
        %dma_start3A_581 = arith.constant 0 : i32
        %dma_start3A_582 = tpu.memref_slice %arg3[%dma_start3A_580, %dma_start3A_581] : memref<1000000x64xf32, #tpu.memory_space<hbm>> -> memref<1000000x64xf32, #tpu.memory_space<hbm>>
        tpu.enqueue_indirect_dma source(%dma_start3A_582 : memref<1000000x64xf32, #tpu.memory_space<hbm>>) target(%dma_start3A_576 : memref<40x64xf32, #tpu.memory_space<vmem>>) offsets(%dma_start3A_579 : memref<40xi32, #tpu.memory_space<vmem>>) semaphore(%arg20 : memref<!tpu.dma_semaphore, #tpu.memory_space<semaphore_mem>>)
        %dma_start3A_583 = arith.constant 0 : i32
        %dma_start3A_584 = arith.constant 0 : i32
        %dma_start3A_585 = arith.constant 40 : i32
        %dma_start3A_586 = arith.constant 0 : i32
        %dma_start3A_587 = tpu.memref_slice %arg12[%dma_start3A_584, %dma_start3A_585, %dma_start3A_586] : memref<2x200x64xf32, #tpu.memory_space<vmem>> -> memref<1x40x64xf32, #tpu.memory_space<vmem>>
        %dma_start3A_588 = tpu.memref_squeeze %dma_start3A_587 : memref<1x40x64xf32, #tpu.memory_space<vmem>> -> memref<40x64xf32, #tpu.memory_space<vmem>>
        %dma_start3A_589 = arith.constant 40 : i32
        %dma_start3A_590 = tpu.memref_slice %arg8[%dma_start3A_583, %dma_start3A_589] : memref<2x200xi32, #tpu.memory_space<vmem>> -> memref<1x40xi32, #tpu.memory_space<vmem>>
        %dma_start3A_591 = tpu.memref_squeeze %dma_start3A_590 : memref<1x40xi32, #tpu.memory_space<vmem>> -> memref<40xi32, #tpu.memory_space<vmem>>
        %dma_start3A_592 = arith.constant 0 : i32
        %dma_start3A_593 = arith.constant 0 : i32
        %dma_start3A_594 = tpu.memref_slice %arg3[%dma_start3A_592, %dma_start3A_593] : memref<1000000x64xf32, #tpu.memory_space<hbm>> -> memref<1000000x64xf32, #tpu.memory_space<hbm>>
        tpu.enqueue_indirect_dma source(%dma_start3A_594 : memref<1000000x64xf32, #tpu.memory_space<hbm>>) target(%dma_start3A_588 : memref<40x64xf32, #tpu.memory_space<vmem>>) offsets(%dma_start3A_591 : memref<40xi32, #tpu.memory_space<vmem>>) semaphore(%arg20 : memref<!tpu.dma_semaphore, #tpu.memory_space<semaphore_mem>>)
        %dma_start3A_595 = arith.constant 0 : i32
        %dma_start3A_596 = arith.constant 0 : i32
        %dma_start3A_597 = arith.constant 80 : i32
        %dma_start3A_598 = arith.constant 0 : i32
        %dma_start3A_599 = tpu.memref_slice %arg12[%dma_start3A_596, %dma_start3A_597, %dma_start3A_598] : memref<2x200x64xf32, #tpu.memory_space<vmem>> -> memref<1x40x64xf32, #tpu.memory_space<vmem>>
        %dma_start3A_600 = tpu.memref_squeeze %dma_start3A_599 : memref<1x40x64xf32, #tpu.memory_space<vmem>> -> memref<40x64xf32, #tpu.memory_space<vmem>>
        %dma_start3A_601 = arith.constant 80 : i32
        %dma_start3A_602 = tpu.memref_slice %arg8[%dma_start3A_595, %dma_start3A_601] : memref<2x200xi32, #tpu.memory_space<vmem>> -> memref<1x40xi32, #tpu.memory_space<vmem>>
        %dma_start3A_603 = tpu.memref_squeeze %dma_start3A_602 : memref<1x40xi32, #tpu.memory_space<vmem>> -> memref<40xi32, #tpu.memory_space<vmem>>
        %dma_start3A_604 = arith.constant 0 : i32
        %dma_start3A_605 = arith.constant 0 : i32
        %dma_start3A_606 = tpu.memref_slice %arg3[%dma_start3A_604, %dma_start3A_605] : memref<1000000x64xf32, #tpu.memory_space<hbm>> -> memref<1000000x64xf32, #tpu.memory_space<hbm>>
        tpu.enqueue_indirect_dma source(%dma_start3A_606 : memref<1000000x64xf32, #tpu.memory_space<hbm>>) target(%dma_start3A_600 : memref<40x64xf32, #tpu.memory_space<vmem>>) offsets(%dma_start3A_603 : memref<40xi32, #tpu.memory_space<vmem>>) semaphore(%arg20 : memref<!tpu.dma_semaphore, #tpu.memory_space<semaphore_mem>>)
        %dma_start3A_607 = arith.constant 0 : i32
        %dma_start3A_608 = arith.constant 0 : i32
        %dma_start3A_609 = arith.constant 120 : i32
        %dma_start3A_610 = arith.constant 0 : i32
        %dma_start3A_611 = tpu.memref_slice %arg12[%dma_start3A_608, %dma_start3A_609, %dma_start3A_610] : memref<2x200x64xf32, #tpu.memory_space<vmem>> -> memref<1x40x64xf32, #tpu.memory_space<vmem>>
        %dma_start3A_612 = tpu.memref_squeeze %dma_start3A_611 : memref<1x40x64xf32, #tpu.memory_space<vmem>> -> memref<40x64xf32, #tpu.memory_space<vmem>>
        %dma_start3A_613 = arith.constant 120 : i32
        %dma_start3A_614 = tpu.memref_slice %arg8[%dma_start3A_607, %dma_start3A_613] : memref<2x200xi32, #tpu.memory_space<vmem>> -> memref<1x40xi32, #tpu.memory_space<vmem>>
        %dma_start3A_615 = tpu.memref_squeeze %dma_start3A_614 : memref<1x40xi32, #tpu.memory_space<vmem>> -> memref<40xi32, #tpu.memory_space<vmem>>
        %dma_start3A_616 = arith.constant 0 : i32
        %dma_start3A_617 = arith.constant 0 : i32
        %dma_start3A_618 = tpu.memref_slice %arg3[%dma_start3A_616, %dma_start3A_617] : memref<1000000x64xf32, #tpu.memory_space<hbm>> -> memref<1000000x64xf32, #tpu.memory_space<hbm>>
        tpu.enqueue_indirect_dma source(%dma_start3A_618 : memref<1000000x64xf32, #tpu.memory_space<hbm>>) target(%dma_start3A_612 : memref<40x64xf32, #tpu.memory_space<vmem>>) offsets(%dma_start3A_615 : memref<40xi32, #tpu.memory_space<vmem>>) semaphore(%arg20 : memref<!tpu.dma_semaphore, #tpu.memory_space<semaphore_mem>>)
        %dma_start3A_619 = arith.constant 0 : i32
        %dma_start3A_620 = arith.constant 0 : i32
        %dma_start3A_621 = arith.constant 160 : i32
        %dma_start3A_622 = arith.constant 0 : i32
        %dma_start3A_623 = tpu.memref_slice %arg12[%dma_start3A_620, %dma_start3A_621, %dma_start3A_622] : memref<2x200x64xf32, #tpu.memory_space<vmem>> -> memref<1x40x64xf32, #tpu.memory_space<vmem>>
        %dma_start3A_624 = tpu.memref_squeeze %dma_start3A_623 : memref<1x40x64xf32, #tpu.memory_space<vmem>> -> memref<40x64xf32, #tpu.memory_space<vmem>>
        %dma_start3A_625 = arith.constant 160 : i32
        %dma_start3A_626 = tpu.memref_slice %arg8[%dma_start3A_619, %dma_start3A_625] : memref<2x200xi32, #tpu.memory_space<vmem>> -> memref<1x40xi32, #tpu.memory_space<vmem>>
        %dma_start3A_627 = tpu.memref_squeeze %dma_start3A_626 : memref<1x40xi32, #tpu.memory_space<vmem>> -> memref<40xi32, #tpu.memory_space<vmem>>
        %dma_start3A_628 = arith.constant 0 : i32
        %dma_start3A_629 = arith.constant 0 : i32
        %dma_start3A_630 = tpu.memref_slice %arg3[%dma_start3A_628, %dma_start3A_629] : memref<1000000x64xf32, #tpu.memory_space<hbm>> -> memref<1000000x64xf32, #tpu.memory_space<hbm>>
        tpu.enqueue_indirect_dma source(%dma_start3A_630 : memref<1000000x64xf32, #tpu.memory_space<hbm>>) target(%dma_start3A_624 : memref<40x64xf32, #tpu.memory_space<vmem>>) offsets(%dma_start3A_627 : memref<40xi32, #tpu.memory_space<vmem>>) semaphore(%arg20 : memref<!tpu.dma_semaphore, #tpu.memory_space<semaphore_mem>>)
        %dma_start3A_631 = arith.constant 1 : i32
        %dma_start3A_632 = arith.constant 1 : i32
        %dma_start3A_633 = arith.constant 0 : i32
        %dma_start3A_634 = arith.constant 0 : i32
        %dma_start3A_635 = tpu.memref_slice %arg12[%dma_start3A_632, %dma_start3A_633, %dma_start3A_634] : memref<2x200x64xf32, #tpu.memory_space<vmem>> -> memref<1x40x64xf32, #tpu.memory_space<vmem>>
        %dma_start3A_636 = tpu.memref_squeeze %dma_start3A_635 : memref<1x40x64xf32, #tpu.memory_space<vmem>> -> memref<40x64xf32, #tpu.memory_space<vmem>>
        %dma_start3A_637 = arith.constant 0 : i32
        %dma_start3A_638 = tpu.memref_slice %arg8[%dma_start3A_631, %dma_start3A_637] : memref<2x200xi32, #tpu.memory_space<vmem>> -> memref<1x40xi32, #tpu.memory_space<vmem>>
        %dma_start3A_639 = tpu.memref_squeeze %dma_start3A_638 : memref<1x40xi32, #tpu.memory_space<vmem>> -> memref<40xi32, #tpu.memory_space<vmem>>
        %dma_start3A_640 = arith.constant 0 : i32
        %dma_start3A_641 = arith.constant 0 : i32
        %dma_start3A_642 = tpu.memref_slice %arg3[%dma_start3A_640, %dma_start3A_641] : memref<1000000x64xf32, #tpu.memory_space<hbm>> -> memref<1000000x64xf32, #tpu.memory_space<hbm>>
        tpu.enqueue_indirect_dma source(%dma_start3A_642 : memref<1000000x64xf32, #tpu.memory_space<hbm>>) target(%dma_start3A_636 : memref<40x64xf32, #tpu.memory_space<vmem>>) offsets(%dma_start3A_639 : memref<40xi32, #tpu.memory_space<vmem>>) semaphore(%arg20 : memref<!tpu.dma_semaphore, #tpu.memory_space<semaphore_mem>>)
        %dma_start3A_643 = arith.constant 1 : i32
        %dma_start3A_644 = arith.constant 1 : i32
        %dma_start3A_645 = arith.constant 40 : i32
        %dma_start3A_646 = arith.constant 0 : i32
        %dma_start3A_647 = tpu.memref_slice %arg12[%dma_start3A_644, %dma_start3A_645, %dma_start3A_646] : memref<2x200x64xf32, #tpu.memory_space<vmem>> -> memref<1x40x64xf32, #tpu.memory_space<vmem>>
        %dma_start3A_648 = tpu.memref_squeeze %dma_start3A_647 : memref<1x40x64xf32, #tpu.memory_space<vmem>> -> memref<40x64xf32, #tpu.memory_space<vmem>>
        %dma_start3A_649 = arith.constant 40 : i32
        %dma_start3A_650 = tpu.memref_slice %arg8[%dma_start3A_643, %dma_start3A_649] : memref<2x200xi32, #tpu.memory_space<vmem>> -> memref<1x40xi32, #tpu.memory_space<vmem>>
        %dma_start3A_651 = tpu.memref_squeeze %dma_start3A_650 : memref<1x40xi32, #tpu.memory_space<vmem>> -> memref<40xi32, #tpu.memory_space<vmem>>
        %dma_start3A_652 = arith.constant 0 : i32
        %dma_start3A_653 = arith.constant 0 : i32
        %dma_start3A_654 = tpu.memref_slice %arg3[%dma_start3A_652, %dma_start3A_653] : memref<1000000x64xf32, #tpu.memory_space<hbm>> -> memref<1000000x64xf32, #tpu.memory_space<hbm>>
        tpu.enqueue_indirect_dma source(%dma_start3A_654 : memref<1000000x64xf32, #tpu.memory_space<hbm>>) target(%dma_start3A_648 : memref<40x64xf32, #tpu.memory_space<vmem>>) offsets(%dma_start3A_651 : memref<40xi32, #tpu.memory_space<vmem>>) semaphore(%arg20 : memref<!tpu.dma_semaphore, #tpu.memory_space<semaphore_mem>>)
        %dma_start3A_655 = arith.constant 1 : i32
        %dma_start3A_656 = arith.constant 1 : i32
        %dma_start3A_657 = arith.constant 80 : i32
        %dma_start3A_658 = arith.constant 0 : i32
        %dma_start3A_659 = tpu.memref_slice %arg12[%dma_start3A_656, %dma_start3A_657, %dma_start3A_658] : memref<2x200x64xf32, #tpu.memory_space<vmem>> -> memref<1x40x64xf32, #tpu.memory_space<vmem>>
        %dma_start3A_660 = tpu.memref_squeeze %dma_start3A_659 : memref<1x40x64xf32, #tpu.memory_space<vmem>> -> memref<40x64xf32, #tpu.memory_space<vmem>>
        %dma_start3A_661 = arith.constant 80 : i32
        %dma_start3A_662 = tpu.memref_slice %arg8[%dma_start3A_655, %dma_start3A_661] : memref<2x200xi32, #tpu.memory_space<vmem>> -> memref<1x40xi32, #tpu.memory_space<vmem>>
        %dma_start3A_663 = tpu.memref_squeeze %dma_start3A_662 : memref<1x40xi32, #tpu.memory_space<vmem>> -> memref<40xi32, #tpu.memory_space<vmem>>
        %dma_start3A_664 = arith.constant 0 : i32
        %dma_start3A_665 = arith.constant 0 : i32
        %dma_start3A_666 = tpu.memref_slice %arg3[%dma_start3A_664, %dma_start3A_665] : memref<1000000x64xf32, #tpu.memory_space<hbm>> -> memref<1000000x64xf32, #tpu.memory_space<hbm>>
        tpu.enqueue_indirect_dma source(%dma_start3A_666 : memref<1000000x64xf32, #tpu.memory_space<hbm>>) target(%dma_start3A_660 : memref<40x64xf32, #tpu.memory_space<vmem>>) offsets(%dma_start3A_663 : memref<40xi32, #tpu.memory_space<vmem>>) semaphore(%arg20 : memref<!tpu.dma_semaphore, #tpu.memory_space<semaphore_mem>>)
        %dma_start3A_667 = arith.constant 1 : i32
        %dma_start3A_668 = arith.constant 1 : i32
        %dma_start3A_669 = arith.constant 120 : i32
        %dma_start3A_670 = arith.constant 0 : i32
        %dma_start3A_671 = tpu.memref_slice %arg12[%dma_start3A_668, %dma_start3A_669, %dma_start3A_670] : memref<2x200x64xf32, #tpu.memory_space<vmem>> -> memref<1x40x64xf32, #tpu.memory_space<vmem>>
        %dma_start3A_672 = tpu.memref_squeeze %dma_start3A_671 : memref<1x40x64xf32, #tpu.memory_space<vmem>> -> memref<40x64xf32, #tpu.memory_space<vmem>>
        %dma_start3A_673 = arith.constant 120 : i32
        %dma_start3A_674 = tpu.memref_slice %arg8[%dma_start3A_667, %dma_start3A_673] : memref<2x200xi32, #tpu.memory_space<vmem>> -> memref<1x40xi32, #tpu.memory_space<vmem>>
        %dma_start3A_675 = tpu.memref_squeeze %dma_start3A_674 : memref<1x40xi32, #tpu.memory_space<vmem>> -> memref<40xi32, #tpu.memory_space<vmem>>
        %dma_start3A_676 = arith.constant 0 : i32
        %dma_start3A_677 = arith.constant 0 : i32
        %dma_start3A_678 = tpu.memref_slice %arg3[%dma_start3A_676, %dma_start3A_677] : memref<1000000x64xf32, #tpu.memory_space<hbm>> -> memref<1000000x64xf32, #tpu.memory_space<hbm>>
        tpu.enqueue_indirect_dma source(%dma_start3A_678 : memref<1000000x64xf32, #tpu.memory_space<hbm>>) target(%dma_start3A_672 : memref<40x64xf32, #tpu.memory_space<vmem>>) offsets(%dma_start3A_675 : memref<40xi32, #tpu.memory_space<vmem>>) semaphore(%arg20 : memref<!tpu.dma_semaphore, #tpu.memory_space<semaphore_mem>>)
        %dma_start3A_679 = arith.constant 1 : i32
        %dma_start3A_680 = arith.constant 1 : i32
        %dma_start3A_681 = arith.constant 160 : i32
        %dma_start3A_682 = arith.constant 0 : i32
        %dma_start3A_683 = tpu.memref_slice %arg12[%dma_start3A_680, %dma_start3A_681, %dma_start3A_682] : memref<2x200x64xf32, #tpu.memory_space<vmem>> -> memref<1x40x64xf32, #tpu.memory_space<vmem>>
        %dma_start3A_684 = tpu.memref_squeeze %dma_start3A_683 : memref<1x40x64xf32, #tpu.memory_space<vmem>> -> memref<40x64xf32, #tpu.memory_space<vmem>>
        %dma_start3A_685 = arith.constant 160 : i32
        %dma_start3A_686 = tpu.memref_slice %arg8[%dma_start3A_679, %dma_start3A_685] : memref<2x200xi32, #tpu.memory_space<vmem>> -> memref<1x40xi32, #tpu.memory_space<vmem>>
        %dma_start3A_687 = tpu.memref_squeeze %dma_start3A_686 : memref<1x40xi32, #tpu.memory_space<vmem>> -> memref<40xi32, #tpu.memory_space<vmem>>
        %dma_start3A_688 = arith.constant 0 : i32
        %dma_start3A_689 = arith.constant 0 : i32
        %dma_start3A_690 = tpu.memref_slice %arg3[%dma_start3A_688, %dma_start3A_689] : memref<1000000x64xf32, #tpu.memory_space<hbm>> -> memref<1000000x64xf32, #tpu.memory_space<hbm>>
        tpu.enqueue_indirect_dma source(%dma_start3A_690 : memref<1000000x64xf32, #tpu.memory_space<hbm>>) target(%dma_start3A_684 : memref<40x64xf32, #tpu.memory_space<vmem>>) offsets(%dma_start3A_687 : memref<40xi32, #tpu.memory_space<vmem>>) semaphore(%arg20 : memref<!tpu.dma_semaphore, #tpu.memory_space<semaphore_mem>>)
      } else {
      }
      %sub3A_463 = arith.constant 2 : i32
      %sub3A_464 = arith.subi %add3A_447, %sub3A_463 : i32
      %ge3A_465 = arith.constant 0 : i32
      %ge3A_466 = arith.cmpi sge, %sub3A_464, %ge3A_465 : i32
      %lt3A_467 = arith.constant 64 : i32
      %lt3A_468 = arith.cmpi slt, %sub3A_464, %lt3A_467 : i32
      %and3A_469 = arith.andi %ge3A_466, %lt3A_468 : i1
      %convert_element_type3A_470 = arith.extui %and3A_469 : i1 to i32
      %cond3A_471 = arith.constant 0 : i32
      %cond3A_472 = arith.cmpi ne, %convert_element_type3A_470, %cond3A_471 : i32
      scf.if %cond3A_472 {
        %dma_wait3A_561 = arith.constant 0 : i32
        %dma_wait3A_562 = arith.constant 0 : i32
        %dma_wait3A_563 = arith.constant 0 : i32
        %dma_wait3A_564 = tpu.memref_slice %arg15[%dma_wait3A_561, %dma_wait3A_562, %dma_wait3A_563] : memref<2x200x64xf32, #tpu.memory_space<vmem>> -> memref<1x40x64xf32, #tpu.memory_space<vmem>>
        %dma_wait3A_565 = tpu.memref_squeeze %dma_wait3A_564 : memref<1x40x64xf32, #tpu.memory_space<vmem>> -> memref<40x64xf32, #tpu.memory_space<vmem>>
        %dma_wait3A_566 = arith.constant 0 : i32
        %dma_wait3A_567 = arith.constant 0 : i32
        %dma_wait3A_568 = tpu.memref_slice %arg3[%dma_wait3A_566, %dma_wait3A_567] : memref<1000000x64xf32, #tpu.memory_space<hbm>> -> memref<40x64xf32, #tpu.memory_space<hbm>>
        %dma_wait3A_569 = arith.constant 0 : i32
        %dma_wait3A_570 = arith.constant 0 : i32
        %dma_wait3A_571 = tpu.memref_slice %arg15[%dma_wait3A_561, %dma_wait3A_569, %dma_wait3A_570] : memref<2x200x64xf32, #tpu.memory_space<vmem>> -> memref<1x40x64xf32, #tpu.memory_space<vmem>>
        %dma_wait3A_572 = tpu.memref_squeeze %dma_wait3A_571 : memref<1x40x64xf32, #tpu.memory_space<vmem>> -> memref<40x64xf32, #tpu.memory_space<vmem>>
        %dma_wait3A_573 = arith.constant 0 : i32
        %dma_wait3A_574 = arith.constant 0 : i32
        %dma_wait3A_575 = tpu.memref_slice %arg3[%dma_wait3A_573, %dma_wait3A_574] : memref<1000000x64xf32, #tpu.memory_space<hbm>> -> memref<40x64xf32, #tpu.memory_space<hbm>>
        tpu.wait_dma2 semaphore(%arg23 : memref<!tpu.dma_semaphore, #tpu.memory_space<semaphore_mem>>) src(%dma_wait3A_575 : memref<40x64xf32, #tpu.memory_space<hbm>>) dst(%dma_wait3A_572 : memref<40x64xf32, #tpu.memory_space<vmem>>)
        %dma_wait3A_576 = arith.constant 0 : i32
        %dma_wait3A_577 = arith.constant 40 : i32
        %dma_wait3A_578 = arith.constant 0 : i32
        %dma_wait3A_579 = tpu.memref_slice %arg15[%dma_wait3A_576, %dma_wait3A_577, %dma_wait3A_578] : memref<2x200x64xf32, #tpu.memory_space<vmem>> -> memref<1x40x64xf32, #tpu.memory_space<vmem>>
        %dma_wait3A_580 = tpu.memref_squeeze %dma_wait3A_579 : memref<1x40x64xf32, #tpu.memory_space<vmem>> -> memref<40x64xf32, #tpu.memory_space<vmem>>
        %dma_wait3A_581 = arith.constant 0 : i32
        %dma_wait3A_582 = arith.constant 0 : i32
        %dma_wait3A_583 = tpu.memref_slice %arg3[%dma_wait3A_581, %dma_wait3A_582] : memref<1000000x64xf32, #tpu.memory_space<hbm>> -> memref<40x64xf32, #tpu.memory_space<hbm>>
        %dma_wait3A_584 = arith.constant 40 : i32
        %dma_wait3A_585 = arith.constant 0 : i32
        %dma_wait3A_586 = tpu.memref_slice %arg15[%dma_wait3A_576, %dma_wait3A_584, %dma_wait3A_585] : memref<2x200x64xf32, #tpu.memory_space<vmem>> -> memref<1x40x64xf32, #tpu.memory_space<vmem>>
        %dma_wait3A_587 = tpu.memref_squeeze %dma_wait3A_586 : memref<1x40x64xf32, #tpu.memory_space<vmem>> -> memref<40x64xf32, #tpu.memory_space<vmem>>
        %dma_wait3A_588 = arith.constant 0 : i32
        %dma_wait3A_589 = arith.constant 0 : i32
        %dma_wait3A_590 = tpu.memref_slice %arg3[%dma_wait3A_588, %dma_wait3A_589] : memref<1000000x64xf32, #tpu.memory_space<hbm>> -> memref<40x64xf32, #tpu.memory_space<hbm>>
        tpu.wait_dma2 semaphore(%arg23 : memref<!tpu.dma_semaphore, #tpu.memory_space<semaphore_mem>>) src(%dma_wait3A_590 : memref<40x64xf32, #tpu.memory_space<hbm>>) dst(%dma_wait3A_587 : memref<40x64xf32, #tpu.memory_space<vmem>>)
        %dma_wait3A_591 = arith.constant 0 : i32
        %dma_wait3A_592 = arith.constant 80 : i32
        %dma_wait3A_593 = arith.constant 0 : i32
        %dma_wait3A_594 = tpu.memref_slice %arg15[%dma_wait3A_591, %dma_wait3A_592, %dma_wait3A_593] : memref<2x200x64xf32, #tpu.memory_space<vmem>> -> memref<1x40x64xf32, #tpu.memory_space<vmem>>
        %dma_wait3A_595 = tpu.memref_squeeze %dma_wait3A_594 : memref<1x40x64xf32, #tpu.memory_space<vmem>> -> memref<40x64xf32, #tpu.memory_space<vmem>>
        %dma_wait3A_596 = arith.constant 0 : i32
        %dma_wait3A_597 = arith.constant 0 : i32
        %dma_wait3A_598 = tpu.memref_slice %arg3[%dma_wait3A_596, %dma_wait3A_597] : memref<1000000x64xf32, #tpu.memory_space<hbm>> -> memref<40x64xf32, #tpu.memory_space<hbm>>
        %dma_wait3A_599 = arith.constant 80 : i32
        %dma_wait3A_600 = arith.constant 0 : i32
        %dma_wait3A_601 = tpu.memref_slice %arg15[%dma_wait3A_591, %dma_wait3A_599, %dma_wait3A_600] : memref<2x200x64xf32, #tpu.memory_space<vmem>> -> memref<1x40x64xf32, #tpu.memory_space<vmem>>
        %dma_wait3A_602 = tpu.memref_squeeze %dma_wait3A_601 : memref<1x40x64xf32, #tpu.memory_space<vmem>> -> memref<40x64xf32, #tpu.memory_space<vmem>>
        %dma_wait3A_603 = arith.constant 0 : i32
        %dma_wait3A_604 = arith.constant 0 : i32
        %dma_wait3A_605 = tpu.memref_slice %arg3[%dma_wait3A_603, %dma_wait3A_604] : memref<1000000x64xf32, #tpu.memory_space<hbm>> -> memref<40x64xf32, #tpu.memory_space<hbm>>
        tpu.wait_dma2 semaphore(%arg23 : memref<!tpu.dma_semaphore, #tpu.memory_space<semaphore_mem>>) src(%dma_wait3A_605 : memref<40x64xf32, #tpu.memory_space<hbm>>) dst(%dma_wait3A_602 : memref<40x64xf32, #tpu.memory_space<vmem>>)
        %dma_wait3A_606 = arith.constant 0 : i32
        %dma_wait3A_607 = arith.constant 120 : i32
        %dma_wait3A_608 = arith.constant 0 : i32
        %dma_wait3A_609 = tpu.memref_slice %arg15[%dma_wait3A_606, %dma_wait3A_607, %dma_wait3A_608] : memref<2x200x64xf32, #tpu.memory_space<vmem>> -> memref<1x40x64xf32, #tpu.memory_space<vmem>>
        %dma_wait3A_610 = tpu.memref_squeeze %dma_wait3A_609 : memref<1x40x64xf32, #tpu.memory_space<vmem>> -> memref<40x64xf32, #tpu.memory_space<vmem>>
        %dma_wait3A_611 = arith.constant 0 : i32
        %dma_wait3A_612 = arith.constant 0 : i32
        %dma_wait3A_613 = tpu.memref_slice %arg3[%dma_wait3A_611, %dma_wait3A_612] : memref<1000000x64xf32, #tpu.memory_space<hbm>> -> memref<40x64xf32, #tpu.memory_space<hbm>>
        %dma_wait3A_614 = arith.constant 120 : i32
        %dma_wait3A_615 = arith.constant 0 : i32
        %dma_wait3A_616 = tpu.memref_slice %arg15[%dma_wait3A_606, %dma_wait3A_614, %dma_wait3A_615] : memref<2x200x64xf32, #tpu.memory_space<vmem>> -> memref<1x40x64xf32, #tpu.memory_space<vmem>>
        %dma_wait3A_617 = tpu.memref_squeeze %dma_wait3A_616 : memref<1x40x64xf32, #tpu.memory_space<vmem>> -> memref<40x64xf32, #tpu.memory_space<vmem>>
        %dma_wait3A_618 = arith.constant 0 : i32
        %dma_wait3A_619 = arith.constant 0 : i32
        %dma_wait3A_620 = tpu.memref_slice %arg3[%dma_wait3A_618, %dma_wait3A_619] : memref<1000000x64xf32, #tpu.memory_space<hbm>> -> memref<40x64xf32, #tpu.memory_space<hbm>>
        tpu.wait_dma2 semaphore(%arg23 : memref<!tpu.dma_semaphore, #tpu.memory_space<semaphore_mem>>) src(%dma_wait3A_620 : memref<40x64xf32, #tpu.memory_space<hbm>>) dst(%dma_wait3A_617 : memref<40x64xf32, #tpu.memory_space<vmem>>)
        %dma_wait3A_621 = arith.constant 0 : i32
        %dma_wait3A_622 = arith.constant 160 : i32
        %dma_wait3A_623 = arith.constant 0 : i32
        %dma_wait3A_624 = tpu.memref_slice %arg15[%dma_wait3A_621, %dma_wait3A_622, %dma_wait3A_623] : memref<2x200x64xf32, #tpu.memory_space<vmem>> -> memref<1x40x64xf32, #tpu.memory_space<vmem>>
        %dma_wait3A_625 = tpu.memref_squeeze %dma_wait3A_624 : memref<1x40x64xf32, #tpu.memory_space<vmem>> -> memref<40x64xf32, #tpu.memory_space<vmem>>
        %dma_wait3A_626 = arith.constant 0 : i32
        %dma_wait3A_627 = arith.constant 0 : i32
        %dma_wait3A_628 = tpu.memref_slice %arg3[%dma_wait3A_626, %dma_wait3A_627] : memref<1000000x64xf32, #tpu.memory_space<hbm>> -> memref<40x64xf32, #tpu.memory_space<hbm>>
        %dma_wait3A_629 = arith.constant 160 : i32
        %dma_wait3A_630 = arith.constant 0 : i32
        %dma_wait3A_631 = tpu.memref_slice %arg15[%dma_wait3A_621, %dma_wait3A_629, %dma_wait3A_630] : memref<2x200x64xf32, #tpu.memory_space<vmem>> -> memref<1x40x64xf32, #tpu.memory_space<vmem>>
        %dma_wait3A_632 = tpu.memref_squeeze %dma_wait3A_631 : memref<1x40x64xf32, #tpu.memory_space<vmem>> -> memref<40x64xf32, #tpu.memory_space<vmem>>
        %dma_wait3A_633 = arith.constant 0 : i32
        %dma_wait3A_634 = arith.constant 0 : i32
        %dma_wait3A_635 = tpu.memref_slice %arg3[%dma_wait3A_633, %dma_wait3A_634] : memref<1000000x64xf32, #tpu.memory_space<hbm>> -> memref<40x64xf32, #tpu.memory_space<hbm>>
        tpu.wait_dma2 semaphore(%arg23 : memref<!tpu.dma_semaphore, #tpu.memory_space<semaphore_mem>>) src(%dma_wait3A_635 : memref<40x64xf32, #tpu.memory_space<hbm>>) dst(%dma_wait3A_632 : memref<40x64xf32, #tpu.memory_space<vmem>>)
        %dma_wait3A_636 = arith.constant 1 : i32
        %dma_wait3A_637 = arith.constant 0 : i32
        %dma_wait3A_638 = arith.constant 0 : i32
        %dma_wait3A_639 = tpu.memref_slice %arg15[%dma_wait3A_636, %dma_wait3A_637, %dma_wait3A_638] : memref<2x200x64xf32, #tpu.memory_space<vmem>> -> memref<1x40x64xf32, #tpu.memory_space<vmem>>
        %dma_wait3A_640 = tpu.memref_squeeze %dma_wait3A_639 : memref<1x40x64xf32, #tpu.memory_space<vmem>> -> memref<40x64xf32, #tpu.memory_space<vmem>>
        %dma_wait3A_641 = arith.constant 0 : i32
        %dma_wait3A_642 = arith.constant 0 : i32
        %dma_wait3A_643 = tpu.memref_slice %arg3[%dma_wait3A_641, %dma_wait3A_642] : memref<1000000x64xf32, #tpu.memory_space<hbm>> -> memref<40x64xf32, #tpu.memory_space<hbm>>
        %dma_wait3A_644 = arith.constant 0 : i32
        %dma_wait3A_645 = arith.constant 0 : i32
        %dma_wait3A_646 = tpu.memref_slice %arg15[%dma_wait3A_636, %dma_wait3A_644, %dma_wait3A_645] : memref<2x200x64xf32, #tpu.memory_space<vmem>> -> memref<1x40x64xf32, #tpu.memory_space<vmem>>
        %dma_wait3A_647 = tpu.memref_squeeze %dma_wait3A_646 : memref<1x40x64xf32, #tpu.memory_space<vmem>> -> memref<40x64xf32, #tpu.memory_space<vmem>>
        %dma_wait3A_648 = arith.constant 0 : i32
        %dma_wait3A_649 = arith.constant 0 : i32
        %dma_wait3A_650 = tpu.memref_slice %arg3[%dma_wait3A_648, %dma_wait3A_649] : memref<1000000x64xf32, #tpu.memory_space<hbm>> -> memref<40x64xf32, #tpu.memory_space<hbm>>
        tpu.wait_dma2 semaphore(%arg23 : memref<!tpu.dma_semaphore, #tpu.memory_space<semaphore_mem>>) src(%dma_wait3A_650 : memref<40x64xf32, #tpu.memory_space<hbm>>) dst(%dma_wait3A_647 : memref<40x64xf32, #tpu.memory_space<vmem>>)
        %dma_wait3A_651 = arith.constant 1 : i32
        %dma_wait3A_652 = arith.constant 40 : i32
        %dma_wait3A_653 = arith.constant 0 : i32
        %dma_wait3A_654 = tpu.memref_slice %arg15[%dma_wait3A_651, %dma_wait3A_652, %dma_wait3A_653] : memref<2x200x64xf32, #tpu.memory_space<vmem>> -> memref<1x40x64xf32, #tpu.memory_space<vmem>>
        %dma_wait3A_655 = tpu.memref_squeeze %dma_wait3A_654 : memref<1x40x64xf32, #tpu.memory_space<vmem>> -> memref<40x64xf32, #tpu.memory_space<vmem>>
        %dma_wait3A_656 = arith.constant 0 : i32
        %dma_wait3A_657 = arith.constant 0 : i32
        %dma_wait3A_658 = tpu.memref_slice %arg3[%dma_wait3A_656, %dma_wait3A_657] : memref<1000000x64xf32, #tpu.memory_space<hbm>> -> memref<40x64xf32, #tpu.memory_space<hbm>>
        %dma_wait3A_659 = arith.constant 40 : i32
        %dma_wait3A_660 = arith.constant 0 : i32
        %dma_wait3A_661 = tpu.memref_slice %arg15[%dma_wait3A_651, %dma_wait3A_659, %dma_wait3A_660] : memref<2x200x64xf32, #tpu.memory_space<vmem>> -> memref<1x40x64xf32, #tpu.memory_space<vmem>>
        %dma_wait3A_662 = tpu.memref_squeeze %dma_wait3A_661 : memref<1x40x64xf32, #tpu.memory_space<vmem>> -> memref<40x64xf32, #tpu.memory_space<vmem>>
        %dma_wait3A_663 = arith.constant 0 : i32
        %dma_wait3A_664 = arith.constant 0 : i32
        %dma_wait3A_665 = tpu.memref_slice %arg3[%dma_wait3A_663, %dma_wait3A_664] : memref<1000000x64xf32, #tpu.memory_space<hbm>> -> memref<40x64xf32, #tpu.memory_space<hbm>>
        tpu.wait_dma2 semaphore(%arg23 : memref<!tpu.dma_semaphore, #tpu.memory_space<semaphore_mem>>) src(%dma_wait3A_665 : memref<40x64xf32, #tpu.memory_space<hbm>>) dst(%dma_wait3A_662 : memref<40x64xf32, #tpu.memory_space<vmem>>)
        %dma_wait3A_666 = arith.constant 1 : i32
        %dma_wait3A_667 = arith.constant 80 : i32
        %dma_wait3A_668 = arith.constant 0 : i32
        %dma_wait3A_669 = tpu.memref_slice %arg15[%dma_wait3A_666, %dma_wait3A_667, %dma_wait3A_668] : memref<2x200x64xf32, #tpu.memory_space<vmem>> -> memref<1x40x64xf32, #tpu.memory_space<vmem>>
        %dma_wait3A_670 = tpu.memref_squeeze %dma_wait3A_669 : memref<1x40x64xf32, #tpu.memory_space<vmem>> -> memref<40x64xf32, #tpu.memory_space<vmem>>
        %dma_wait3A_671 = arith.constant 0 : i32
        %dma_wait3A_672 = arith.constant 0 : i32
        %dma_wait3A_673 = tpu.memref_slice %arg3[%dma_wait3A_671, %dma_wait3A_672] : memref<1000000x64xf32, #tpu.memory_space<hbm>> -> memref<40x64xf32, #tpu.memory_space<hbm>>
        %dma_wait3A_674 = arith.constant 80 : i32
        %dma_wait3A_675 = arith.constant 0 : i32
        %dma_wait3A_676 = tpu.memref_slice %arg15[%dma_wait3A_666, %dma_wait3A_674, %dma_wait3A_675] : memref<2x200x64xf32, #tpu.memory_space<vmem>> -> memref<1x40x64xf32, #tpu.memory_space<vmem>>
        %dma_wait3A_677 = tpu.memref_squeeze %dma_wait3A_676 : memref<1x40x64xf32, #tpu.memory_space<vmem>> -> memref<40x64xf32, #tpu.memory_space<vmem>>
        %dma_wait3A_678 = arith.constant 0 : i32
        %dma_wait3A_679 = arith.constant 0 : i32
        %dma_wait3A_680 = tpu.memref_slice %arg3[%dma_wait3A_678, %dma_wait3A_679] : memref<1000000x64xf32, #tpu.memory_space<hbm>> -> memref<40x64xf32, #tpu.memory_space<hbm>>
        tpu.wait_dma2 semaphore(%arg23 : memref<!tpu.dma_semaphore, #tpu.memory_space<semaphore_mem>>) src(%dma_wait3A_680 : memref<40x64xf32, #tpu.memory_space<hbm>>) dst(%dma_wait3A_677 : memref<40x64xf32, #tpu.memory_space<vmem>>)
        %dma_wait3A_681 = arith.constant 1 : i32
        %dma_wait3A_682 = arith.constant 120 : i32
        %dma_wait3A_683 = arith.constant 0 : i32
        %dma_wait3A_684 = tpu.memref_slice %arg15[%dma_wait3A_681, %dma_wait3A_682, %dma_wait3A_683] : memref<2x200x64xf32, #tpu.memory_space<vmem>> -> memref<1x40x64xf32, #tpu.memory_space<vmem>>
        %dma_wait3A_685 = tpu.memref_squeeze %dma_wait3A_684 : memref<1x40x64xf32, #tpu.memory_space<vmem>> -> memref<40x64xf32, #tpu.memory_space<vmem>>
        %dma_wait3A_686 = arith.constant 0 : i32
        %dma_wait3A_687 = arith.constant 0 : i32
        %dma_wait3A_688 = tpu.memref_slice %arg3[%dma_wait3A_686, %dma_wait3A_687] : memref<1000000x64xf32, #tpu.memory_space<hbm>> -> memref<40x64xf32, #tpu.memory_space<hbm>>
        %dma_wait3A_689 = arith.constant 120 : i32
        %dma_wait3A_690 = arith.constant 0 : i32
        %dma_wait3A_691 = tpu.memref_slice %arg15[%dma_wait3A_681, %dma_wait3A_689, %dma_wait3A_690] : memref<2x200x64xf32, #tpu.memory_space<vmem>> -> memref<1x40x64xf32, #tpu.memory_space<vmem>>
        %dma_wait3A_692 = tpu.memref_squeeze %dma_wait3A_691 : memref<1x40x64xf32, #tpu.memory_space<vmem>> -> memref<40x64xf32, #tpu.memory_space<vmem>>
        %dma_wait3A_693 = arith.constant 0 : i32
        %dma_wait3A_694 = arith.constant 0 : i32
        %dma_wait3A_695 = tpu.memref_slice %arg3[%dma_wait3A_693, %dma_wait3A_694] : memref<1000000x64xf32, #tpu.memory_space<hbm>> -> memref<40x64xf32, #tpu.memory_space<hbm>>
        tpu.wait_dma2 semaphore(%arg23 : memref<!tpu.dma_semaphore, #tpu.memory_space<semaphore_mem>>) src(%dma_wait3A_695 : memref<40x64xf32, #tpu.memory_space<hbm>>) dst(%dma_wait3A_692 : memref<40x64xf32, #tpu.memory_space<vmem>>)
        %dma_wait3A_696 = arith.constant 1 : i32
        %dma_wait3A_697 = arith.constant 160 : i32
        %dma_wait3A_698 = arith.constant 0 : i32
        %dma_wait3A_699 = tpu.memref_slice %arg15[%dma_wait3A_696, %dma_wait3A_697, %dma_wait3A_698] : memref<2x200x64xf32, #tpu.memory_space<vmem>> -> memref<1x40x64xf32, #tpu.memory_space<vmem>>
        %dma_wait3A_700 = tpu.memref_squeeze %dma_wait3A_699 : memref<1x40x64xf32, #tpu.memory_space<vmem>> -> memref<40x64xf32, #tpu.memory_space<vmem>>
        %dma_wait3A_701 = arith.constant 0 : i32
        %dma_wait3A_702 = arith.constant 0 : i32
        %dma_wait3A_703 = tpu.memref_slice %arg3[%dma_wait3A_701, %dma_wait3A_702] : memref<1000000x64xf32, #tpu.memory_space<hbm>> -> memref<40x64xf32, #tpu.memory_space<hbm>>
        %dma_wait3A_704 = arith.constant 160 : i32
        %dma_wait3A_705 = arith.constant 0 : i32
        %dma_wait3A_706 = tpu.memref_slice %arg15[%dma_wait3A_696, %dma_wait3A_704, %dma_wait3A_705] : memref<2x200x64xf32, #tpu.memory_space<vmem>> -> memref<1x40x64xf32, #tpu.memory_space<vmem>>
        %dma_wait3A_707 = tpu.memref_squeeze %dma_wait3A_706 : memref<1x40x64xf32, #tpu.memory_space<vmem>> -> memref<40x64xf32, #tpu.memory_space<vmem>>
        %dma_wait3A_708 = arith.constant 0 : i32
        %dma_wait3A_709 = arith.constant 0 : i32
        %dma_wait3A_710 = tpu.memref_slice %arg3[%dma_wait3A_708, %dma_wait3A_709] : memref<1000000x64xf32, #tpu.memory_space<hbm>> -> memref<40x64xf32, #tpu.memory_space<hbm>>
        tpu.wait_dma2 semaphore(%arg23 : memref<!tpu.dma_semaphore, #tpu.memory_space<semaphore_mem>>) src(%dma_wait3A_710 : memref<40x64xf32, #tpu.memory_space<hbm>>) dst(%dma_wait3A_707 : memref<40x64xf32, #tpu.memory_space<vmem>>)
        %dma_start3A = arith.constant 0 : i32
        %dma_start3A_711 = arith.constant 0 : i32
        %dma_start3A_712 = arith.constant 0 : i32
        %dma_start3A_713 = tpu.memref_slice %arg15[%dma_start3A, %dma_start3A_711, %dma_start3A_712] : memref<2x200x64xf32, #tpu.memory_space<vmem>> -> memref<1x40x64xf32, #tpu.memory_space<vmem>>
        %dma_start3A_714 = tpu.memref_squeeze %dma_start3A_713 : memref<1x40x64xf32, #tpu.memory_space<vmem>> -> memref<40x64xf32, #tpu.memory_space<vmem>>
        %dma_start3A_715 = arith.constant 0 : i32
        %dma_start3A_716 = tpu.memref_slice %arg6[%dma_start3A_715] : memref<400xi32, #tpu.memory_space<vmem>> -> memref<40xi32, #tpu.memory_space<vmem>>
        %dma_start3A_717 = arith.constant 0 : i32
        %dma_start3A_718 = arith.constant 0 : i32
        %dma_start3A_719 = tpu.memref_slice %arg7[%dma_start3A_717, %dma_start3A_718] : memref<200x64xf32, #tpu.memory_space<vmem_shared>> -> memref<200x64xf32, #tpu.memory_space<vmem_shared>>
        tpu.enqueue_indirect_dma source(%dma_start3A_719 : memref<200x64xf32, #tpu.memory_space<vmem_shared>>) target(%dma_start3A_714 : memref<40x64xf32, #tpu.memory_space<vmem>>) offsets(%dma_start3A_716 : memref<40xi32, #tpu.memory_space<vmem>>) semaphore(%arg27 : memref<!tpu.dma_semaphore, #tpu.memory_space<semaphore_mem>>) {add = true}
        %dma_start3A_720 = arith.constant 0 : i32
        %dma_start3A_721 = arith.constant 40 : i32
        %dma_start3A_722 = arith.constant 0 : i32
        %dma_start3A_723 = tpu.memref_slice %arg15[%dma_start3A_720, %dma_start3A_721, %dma_start3A_722] : memref<2x200x64xf32, #tpu.memory_space<vmem>> -> memref<1x40x64xf32, #tpu.memory_space<vmem>>
        %dma_start3A_724 = tpu.memref_squeeze %dma_start3A_723 : memref<1x40x64xf32, #tpu.memory_space<vmem>> -> memref<40x64xf32, #tpu.memory_space<vmem>>
        %dma_start3A_725 = arith.constant 40 : i32
        %dma_start3A_726 = tpu.memref_slice %arg6[%dma_start3A_725] : memref<400xi32, #tpu.memory_space<vmem>> -> memref<40xi32, #tpu.memory_space<vmem>>
        %dma_start3A_727 = arith.constant 0 : i32
        %dma_start3A_728 = arith.constant 0 : i32
        %dma_start3A_729 = tpu.memref_slice %arg7[%dma_start3A_727, %dma_start3A_728] : memref<200x64xf32, #tpu.memory_space<vmem_shared>> -> memref<200x64xf32, #tpu.memory_space<vmem_shared>>
        tpu.enqueue_indirect_dma source(%dma_start3A_729 : memref<200x64xf32, #tpu.memory_space<vmem_shared>>) target(%dma_start3A_724 : memref<40x64xf32, #tpu.memory_space<vmem>>) offsets(%dma_start3A_726 : memref<40xi32, #tpu.memory_space<vmem>>) semaphore(%arg27 : memref<!tpu.dma_semaphore, #tpu.memory_space<semaphore_mem>>) {add = true}
        %dma_start3A_730 = arith.constant 0 : i32
        %dma_start3A_731 = arith.constant 80 : i32
        %dma_start3A_732 = arith.constant 0 : i32
        %dma_start3A_733 = tpu.memref_slice %arg15[%dma_start3A_730, %dma_start3A_731, %dma_start3A_732] : memref<2x200x64xf32, #tpu.memory_space<vmem>> -> memref<1x40x64xf32, #tpu.memory_space<vmem>>
        %dma_start3A_734 = tpu.memref_squeeze %dma_start3A_733 : memref<1x40x64xf32, #tpu.memory_space<vmem>> -> memref<40x64xf32, #tpu.memory_space<vmem>>
        %dma_start3A_735 = arith.constant 80 : i32
        %dma_start3A_736 = tpu.memref_slice %arg6[%dma_start3A_735] : memref<400xi32, #tpu.memory_space<vmem>> -> memref<40xi32, #tpu.memory_space<vmem>>
        %dma_start3A_737 = arith.constant 0 : i32
        %dma_start3A_738 = arith.constant 0 : i32
        %dma_start3A_739 = tpu.memref_slice %arg7[%dma_start3A_737, %dma_start3A_738] : memref<200x64xf32, #tpu.memory_space<vmem_shared>> -> memref<200x64xf32, #tpu.memory_space<vmem_shared>>
        tpu.enqueue_indirect_dma source(%dma_start3A_739 : memref<200x64xf32, #tpu.memory_space<vmem_shared>>) target(%dma_start3A_734 : memref<40x64xf32, #tpu.memory_space<vmem>>) offsets(%dma_start3A_736 : memref<40xi32, #tpu.memory_space<vmem>>) semaphore(%arg27 : memref<!tpu.dma_semaphore, #tpu.memory_space<semaphore_mem>>) {add = true}
        %dma_start3A_740 = arith.constant 0 : i32
        %dma_start3A_741 = arith.constant 120 : i32
        %dma_start3A_742 = arith.constant 0 : i32
        %dma_start3A_743 = tpu.memref_slice %arg15[%dma_start3A_740, %dma_start3A_741, %dma_start3A_742] : memref<2x200x64xf32, #tpu.memory_space<vmem>> -> memref<1x40x64xf32, #tpu.memory_space<vmem>>
        %dma_start3A_744 = tpu.memref_squeeze %dma_start3A_743 : memref<1x40x64xf32, #tpu.memory_space<vmem>> -> memref<40x64xf32, #tpu.memory_space<vmem>>
        %dma_start3A_745 = arith.constant 120 : i32
        %dma_start3A_746 = tpu.memref_slice %arg6[%dma_start3A_745] : memref<400xi32, #tpu.memory_space<vmem>> -> memref<40xi32, #tpu.memory_space<vmem>>
        %dma_start3A_747 = arith.constant 0 : i32
        %dma_start3A_748 = arith.constant 0 : i32
        %dma_start3A_749 = tpu.memref_slice %arg7[%dma_start3A_747, %dma_start3A_748] : memref<200x64xf32, #tpu.memory_space<vmem_shared>> -> memref<200x64xf32, #tpu.memory_space<vmem_shared>>
        tpu.enqueue_indirect_dma source(%dma_start3A_749 : memref<200x64xf32, #tpu.memory_space<vmem_shared>>) target(%dma_start3A_744 : memref<40x64xf32, #tpu.memory_space<vmem>>) offsets(%dma_start3A_746 : memref<40xi32, #tpu.memory_space<vmem>>) semaphore(%arg27 : memref<!tpu.dma_semaphore, #tpu.memory_space<semaphore_mem>>) {add = true}
        %dma_start3A_750 = arith.constant 0 : i32
        %dma_start3A_751 = arith.constant 160 : i32
        %dma_start3A_752 = arith.constant 0 : i32
        %dma_start3A_753 = tpu.memref_slice %arg15[%dma_start3A_750, %dma_start3A_751, %dma_start3A_752] : memref<2x200x64xf32, #tpu.memory_space<vmem>> -> memref<1x40x64xf32, #tpu.memory_space<vmem>>
        %dma_start3A_754 = tpu.memref_squeeze %dma_start3A_753 : memref<1x40x64xf32, #tpu.memory_space<vmem>> -> memref<40x64xf32, #tpu.memory_space<vmem>>
        %dma_start3A_755 = arith.constant 160 : i32
        %dma_start3A_756 = tpu.memref_slice %arg6[%dma_start3A_755] : memref<400xi32, #tpu.memory_space<vmem>> -> memref<40xi32, #tpu.memory_space<vmem>>
        %dma_start3A_757 = arith.constant 0 : i32
        %dma_start3A_758 = arith.constant 0 : i32
        %dma_start3A_759 = tpu.memref_slice %arg7[%dma_start3A_757, %dma_start3A_758] : memref<200x64xf32, #tpu.memory_space<vmem_shared>> -> memref<200x64xf32, #tpu.memory_space<vmem_shared>>
        tpu.enqueue_indirect_dma source(%dma_start3A_759 : memref<200x64xf32, #tpu.memory_space<vmem_shared>>) target(%dma_start3A_754 : memref<40x64xf32, #tpu.memory_space<vmem>>) offsets(%dma_start3A_756 : memref<40xi32, #tpu.memory_space<vmem>>) semaphore(%arg27 : memref<!tpu.dma_semaphore, #tpu.memory_space<semaphore_mem>>) {add = true}
        %dma_start3A_760 = arith.constant 1 : i32
        %dma_start3A_761 = arith.constant 0 : i32
        %dma_start3A_762 = arith.constant 0 : i32
        %dma_start3A_763 = tpu.memref_slice %arg15[%dma_start3A_760, %dma_start3A_761, %dma_start3A_762] : memref<2x200x64xf32, #tpu.memory_space<vmem>> -> memref<1x40x64xf32, #tpu.memory_space<vmem>>
        %dma_start3A_764 = tpu.memref_squeeze %dma_start3A_763 : memref<1x40x64xf32, #tpu.memory_space<vmem>> -> memref<40x64xf32, #tpu.memory_space<vmem>>
        %dma_start3A_765 = arith.constant 200 : i32
        %dma_start3A_766 = tpu.memref_slice %arg6[%dma_start3A_765] : memref<400xi32, #tpu.memory_space<vmem>> -> memref<40xi32, #tpu.memory_space<vmem>>
        %dma_start3A_767 = arith.constant 0 : i32
        %dma_start3A_768 = arith.constant 0 : i32
        %dma_start3A_769 = tpu.memref_slice %arg7[%dma_start3A_767, %dma_start3A_768] : memref<200x64xf32, #tpu.memory_space<vmem_shared>> -> memref<200x64xf32, #tpu.memory_space<vmem_shared>>
        tpu.enqueue_indirect_dma source(%dma_start3A_769 : memref<200x64xf32, #tpu.memory_space<vmem_shared>>) target(%dma_start3A_764 : memref<40x64xf32, #tpu.memory_space<vmem>>) offsets(%dma_start3A_766 : memref<40xi32, #tpu.memory_space<vmem>>) semaphore(%arg27 : memref<!tpu.dma_semaphore, #tpu.memory_space<semaphore_mem>>) {add = true}
        %dma_start3A_770 = arith.constant 1 : i32
        %dma_start3A_771 = arith.constant 40 : i32
        %dma_start3A_772 = arith.constant 0 : i32
        %dma_start3A_773 = tpu.memref_slice %arg15[%dma_start3A_770, %dma_start3A_771, %dma_start3A_772] : memref<2x200x64xf32, #tpu.memory_space<vmem>> -> memref<1x40x64xf32, #tpu.memory_space<vmem>>
        %dma_start3A_774 = tpu.memref_squeeze %dma_start3A_773 : memref<1x40x64xf32, #tpu.memory_space<vmem>> -> memref<40x64xf32, #tpu.memory_space<vmem>>
        %dma_start3A_775 = arith.constant 240 : i32
        %dma_start3A_776 = tpu.memref_slice %arg6[%dma_start3A_775] : memref<400xi32, #tpu.memory_space<vmem>> -> memref<40xi32, #tpu.memory_space<vmem>>
        %dma_start3A_777 = arith.constant 0 : i32
        %dma_start3A_778 = arith.constant 0 : i32
        %dma_start3A_779 = tpu.memref_slice %arg7[%dma_start3A_777, %dma_start3A_778] : memref<200x64xf32, #tpu.memory_space<vmem_shared>> -> memref<200x64xf32, #tpu.memory_space<vmem_shared>>
        tpu.enqueue_indirect_dma source(%dma_start3A_779 : memref<200x64xf32, #tpu.memory_space<vmem_shared>>) target(%dma_start3A_774 : memref<40x64xf32, #tpu.memory_space<vmem>>) offsets(%dma_start3A_776 : memref<40xi32, #tpu.memory_space<vmem>>) semaphore(%arg27 : memref<!tpu.dma_semaphore, #tpu.memory_space<semaphore_mem>>) {add = true}
        %dma_start3A_780 = arith.constant 1 : i32
        %dma_start3A_781 = arith.constant 80 : i32
        %dma_start3A_782 = arith.constant 0 : i32
        %dma_start3A_783 = tpu.memref_slice %arg15[%dma_start3A_780, %dma_start3A_781, %dma_start3A_782] : memref<2x200x64xf32, #tpu.memory_space<vmem>> -> memref<1x40x64xf32, #tpu.memory_space<vmem>>
        %dma_start3A_784 = tpu.memref_squeeze %dma_start3A_783 : memref<1x40x64xf32, #tpu.memory_space<vmem>> -> memref<40x64xf32, #tpu.memory_space<vmem>>
        %dma_start3A_785 = arith.constant 280 : i32
        %dma_start3A_786 = tpu.memref_slice %arg6[%dma_start3A_785] : memref<400xi32, #tpu.memory_space<vmem>> -> memref<40xi32, #tpu.memory_space<vmem>>
        %dma_start3A_787 = arith.constant 0 : i32
        %dma_start3A_788 = arith.constant 0 : i32
        %dma_start3A_789 = tpu.memref_slice %arg7[%dma_start3A_787, %dma_start3A_788] : memref<200x64xf32, #tpu.memory_space<vmem_shared>> -> memref<200x64xf32, #tpu.memory_space<vmem_shared>>
        tpu.enqueue_indirect_dma source(%dma_start3A_789 : memref<200x64xf32, #tpu.memory_space<vmem_shared>>) target(%dma_start3A_784 : memref<40x64xf32, #tpu.memory_space<vmem>>) offsets(%dma_start3A_786 : memref<40xi32, #tpu.memory_space<vmem>>) semaphore(%arg27 : memref<!tpu.dma_semaphore, #tpu.memory_space<semaphore_mem>>) {add = true}
        %dma_start3A_790 = arith.constant 1 : i32
        %dma_start3A_791 = arith.constant 120 : i32
        %dma_start3A_792 = arith.constant 0 : i32
        %dma_start3A_793 = tpu.memref_slice %arg15[%dma_start3A_790, %dma_start3A_791, %dma_start3A_792] : memref<2x200x64xf32, #tpu.memory_space<vmem>> -> memref<1x40x64xf32, #tpu.memory_space<vmem>>
        %dma_start3A_794 = tpu.memref_squeeze %dma_start3A_793 : memref<1x40x64xf32, #tpu.memory_space<vmem>> -> memref<40x64xf32, #tpu.memory_space<vmem>>
        %dma_start3A_795 = arith.constant 320 : i32
        %dma_start3A_796 = tpu.memref_slice %arg6[%dma_start3A_795] : memref<400xi32, #tpu.memory_space<vmem>> -> memref<40xi32, #tpu.memory_space<vmem>>
        %dma_start3A_797 = arith.constant 0 : i32
        %dma_start3A_798 = arith.constant 0 : i32
        %dma_start3A_799 = tpu.memref_slice %arg7[%dma_start3A_797, %dma_start3A_798] : memref<200x64xf32, #tpu.memory_space<vmem_shared>> -> memref<200x64xf32, #tpu.memory_space<vmem_shared>>
        tpu.enqueue_indirect_dma source(%dma_start3A_799 : memref<200x64xf32, #tpu.memory_space<vmem_shared>>) target(%dma_start3A_794 : memref<40x64xf32, #tpu.memory_space<vmem>>) offsets(%dma_start3A_796 : memref<40xi32, #tpu.memory_space<vmem>>) semaphore(%arg27 : memref<!tpu.dma_semaphore, #tpu.memory_space<semaphore_mem>>) {add = true}
        %dma_start3A_800 = arith.constant 1 : i32
        %dma_start3A_801 = arith.constant 160 : i32
        %dma_start3A_802 = arith.constant 0 : i32
        %dma_start3A_803 = tpu.memref_slice %arg15[%dma_start3A_800, %dma_start3A_801, %dma_start3A_802] : memref<2x200x64xf32, #tpu.memory_space<vmem>> -> memref<1x40x64xf32, #tpu.memory_space<vmem>>
        %dma_start3A_804 = tpu.memref_squeeze %dma_start3A_803 : memref<1x40x64xf32, #tpu.memory_space<vmem>> -> memref<40x64xf32, #tpu.memory_space<vmem>>
        %dma_start3A_805 = arith.constant 360 : i32
        %dma_start3A_806 = tpu.memref_slice %arg6[%dma_start3A_805] : memref<400xi32, #tpu.memory_space<vmem>> -> memref<40xi32, #tpu.memory_space<vmem>>
        %dma_start3A_807 = arith.constant 0 : i32
        %dma_start3A_808 = arith.constant 0 : i32
        %dma_start3A_809 = tpu.memref_slice %arg7[%dma_start3A_807, %dma_start3A_808] : memref<200x64xf32, #tpu.memory_space<vmem_shared>> -> memref<200x64xf32, #tpu.memory_space<vmem_shared>>
        tpu.enqueue_indirect_dma source(%dma_start3A_809 : memref<200x64xf32, #tpu.memory_space<vmem_shared>>) target(%dma_start3A_804 : memref<40x64xf32, #tpu.memory_space<vmem>>) offsets(%dma_start3A_806 : memref<40xi32, #tpu.memory_space<vmem>>) semaphore(%arg27 : memref<!tpu.dma_semaphore, #tpu.memory_space<semaphore_mem>>) {add = true}
      } else {
      }
      %sub3A_473 = arith.constant 3 : i32
      %sub3A_474 = arith.subi %add3A_447, %sub3A_473 : i32
      %ge3A_475 = arith.constant 0 : i32
      %ge3A_476 = arith.cmpi sge, %sub3A_474, %ge3A_475 : i32
      %lt3A_477 = arith.constant 64 : i32
      %lt3A_478 = arith.cmpi slt, %sub3A_474, %lt3A_477 : i32
      %and3A_479 = arith.andi %ge3A_476, %lt3A_478 : i1
      %convert_element_type3A_480 = arith.extui %and3A_479 : i1 to i32
      %cond3A_481 = arith.constant 0 : i32
      %cond3A_482 = arith.cmpi ne, %convert_element_type3A_480, %cond3A_481 : i32
      scf.if %cond3A_482 {
        %dma_wait3A_561 = arith.constant 0 : i32
        %dma_wait3A_562 = arith.constant 0 : i32
        %dma_wait3A_563 = arith.constant 0 : i32
        %dma_wait3A_564 = tpu.memref_slice %arg14[%dma_wait3A_561, %dma_wait3A_562, %dma_wait3A_563] : memref<2x200x64xf32, #tpu.memory_space<vmem>> -> memref<1x40x64xf32, #tpu.memory_space<vmem>>
        %dma_wait3A_565 = tpu.memref_squeeze %dma_wait3A_564 : memref<1x40x64xf32, #tpu.memory_space<vmem>> -> memref<40x64xf32, #tpu.memory_space<vmem>>
        %dma_wait3A_566 = arith.constant 0 : i32
        %dma_wait3A_567 = arith.constant 0 : i32
        %dma_wait3A_568 = tpu.memref_slice %arg3[%dma_wait3A_566, %dma_wait3A_567] : memref<1000000x64xf32, #tpu.memory_space<hbm>> -> memref<40x64xf32, #tpu.memory_space<hbm>>
        %dma_wait3A_569 = arith.constant 0 : i32
        %dma_wait3A_570 = arith.constant 0 : i32
        %dma_wait3A_571 = tpu.memref_slice %arg14[%dma_wait3A_561, %dma_wait3A_569, %dma_wait3A_570] : memref<2x200x64xf32, #tpu.memory_space<vmem>> -> memref<1x40x64xf32, #tpu.memory_space<vmem>>
        %dma_wait3A_572 = tpu.memref_squeeze %dma_wait3A_571 : memref<1x40x64xf32, #tpu.memory_space<vmem>> -> memref<40x64xf32, #tpu.memory_space<vmem>>
        %dma_wait3A_573 = arith.constant 0 : i32
        %dma_wait3A_574 = arith.constant 0 : i32
        %dma_wait3A_575 = tpu.memref_slice %arg3[%dma_wait3A_573, %dma_wait3A_574] : memref<1000000x64xf32, #tpu.memory_space<hbm>> -> memref<40x64xf32, #tpu.memory_space<hbm>>
        tpu.wait_dma2 semaphore(%arg26 : memref<!tpu.dma_semaphore, #tpu.memory_space<semaphore_mem>>) src(%dma_wait3A_575 : memref<40x64xf32, #tpu.memory_space<hbm>>) dst(%dma_wait3A_572 : memref<40x64xf32, #tpu.memory_space<vmem>>)
        %dma_wait3A_576 = arith.constant 0 : i32
        %dma_wait3A_577 = arith.constant 40 : i32
        %dma_wait3A_578 = arith.constant 0 : i32
        %dma_wait3A_579 = tpu.memref_slice %arg14[%dma_wait3A_576, %dma_wait3A_577, %dma_wait3A_578] : memref<2x200x64xf32, #tpu.memory_space<vmem>> -> memref<1x40x64xf32, #tpu.memory_space<vmem>>
        %dma_wait3A_580 = tpu.memref_squeeze %dma_wait3A_579 : memref<1x40x64xf32, #tpu.memory_space<vmem>> -> memref<40x64xf32, #tpu.memory_space<vmem>>
        %dma_wait3A_581 = arith.constant 0 : i32
        %dma_wait3A_582 = arith.constant 0 : i32
        %dma_wait3A_583 = tpu.memref_slice %arg3[%dma_wait3A_581, %dma_wait3A_582] : memref<1000000x64xf32, #tpu.memory_space<hbm>> -> memref<40x64xf32, #tpu.memory_space<hbm>>
        %dma_wait3A_584 = arith.constant 40 : i32
        %dma_wait3A_585 = arith.constant 0 : i32
        %dma_wait3A_586 = tpu.memref_slice %arg14[%dma_wait3A_576, %dma_wait3A_584, %dma_wait3A_585] : memref<2x200x64xf32, #tpu.memory_space<vmem>> -> memref<1x40x64xf32, #tpu.memory_space<vmem>>
        %dma_wait3A_587 = tpu.memref_squeeze %dma_wait3A_586 : memref<1x40x64xf32, #tpu.memory_space<vmem>> -> memref<40x64xf32, #tpu.memory_space<vmem>>
        %dma_wait3A_588 = arith.constant 0 : i32
        %dma_wait3A_589 = arith.constant 0 : i32
        %dma_wait3A_590 = tpu.memref_slice %arg3[%dma_wait3A_588, %dma_wait3A_589] : memref<1000000x64xf32, #tpu.memory_space<hbm>> -> memref<40x64xf32, #tpu.memory_space<hbm>>
        tpu.wait_dma2 semaphore(%arg26 : memref<!tpu.dma_semaphore, #tpu.memory_space<semaphore_mem>>) src(%dma_wait3A_590 : memref<40x64xf32, #tpu.memory_space<hbm>>) dst(%dma_wait3A_587 : memref<40x64xf32, #tpu.memory_space<vmem>>)
        %dma_wait3A_591 = arith.constant 0 : i32
        %dma_wait3A_592 = arith.constant 80 : i32
        %dma_wait3A_593 = arith.constant 0 : i32
        %dma_wait3A_594 = tpu.memref_slice %arg14[%dma_wait3A_591, %dma_wait3A_592, %dma_wait3A_593] : memref<2x200x64xf32, #tpu.memory_space<vmem>> -> memref<1x40x64xf32, #tpu.memory_space<vmem>>
        %dma_wait3A_595 = tpu.memref_squeeze %dma_wait3A_594 : memref<1x40x64xf32, #tpu.memory_space<vmem>> -> memref<40x64xf32, #tpu.memory_space<vmem>>
        %dma_wait3A_596 = arith.constant 0 : i32
        %dma_wait3A_597 = arith.constant 0 : i32
        %dma_wait3A_598 = tpu.memref_slice %arg3[%dma_wait3A_596, %dma_wait3A_597] : memref<1000000x64xf32, #tpu.memory_space<hbm>> -> memref<40x64xf32, #tpu.memory_space<hbm>>
        %dma_wait3A_599 = arith.constant 80 : i32
        %dma_wait3A_600 = arith.constant 0 : i32
        %dma_wait3A_601 = tpu.memref_slice %arg14[%dma_wait3A_591, %dma_wait3A_599, %dma_wait3A_600] : memref<2x200x64xf32, #tpu.memory_space<vmem>> -> memref<1x40x64xf32, #tpu.memory_space<vmem>>
        %dma_wait3A_602 = tpu.memref_squeeze %dma_wait3A_601 : memref<1x40x64xf32, #tpu.memory_space<vmem>> -> memref<40x64xf32, #tpu.memory_space<vmem>>
        %dma_wait3A_603 = arith.constant 0 : i32
        %dma_wait3A_604 = arith.constant 0 : i32
        %dma_wait3A_605 = tpu.memref_slice %arg3[%dma_wait3A_603, %dma_wait3A_604] : memref<1000000x64xf32, #tpu.memory_space<hbm>> -> memref<40x64xf32, #tpu.memory_space<hbm>>
        tpu.wait_dma2 semaphore(%arg26 : memref<!tpu.dma_semaphore, #tpu.memory_space<semaphore_mem>>) src(%dma_wait3A_605 : memref<40x64xf32, #tpu.memory_space<hbm>>) dst(%dma_wait3A_602 : memref<40x64xf32, #tpu.memory_space<vmem>>)
        %dma_wait3A_606 = arith.constant 0 : i32
        %dma_wait3A_607 = arith.constant 120 : i32
        %dma_wait3A_608 = arith.constant 0 : i32
        %dma_wait3A_609 = tpu.memref_slice %arg14[%dma_wait3A_606, %dma_wait3A_607, %dma_wait3A_608] : memref<2x200x64xf32, #tpu.memory_space<vmem>> -> memref<1x40x64xf32, #tpu.memory_space<vmem>>
        %dma_wait3A_610 = tpu.memref_squeeze %dma_wait3A_609 : memref<1x40x64xf32, #tpu.memory_space<vmem>> -> memref<40x64xf32, #tpu.memory_space<vmem>>
        %dma_wait3A_611 = arith.constant 0 : i32
        %dma_wait3A_612 = arith.constant 0 : i32
        %dma_wait3A_613 = tpu.memref_slice %arg3[%dma_wait3A_611, %dma_wait3A_612] : memref<1000000x64xf32, #tpu.memory_space<hbm>> -> memref<40x64xf32, #tpu.memory_space<hbm>>
        %dma_wait3A_614 = arith.constant 120 : i32
        %dma_wait3A_615 = arith.constant 0 : i32
        %dma_wait3A_616 = tpu.memref_slice %arg14[%dma_wait3A_606, %dma_wait3A_614, %dma_wait3A_615] : memref<2x200x64xf32, #tpu.memory_space<vmem>> -> memref<1x40x64xf32, #tpu.memory_space<vmem>>
        %dma_wait3A_617 = tpu.memref_squeeze %dma_wait3A_616 : memref<1x40x64xf32, #tpu.memory_space<vmem>> -> memref<40x64xf32, #tpu.memory_space<vmem>>
        %dma_wait3A_618 = arith.constant 0 : i32
        %dma_wait3A_619 = arith.constant 0 : i32
        %dma_wait3A_620 = tpu.memref_slice %arg3[%dma_wait3A_618, %dma_wait3A_619] : memref<1000000x64xf32, #tpu.memory_space<hbm>> -> memref<40x64xf32, #tpu.memory_space<hbm>>
        tpu.wait_dma2 semaphore(%arg26 : memref<!tpu.dma_semaphore, #tpu.memory_space<semaphore_mem>>) src(%dma_wait3A_620 : memref<40x64xf32, #tpu.memory_space<hbm>>) dst(%dma_wait3A_617 : memref<40x64xf32, #tpu.memory_space<vmem>>)
        %dma_wait3A_621 = arith.constant 0 : i32
        %dma_wait3A_622 = arith.constant 160 : i32
        %dma_wait3A_623 = arith.constant 0 : i32
        %dma_wait3A_624 = tpu.memref_slice %arg14[%dma_wait3A_621, %dma_wait3A_622, %dma_wait3A_623] : memref<2x200x64xf32, #tpu.memory_space<vmem>> -> memref<1x40x64xf32, #tpu.memory_space<vmem>>
        %dma_wait3A_625 = tpu.memref_squeeze %dma_wait3A_624 : memref<1x40x64xf32, #tpu.memory_space<vmem>> -> memref<40x64xf32, #tpu.memory_space<vmem>>
        %dma_wait3A_626 = arith.constant 0 : i32
        %dma_wait3A_627 = arith.constant 0 : i32
        %dma_wait3A_628 = tpu.memref_slice %arg3[%dma_wait3A_626, %dma_wait3A_627] : memref<1000000x64xf32, #tpu.memory_space<hbm>> -> memref<40x64xf32, #tpu.memory_space<hbm>>
        %dma_wait3A_629 = arith.constant 160 : i32
        %dma_wait3A_630 = arith.constant 0 : i32
        %dma_wait3A_631 = tpu.memref_slice %arg14[%dma_wait3A_621, %dma_wait3A_629, %dma_wait3A_630] : memref<2x200x64xf32, #tpu.memory_space<vmem>> -> memref<1x40x64xf32, #tpu.memory_space<vmem>>
        %dma_wait3A_632 = tpu.memref_squeeze %dma_wait3A_631 : memref<1x40x64xf32, #tpu.memory_space<vmem>> -> memref<40x64xf32, #tpu.memory_space<vmem>>
        %dma_wait3A_633 = arith.constant 0 : i32
        %dma_wait3A_634 = arith.constant 0 : i32
        %dma_wait3A_635 = tpu.memref_slice %arg3[%dma_wait3A_633, %dma_wait3A_634] : memref<1000000x64xf32, #tpu.memory_space<hbm>> -> memref<40x64xf32, #tpu.memory_space<hbm>>
        tpu.wait_dma2 semaphore(%arg26 : memref<!tpu.dma_semaphore, #tpu.memory_space<semaphore_mem>>) src(%dma_wait3A_635 : memref<40x64xf32, #tpu.memory_space<hbm>>) dst(%dma_wait3A_632 : memref<40x64xf32, #tpu.memory_space<vmem>>)
        %dma_wait3A_636 = arith.constant 1 : i32
        %dma_wait3A_637 = arith.constant 0 : i32
        %dma_wait3A_638 = arith.constant 0 : i32
        %dma_wait3A_639 = tpu.memref_slice %arg14[%dma_wait3A_636, %dma_wait3A_637, %dma_wait3A_638] : memref<2x200x64xf32, #tpu.memory_space<vmem>> -> memref<1x40x64xf32, #tpu.memory_space<vmem>>
        %dma_wait3A_640 = tpu.memref_squeeze %dma_wait3A_639 : memref<1x40x64xf32, #tpu.memory_space<vmem>> -> memref<40x64xf32, #tpu.memory_space<vmem>>
        %dma_wait3A_641 = arith.constant 0 : i32
        %dma_wait3A_642 = arith.constant 0 : i32
        %dma_wait3A_643 = tpu.memref_slice %arg3[%dma_wait3A_641, %dma_wait3A_642] : memref<1000000x64xf32, #tpu.memory_space<hbm>> -> memref<40x64xf32, #tpu.memory_space<hbm>>
        %dma_wait3A_644 = arith.constant 0 : i32
        %dma_wait3A_645 = arith.constant 0 : i32
        %dma_wait3A_646 = tpu.memref_slice %arg14[%dma_wait3A_636, %dma_wait3A_644, %dma_wait3A_645] : memref<2x200x64xf32, #tpu.memory_space<vmem>> -> memref<1x40x64xf32, #tpu.memory_space<vmem>>
        %dma_wait3A_647 = tpu.memref_squeeze %dma_wait3A_646 : memref<1x40x64xf32, #tpu.memory_space<vmem>> -> memref<40x64xf32, #tpu.memory_space<vmem>>
        %dma_wait3A_648 = arith.constant 0 : i32
        %dma_wait3A_649 = arith.constant 0 : i32
        %dma_wait3A_650 = tpu.memref_slice %arg3[%dma_wait3A_648, %dma_wait3A_649] : memref<1000000x64xf32, #tpu.memory_space<hbm>> -> memref<40x64xf32, #tpu.memory_space<hbm>>
        tpu.wait_dma2 semaphore(%arg26 : memref<!tpu.dma_semaphore, #tpu.memory_space<semaphore_mem>>) src(%dma_wait3A_650 : memref<40x64xf32, #tpu.memory_space<hbm>>) dst(%dma_wait3A_647 : memref<40x64xf32, #tpu.memory_space<vmem>>)
        %dma_wait3A_651 = arith.constant 1 : i32
        %dma_wait3A_652 = arith.constant 40 : i32
        %dma_wait3A_653 = arith.constant 0 : i32
        %dma_wait3A_654 = tpu.memref_slice %arg14[%dma_wait3A_651, %dma_wait3A_652, %dma_wait3A_653] : memref<2x200x64xf32, #tpu.memory_space<vmem>> -> memref<1x40x64xf32, #tpu.memory_space<vmem>>
        %dma_wait3A_655 = tpu.memref_squeeze %dma_wait3A_654 : memref<1x40x64xf32, #tpu.memory_space<vmem>> -> memref<40x64xf32, #tpu.memory_space<vmem>>
        %dma_wait3A_656 = arith.constant 0 : i32
        %dma_wait3A_657 = arith.constant 0 : i32
        %dma_wait3A_658 = tpu.memref_slice %arg3[%dma_wait3A_656, %dma_wait3A_657] : memref<1000000x64xf32, #tpu.memory_space<hbm>> -> memref<40x64xf32, #tpu.memory_space<hbm>>
        %dma_wait3A_659 = arith.constant 40 : i32
        %dma_wait3A_660 = arith.constant 0 : i32
        %dma_wait3A_661 = tpu.memref_slice %arg14[%dma_wait3A_651, %dma_wait3A_659, %dma_wait3A_660] : memref<2x200x64xf32, #tpu.memory_space<vmem>> -> memref<1x40x64xf32, #tpu.memory_space<vmem>>
        %dma_wait3A_662 = tpu.memref_squeeze %dma_wait3A_661 : memref<1x40x64xf32, #tpu.memory_space<vmem>> -> memref<40x64xf32, #tpu.memory_space<vmem>>
        %dma_wait3A_663 = arith.constant 0 : i32
        %dma_wait3A_664 = arith.constant 0 : i32
        %dma_wait3A_665 = tpu.memref_slice %arg3[%dma_wait3A_663, %dma_wait3A_664] : memref<1000000x64xf32, #tpu.memory_space<hbm>> -> memref<40x64xf32, #tpu.memory_space<hbm>>
        tpu.wait_dma2 semaphore(%arg26 : memref<!tpu.dma_semaphore, #tpu.memory_space<semaphore_mem>>) src(%dma_wait3A_665 : memref<40x64xf32, #tpu.memory_space<hbm>>) dst(%dma_wait3A_662 : memref<40x64xf32, #tpu.memory_space<vmem>>)
        %dma_wait3A_666 = arith.constant 1 : i32
        %dma_wait3A_667 = arith.constant 80 : i32
        %dma_wait3A_668 = arith.constant 0 : i32
        %dma_wait3A_669 = tpu.memref_slice %arg14[%dma_wait3A_666, %dma_wait3A_667, %dma_wait3A_668] : memref<2x200x64xf32, #tpu.memory_space<vmem>> -> memref<1x40x64xf32, #tpu.memory_space<vmem>>
        %dma_wait3A_670 = tpu.memref_squeeze %dma_wait3A_669 : memref<1x40x64xf32, #tpu.memory_space<vmem>> -> memref<40x64xf32, #tpu.memory_space<vmem>>
        %dma_wait3A_671 = arith.constant 0 : i32
        %dma_wait3A_672 = arith.constant 0 : i32
        %dma_wait3A_673 = tpu.memref_slice %arg3[%dma_wait3A_671, %dma_wait3A_672] : memref<1000000x64xf32, #tpu.memory_space<hbm>> -> memref<40x64xf32, #tpu.memory_space<hbm>>
        %dma_wait3A_674 = arith.constant 80 : i32
        %dma_wait3A_675 = arith.constant 0 : i32
        %dma_wait3A_676 = tpu.memref_slice %arg14[%dma_wait3A_666, %dma_wait3A_674, %dma_wait3A_675] : memref<2x200x64xf32, #tpu.memory_space<vmem>> -> memref<1x40x64xf32, #tpu.memory_space<vmem>>
        %dma_wait3A_677 = tpu.memref_squeeze %dma_wait3A_676 : memref<1x40x64xf32, #tpu.memory_space<vmem>> -> memref<40x64xf32, #tpu.memory_space<vmem>>
        %dma_wait3A_678 = arith.constant 0 : i32
        %dma_wait3A_679 = arith.constant 0 : i32
        %dma_wait3A_680 = tpu.memref_slice %arg3[%dma_wait3A_678, %dma_wait3A_679] : memref<1000000x64xf32, #tpu.memory_space<hbm>> -> memref<40x64xf32, #tpu.memory_space<hbm>>
        tpu.wait_dma2 semaphore(%arg26 : memref<!tpu.dma_semaphore, #tpu.memory_space<semaphore_mem>>) src(%dma_wait3A_680 : memref<40x64xf32, #tpu.memory_space<hbm>>) dst(%dma_wait3A_677 : memref<40x64xf32, #tpu.memory_space<vmem>>)
        %dma_wait3A_681 = arith.constant 1 : i32
        %dma_wait3A_682 = arith.constant 120 : i32
        %dma_wait3A_683 = arith.constant 0 : i32
        %dma_wait3A_684 = tpu.memref_slice %arg14[%dma_wait3A_681, %dma_wait3A_682, %dma_wait3A_683] : memref<2x200x64xf32, #tpu.memory_space<vmem>> -> memref<1x40x64xf32, #tpu.memory_space<vmem>>
        %dma_wait3A_685 = tpu.memref_squeeze %dma_wait3A_684 : memref<1x40x64xf32, #tpu.memory_space<vmem>> -> memref<40x64xf32, #tpu.memory_space<vmem>>
        %dma_wait3A_686 = arith.constant 0 : i32
        %dma_wait3A_687 = arith.constant 0 : i32
        %dma_wait3A_688 = tpu.memref_slice %arg3[%dma_wait3A_686, %dma_wait3A_687] : memref<1000000x64xf32, #tpu.memory_space<hbm>> -> memref<40x64xf32, #tpu.memory_space<hbm>>
        %dma_wait3A_689 = arith.constant 120 : i32
        %dma_wait3A_690 = arith.constant 0 : i32
        %dma_wait3A_691 = tpu.memref_slice %arg14[%dma_wait3A_681, %dma_wait3A_689, %dma_wait3A_690] : memref<2x200x64xf32, #tpu.memory_space<vmem>> -> memref<1x40x64xf32, #tpu.memory_space<vmem>>
        %dma_wait3A_692 = tpu.memref_squeeze %dma_wait3A_691 : memref<1x40x64xf32, #tpu.memory_space<vmem>> -> memref<40x64xf32, #tpu.memory_space<vmem>>
        %dma_wait3A_693 = arith.constant 0 : i32
        %dma_wait3A_694 = arith.constant 0 : i32
        %dma_wait3A_695 = tpu.memref_slice %arg3[%dma_wait3A_693, %dma_wait3A_694] : memref<1000000x64xf32, #tpu.memory_space<hbm>> -> memref<40x64xf32, #tpu.memory_space<hbm>>
        tpu.wait_dma2 semaphore(%arg26 : memref<!tpu.dma_semaphore, #tpu.memory_space<semaphore_mem>>) src(%dma_wait3A_695 : memref<40x64xf32, #tpu.memory_space<hbm>>) dst(%dma_wait3A_692 : memref<40x64xf32, #tpu.memory_space<vmem>>)
        %dma_wait3A_696 = arith.constant 1 : i32
        %dma_wait3A_697 = arith.constant 160 : i32
        %dma_wait3A_698 = arith.constant 0 : i32
        %dma_wait3A_699 = tpu.memref_slice %arg14[%dma_wait3A_696, %dma_wait3A_697, %dma_wait3A_698] : memref<2x200x64xf32, #tpu.memory_space<vmem>> -> memref<1x40x64xf32, #tpu.memory_space<vmem>>
        %dma_wait3A_700 = tpu.memref_squeeze %dma_wait3A_699 : memref<1x40x64xf32, #tpu.memory_space<vmem>> -> memref<40x64xf32, #tpu.memory_space<vmem>>
        %dma_wait3A_701 = arith.constant 0 : i32
        %dma_wait3A_702 = arith.constant 0 : i32
        %dma_wait3A_703 = tpu.memref_slice %arg3[%dma_wait3A_701, %dma_wait3A_702] : memref<1000000x64xf32, #tpu.memory_space<hbm>> -> memref<40x64xf32, #tpu.memory_space<hbm>>
        %dma_wait3A_704 = arith.constant 160 : i32
        %dma_wait3A_705 = arith.constant 0 : i32
        %dma_wait3A_706 = tpu.memref_slice %arg14[%dma_wait3A_696, %dma_wait3A_704, %dma_wait3A_705] : memref<2x200x64xf32, #tpu.memory_space<vmem>> -> memref<1x40x64xf32, #tpu.memory_space<vmem>>
        %dma_wait3A_707 = tpu.memref_squeeze %dma_wait3A_706 : memref<1x40x64xf32, #tpu.memory_space<vmem>> -> memref<40x64xf32, #tpu.memory_space<vmem>>
        %dma_wait3A_708 = arith.constant 0 : i32
        %dma_wait3A_709 = arith.constant 0 : i32
        %dma_wait3A_710 = tpu.memref_slice %arg3[%dma_wait3A_708, %dma_wait3A_709] : memref<1000000x64xf32, #tpu.memory_space<hbm>> -> memref<40x64xf32, #tpu.memory_space<hbm>>
        tpu.wait_dma2 semaphore(%arg26 : memref<!tpu.dma_semaphore, #tpu.memory_space<semaphore_mem>>) src(%dma_wait3A_710 : memref<40x64xf32, #tpu.memory_space<hbm>>) dst(%dma_wait3A_707 : memref<40x64xf32, #tpu.memory_space<vmem>>)
        %mul3A_711 = arith.constant 2 : i32
        %mul3A_712 = arith.muli %mul3A_711, %sub3A_474 : i32
        %add3A_713 = arith.addi %mul3A_2, %mul3A_712 : i32
        %dma_start3A = arith.constant 0 : i32
        %dma_start3A_714 = arith.constant 0 : i32
        %dma_start3A_715 = tpu.memref_slice %arg5[%add3A_713, %dma_start3A, %dma_start3A_714] : memref<4096x200x64xf32, #tpu.memory_space<hbm>> -> memref<2x200x64xf32, #tpu.memory_space<hbm>>
        %dma_start3A_716 = arith.constant 0 : i32
        %dma_start3A_717 = arith.constant 0 : i32
        %dma_start3A_718 = tpu.memref_slice %arg5[%add3A_713, %dma_start3A_716, %dma_start3A_717] : memref<4096x200x64xf32, #tpu.memory_space<hbm>> -> memref<2x200x64xf32, #tpu.memory_space<hbm>>
        tpu.enqueue_dma source(%arg14 : memref<2x200x64xf32, #tpu.memory_space<vmem>>) target(%dma_start3A_718 : memref<2x200x64xf32, #tpu.memory_space<hbm>>) target_semaphore(%arg30 : memref<!tpu.dma_semaphore, #tpu.memory_space<semaphore_mem>>)
      } else {
      }
      %mul3A_483 = arith.constant 4 : i32
      %mul3A_484 = arith.muli %add3A_406, %mul3A_483 : i32
      %add3A_485 = arith.constant 2 : i32
      %add3A_486 = arith.addi %mul3A_484, %add3A_485 : i32
      %lt3A_487 = arith.constant 64 : i32
      %lt3A_488 = arith.cmpi slt, %add3A_486, %lt3A_487 : i32
      %convert_element_type3A_489 = arith.extui %lt3A_488 : i1 to i32
      %cond3A_490 = arith.constant 0 : i32
      %cond3A_491 = arith.cmpi ne, %convert_element_type3A_489, %cond3A_490 : i32
      scf.if %cond3A_491 {
        %mul3A_561 = arith.constant 2 : i32
        %mul3A_562 = arith.muli %mul3A_561, %add3A_486 : i32
        %add3A_563 = arith.addi %mul3A_2, %mul3A_562 : i32
        %dma_start3A = arith.constant 0 : i32
        %dma_start3A_564 = tpu.memref_slice %arg2[%add3A_563, %dma_start3A] : memref<4096x200xi32, #tpu.memory_space<hbm>> -> memref<2x200xi32, #tpu.memory_space<hbm>>
        %dma_start3A_565 = arith.constant 0 : i32
        %dma_start3A_566 = tpu.memref_slice %arg2[%add3A_563, %dma_start3A_565] : memref<4096x200xi32, #tpu.memory_space<hbm>> -> memref<2x200xi32, #tpu.memory_space<hbm>>
        tpu.enqueue_dma source(%dma_start3A_566 : memref<2x200xi32, #tpu.memory_space<hbm>>) target(%arg10 : memref<2x200xi32, #tpu.memory_space<vmem>>) target_semaphore(%arg18 : memref<!tpu.dma_semaphore, #tpu.memory_space<semaphore_mem>>)
      } else {
      }
      %sub3A_492 = arith.constant 1 : i32
      %sub3A_493 = arith.subi %add3A_486, %sub3A_492 : i32
      %ge3A_494 = arith.constant 0 : i32
      %ge3A_495 = arith.cmpi sge, %sub3A_493, %ge3A_494 : i32
      %lt3A_496 = arith.constant 64 : i32
      %lt3A_497 = arith.cmpi slt, %sub3A_493, %lt3A_496 : i32
      %and3A_498 = arith.andi %ge3A_495, %lt3A_497 : i1
      %convert_element_type3A_499 = arith.extui %and3A_498 : i1 to i32
      %cond3A_500 = arith.constant 0 : i32
      %cond3A_501 = arith.cmpi ne, %convert_element_type3A_499, %cond3A_500 : i32
      scf.if %cond3A_501 {
        %dma_wait3A_561 = arith.constant 0 : i32
        %dma_wait3A_562 = arith.constant 0 : i32
        %dma_wait3A_563 = tpu.memref_slice %arg2[%dma_wait3A_561, %dma_wait3A_562] : memref<4096x200xi32, #tpu.memory_space<hbm>> -> memref<2x200xi32, #tpu.memory_space<hbm>>
        %dma_wait3A_564 = arith.constant 0 : i32
        %dma_wait3A_565 = arith.constant 0 : i32
        %dma_wait3A_566 = tpu.memref_slice %arg2[%dma_wait3A_564, %dma_wait3A_565] : memref<4096x200xi32, #tpu.memory_space<hbm>> -> memref<2x200xi32, #tpu.memory_space<hbm>>
        tpu.wait_dma2 semaphore(%arg17 : memref<!tpu.dma_semaphore, #tpu.memory_space<semaphore_mem>>) src(%dma_wait3A_566 : memref<2x200xi32, #tpu.memory_space<hbm>>) dst(%arg9 : memref<2x200xi32, #tpu.memory_space<vmem>>)
        %ge3A_567 = arith.constant 4 : i32
        %ge3A_568 = arith.cmpi sge, %sub3A_493, %ge3A_567 : i32
        %convert_element_type3A_569 = arith.extui %ge3A_568 : i1 to i32
        %cond3A_570 = arith.constant 0 : i32
        %cond3A_571 = arith.cmpi ne, %convert_element_type3A_569, %cond3A_570 : i32
        scf.if %cond3A_571 {
          %dma_wait3A_691 = arith.constant 0 : i32
          %dma_wait3A_692 = arith.constant 0 : i32
          %dma_wait3A_693 = tpu.memref_slice %arg5[%mul3A_2, %dma_wait3A_691, %dma_wait3A_692] : memref<4096x200x64xf32, #tpu.memory_space<hbm>> -> memref<2x200x64xf32, #tpu.memory_space<hbm>>
          %dma_wait3A_694 = arith.constant 0 : i32
          %dma_wait3A_695 = arith.constant 0 : i32
          %dma_wait3A_696 = tpu.memref_slice %arg5[%mul3A_2, %dma_wait3A_694, %dma_wait3A_695] : memref<4096x200x64xf32, #tpu.memory_space<hbm>> -> memref<2x200x64xf32, #tpu.memory_space<hbm>>
          tpu.wait_dma2 semaphore(%arg29 : memref<!tpu.dma_semaphore, #tpu.memory_space<semaphore_mem>>) src(%arg13 : memref<2x200x64xf32, #tpu.memory_space<vmem>>) dst(%dma_wait3A_696 : memref<2x200x64xf32, #tpu.memory_space<hbm>>)
        } else {
        }
        %dma_start3A = arith.constant 0 : i32
        %dma_start3A_572 = arith.constant 0 : i32
        %dma_start3A_573 = arith.constant 0 : i32
        %dma_start3A_574 = arith.constant 0 : i32
        %dma_start3A_575 = tpu.memref_slice %arg13[%dma_start3A_572, %dma_start3A_573, %dma_start3A_574] : memref<2x200x64xf32, #tpu.memory_space<vmem>> -> memref<1x40x64xf32, #tpu.memory_space<vmem>>
        %dma_start3A_576 = tpu.memref_squeeze %dma_start3A_575 : memref<1x40x64xf32, #tpu.memory_space<vmem>> -> memref<40x64xf32, #tpu.memory_space<vmem>>
        %dma_start3A_577 = arith.constant 0 : i32
        %dma_start3A_578 = tpu.memref_slice %arg9[%dma_start3A, %dma_start3A_577] : memref<2x200xi32, #tpu.memory_space<vmem>> -> memref<1x40xi32, #tpu.memory_space<vmem>>
        %dma_start3A_579 = tpu.memref_squeeze %dma_start3A_578 : memref<1x40xi32, #tpu.memory_space<vmem>> -> memref<40xi32, #tpu.memory_space<vmem>>
        %dma_start3A_580 = arith.constant 0 : i32
        %dma_start3A_581 = arith.constant 0 : i32
        %dma_start3A_582 = tpu.memref_slice %arg3[%dma_start3A_580, %dma_start3A_581] : memref<1000000x64xf32, #tpu.memory_space<hbm>> -> memref<1000000x64xf32, #tpu.memory_space<hbm>>
        tpu.enqueue_indirect_dma source(%dma_start3A_582 : memref<1000000x64xf32, #tpu.memory_space<hbm>>) target(%dma_start3A_576 : memref<40x64xf32, #tpu.memory_space<vmem>>) offsets(%dma_start3A_579 : memref<40xi32, #tpu.memory_space<vmem>>) semaphore(%arg21 : memref<!tpu.dma_semaphore, #tpu.memory_space<semaphore_mem>>)
        %dma_start3A_583 = arith.constant 0 : i32
        %dma_start3A_584 = arith.constant 0 : i32
        %dma_start3A_585 = arith.constant 40 : i32
        %dma_start3A_586 = arith.constant 0 : i32
        %dma_start3A_587 = tpu.memref_slice %arg13[%dma_start3A_584, %dma_start3A_585, %dma_start3A_586] : memref<2x200x64xf32, #tpu.memory_space<vmem>> -> memref<1x40x64xf32, #tpu.memory_space<vmem>>
        %dma_start3A_588 = tpu.memref_squeeze %dma_start3A_587 : memref<1x40x64xf32, #tpu.memory_space<vmem>> -> memref<40x64xf32, #tpu.memory_space<vmem>>
        %dma_start3A_589 = arith.constant 40 : i32
        %dma_start3A_590 = tpu.memref_slice %arg9[%dma_start3A_583, %dma_start3A_589] : memref<2x200xi32, #tpu.memory_space<vmem>> -> memref<1x40xi32, #tpu.memory_space<vmem>>
        %dma_start3A_591 = tpu.memref_squeeze %dma_start3A_590 : memref<1x40xi32, #tpu.memory_space<vmem>> -> memref<40xi32, #tpu.memory_space<vmem>>
        %dma_start3A_592 = arith.constant 0 : i32
        %dma_start3A_593 = arith.constant 0 : i32
        %dma_start3A_594 = tpu.memref_slice %arg3[%dma_start3A_592, %dma_start3A_593] : memref<1000000x64xf32, #tpu.memory_space<hbm>> -> memref<1000000x64xf32, #tpu.memory_space<hbm>>
        tpu.enqueue_indirect_dma source(%dma_start3A_594 : memref<1000000x64xf32, #tpu.memory_space<hbm>>) target(%dma_start3A_588 : memref<40x64xf32, #tpu.memory_space<vmem>>) offsets(%dma_start3A_591 : memref<40xi32, #tpu.memory_space<vmem>>) semaphore(%arg21 : memref<!tpu.dma_semaphore, #tpu.memory_space<semaphore_mem>>)
        %dma_start3A_595 = arith.constant 0 : i32
        %dma_start3A_596 = arith.constant 0 : i32
        %dma_start3A_597 = arith.constant 80 : i32
        %dma_start3A_598 = arith.constant 0 : i32
        %dma_start3A_599 = tpu.memref_slice %arg13[%dma_start3A_596, %dma_start3A_597, %dma_start3A_598] : memref<2x200x64xf32, #tpu.memory_space<vmem>> -> memref<1x40x64xf32, #tpu.memory_space<vmem>>
        %dma_start3A_600 = tpu.memref_squeeze %dma_start3A_599 : memref<1x40x64xf32, #tpu.memory_space<vmem>> -> memref<40x64xf32, #tpu.memory_space<vmem>>
        %dma_start3A_601 = arith.constant 80 : i32
        %dma_start3A_602 = tpu.memref_slice %arg9[%dma_start3A_595, %dma_start3A_601] : memref<2x200xi32, #tpu.memory_space<vmem>> -> memref<1x40xi32, #tpu.memory_space<vmem>>
        %dma_start3A_603 = tpu.memref_squeeze %dma_start3A_602 : memref<1x40xi32, #tpu.memory_space<vmem>> -> memref<40xi32, #tpu.memory_space<vmem>>
        %dma_start3A_604 = arith.constant 0 : i32
        %dma_start3A_605 = arith.constant 0 : i32
        %dma_start3A_606 = tpu.memref_slice %arg3[%dma_start3A_604, %dma_start3A_605] : memref<1000000x64xf32, #tpu.memory_space<hbm>> -> memref<1000000x64xf32, #tpu.memory_space<hbm>>
        tpu.enqueue_indirect_dma source(%dma_start3A_606 : memref<1000000x64xf32, #tpu.memory_space<hbm>>) target(%dma_start3A_600 : memref<40x64xf32, #tpu.memory_space<vmem>>) offsets(%dma_start3A_603 : memref<40xi32, #tpu.memory_space<vmem>>) semaphore(%arg21 : memref<!tpu.dma_semaphore, #tpu.memory_space<semaphore_mem>>)
        %dma_start3A_607 = arith.constant 0 : i32
        %dma_start3A_608 = arith.constant 0 : i32
        %dma_start3A_609 = arith.constant 120 : i32
        %dma_start3A_610 = arith.constant 0 : i32
        %dma_start3A_611 = tpu.memref_slice %arg13[%dma_start3A_608, %dma_start3A_609, %dma_start3A_610] : memref<2x200x64xf32, #tpu.memory_space<vmem>> -> memref<1x40x64xf32, #tpu.memory_space<vmem>>
        %dma_start3A_612 = tpu.memref_squeeze %dma_start3A_611 : memref<1x40x64xf32, #tpu.memory_space<vmem>> -> memref<40x64xf32, #tpu.memory_space<vmem>>
        %dma_start3A_613 = arith.constant 120 : i32
        %dma_start3A_614 = tpu.memref_slice %arg9[%dma_start3A_607, %dma_start3A_613] : memref<2x200xi32, #tpu.memory_space<vmem>> -> memref<1x40xi32, #tpu.memory_space<vmem>>
        %dma_start3A_615 = tpu.memref_squeeze %dma_start3A_614 : memref<1x40xi32, #tpu.memory_space<vmem>> -> memref<40xi32, #tpu.memory_space<vmem>>
        %dma_start3A_616 = arith.constant 0 : i32
        %dma_start3A_617 = arith.constant 0 : i32
        %dma_start3A_618 = tpu.memref_slice %arg3[%dma_start3A_616, %dma_start3A_617] : memref<1000000x64xf32, #tpu.memory_space<hbm>> -> memref<1000000x64xf32, #tpu.memory_space<hbm>>
        tpu.enqueue_indirect_dma source(%dma_start3A_618 : memref<1000000x64xf32, #tpu.memory_space<hbm>>) target(%dma_start3A_612 : memref<40x64xf32, #tpu.memory_space<vmem>>) offsets(%dma_start3A_615 : memref<40xi32, #tpu.memory_space<vmem>>) semaphore(%arg21 : memref<!tpu.dma_semaphore, #tpu.memory_space<semaphore_mem>>)
        %dma_start3A_619 = arith.constant 0 : i32
        %dma_start3A_620 = arith.constant 0 : i32
        %dma_start3A_621 = arith.constant 160 : i32
        %dma_start3A_622 = arith.constant 0 : i32
        %dma_start3A_623 = tpu.memref_slice %arg13[%dma_start3A_620, %dma_start3A_621, %dma_start3A_622] : memref<2x200x64xf32, #tpu.memory_space<vmem>> -> memref<1x40x64xf32, #tpu.memory_space<vmem>>
        %dma_start3A_624 = tpu.memref_squeeze %dma_start3A_623 : memref<1x40x64xf32, #tpu.memory_space<vmem>> -> memref<40x64xf32, #tpu.memory_space<vmem>>
        %dma_start3A_625 = arith.constant 160 : i32
        %dma_start3A_626 = tpu.memref_slice %arg9[%dma_start3A_619, %dma_start3A_625] : memref<2x200xi32, #tpu.memory_space<vmem>> -> memref<1x40xi32, #tpu.memory_space<vmem>>
        %dma_start3A_627 = tpu.memref_squeeze %dma_start3A_626 : memref<1x40xi32, #tpu.memory_space<vmem>> -> memref<40xi32, #tpu.memory_space<vmem>>
        %dma_start3A_628 = arith.constant 0 : i32
        %dma_start3A_629 = arith.constant 0 : i32
        %dma_start3A_630 = tpu.memref_slice %arg3[%dma_start3A_628, %dma_start3A_629] : memref<1000000x64xf32, #tpu.memory_space<hbm>> -> memref<1000000x64xf32, #tpu.memory_space<hbm>>
        tpu.enqueue_indirect_dma source(%dma_start3A_630 : memref<1000000x64xf32, #tpu.memory_space<hbm>>) target(%dma_start3A_624 : memref<40x64xf32, #tpu.memory_space<vmem>>) offsets(%dma_start3A_627 : memref<40xi32, #tpu.memory_space<vmem>>) semaphore(%arg21 : memref<!tpu.dma_semaphore, #tpu.memory_space<semaphore_mem>>)
        %dma_start3A_631 = arith.constant 1 : i32
        %dma_start3A_632 = arith.constant 1 : i32
        %dma_start3A_633 = arith.constant 0 : i32
        %dma_start3A_634 = arith.constant 0 : i32
        %dma_start3A_635 = tpu.memref_slice %arg13[%dma_start3A_632, %dma_start3A_633, %dma_start3A_634] : memref<2x200x64xf32, #tpu.memory_space<vmem>> -> memref<1x40x64xf32, #tpu.memory_space<vmem>>
        %dma_start3A_636 = tpu.memref_squeeze %dma_start3A_635 : memref<1x40x64xf32, #tpu.memory_space<vmem>> -> memref<40x64xf32, #tpu.memory_space<vmem>>
        %dma_start3A_637 = arith.constant 0 : i32
        %dma_start3A_638 = tpu.memref_slice %arg9[%dma_start3A_631, %dma_start3A_637] : memref<2x200xi32, #tpu.memory_space<vmem>> -> memref<1x40xi32, #tpu.memory_space<vmem>>
        %dma_start3A_639 = tpu.memref_squeeze %dma_start3A_638 : memref<1x40xi32, #tpu.memory_space<vmem>> -> memref<40xi32, #tpu.memory_space<vmem>>
        %dma_start3A_640 = arith.constant 0 : i32
        %dma_start3A_641 = arith.constant 0 : i32
        %dma_start3A_642 = tpu.memref_slice %arg3[%dma_start3A_640, %dma_start3A_641] : memref<1000000x64xf32, #tpu.memory_space<hbm>> -> memref<1000000x64xf32, #tpu.memory_space<hbm>>
        tpu.enqueue_indirect_dma source(%dma_start3A_642 : memref<1000000x64xf32, #tpu.memory_space<hbm>>) target(%dma_start3A_636 : memref<40x64xf32, #tpu.memory_space<vmem>>) offsets(%dma_start3A_639 : memref<40xi32, #tpu.memory_space<vmem>>) semaphore(%arg21 : memref<!tpu.dma_semaphore, #tpu.memory_space<semaphore_mem>>)
        %dma_start3A_643 = arith.constant 1 : i32
        %dma_start3A_644 = arith.constant 1 : i32
        %dma_start3A_645 = arith.constant 40 : i32
        %dma_start3A_646 = arith.constant 0 : i32
        %dma_start3A_647 = tpu.memref_slice %arg13[%dma_start3A_644, %dma_start3A_645, %dma_start3A_646] : memref<2x200x64xf32, #tpu.memory_space<vmem>> -> memref<1x40x64xf32, #tpu.memory_space<vmem>>
        %dma_start3A_648 = tpu.memref_squeeze %dma_start3A_647 : memref<1x40x64xf32, #tpu.memory_space<vmem>> -> memref<40x64xf32, #tpu.memory_space<vmem>>
        %dma_start3A_649 = arith.constant 40 : i32
        %dma_start3A_650 = tpu.memref_slice %arg9[%dma_start3A_643, %dma_start3A_649] : memref<2x200xi32, #tpu.memory_space<vmem>> -> memref<1x40xi32, #tpu.memory_space<vmem>>
        %dma_start3A_651 = tpu.memref_squeeze %dma_start3A_650 : memref<1x40xi32, #tpu.memory_space<vmem>> -> memref<40xi32, #tpu.memory_space<vmem>>
        %dma_start3A_652 = arith.constant 0 : i32
        %dma_start3A_653 = arith.constant 0 : i32
        %dma_start3A_654 = tpu.memref_slice %arg3[%dma_start3A_652, %dma_start3A_653] : memref<1000000x64xf32, #tpu.memory_space<hbm>> -> memref<1000000x64xf32, #tpu.memory_space<hbm>>
        tpu.enqueue_indirect_dma source(%dma_start3A_654 : memref<1000000x64xf32, #tpu.memory_space<hbm>>) target(%dma_start3A_648 : memref<40x64xf32, #tpu.memory_space<vmem>>) offsets(%dma_start3A_651 : memref<40xi32, #tpu.memory_space<vmem>>) semaphore(%arg21 : memref<!tpu.dma_semaphore, #tpu.memory_space<semaphore_mem>>)
        %dma_start3A_655 = arith.constant 1 : i32
        %dma_start3A_656 = arith.constant 1 : i32
        %dma_start3A_657 = arith.constant 80 : i32
        %dma_start3A_658 = arith.constant 0 : i32
        %dma_start3A_659 = tpu.memref_slice %arg13[%dma_start3A_656, %dma_start3A_657, %dma_start3A_658] : memref<2x200x64xf32, #tpu.memory_space<vmem>> -> memref<1x40x64xf32, #tpu.memory_space<vmem>>
        %dma_start3A_660 = tpu.memref_squeeze %dma_start3A_659 : memref<1x40x64xf32, #tpu.memory_space<vmem>> -> memref<40x64xf32, #tpu.memory_space<vmem>>
        %dma_start3A_661 = arith.constant 80 : i32
        %dma_start3A_662 = tpu.memref_slice %arg9[%dma_start3A_655, %dma_start3A_661] : memref<2x200xi32, #tpu.memory_space<vmem>> -> memref<1x40xi32, #tpu.memory_space<vmem>>
        %dma_start3A_663 = tpu.memref_squeeze %dma_start3A_662 : memref<1x40xi32, #tpu.memory_space<vmem>> -> memref<40xi32, #tpu.memory_space<vmem>>
        %dma_start3A_664 = arith.constant 0 : i32
        %dma_start3A_665 = arith.constant 0 : i32
        %dma_start3A_666 = tpu.memref_slice %arg3[%dma_start3A_664, %dma_start3A_665] : memref<1000000x64xf32, #tpu.memory_space<hbm>> -> memref<1000000x64xf32, #tpu.memory_space<hbm>>
        tpu.enqueue_indirect_dma source(%dma_start3A_666 : memref<1000000x64xf32, #tpu.memory_space<hbm>>) target(%dma_start3A_660 : memref<40x64xf32, #tpu.memory_space<vmem>>) offsets(%dma_start3A_663 : memref<40xi32, #tpu.memory_space<vmem>>) semaphore(%arg21 : memref<!tpu.dma_semaphore, #tpu.memory_space<semaphore_mem>>)
        %dma_start3A_667 = arith.constant 1 : i32
        %dma_start3A_668 = arith.constant 1 : i32
        %dma_start3A_669 = arith.constant 120 : i32
        %dma_start3A_670 = arith.constant 0 : i32
        %dma_start3A_671 = tpu.memref_slice %arg13[%dma_start3A_668, %dma_start3A_669, %dma_start3A_670] : memref<2x200x64xf32, #tpu.memory_space<vmem>> -> memref<1x40x64xf32, #tpu.memory_space<vmem>>
        %dma_start3A_672 = tpu.memref_squeeze %dma_start3A_671 : memref<1x40x64xf32, #tpu.memory_space<vmem>> -> memref<40x64xf32, #tpu.memory_space<vmem>>
        %dma_start3A_673 = arith.constant 120 : i32
        %dma_start3A_674 = tpu.memref_slice %arg9[%dma_start3A_667, %dma_start3A_673] : memref<2x200xi32, #tpu.memory_space<vmem>> -> memref<1x40xi32, #tpu.memory_space<vmem>>
        %dma_start3A_675 = tpu.memref_squeeze %dma_start3A_674 : memref<1x40xi32, #tpu.memory_space<vmem>> -> memref<40xi32, #tpu.memory_space<vmem>>
        %dma_start3A_676 = arith.constant 0 : i32
        %dma_start3A_677 = arith.constant 0 : i32
        %dma_start3A_678 = tpu.memref_slice %arg3[%dma_start3A_676, %dma_start3A_677] : memref<1000000x64xf32, #tpu.memory_space<hbm>> -> memref<1000000x64xf32, #tpu.memory_space<hbm>>
        tpu.enqueue_indirect_dma source(%dma_start3A_678 : memref<1000000x64xf32, #tpu.memory_space<hbm>>) target(%dma_start3A_672 : memref<40x64xf32, #tpu.memory_space<vmem>>) offsets(%dma_start3A_675 : memref<40xi32, #tpu.memory_space<vmem>>) semaphore(%arg21 : memref<!tpu.dma_semaphore, #tpu.memory_space<semaphore_mem>>)
        %dma_start3A_679 = arith.constant 1 : i32
        %dma_start3A_680 = arith.constant 1 : i32
        %dma_start3A_681 = arith.constant 160 : i32
        %dma_start3A_682 = arith.constant 0 : i32
        %dma_start3A_683 = tpu.memref_slice %arg13[%dma_start3A_680, %dma_start3A_681, %dma_start3A_682] : memref<2x200x64xf32, #tpu.memory_space<vmem>> -> memref<1x40x64xf32, #tpu.memory_space<vmem>>
        %dma_start3A_684 = tpu.memref_squeeze %dma_start3A_683 : memref<1x40x64xf32, #tpu.memory_space<vmem>> -> memref<40x64xf32, #tpu.memory_space<vmem>>
        %dma_start3A_685 = arith.constant 160 : i32
        %dma_start3A_686 = tpu.memref_slice %arg9[%dma_start3A_679, %dma_start3A_685] : memref<2x200xi32, #tpu.memory_space<vmem>> -> memref<1x40xi32, #tpu.memory_space<vmem>>
        %dma_start3A_687 = tpu.memref_squeeze %dma_start3A_686 : memref<1x40xi32, #tpu.memory_space<vmem>> -> memref<40xi32, #tpu.memory_space<vmem>>
        %dma_start3A_688 = arith.constant 0 : i32
        %dma_start3A_689 = arith.constant 0 : i32
        %dma_start3A_690 = tpu.memref_slice %arg3[%dma_start3A_688, %dma_start3A_689] : memref<1000000x64xf32, #tpu.memory_space<hbm>> -> memref<1000000x64xf32, #tpu.memory_space<hbm>>
        tpu.enqueue_indirect_dma source(%dma_start3A_690 : memref<1000000x64xf32, #tpu.memory_space<hbm>>) target(%dma_start3A_684 : memref<40x64xf32, #tpu.memory_space<vmem>>) offsets(%dma_start3A_687 : memref<40xi32, #tpu.memory_space<vmem>>) semaphore(%arg21 : memref<!tpu.dma_semaphore, #tpu.memory_space<semaphore_mem>>)
      } else {
      }
      %sub3A_502 = arith.constant 2 : i32
      %sub3A_503 = arith.subi %add3A_486, %sub3A_502 : i32
      %ge3A_504 = arith.constant 0 : i32
      %ge3A_505 = arith.cmpi sge, %sub3A_503, %ge3A_504 : i32
      %lt3A_506 = arith.constant 64 : i32
      %lt3A_507 = arith.cmpi slt, %sub3A_503, %lt3A_506 : i32
      %and3A_508 = arith.andi %ge3A_505, %lt3A_507 : i1
      %convert_element_type3A_509 = arith.extui %and3A_508 : i1 to i32
      %cond3A_510 = arith.constant 0 : i32
      %cond3A_511 = arith.cmpi ne, %convert_element_type3A_509, %cond3A_510 : i32
      scf.if %cond3A_511 {
        %dma_wait3A_561 = arith.constant 0 : i32
        %dma_wait3A_562 = arith.constant 0 : i32
        %dma_wait3A_563 = arith.constant 0 : i32
        %dma_wait3A_564 = tpu.memref_slice %arg12[%dma_wait3A_561, %dma_wait3A_562, %dma_wait3A_563] : memref<2x200x64xf32, #tpu.memory_space<vmem>> -> memref<1x40x64xf32, #tpu.memory_space<vmem>>
        %dma_wait3A_565 = tpu.memref_squeeze %dma_wait3A_564 : memref<1x40x64xf32, #tpu.memory_space<vmem>> -> memref<40x64xf32, #tpu.memory_space<vmem>>
        %dma_wait3A_566 = arith.constant 0 : i32
        %dma_wait3A_567 = arith.constant 0 : i32
        %dma_wait3A_568 = tpu.memref_slice %arg3[%dma_wait3A_566, %dma_wait3A_567] : memref<1000000x64xf32, #tpu.memory_space<hbm>> -> memref<40x64xf32, #tpu.memory_space<hbm>>
        %dma_wait3A_569 = arith.constant 0 : i32
        %dma_wait3A_570 = arith.constant 0 : i32
        %dma_wait3A_571 = tpu.memref_slice %arg12[%dma_wait3A_561, %dma_wait3A_569, %dma_wait3A_570] : memref<2x200x64xf32, #tpu.memory_space<vmem>> -> memref<1x40x64xf32, #tpu.memory_space<vmem>>
        %dma_wait3A_572 = tpu.memref_squeeze %dma_wait3A_571 : memref<1x40x64xf32, #tpu.memory_space<vmem>> -> memref<40x64xf32, #tpu.memory_space<vmem>>
        %dma_wait3A_573 = arith.constant 0 : i32
        %dma_wait3A_574 = arith.constant 0 : i32
        %dma_wait3A_575 = tpu.memref_slice %arg3[%dma_wait3A_573, %dma_wait3A_574] : memref<1000000x64xf32, #tpu.memory_space<hbm>> -> memref<40x64xf32, #tpu.memory_space<hbm>>
        tpu.wait_dma2 semaphore(%arg20 : memref<!tpu.dma_semaphore, #tpu.memory_space<semaphore_mem>>) src(%dma_wait3A_575 : memref<40x64xf32, #tpu.memory_space<hbm>>) dst(%dma_wait3A_572 : memref<40x64xf32, #tpu.memory_space<vmem>>)
        %dma_wait3A_576 = arith.constant 0 : i32
        %dma_wait3A_577 = arith.constant 40 : i32
        %dma_wait3A_578 = arith.constant 0 : i32
        %dma_wait3A_579 = tpu.memref_slice %arg12[%dma_wait3A_576, %dma_wait3A_577, %dma_wait3A_578] : memref<2x200x64xf32, #tpu.memory_space<vmem>> -> memref<1x40x64xf32, #tpu.memory_space<vmem>>
        %dma_wait3A_580 = tpu.memref_squeeze %dma_wait3A_579 : memref<1x40x64xf32, #tpu.memory_space<vmem>> -> memref<40x64xf32, #tpu.memory_space<vmem>>
        %dma_wait3A_581 = arith.constant 0 : i32
        %dma_wait3A_582 = arith.constant 0 : i32
        %dma_wait3A_583 = tpu.memref_slice %arg3[%dma_wait3A_581, %dma_wait3A_582] : memref<1000000x64xf32, #tpu.memory_space<hbm>> -> memref<40x64xf32, #tpu.memory_space<hbm>>
        %dma_wait3A_584 = arith.constant 40 : i32
        %dma_wait3A_585 = arith.constant 0 : i32
        %dma_wait3A_586 = tpu.memref_slice %arg12[%dma_wait3A_576, %dma_wait3A_584, %dma_wait3A_585] : memref<2x200x64xf32, #tpu.memory_space<vmem>> -> memref<1x40x64xf32, #tpu.memory_space<vmem>>
        %dma_wait3A_587 = tpu.memref_squeeze %dma_wait3A_586 : memref<1x40x64xf32, #tpu.memory_space<vmem>> -> memref<40x64xf32, #tpu.memory_space<vmem>>
        %dma_wait3A_588 = arith.constant 0 : i32
        %dma_wait3A_589 = arith.constant 0 : i32
        %dma_wait3A_590 = tpu.memref_slice %arg3[%dma_wait3A_588, %dma_wait3A_589] : memref<1000000x64xf32, #tpu.memory_space<hbm>> -> memref<40x64xf32, #tpu.memory_space<hbm>>
        tpu.wait_dma2 semaphore(%arg20 : memref<!tpu.dma_semaphore, #tpu.memory_space<semaphore_mem>>) src(%dma_wait3A_590 : memref<40x64xf32, #tpu.memory_space<hbm>>) dst(%dma_wait3A_587 : memref<40x64xf32, #tpu.memory_space<vmem>>)
        %dma_wait3A_591 = arith.constant 0 : i32
        %dma_wait3A_592 = arith.constant 80 : i32
        %dma_wait3A_593 = arith.constant 0 : i32
        %dma_wait3A_594 = tpu.memref_slice %arg12[%dma_wait3A_591, %dma_wait3A_592, %dma_wait3A_593] : memref<2x200x64xf32, #tpu.memory_space<vmem>> -> memref<1x40x64xf32, #tpu.memory_space<vmem>>
        %dma_wait3A_595 = tpu.memref_squeeze %dma_wait3A_594 : memref<1x40x64xf32, #tpu.memory_space<vmem>> -> memref<40x64xf32, #tpu.memory_space<vmem>>
        %dma_wait3A_596 = arith.constant 0 : i32
        %dma_wait3A_597 = arith.constant 0 : i32
        %dma_wait3A_598 = tpu.memref_slice %arg3[%dma_wait3A_596, %dma_wait3A_597] : memref<1000000x64xf32, #tpu.memory_space<hbm>> -> memref<40x64xf32, #tpu.memory_space<hbm>>
        %dma_wait3A_599 = arith.constant 80 : i32
        %dma_wait3A_600 = arith.constant 0 : i32
        %dma_wait3A_601 = tpu.memref_slice %arg12[%dma_wait3A_591, %dma_wait3A_599, %dma_wait3A_600] : memref<2x200x64xf32, #tpu.memory_space<vmem>> -> memref<1x40x64xf32, #tpu.memory_space<vmem>>
        %dma_wait3A_602 = tpu.memref_squeeze %dma_wait3A_601 : memref<1x40x64xf32, #tpu.memory_space<vmem>> -> memref<40x64xf32, #tpu.memory_space<vmem>>
        %dma_wait3A_603 = arith.constant 0 : i32
        %dma_wait3A_604 = arith.constant 0 : i32
        %dma_wait3A_605 = tpu.memref_slice %arg3[%dma_wait3A_603, %dma_wait3A_604] : memref<1000000x64xf32, #tpu.memory_space<hbm>> -> memref<40x64xf32, #tpu.memory_space<hbm>>
        tpu.wait_dma2 semaphore(%arg20 : memref<!tpu.dma_semaphore, #tpu.memory_space<semaphore_mem>>) src(%dma_wait3A_605 : memref<40x64xf32, #tpu.memory_space<hbm>>) dst(%dma_wait3A_602 : memref<40x64xf32, #tpu.memory_space<vmem>>)
        %dma_wait3A_606 = arith.constant 0 : i32
        %dma_wait3A_607 = arith.constant 120 : i32
        %dma_wait3A_608 = arith.constant 0 : i32
        %dma_wait3A_609 = tpu.memref_slice %arg12[%dma_wait3A_606, %dma_wait3A_607, %dma_wait3A_608] : memref<2x200x64xf32, #tpu.memory_space<vmem>> -> memref<1x40x64xf32, #tpu.memory_space<vmem>>
        %dma_wait3A_610 = tpu.memref_squeeze %dma_wait3A_609 : memref<1x40x64xf32, #tpu.memory_space<vmem>> -> memref<40x64xf32, #tpu.memory_space<vmem>>
        %dma_wait3A_611 = arith.constant 0 : i32
        %dma_wait3A_612 = arith.constant 0 : i32
        %dma_wait3A_613 = tpu.memref_slice %arg3[%dma_wait3A_611, %dma_wait3A_612] : memref<1000000x64xf32, #tpu.memory_space<hbm>> -> memref<40x64xf32, #tpu.memory_space<hbm>>
        %dma_wait3A_614 = arith.constant 120 : i32
        %dma_wait3A_615 = arith.constant 0 : i32
        %dma_wait3A_616 = tpu.memref_slice %arg12[%dma_wait3A_606, %dma_wait3A_614, %dma_wait3A_615] : memref<2x200x64xf32, #tpu.memory_space<vmem>> -> memref<1x40x64xf32, #tpu.memory_space<vmem>>
        %dma_wait3A_617 = tpu.memref_squeeze %dma_wait3A_616 : memref<1x40x64xf32, #tpu.memory_space<vmem>> -> memref<40x64xf32, #tpu.memory_space<vmem>>
        %dma_wait3A_618 = arith.constant 0 : i32
        %dma_wait3A_619 = arith.constant 0 : i32
        %dma_wait3A_620 = tpu.memref_slice %arg3[%dma_wait3A_618, %dma_wait3A_619] : memref<1000000x64xf32, #tpu.memory_space<hbm>> -> memref<40x64xf32, #tpu.memory_space<hbm>>
        tpu.wait_dma2 semaphore(%arg20 : memref<!tpu.dma_semaphore, #tpu.memory_space<semaphore_mem>>) src(%dma_wait3A_620 : memref<40x64xf32, #tpu.memory_space<hbm>>) dst(%dma_wait3A_617 : memref<40x64xf32, #tpu.memory_space<vmem>>)
        %dma_wait3A_621 = arith.constant 0 : i32
        %dma_wait3A_622 = arith.constant 160 : i32
        %dma_wait3A_623 = arith.constant 0 : i32
        %dma_wait3A_624 = tpu.memref_slice %arg12[%dma_wait3A_621, %dma_wait3A_622, %dma_wait3A_623] : memref<2x200x64xf32, #tpu.memory_space<vmem>> -> memref<1x40x64xf32, #tpu.memory_space<vmem>>
        %dma_wait3A_625 = tpu.memref_squeeze %dma_wait3A_624 : memref<1x40x64xf32, #tpu.memory_space<vmem>> -> memref<40x64xf32, #tpu.memory_space<vmem>>
        %dma_wait3A_626 = arith.constant 0 : i32
        %dma_wait3A_627 = arith.constant 0 : i32
        %dma_wait3A_628 = tpu.memref_slice %arg3[%dma_wait3A_626, %dma_wait3A_627] : memref<1000000x64xf32, #tpu.memory_space<hbm>> -> memref<40x64xf32, #tpu.memory_space<hbm>>
        %dma_wait3A_629 = arith.constant 160 : i32
        %dma_wait3A_630 = arith.constant 0 : i32
        %dma_wait3A_631 = tpu.memref_slice %arg12[%dma_wait3A_621, %dma_wait3A_629, %dma_wait3A_630] : memref<2x200x64xf32, #tpu.memory_space<vmem>> -> memref<1x40x64xf32, #tpu.memory_space<vmem>>
        %dma_wait3A_632 = tpu.memref_squeeze %dma_wait3A_631 : memref<1x40x64xf32, #tpu.memory_space<vmem>> -> memref<40x64xf32, #tpu.memory_space<vmem>>
        %dma_wait3A_633 = arith.constant 0 : i32
        %dma_wait3A_634 = arith.constant 0 : i32
        %dma_wait3A_635 = tpu.memref_slice %arg3[%dma_wait3A_633, %dma_wait3A_634] : memref<1000000x64xf32, #tpu.memory_space<hbm>> -> memref<40x64xf32, #tpu.memory_space<hbm>>
        tpu.wait_dma2 semaphore(%arg20 : memref<!tpu.dma_semaphore, #tpu.memory_space<semaphore_mem>>) src(%dma_wait3A_635 : memref<40x64xf32, #tpu.memory_space<hbm>>) dst(%dma_wait3A_632 : memref<40x64xf32, #tpu.memory_space<vmem>>)
        %dma_wait3A_636 = arith.constant 1 : i32
        %dma_wait3A_637 = arith.constant 0 : i32
        %dma_wait3A_638 = arith.constant 0 : i32
        %dma_wait3A_639 = tpu.memref_slice %arg12[%dma_wait3A_636, %dma_wait3A_637, %dma_wait3A_638] : memref<2x200x64xf32, #tpu.memory_space<vmem>> -> memref<1x40x64xf32, #tpu.memory_space<vmem>>
        %dma_wait3A_640 = tpu.memref_squeeze %dma_wait3A_639 : memref<1x40x64xf32, #tpu.memory_space<vmem>> -> memref<40x64xf32, #tpu.memory_space<vmem>>
        %dma_wait3A_641 = arith.constant 0 : i32
        %dma_wait3A_642 = arith.constant 0 : i32
        %dma_wait3A_643 = tpu.memref_slice %arg3[%dma_wait3A_641, %dma_wait3A_642] : memref<1000000x64xf32, #tpu.memory_space<hbm>> -> memref<40x64xf32, #tpu.memory_space<hbm>>
        %dma_wait3A_644 = arith.constant 0 : i32
        %dma_wait3A_645 = arith.constant 0 : i32
        %dma_wait3A_646 = tpu.memref_slice %arg12[%dma_wait3A_636, %dma_wait3A_644, %dma_wait3A_645] : memref<2x200x64xf32, #tpu.memory_space<vmem>> -> memref<1x40x64xf32, #tpu.memory_space<vmem>>
        %dma_wait3A_647 = tpu.memref_squeeze %dma_wait3A_646 : memref<1x40x64xf32, #tpu.memory_space<vmem>> -> memref<40x64xf32, #tpu.memory_space<vmem>>
        %dma_wait3A_648 = arith.constant 0 : i32
        %dma_wait3A_649 = arith.constant 0 : i32
        %dma_wait3A_650 = tpu.memref_slice %arg3[%dma_wait3A_648, %dma_wait3A_649] : memref<1000000x64xf32, #tpu.memory_space<hbm>> -> memref<40x64xf32, #tpu.memory_space<hbm>>
        tpu.wait_dma2 semaphore(%arg20 : memref<!tpu.dma_semaphore, #tpu.memory_space<semaphore_mem>>) src(%dma_wait3A_650 : memref<40x64xf32, #tpu.memory_space<hbm>>) dst(%dma_wait3A_647 : memref<40x64xf32, #tpu.memory_space<vmem>>)
        %dma_wait3A_651 = arith.constant 1 : i32
        %dma_wait3A_652 = arith.constant 40 : i32
        %dma_wait3A_653 = arith.constant 0 : i32
        %dma_wait3A_654 = tpu.memref_slice %arg12[%dma_wait3A_651, %dma_wait3A_652, %dma_wait3A_653] : memref<2x200x64xf32, #tpu.memory_space<vmem>> -> memref<1x40x64xf32, #tpu.memory_space<vmem>>
        %dma_wait3A_655 = tpu.memref_squeeze %dma_wait3A_654 : memref<1x40x64xf32, #tpu.memory_space<vmem>> -> memref<40x64xf32, #tpu.memory_space<vmem>>
        %dma_wait3A_656 = arith.constant 0 : i32
        %dma_wait3A_657 = arith.constant 0 : i32
        %dma_wait3A_658 = tpu.memref_slice %arg3[%dma_wait3A_656, %dma_wait3A_657] : memref<1000000x64xf32, #tpu.memory_space<hbm>> -> memref<40x64xf32, #tpu.memory_space<hbm>>
        %dma_wait3A_659 = arith.constant 40 : i32
        %dma_wait3A_660 = arith.constant 0 : i32
        %dma_wait3A_661 = tpu.memref_slice %arg12[%dma_wait3A_651, %dma_wait3A_659, %dma_wait3A_660] : memref<2x200x64xf32, #tpu.memory_space<vmem>> -> memref<1x40x64xf32, #tpu.memory_space<vmem>>
        %dma_wait3A_662 = tpu.memref_squeeze %dma_wait3A_661 : memref<1x40x64xf32, #tpu.memory_space<vmem>> -> memref<40x64xf32, #tpu.memory_space<vmem>>
        %dma_wait3A_663 = arith.constant 0 : i32
        %dma_wait3A_664 = arith.constant 0 : i32
        %dma_wait3A_665 = tpu.memref_slice %arg3[%dma_wait3A_663, %dma_wait3A_664] : memref<1000000x64xf32, #tpu.memory_space<hbm>> -> memref<40x64xf32, #tpu.memory_space<hbm>>
        tpu.wait_dma2 semaphore(%arg20 : memref<!tpu.dma_semaphore, #tpu.memory_space<semaphore_mem>>) src(%dma_wait3A_665 : memref<40x64xf32, #tpu.memory_space<hbm>>) dst(%dma_wait3A_662 : memref<40x64xf32, #tpu.memory_space<vmem>>)
        %dma_wait3A_666 = arith.constant 1 : i32
        %dma_wait3A_667 = arith.constant 80 : i32
        %dma_wait3A_668 = arith.constant 0 : i32
        %dma_wait3A_669 = tpu.memref_slice %arg12[%dma_wait3A_666, %dma_wait3A_667, %dma_wait3A_668] : memref<2x200x64xf32, #tpu.memory_space<vmem>> -> memref<1x40x64xf32, #tpu.memory_space<vmem>>
        %dma_wait3A_670 = tpu.memref_squeeze %dma_wait3A_669 : memref<1x40x64xf32, #tpu.memory_space<vmem>> -> memref<40x64xf32, #tpu.memory_space<vmem>>
        %dma_wait3A_671 = arith.constant 0 : i32
        %dma_wait3A_672 = arith.constant 0 : i32
        %dma_wait3A_673 = tpu.memref_slice %arg3[%dma_wait3A_671, %dma_wait3A_672] : memref<1000000x64xf32, #tpu.memory_space<hbm>> -> memref<40x64xf32, #tpu.memory_space<hbm>>
        %dma_wait3A_674 = arith.constant 80 : i32
        %dma_wait3A_675 = arith.constant 0 : i32
        %dma_wait3A_676 = tpu.memref_slice %arg12[%dma_wait3A_666, %dma_wait3A_674, %dma_wait3A_675] : memref<2x200x64xf32, #tpu.memory_space<vmem>> -> memref<1x40x64xf32, #tpu.memory_space<vmem>>
        %dma_wait3A_677 = tpu.memref_squeeze %dma_wait3A_676 : memref<1x40x64xf32, #tpu.memory_space<vmem>> -> memref<40x64xf32, #tpu.memory_space<vmem>>
        %dma_wait3A_678 = arith.constant 0 : i32
        %dma_wait3A_679 = arith.constant 0 : i32
        %dma_wait3A_680 = tpu.memref_slice %arg3[%dma_wait3A_678, %dma_wait3A_679] : memref<1000000x64xf32, #tpu.memory_space<hbm>> -> memref<40x64xf32, #tpu.memory_space<hbm>>
        tpu.wait_dma2 semaphore(%arg20 : memref<!tpu.dma_semaphore, #tpu.memory_space<semaphore_mem>>) src(%dma_wait3A_680 : memref<40x64xf32, #tpu.memory_space<hbm>>) dst(%dma_wait3A_677 : memref<40x64xf32, #tpu.memory_space<vmem>>)
        %dma_wait3A_681 = arith.constant 1 : i32
        %dma_wait3A_682 = arith.constant 120 : i32
        %dma_wait3A_683 = arith.constant 0 : i32
        %dma_wait3A_684 = tpu.memref_slice %arg12[%dma_wait3A_681, %dma_wait3A_682, %dma_wait3A_683] : memref<2x200x64xf32, #tpu.memory_space<vmem>> -> memref<1x40x64xf32, #tpu.memory_space<vmem>>
        %dma_wait3A_685 = tpu.memref_squeeze %dma_wait3A_684 : memref<1x40x64xf32, #tpu.memory_space<vmem>> -> memref<40x64xf32, #tpu.memory_space<vmem>>
        %dma_wait3A_686 = arith.constant 0 : i32
        %dma_wait3A_687 = arith.constant 0 : i32
        %dma_wait3A_688 = tpu.memref_slice %arg3[%dma_wait3A_686, %dma_wait3A_687] : memref<1000000x64xf32, #tpu.memory_space<hbm>> -> memref<40x64xf32, #tpu.memory_space<hbm>>
        %dma_wait3A_689 = arith.constant 120 : i32
        %dma_wait3A_690 = arith.constant 0 : i32
        %dma_wait3A_691 = tpu.memref_slice %arg12[%dma_wait3A_681, %dma_wait3A_689, %dma_wait3A_690] : memref<2x200x64xf32, #tpu.memory_space<vmem>> -> memref<1x40x64xf32, #tpu.memory_space<vmem>>
        %dma_wait3A_692 = tpu.memref_squeeze %dma_wait3A_691 : memref<1x40x64xf32, #tpu.memory_space<vmem>> -> memref<40x64xf32, #tpu.memory_space<vmem>>
        %dma_wait3A_693 = arith.constant 0 : i32
        %dma_wait3A_694 = arith.constant 0 : i32
        %dma_wait3A_695 = tpu.memref_slice %arg3[%dma_wait3A_693, %dma_wait3A_694] : memref<1000000x64xf32, #tpu.memory_space<hbm>> -> memref<40x64xf32, #tpu.memory_space<hbm>>
        tpu.wait_dma2 semaphore(%arg20 : memref<!tpu.dma_semaphore, #tpu.memory_space<semaphore_mem>>) src(%dma_wait3A_695 : memref<40x64xf32, #tpu.memory_space<hbm>>) dst(%dma_wait3A_692 : memref<40x64xf32, #tpu.memory_space<vmem>>)
        %dma_wait3A_696 = arith.constant 1 : i32
        %dma_wait3A_697 = arith.constant 160 : i32
        %dma_wait3A_698 = arith.constant 0 : i32
        %dma_wait3A_699 = tpu.memref_slice %arg12[%dma_wait3A_696, %dma_wait3A_697, %dma_wait3A_698] : memref<2x200x64xf32, #tpu.memory_space<vmem>> -> memref<1x40x64xf32, #tpu.memory_space<vmem>>
        %dma_wait3A_700 = tpu.memref_squeeze %dma_wait3A_699 : memref<1x40x64xf32, #tpu.memory_space<vmem>> -> memref<40x64xf32, #tpu.memory_space<vmem>>
        %dma_wait3A_701 = arith.constant 0 : i32
        %dma_wait3A_702 = arith.constant 0 : i32
        %dma_wait3A_703 = tpu.memref_slice %arg3[%dma_wait3A_701, %dma_wait3A_702] : memref<1000000x64xf32, #tpu.memory_space<hbm>> -> memref<40x64xf32, #tpu.memory_space<hbm>>
        %dma_wait3A_704 = arith.constant 160 : i32
        %dma_wait3A_705 = arith.constant 0 : i32
        %dma_wait3A_706 = tpu.memref_slice %arg12[%dma_wait3A_696, %dma_wait3A_704, %dma_wait3A_705] : memref<2x200x64xf32, #tpu.memory_space<vmem>> -> memref<1x40x64xf32, #tpu.memory_space<vmem>>
        %dma_wait3A_707 = tpu.memref_squeeze %dma_wait3A_706 : memref<1x40x64xf32, #tpu.memory_space<vmem>> -> memref<40x64xf32, #tpu.memory_space<vmem>>
        %dma_wait3A_708 = arith.constant 0 : i32
        %dma_wait3A_709 = arith.constant 0 : i32
        %dma_wait3A_710 = tpu.memref_slice %arg3[%dma_wait3A_708, %dma_wait3A_709] : memref<1000000x64xf32, #tpu.memory_space<hbm>> -> memref<40x64xf32, #tpu.memory_space<hbm>>
        tpu.wait_dma2 semaphore(%arg20 : memref<!tpu.dma_semaphore, #tpu.memory_space<semaphore_mem>>) src(%dma_wait3A_710 : memref<40x64xf32, #tpu.memory_space<hbm>>) dst(%dma_wait3A_707 : memref<40x64xf32, #tpu.memory_space<vmem>>)
        %dma_start3A = arith.constant 0 : i32
        %dma_start3A_711 = arith.constant 0 : i32
        %dma_start3A_712 = arith.constant 0 : i32
        %dma_start3A_713 = tpu.memref_slice %arg12[%dma_start3A, %dma_start3A_711, %dma_start3A_712] : memref<2x200x64xf32, #tpu.memory_space<vmem>> -> memref<1x40x64xf32, #tpu.memory_space<vmem>>
        %dma_start3A_714 = tpu.memref_squeeze %dma_start3A_713 : memref<1x40x64xf32, #tpu.memory_space<vmem>> -> memref<40x64xf32, #tpu.memory_space<vmem>>
        %dma_start3A_715 = arith.constant 0 : i32
        %dma_start3A_716 = tpu.memref_slice %arg6[%dma_start3A_715] : memref<400xi32, #tpu.memory_space<vmem>> -> memref<40xi32, #tpu.memory_space<vmem>>
        %dma_start3A_717 = arith.constant 0 : i32
        %dma_start3A_718 = arith.constant 0 : i32
        %dma_start3A_719 = tpu.memref_slice %arg7[%dma_start3A_717, %dma_start3A_718] : memref<200x64xf32, #tpu.memory_space<vmem_shared>> -> memref<200x64xf32, #tpu.memory_space<vmem_shared>>
        tpu.enqueue_indirect_dma source(%dma_start3A_719 : memref<200x64xf32, #tpu.memory_space<vmem_shared>>) target(%dma_start3A_714 : memref<40x64xf32, #tpu.memory_space<vmem>>) offsets(%dma_start3A_716 : memref<40xi32, #tpu.memory_space<vmem>>) semaphore(%arg24 : memref<!tpu.dma_semaphore, #tpu.memory_space<semaphore_mem>>) {add = true}
        %dma_start3A_720 = arith.constant 0 : i32
        %dma_start3A_721 = arith.constant 40 : i32
        %dma_start3A_722 = arith.constant 0 : i32
        %dma_start3A_723 = tpu.memref_slice %arg12[%dma_start3A_720, %dma_start3A_721, %dma_start3A_722] : memref<2x200x64xf32, #tpu.memory_space<vmem>> -> memref<1x40x64xf32, #tpu.memory_space<vmem>>
        %dma_start3A_724 = tpu.memref_squeeze %dma_start3A_723 : memref<1x40x64xf32, #tpu.memory_space<vmem>> -> memref<40x64xf32, #tpu.memory_space<vmem>>
        %dma_start3A_725 = arith.constant 40 : i32
        %dma_start3A_726 = tpu.memref_slice %arg6[%dma_start3A_725] : memref<400xi32, #tpu.memory_space<vmem>> -> memref<40xi32, #tpu.memory_space<vmem>>
        %dma_start3A_727 = arith.constant 0 : i32
        %dma_start3A_728 = arith.constant 0 : i32
        %dma_start3A_729 = tpu.memref_slice %arg7[%dma_start3A_727, %dma_start3A_728] : memref<200x64xf32, #tpu.memory_space<vmem_shared>> -> memref<200x64xf32, #tpu.memory_space<vmem_shared>>
        tpu.enqueue_indirect_dma source(%dma_start3A_729 : memref<200x64xf32, #tpu.memory_space<vmem_shared>>) target(%dma_start3A_724 : memref<40x64xf32, #tpu.memory_space<vmem>>) offsets(%dma_start3A_726 : memref<40xi32, #tpu.memory_space<vmem>>) semaphore(%arg24 : memref<!tpu.dma_semaphore, #tpu.memory_space<semaphore_mem>>) {add = true}
        %dma_start3A_730 = arith.constant 0 : i32
        %dma_start3A_731 = arith.constant 80 : i32
        %dma_start3A_732 = arith.constant 0 : i32
        %dma_start3A_733 = tpu.memref_slice %arg12[%dma_start3A_730, %dma_start3A_731, %dma_start3A_732] : memref<2x200x64xf32, #tpu.memory_space<vmem>> -> memref<1x40x64xf32, #tpu.memory_space<vmem>>
        %dma_start3A_734 = tpu.memref_squeeze %dma_start3A_733 : memref<1x40x64xf32, #tpu.memory_space<vmem>> -> memref<40x64xf32, #tpu.memory_space<vmem>>
        %dma_start3A_735 = arith.constant 80 : i32
        %dma_start3A_736 = tpu.memref_slice %arg6[%dma_start3A_735] : memref<400xi32, #tpu.memory_space<vmem>> -> memref<40xi32, #tpu.memory_space<vmem>>
        %dma_start3A_737 = arith.constant 0 : i32
        %dma_start3A_738 = arith.constant 0 : i32
        %dma_start3A_739 = tpu.memref_slice %arg7[%dma_start3A_737, %dma_start3A_738] : memref<200x64xf32, #tpu.memory_space<vmem_shared>> -> memref<200x64xf32, #tpu.memory_space<vmem_shared>>
        tpu.enqueue_indirect_dma source(%dma_start3A_739 : memref<200x64xf32, #tpu.memory_space<vmem_shared>>) target(%dma_start3A_734 : memref<40x64xf32, #tpu.memory_space<vmem>>) offsets(%dma_start3A_736 : memref<40xi32, #tpu.memory_space<vmem>>) semaphore(%arg24 : memref<!tpu.dma_semaphore, #tpu.memory_space<semaphore_mem>>) {add = true}
        %dma_start3A_740 = arith.constant 0 : i32
        %dma_start3A_741 = arith.constant 120 : i32
        %dma_start3A_742 = arith.constant 0 : i32
        %dma_start3A_743 = tpu.memref_slice %arg12[%dma_start3A_740, %dma_start3A_741, %dma_start3A_742] : memref<2x200x64xf32, #tpu.memory_space<vmem>> -> memref<1x40x64xf32, #tpu.memory_space<vmem>>
        %dma_start3A_744 = tpu.memref_squeeze %dma_start3A_743 : memref<1x40x64xf32, #tpu.memory_space<vmem>> -> memref<40x64xf32, #tpu.memory_space<vmem>>
        %dma_start3A_745 = arith.constant 120 : i32
        %dma_start3A_746 = tpu.memref_slice %arg6[%dma_start3A_745] : memref<400xi32, #tpu.memory_space<vmem>> -> memref<40xi32, #tpu.memory_space<vmem>>
        %dma_start3A_747 = arith.constant 0 : i32
        %dma_start3A_748 = arith.constant 0 : i32
        %dma_start3A_749 = tpu.memref_slice %arg7[%dma_start3A_747, %dma_start3A_748] : memref<200x64xf32, #tpu.memory_space<vmem_shared>> -> memref<200x64xf32, #tpu.memory_space<vmem_shared>>
        tpu.enqueue_indirect_dma source(%dma_start3A_749 : memref<200x64xf32, #tpu.memory_space<vmem_shared>>) target(%dma_start3A_744 : memref<40x64xf32, #tpu.memory_space<vmem>>) offsets(%dma_start3A_746 : memref<40xi32, #tpu.memory_space<vmem>>) semaphore(%arg24 : memref<!tpu.dma_semaphore, #tpu.memory_space<semaphore_mem>>) {add = true}
        %dma_start3A_750 = arith.constant 0 : i32
        %dma_start3A_751 = arith.constant 160 : i32
        %dma_start3A_752 = arith.constant 0 : i32
        %dma_start3A_753 = tpu.memref_slice %arg12[%dma_start3A_750, %dma_start3A_751, %dma_start3A_752] : memref<2x200x64xf32, #tpu.memory_space<vmem>> -> memref<1x40x64xf32, #tpu.memory_space<vmem>>
        %dma_start3A_754 = tpu.memref_squeeze %dma_start3A_753 : memref<1x40x64xf32, #tpu.memory_space<vmem>> -> memref<40x64xf32, #tpu.memory_space<vmem>>
        %dma_start3A_755 = arith.constant 160 : i32
        %dma_start3A_756 = tpu.memref_slice %arg6[%dma_start3A_755] : memref<400xi32, #tpu.memory_space<vmem>> -> memref<40xi32, #tpu.memory_space<vmem>>
        %dma_start3A_757 = arith.constant 0 : i32
        %dma_start3A_758 = arith.constant 0 : i32
        %dma_start3A_759 = tpu.memref_slice %arg7[%dma_start3A_757, %dma_start3A_758] : memref<200x64xf32, #tpu.memory_space<vmem_shared>> -> memref<200x64xf32, #tpu.memory_space<vmem_shared>>
        tpu.enqueue_indirect_dma source(%dma_start3A_759 : memref<200x64xf32, #tpu.memory_space<vmem_shared>>) target(%dma_start3A_754 : memref<40x64xf32, #tpu.memory_space<vmem>>) offsets(%dma_start3A_756 : memref<40xi32, #tpu.memory_space<vmem>>) semaphore(%arg24 : memref<!tpu.dma_semaphore, #tpu.memory_space<semaphore_mem>>) {add = true}
        %dma_start3A_760 = arith.constant 1 : i32
        %dma_start3A_761 = arith.constant 0 : i32
        %dma_start3A_762 = arith.constant 0 : i32
        %dma_start3A_763 = tpu.memref_slice %arg12[%dma_start3A_760, %dma_start3A_761, %dma_start3A_762] : memref<2x200x64xf32, #tpu.memory_space<vmem>> -> memref<1x40x64xf32, #tpu.memory_space<vmem>>
        %dma_start3A_764 = tpu.memref_squeeze %dma_start3A_763 : memref<1x40x64xf32, #tpu.memory_space<vmem>> -> memref<40x64xf32, #tpu.memory_space<vmem>>
        %dma_start3A_765 = arith.constant 200 : i32
        %dma_start3A_766 = tpu.memref_slice %arg6[%dma_start3A_765] : memref<400xi32, #tpu.memory_space<vmem>> -> memref<40xi32, #tpu.memory_space<vmem>>
        %dma_start3A_767 = arith.constant 0 : i32
        %dma_start3A_768 = arith.constant 0 : i32
        %dma_start3A_769 = tpu.memref_slice %arg7[%dma_start3A_767, %dma_start3A_768] : memref<200x64xf32, #tpu.memory_space<vmem_shared>> -> memref<200x64xf32, #tpu.memory_space<vmem_shared>>
        tpu.enqueue_indirect_dma source(%dma_start3A_769 : memref<200x64xf32, #tpu.memory_space<vmem_shared>>) target(%dma_start3A_764 : memref<40x64xf32, #tpu.memory_space<vmem>>) offsets(%dma_start3A_766 : memref<40xi32, #tpu.memory_space<vmem>>) semaphore(%arg24 : memref<!tpu.dma_semaphore, #tpu.memory_space<semaphore_mem>>) {add = true}
        %dma_start3A_770 = arith.constant 1 : i32
        %dma_start3A_771 = arith.constant 40 : i32
        %dma_start3A_772 = arith.constant 0 : i32
        %dma_start3A_773 = tpu.memref_slice %arg12[%dma_start3A_770, %dma_start3A_771, %dma_start3A_772] : memref<2x200x64xf32, #tpu.memory_space<vmem>> -> memref<1x40x64xf32, #tpu.memory_space<vmem>>
        %dma_start3A_774 = tpu.memref_squeeze %dma_start3A_773 : memref<1x40x64xf32, #tpu.memory_space<vmem>> -> memref<40x64xf32, #tpu.memory_space<vmem>>
        %dma_start3A_775 = arith.constant 240 : i32
        %dma_start3A_776 = tpu.memref_slice %arg6[%dma_start3A_775] : memref<400xi32, #tpu.memory_space<vmem>> -> memref<40xi32, #tpu.memory_space<vmem>>
        %dma_start3A_777 = arith.constant 0 : i32
        %dma_start3A_778 = arith.constant 0 : i32
        %dma_start3A_779 = tpu.memref_slice %arg7[%dma_start3A_777, %dma_start3A_778] : memref<200x64xf32, #tpu.memory_space<vmem_shared>> -> memref<200x64xf32, #tpu.memory_space<vmem_shared>>
        tpu.enqueue_indirect_dma source(%dma_start3A_779 : memref<200x64xf32, #tpu.memory_space<vmem_shared>>) target(%dma_start3A_774 : memref<40x64xf32, #tpu.memory_space<vmem>>) offsets(%dma_start3A_776 : memref<40xi32, #tpu.memory_space<vmem>>) semaphore(%arg24 : memref<!tpu.dma_semaphore, #tpu.memory_space<semaphore_mem>>) {add = true}
        %dma_start3A_780 = arith.constant 1 : i32
        %dma_start3A_781 = arith.constant 80 : i32
        %dma_start3A_782 = arith.constant 0 : i32
        %dma_start3A_783 = tpu.memref_slice %arg12[%dma_start3A_780, %dma_start3A_781, %dma_start3A_782] : memref<2x200x64xf32, #tpu.memory_space<vmem>> -> memref<1x40x64xf32, #tpu.memory_space<vmem>>
        %dma_start3A_784 = tpu.memref_squeeze %dma_start3A_783 : memref<1x40x64xf32, #tpu.memory_space<vmem>> -> memref<40x64xf32, #tpu.memory_space<vmem>>
        %dma_start3A_785 = arith.constant 280 : i32
        %dma_start3A_786 = tpu.memref_slice %arg6[%dma_start3A_785] : memref<400xi32, #tpu.memory_space<vmem>> -> memref<40xi32, #tpu.memory_space<vmem>>
        %dma_start3A_787 = arith.constant 0 : i32
        %dma_start3A_788 = arith.constant 0 : i32
        %dma_start3A_789 = tpu.memref_slice %arg7[%dma_start3A_787, %dma_start3A_788] : memref<200x64xf32, #tpu.memory_space<vmem_shared>> -> memref<200x64xf32, #tpu.memory_space<vmem_shared>>
        tpu.enqueue_indirect_dma source(%dma_start3A_789 : memref<200x64xf32, #tpu.memory_space<vmem_shared>>) target(%dma_start3A_784 : memref<40x64xf32, #tpu.memory_space<vmem>>) offsets(%dma_start3A_786 : memref<40xi32, #tpu.memory_space<vmem>>) semaphore(%arg24 : memref<!tpu.dma_semaphore, #tpu.memory_space<semaphore_mem>>) {add = true}
        %dma_start3A_790 = arith.constant 1 : i32
        %dma_start3A_791 = arith.constant 120 : i32
        %dma_start3A_792 = arith.constant 0 : i32
        %dma_start3A_793 = tpu.memref_slice %arg12[%dma_start3A_790, %dma_start3A_791, %dma_start3A_792] : memref<2x200x64xf32, #tpu.memory_space<vmem>> -> memref<1x40x64xf32, #tpu.memory_space<vmem>>
        %dma_start3A_794 = tpu.memref_squeeze %dma_start3A_793 : memref<1x40x64xf32, #tpu.memory_space<vmem>> -> memref<40x64xf32, #tpu.memory_space<vmem>>
        %dma_start3A_795 = arith.constant 320 : i32
        %dma_start3A_796 = tpu.memref_slice %arg6[%dma_start3A_795] : memref<400xi32, #tpu.memory_space<vmem>> -> memref<40xi32, #tpu.memory_space<vmem>>
        %dma_start3A_797 = arith.constant 0 : i32
        %dma_start3A_798 = arith.constant 0 : i32
        %dma_start3A_799 = tpu.memref_slice %arg7[%dma_start3A_797, %dma_start3A_798] : memref<200x64xf32, #tpu.memory_space<vmem_shared>> -> memref<200x64xf32, #tpu.memory_space<vmem_shared>>
        tpu.enqueue_indirect_dma source(%dma_start3A_799 : memref<200x64xf32, #tpu.memory_space<vmem_shared>>) target(%dma_start3A_794 : memref<40x64xf32, #tpu.memory_space<vmem>>) offsets(%dma_start3A_796 : memref<40xi32, #tpu.memory_space<vmem>>) semaphore(%arg24 : memref<!tpu.dma_semaphore, #tpu.memory_space<semaphore_mem>>) {add = true}
        %dma_start3A_800 = arith.constant 1 : i32
        %dma_start3A_801 = arith.constant 160 : i32
        %dma_start3A_802 = arith.constant 0 : i32
        %dma_start3A_803 = tpu.memref_slice %arg12[%dma_start3A_800, %dma_start3A_801, %dma_start3A_802] : memref<2x200x64xf32, #tpu.memory_space<vmem>> -> memref<1x40x64xf32, #tpu.memory_space<vmem>>
        %dma_start3A_804 = tpu.memref_squeeze %dma_start3A_803 : memref<1x40x64xf32, #tpu.memory_space<vmem>> -> memref<40x64xf32, #tpu.memory_space<vmem>>
        %dma_start3A_805 = arith.constant 360 : i32
        %dma_start3A_806 = tpu.memref_slice %arg6[%dma_start3A_805] : memref<400xi32, #tpu.memory_space<vmem>> -> memref<40xi32, #tpu.memory_space<vmem>>
        %dma_start3A_807 = arith.constant 0 : i32
        %dma_start3A_808 = arith.constant 0 : i32
        %dma_start3A_809 = tpu.memref_slice %arg7[%dma_start3A_807, %dma_start3A_808] : memref<200x64xf32, #tpu.memory_space<vmem_shared>> -> memref<200x64xf32, #tpu.memory_space<vmem_shared>>
        tpu.enqueue_indirect_dma source(%dma_start3A_809 : memref<200x64xf32, #tpu.memory_space<vmem_shared>>) target(%dma_start3A_804 : memref<40x64xf32, #tpu.memory_space<vmem>>) offsets(%dma_start3A_806 : memref<40xi32, #tpu.memory_space<vmem>>) semaphore(%arg24 : memref<!tpu.dma_semaphore, #tpu.memory_space<semaphore_mem>>) {add = true}
      } else {
      }
      %sub3A_512 = arith.constant 3 : i32
      %sub3A_513 = arith.subi %add3A_486, %sub3A_512 : i32
      %ge3A_514 = arith.constant 0 : i32
      %ge3A_515 = arith.cmpi sge, %sub3A_513, %ge3A_514 : i32
      %lt3A_516 = arith.constant 64 : i32
      %lt3A_517 = arith.cmpi slt, %sub3A_513, %lt3A_516 : i32
      %and3A_518 = arith.andi %ge3A_515, %lt3A_517 : i1
      %convert_element_type3A_519 = arith.extui %and3A_518 : i1 to i32
      %cond3A_520 = arith.constant 0 : i32
      %cond3A_521 = arith.cmpi ne, %convert_element_type3A_519, %cond3A_520 : i32
      scf.if %cond3A_521 {
        %dma_wait3A_561 = arith.constant 0 : i32
        %dma_wait3A_562 = arith.constant 0 : i32
        %dma_wait3A_563 = arith.constant 0 : i32
        %dma_wait3A_564 = tpu.memref_slice %arg15[%dma_wait3A_561, %dma_wait3A_562, %dma_wait3A_563] : memref<2x200x64xf32, #tpu.memory_space<vmem>> -> memref<1x40x64xf32, #tpu.memory_space<vmem>>
        %dma_wait3A_565 = tpu.memref_squeeze %dma_wait3A_564 : memref<1x40x64xf32, #tpu.memory_space<vmem>> -> memref<40x64xf32, #tpu.memory_space<vmem>>
        %dma_wait3A_566 = arith.constant 0 : i32
        %dma_wait3A_567 = arith.constant 0 : i32
        %dma_wait3A_568 = tpu.memref_slice %arg3[%dma_wait3A_566, %dma_wait3A_567] : memref<1000000x64xf32, #tpu.memory_space<hbm>> -> memref<40x64xf32, #tpu.memory_space<hbm>>
        %dma_wait3A_569 = arith.constant 0 : i32
        %dma_wait3A_570 = arith.constant 0 : i32
        %dma_wait3A_571 = tpu.memref_slice %arg15[%dma_wait3A_561, %dma_wait3A_569, %dma_wait3A_570] : memref<2x200x64xf32, #tpu.memory_space<vmem>> -> memref<1x40x64xf32, #tpu.memory_space<vmem>>
        %dma_wait3A_572 = tpu.memref_squeeze %dma_wait3A_571 : memref<1x40x64xf32, #tpu.memory_space<vmem>> -> memref<40x64xf32, #tpu.memory_space<vmem>>
        %dma_wait3A_573 = arith.constant 0 : i32
        %dma_wait3A_574 = arith.constant 0 : i32
        %dma_wait3A_575 = tpu.memref_slice %arg3[%dma_wait3A_573, %dma_wait3A_574] : memref<1000000x64xf32, #tpu.memory_space<hbm>> -> memref<40x64xf32, #tpu.memory_space<hbm>>
        tpu.wait_dma2 semaphore(%arg27 : memref<!tpu.dma_semaphore, #tpu.memory_space<semaphore_mem>>) src(%dma_wait3A_575 : memref<40x64xf32, #tpu.memory_space<hbm>>) dst(%dma_wait3A_572 : memref<40x64xf32, #tpu.memory_space<vmem>>)
        %dma_wait3A_576 = arith.constant 0 : i32
        %dma_wait3A_577 = arith.constant 40 : i32
        %dma_wait3A_578 = arith.constant 0 : i32
        %dma_wait3A_579 = tpu.memref_slice %arg15[%dma_wait3A_576, %dma_wait3A_577, %dma_wait3A_578] : memref<2x200x64xf32, #tpu.memory_space<vmem>> -> memref<1x40x64xf32, #tpu.memory_space<vmem>>
        %dma_wait3A_580 = tpu.memref_squeeze %dma_wait3A_579 : memref<1x40x64xf32, #tpu.memory_space<vmem>> -> memref<40x64xf32, #tpu.memory_space<vmem>>
        %dma_wait3A_581 = arith.constant 0 : i32
        %dma_wait3A_582 = arith.constant 0 : i32
        %dma_wait3A_583 = tpu.memref_slice %arg3[%dma_wait3A_581, %dma_wait3A_582] : memref<1000000x64xf32, #tpu.memory_space<hbm>> -> memref<40x64xf32, #tpu.memory_space<hbm>>
        %dma_wait3A_584 = arith.constant 40 : i32
        %dma_wait3A_585 = arith.constant 0 : i32
        %dma_wait3A_586 = tpu.memref_slice %arg15[%dma_wait3A_576, %dma_wait3A_584, %dma_wait3A_585] : memref<2x200x64xf32, #tpu.memory_space<vmem>> -> memref<1x40x64xf32, #tpu.memory_space<vmem>>
        %dma_wait3A_587 = tpu.memref_squeeze %dma_wait3A_586 : memref<1x40x64xf32, #tpu.memory_space<vmem>> -> memref<40x64xf32, #tpu.memory_space<vmem>>
        %dma_wait3A_588 = arith.constant 0 : i32
        %dma_wait3A_589 = arith.constant 0 : i32
        %dma_wait3A_590 = tpu.memref_slice %arg3[%dma_wait3A_588, %dma_wait3A_589] : memref<1000000x64xf32, #tpu.memory_space<hbm>> -> memref<40x64xf32, #tpu.memory_space<hbm>>
        tpu.wait_dma2 semaphore(%arg27 : memref<!tpu.dma_semaphore, #tpu.memory_space<semaphore_mem>>) src(%dma_wait3A_590 : memref<40x64xf32, #tpu.memory_space<hbm>>) dst(%dma_wait3A_587 : memref<40x64xf32, #tpu.memory_space<vmem>>)
        %dma_wait3A_591 = arith.constant 0 : i32
        %dma_wait3A_592 = arith.constant 80 : i32
        %dma_wait3A_593 = arith.constant 0 : i32
        %dma_wait3A_594 = tpu.memref_slice %arg15[%dma_wait3A_591, %dma_wait3A_592, %dma_wait3A_593] : memref<2x200x64xf32, #tpu.memory_space<vmem>> -> memref<1x40x64xf32, #tpu.memory_space<vmem>>
        %dma_wait3A_595 = tpu.memref_squeeze %dma_wait3A_594 : memref<1x40x64xf32, #tpu.memory_space<vmem>> -> memref<40x64xf32, #tpu.memory_space<vmem>>
        %dma_wait3A_596 = arith.constant 0 : i32
        %dma_wait3A_597 = arith.constant 0 : i32
        %dma_wait3A_598 = tpu.memref_slice %arg3[%dma_wait3A_596, %dma_wait3A_597] : memref<1000000x64xf32, #tpu.memory_space<hbm>> -> memref<40x64xf32, #tpu.memory_space<hbm>>
        %dma_wait3A_599 = arith.constant 80 : i32
        %dma_wait3A_600 = arith.constant 0 : i32
        %dma_wait3A_601 = tpu.memref_slice %arg15[%dma_wait3A_591, %dma_wait3A_599, %dma_wait3A_600] : memref<2x200x64xf32, #tpu.memory_space<vmem>> -> memref<1x40x64xf32, #tpu.memory_space<vmem>>
        %dma_wait3A_602 = tpu.memref_squeeze %dma_wait3A_601 : memref<1x40x64xf32, #tpu.memory_space<vmem>> -> memref<40x64xf32, #tpu.memory_space<vmem>>
        %dma_wait3A_603 = arith.constant 0 : i32
        %dma_wait3A_604 = arith.constant 0 : i32
        %dma_wait3A_605 = tpu.memref_slice %arg3[%dma_wait3A_603, %dma_wait3A_604] : memref<1000000x64xf32, #tpu.memory_space<hbm>> -> memref<40x64xf32, #tpu.memory_space<hbm>>
        tpu.wait_dma2 semaphore(%arg27 : memref<!tpu.dma_semaphore, #tpu.memory_space<semaphore_mem>>) src(%dma_wait3A_605 : memref<40x64xf32, #tpu.memory_space<hbm>>) dst(%dma_wait3A_602 : memref<40x64xf32, #tpu.memory_space<vmem>>)
        %dma_wait3A_606 = arith.constant 0 : i32
        %dma_wait3A_607 = arith.constant 120 : i32
        %dma_wait3A_608 = arith.constant 0 : i32
        %dma_wait3A_609 = tpu.memref_slice %arg15[%dma_wait3A_606, %dma_wait3A_607, %dma_wait3A_608] : memref<2x200x64xf32, #tpu.memory_space<vmem>> -> memref<1x40x64xf32, #tpu.memory_space<vmem>>
        %dma_wait3A_610 = tpu.memref_squeeze %dma_wait3A_609 : memref<1x40x64xf32, #tpu.memory_space<vmem>> -> memref<40x64xf32, #tpu.memory_space<vmem>>
        %dma_wait3A_611 = arith.constant 0 : i32
        %dma_wait3A_612 = arith.constant 0 : i32
        %dma_wait3A_613 = tpu.memref_slice %arg3[%dma_wait3A_611, %dma_wait3A_612] : memref<1000000x64xf32, #tpu.memory_space<hbm>> -> memref<40x64xf32, #tpu.memory_space<hbm>>
        %dma_wait3A_614 = arith.constant 120 : i32
        %dma_wait3A_615 = arith.constant 0 : i32
        %dma_wait3A_616 = tpu.memref_slice %arg15[%dma_wait3A_606, %dma_wait3A_614, %dma_wait3A_615] : memref<2x200x64xf32, #tpu.memory_space<vmem>> -> memref<1x40x64xf32, #tpu.memory_space<vmem>>
        %dma_wait3A_617 = tpu.memref_squeeze %dma_wait3A_616 : memref<1x40x64xf32, #tpu.memory_space<vmem>> -> memref<40x64xf32, #tpu.memory_space<vmem>>
        %dma_wait3A_618 = arith.constant 0 : i32
        %dma_wait3A_619 = arith.constant 0 : i32
        %dma_wait3A_620 = tpu.memref_slice %arg3[%dma_wait3A_618, %dma_wait3A_619] : memref<1000000x64xf32, #tpu.memory_space<hbm>> -> memref<40x64xf32, #tpu.memory_space<hbm>>
        tpu.wait_dma2 semaphore(%arg27 : memref<!tpu.dma_semaphore, #tpu.memory_space<semaphore_mem>>) src(%dma_wait3A_620 : memref<40x64xf32, #tpu.memory_space<hbm>>) dst(%dma_wait3A_617 : memref<40x64xf32, #tpu.memory_space<vmem>>)
        %dma_wait3A_621 = arith.constant 0 : i32
        %dma_wait3A_622 = arith.constant 160 : i32
        %dma_wait3A_623 = arith.constant 0 : i32
        %dma_wait3A_624 = tpu.memref_slice %arg15[%dma_wait3A_621, %dma_wait3A_622, %dma_wait3A_623] : memref<2x200x64xf32, #tpu.memory_space<vmem>> -> memref<1x40x64xf32, #tpu.memory_space<vmem>>
        %dma_wait3A_625 = tpu.memref_squeeze %dma_wait3A_624 : memref<1x40x64xf32, #tpu.memory_space<vmem>> -> memref<40x64xf32, #tpu.memory_space<vmem>>
        %dma_wait3A_626 = arith.constant 0 : i32
        %dma_wait3A_627 = arith.constant 0 : i32
        %dma_wait3A_628 = tpu.memref_slice %arg3[%dma_wait3A_626, %dma_wait3A_627] : memref<1000000x64xf32, #tpu.memory_space<hbm>> -> memref<40x64xf32, #tpu.memory_space<hbm>>
        %dma_wait3A_629 = arith.constant 160 : i32
        %dma_wait3A_630 = arith.constant 0 : i32
        %dma_wait3A_631 = tpu.memref_slice %arg15[%dma_wait3A_621, %dma_wait3A_629, %dma_wait3A_630] : memref<2x200x64xf32, #tpu.memory_space<vmem>> -> memref<1x40x64xf32, #tpu.memory_space<vmem>>
        %dma_wait3A_632 = tpu.memref_squeeze %dma_wait3A_631 : memref<1x40x64xf32, #tpu.memory_space<vmem>> -> memref<40x64xf32, #tpu.memory_space<vmem>>
        %dma_wait3A_633 = arith.constant 0 : i32
        %dma_wait3A_634 = arith.constant 0 : i32
        %dma_wait3A_635 = tpu.memref_slice %arg3[%dma_wait3A_633, %dma_wait3A_634] : memref<1000000x64xf32, #tpu.memory_space<hbm>> -> memref<40x64xf32, #tpu.memory_space<hbm>>
        tpu.wait_dma2 semaphore(%arg27 : memref<!tpu.dma_semaphore, #tpu.memory_space<semaphore_mem>>) src(%dma_wait3A_635 : memref<40x64xf32, #tpu.memory_space<hbm>>) dst(%dma_wait3A_632 : memref<40x64xf32, #tpu.memory_space<vmem>>)
        %dma_wait3A_636 = arith.constant 1 : i32
        %dma_wait3A_637 = arith.constant 0 : i32
        %dma_wait3A_638 = arith.constant 0 : i32
        %dma_wait3A_639 = tpu.memref_slice %arg15[%dma_wait3A_636, %dma_wait3A_637, %dma_wait3A_638] : memref<2x200x64xf32, #tpu.memory_space<vmem>> -> memref<1x40x64xf32, #tpu.memory_space<vmem>>
        %dma_wait3A_640 = tpu.memref_squeeze %dma_wait3A_639 : memref<1x40x64xf32, #tpu.memory_space<vmem>> -> memref<40x64xf32, #tpu.memory_space<vmem>>
        %dma_wait3A_641 = arith.constant 0 : i32
        %dma_wait3A_642 = arith.constant 0 : i32
        %dma_wait3A_643 = tpu.memref_slice %arg3[%dma_wait3A_641, %dma_wait3A_642] : memref<1000000x64xf32, #tpu.memory_space<hbm>> -> memref<40x64xf32, #tpu.memory_space<hbm>>
        %dma_wait3A_644 = arith.constant 0 : i32
        %dma_wait3A_645 = arith.constant 0 : i32
        %dma_wait3A_646 = tpu.memref_slice %arg15[%dma_wait3A_636, %dma_wait3A_644, %dma_wait3A_645] : memref<2x200x64xf32, #tpu.memory_space<vmem>> -> memref<1x40x64xf32, #tpu.memory_space<vmem>>
        %dma_wait3A_647 = tpu.memref_squeeze %dma_wait3A_646 : memref<1x40x64xf32, #tpu.memory_space<vmem>> -> memref<40x64xf32, #tpu.memory_space<vmem>>
        %dma_wait3A_648 = arith.constant 0 : i32
        %dma_wait3A_649 = arith.constant 0 : i32
        %dma_wait3A_650 = tpu.memref_slice %arg3[%dma_wait3A_648, %dma_wait3A_649] : memref<1000000x64xf32, #tpu.memory_space<hbm>> -> memref<40x64xf32, #tpu.memory_space<hbm>>
        tpu.wait_dma2 semaphore(%arg27 : memref<!tpu.dma_semaphore, #tpu.memory_space<semaphore_mem>>) src(%dma_wait3A_650 : memref<40x64xf32, #tpu.memory_space<hbm>>) dst(%dma_wait3A_647 : memref<40x64xf32, #tpu.memory_space<vmem>>)
        %dma_wait3A_651 = arith.constant 1 : i32
        %dma_wait3A_652 = arith.constant 40 : i32
        %dma_wait3A_653 = arith.constant 0 : i32
        %dma_wait3A_654 = tpu.memref_slice %arg15[%dma_wait3A_651, %dma_wait3A_652, %dma_wait3A_653] : memref<2x200x64xf32, #tpu.memory_space<vmem>> -> memref<1x40x64xf32, #tpu.memory_space<vmem>>
        %dma_wait3A_655 = tpu.memref_squeeze %dma_wait3A_654 : memref<1x40x64xf32, #tpu.memory_space<vmem>> -> memref<40x64xf32, #tpu.memory_space<vmem>>
        %dma_wait3A_656 = arith.constant 0 : i32
        %dma_wait3A_657 = arith.constant 0 : i32
        %dma_wait3A_658 = tpu.memref_slice %arg3[%dma_wait3A_656, %dma_wait3A_657] : memref<1000000x64xf32, #tpu.memory_space<hbm>> -> memref<40x64xf32, #tpu.memory_space<hbm>>
        %dma_wait3A_659 = arith.constant 40 : i32
        %dma_wait3A_660 = arith.constant 0 : i32
        %dma_wait3A_661 = tpu.memref_slice %arg15[%dma_wait3A_651, %dma_wait3A_659, %dma_wait3A_660] : memref<2x200x64xf32, #tpu.memory_space<vmem>> -> memref<1x40x64xf32, #tpu.memory_space<vmem>>
        %dma_wait3A_662 = tpu.memref_squeeze %dma_wait3A_661 : memref<1x40x64xf32, #tpu.memory_space<vmem>> -> memref<40x64xf32, #tpu.memory_space<vmem>>
        %dma_wait3A_663 = arith.constant 0 : i32
        %dma_wait3A_664 = arith.constant 0 : i32
        %dma_wait3A_665 = tpu.memref_slice %arg3[%dma_wait3A_663, %dma_wait3A_664] : memref<1000000x64xf32, #tpu.memory_space<hbm>> -> memref<40x64xf32, #tpu.memory_space<hbm>>
        tpu.wait_dma2 semaphore(%arg27 : memref<!tpu.dma_semaphore, #tpu.memory_space<semaphore_mem>>) src(%dma_wait3A_665 : memref<40x64xf32, #tpu.memory_space<hbm>>) dst(%dma_wait3A_662 : memref<40x64xf32, #tpu.memory_space<vmem>>)
        %dma_wait3A_666 = arith.constant 1 : i32
        %dma_wait3A_667 = arith.constant 80 : i32
        %dma_wait3A_668 = arith.constant 0 : i32
        %dma_wait3A_669 = tpu.memref_slice %arg15[%dma_wait3A_666, %dma_wait3A_667, %dma_wait3A_668] : memref<2x200x64xf32, #tpu.memory_space<vmem>> -> memref<1x40x64xf32, #tpu.memory_space<vmem>>
        %dma_wait3A_670 = tpu.memref_squeeze %dma_wait3A_669 : memref<1x40x64xf32, #tpu.memory_space<vmem>> -> memref<40x64xf32, #tpu.memory_space<vmem>>
        %dma_wait3A_671 = arith.constant 0 : i32
        %dma_wait3A_672 = arith.constant 0 : i32
        %dma_wait3A_673 = tpu.memref_slice %arg3[%dma_wait3A_671, %dma_wait3A_672] : memref<1000000x64xf32, #tpu.memory_space<hbm>> -> memref<40x64xf32, #tpu.memory_space<hbm>>
        %dma_wait3A_674 = arith.constant 80 : i32
        %dma_wait3A_675 = arith.constant 0 : i32
        %dma_wait3A_676 = tpu.memref_slice %arg15[%dma_wait3A_666, %dma_wait3A_674, %dma_wait3A_675] : memref<2x200x64xf32, #tpu.memory_space<vmem>> -> memref<1x40x64xf32, #tpu.memory_space<vmem>>
        %dma_wait3A_677 = tpu.memref_squeeze %dma_wait3A_676 : memref<1x40x64xf32, #tpu.memory_space<vmem>> -> memref<40x64xf32, #tpu.memory_space<vmem>>
        %dma_wait3A_678 = arith.constant 0 : i32
        %dma_wait3A_679 = arith.constant 0 : i32
        %dma_wait3A_680 = tpu.memref_slice %arg3[%dma_wait3A_678, %dma_wait3A_679] : memref<1000000x64xf32, #tpu.memory_space<hbm>> -> memref<40x64xf32, #tpu.memory_space<hbm>>
        tpu.wait_dma2 semaphore(%arg27 : memref<!tpu.dma_semaphore, #tpu.memory_space<semaphore_mem>>) src(%dma_wait3A_680 : memref<40x64xf32, #tpu.memory_space<hbm>>) dst(%dma_wait3A_677 : memref<40x64xf32, #tpu.memory_space<vmem>>)
        %dma_wait3A_681 = arith.constant 1 : i32
        %dma_wait3A_682 = arith.constant 120 : i32
        %dma_wait3A_683 = arith.constant 0 : i32
        %dma_wait3A_684 = tpu.memref_slice %arg15[%dma_wait3A_681, %dma_wait3A_682, %dma_wait3A_683] : memref<2x200x64xf32, #tpu.memory_space<vmem>> -> memref<1x40x64xf32, #tpu.memory_space<vmem>>
        %dma_wait3A_685 = tpu.memref_squeeze %dma_wait3A_684 : memref<1x40x64xf32, #tpu.memory_space<vmem>> -> memref<40x64xf32, #tpu.memory_space<vmem>>
        %dma_wait3A_686 = arith.constant 0 : i32
        %dma_wait3A_687 = arith.constant 0 : i32
        %dma_wait3A_688 = tpu.memref_slice %arg3[%dma_wait3A_686, %dma_wait3A_687] : memref<1000000x64xf32, #tpu.memory_space<hbm>> -> memref<40x64xf32, #tpu.memory_space<hbm>>
        %dma_wait3A_689 = arith.constant 120 : i32
        %dma_wait3A_690 = arith.constant 0 : i32
        %dma_wait3A_691 = tpu.memref_slice %arg15[%dma_wait3A_681, %dma_wait3A_689, %dma_wait3A_690] : memref<2x200x64xf32, #tpu.memory_space<vmem>> -> memref<1x40x64xf32, #tpu.memory_space<vmem>>
        %dma_wait3A_692 = tpu.memref_squeeze %dma_wait3A_691 : memref<1x40x64xf32, #tpu.memory_space<vmem>> -> memref<40x64xf32, #tpu.memory_space<vmem>>
        %dma_wait3A_693 = arith.constant 0 : i32
        %dma_wait3A_694 = arith.constant 0 : i32
        %dma_wait3A_695 = tpu.memref_slice %arg3[%dma_wait3A_693, %dma_wait3A_694] : memref<1000000x64xf32, #tpu.memory_space<hbm>> -> memref<40x64xf32, #tpu.memory_space<hbm>>
        tpu.wait_dma2 semaphore(%arg27 : memref<!tpu.dma_semaphore, #tpu.memory_space<semaphore_mem>>) src(%dma_wait3A_695 : memref<40x64xf32, #tpu.memory_space<hbm>>) dst(%dma_wait3A_692 : memref<40x64xf32, #tpu.memory_space<vmem>>)
        %dma_wait3A_696 = arith.constant 1 : i32
        %dma_wait3A_697 = arith.constant 160 : i32
        %dma_wait3A_698 = arith.constant 0 : i32
        %dma_wait3A_699 = tpu.memref_slice %arg15[%dma_wait3A_696, %dma_wait3A_697, %dma_wait3A_698] : memref<2x200x64xf32, #tpu.memory_space<vmem>> -> memref<1x40x64xf32, #tpu.memory_space<vmem>>
        %dma_wait3A_700 = tpu.memref_squeeze %dma_wait3A_699 : memref<1x40x64xf32, #tpu.memory_space<vmem>> -> memref<40x64xf32, #tpu.memory_space<vmem>>
        %dma_wait3A_701 = arith.constant 0 : i32
        %dma_wait3A_702 = arith.constant 0 : i32
        %dma_wait3A_703 = tpu.memref_slice %arg3[%dma_wait3A_701, %dma_wait3A_702] : memref<1000000x64xf32, #tpu.memory_space<hbm>> -> memref<40x64xf32, #tpu.memory_space<hbm>>
        %dma_wait3A_704 = arith.constant 160 : i32
        %dma_wait3A_705 = arith.constant 0 : i32
        %dma_wait3A_706 = tpu.memref_slice %arg15[%dma_wait3A_696, %dma_wait3A_704, %dma_wait3A_705] : memref<2x200x64xf32, #tpu.memory_space<vmem>> -> memref<1x40x64xf32, #tpu.memory_space<vmem>>
        %dma_wait3A_707 = tpu.memref_squeeze %dma_wait3A_706 : memref<1x40x64xf32, #tpu.memory_space<vmem>> -> memref<40x64xf32, #tpu.memory_space<vmem>>
        %dma_wait3A_708 = arith.constant 0 : i32
        %dma_wait3A_709 = arith.constant 0 : i32
        %dma_wait3A_710 = tpu.memref_slice %arg3[%dma_wait3A_708, %dma_wait3A_709] : memref<1000000x64xf32, #tpu.memory_space<hbm>> -> memref<40x64xf32, #tpu.memory_space<hbm>>
        tpu.wait_dma2 semaphore(%arg27 : memref<!tpu.dma_semaphore, #tpu.memory_space<semaphore_mem>>) src(%dma_wait3A_710 : memref<40x64xf32, #tpu.memory_space<hbm>>) dst(%dma_wait3A_707 : memref<40x64xf32, #tpu.memory_space<vmem>>)
        %mul3A_711 = arith.constant 2 : i32
        %mul3A_712 = arith.muli %mul3A_711, %sub3A_513 : i32
        %add3A_713 = arith.addi %mul3A_2, %mul3A_712 : i32
        %dma_start3A = arith.constant 0 : i32
        %dma_start3A_714 = arith.constant 0 : i32
        %dma_start3A_715 = tpu.memref_slice %arg5[%add3A_713, %dma_start3A, %dma_start3A_714] : memref<4096x200x64xf32, #tpu.memory_space<hbm>> -> memref<2x200x64xf32, #tpu.memory_space<hbm>>
        %dma_start3A_716 = arith.constant 0 : i32
        %dma_start3A_717 = arith.constant 0 : i32
        %dma_start3A_718 = tpu.memref_slice %arg5[%add3A_713, %dma_start3A_716, %dma_start3A_717] : memref<4096x200x64xf32, #tpu.memory_space<hbm>> -> memref<2x200x64xf32, #tpu.memory_space<hbm>>
        tpu.enqueue_dma source(%arg15 : memref<2x200x64xf32, #tpu.memory_space<vmem>>) target(%dma_start3A_718 : memref<2x200x64xf32, #tpu.memory_space<hbm>>) target_semaphore(%arg31 : memref<!tpu.dma_semaphore, #tpu.memory_space<semaphore_mem>>)
      } else {
      }
      %mul3A_522 = arith.constant 4 : i32
      %mul3A_523 = arith.muli %add3A_406, %mul3A_522 : i32
      %add3A_524 = arith.constant 3 : i32
      %add3A_525 = arith.addi %mul3A_523, %add3A_524 : i32
      %lt3A_526 = arith.constant 64 : i32
      %lt3A_527 = arith.cmpi slt, %add3A_525, %lt3A_526 : i32
      %convert_element_type3A_528 = arith.extui %lt3A_527 : i1 to i32
      %cond3A_529 = arith.constant 0 : i32
      %cond3A_530 = arith.cmpi ne, %convert_element_type3A_528, %cond3A_529 : i32
      scf.if %cond3A_530 {
        %mul3A_561 = arith.constant 2 : i32
        %mul3A_562 = arith.muli %mul3A_561, %add3A_525 : i32
        %add3A_563 = arith.addi %mul3A_2, %mul3A_562 : i32
        %dma_start3A = arith.constant 0 : i32
        %dma_start3A_564 = tpu.memref_slice %arg2[%add3A_563, %dma_start3A] : memref<4096x200xi32, #tpu.memory_space<hbm>> -> memref<2x200xi32, #tpu.memory_space<hbm>>
        %dma_start3A_565 = arith.constant 0 : i32
        %dma_start3A_566 = tpu.memref_slice %arg2[%add3A_563, %dma_start3A_565] : memref<4096x200xi32, #tpu.memory_space<hbm>> -> memref<2x200xi32, #tpu.memory_space<hbm>>
        tpu.enqueue_dma source(%dma_start3A_566 : memref<2x200xi32, #tpu.memory_space<hbm>>) target(%arg11 : memref<2x200xi32, #tpu.memory_space<vmem>>) target_semaphore(%arg19 : memref<!tpu.dma_semaphore, #tpu.memory_space<semaphore_mem>>)
      } else {
      }
      %sub3A_531 = arith.constant 1 : i32
      %sub3A_532 = arith.subi %add3A_525, %sub3A_531 : i32
      %ge3A_533 = arith.constant 0 : i32
      %ge3A_534 = arith.cmpi sge, %sub3A_532, %ge3A_533 : i32
      %lt3A_535 = arith.constant 64 : i32
      %lt3A_536 = arith.cmpi slt, %sub3A_532, %lt3A_535 : i32
      %and3A_537 = arith.andi %ge3A_534, %lt3A_536 : i1
      %convert_element_type3A_538 = arith.extui %and3A_537 : i1 to i32
      %cond3A_539 = arith.constant 0 : i32
      %cond3A_540 = arith.cmpi ne, %convert_element_type3A_538, %cond3A_539 : i32
      scf.if %cond3A_540 {
        %dma_wait3A_561 = arith.constant 0 : i32
        %dma_wait3A_562 = arith.constant 0 : i32
        %dma_wait3A_563 = tpu.memref_slice %arg2[%dma_wait3A_561, %dma_wait3A_562] : memref<4096x200xi32, #tpu.memory_space<hbm>> -> memref<2x200xi32, #tpu.memory_space<hbm>>
        %dma_wait3A_564 = arith.constant 0 : i32
        %dma_wait3A_565 = arith.constant 0 : i32
        %dma_wait3A_566 = tpu.memref_slice %arg2[%dma_wait3A_564, %dma_wait3A_565] : memref<4096x200xi32, #tpu.memory_space<hbm>> -> memref<2x200xi32, #tpu.memory_space<hbm>>
        tpu.wait_dma2 semaphore(%arg18 : memref<!tpu.dma_semaphore, #tpu.memory_space<semaphore_mem>>) src(%dma_wait3A_566 : memref<2x200xi32, #tpu.memory_space<hbm>>) dst(%arg10 : memref<2x200xi32, #tpu.memory_space<vmem>>)
        %ge3A_567 = arith.constant 4 : i32
        %ge3A_568 = arith.cmpi sge, %sub3A_532, %ge3A_567 : i32
        %convert_element_type3A_569 = arith.extui %ge3A_568 : i1 to i32
        %cond3A_570 = arith.constant 0 : i32
        %cond3A_571 = arith.cmpi ne, %convert_element_type3A_569, %cond3A_570 : i32
        scf.if %cond3A_571 {
          %dma_wait3A_691 = arith.constant 0 : i32
          %dma_wait3A_692 = arith.constant 0 : i32
          %dma_wait3A_693 = tpu.memref_slice %arg5[%mul3A_2, %dma_wait3A_691, %dma_wait3A_692] : memref<4096x200x64xf32, #tpu.memory_space<hbm>> -> memref<2x200x64xf32, #tpu.memory_space<hbm>>
          %dma_wait3A_694 = arith.constant 0 : i32
          %dma_wait3A_695 = arith.constant 0 : i32
          %dma_wait3A_696 = tpu.memref_slice %arg5[%mul3A_2, %dma_wait3A_694, %dma_wait3A_695] : memref<4096x200x64xf32, #tpu.memory_space<hbm>> -> memref<2x200x64xf32, #tpu.memory_space<hbm>>
          tpu.wait_dma2 semaphore(%arg30 : memref<!tpu.dma_semaphore, #tpu.memory_space<semaphore_mem>>) src(%arg14 : memref<2x200x64xf32, #tpu.memory_space<vmem>>) dst(%dma_wait3A_696 : memref<2x200x64xf32, #tpu.memory_space<hbm>>)
        } else {
        }
        %dma_start3A = arith.constant 0 : i32
        %dma_start3A_572 = arith.constant 0 : i32
        %dma_start3A_573 = arith.constant 0 : i32
        %dma_start3A_574 = arith.constant 0 : i32
        %dma_start3A_575 = tpu.memref_slice %arg14[%dma_start3A_572, %dma_start3A_573, %dma_start3A_574] : memref<2x200x64xf32, #tpu.memory_space<vmem>> -> memref<1x40x64xf32, #tpu.memory_space<vmem>>
        %dma_start3A_576 = tpu.memref_squeeze %dma_start3A_575 : memref<1x40x64xf32, #tpu.memory_space<vmem>> -> memref<40x64xf32, #tpu.memory_space<vmem>>
        %dma_start3A_577 = arith.constant 0 : i32
        %dma_start3A_578 = tpu.memref_slice %arg10[%dma_start3A, %dma_start3A_577] : memref<2x200xi32, #tpu.memory_space<vmem>> -> memref<1x40xi32, #tpu.memory_space<vmem>>
        %dma_start3A_579 = tpu.memref_squeeze %dma_start3A_578 : memref<1x40xi32, #tpu.memory_space<vmem>> -> memref<40xi32, #tpu.memory_space<vmem>>
        %dma_start3A_580 = arith.constant 0 : i32
        %dma_start3A_581 = arith.constant 0 : i32
        %dma_start3A_582 = tpu.memref_slice %arg3[%dma_start3A_580, %dma_start3A_581] : memref<1000000x64xf32, #tpu.memory_space<hbm>> -> memref<1000000x64xf32, #tpu.memory_space<hbm>>
        tpu.enqueue_indirect_dma source(%dma_start3A_582 : memref<1000000x64xf32, #tpu.memory_space<hbm>>) target(%dma_start3A_576 : memref<40x64xf32, #tpu.memory_space<vmem>>) offsets(%dma_start3A_579 : memref<40xi32, #tpu.memory_space<vmem>>) semaphore(%arg22 : memref<!tpu.dma_semaphore, #tpu.memory_space<semaphore_mem>>)
        %dma_start3A_583 = arith.constant 0 : i32
        %dma_start3A_584 = arith.constant 0 : i32
        %dma_start3A_585 = arith.constant 40 : i32
        %dma_start3A_586 = arith.constant 0 : i32
        %dma_start3A_587 = tpu.memref_slice %arg14[%dma_start3A_584, %dma_start3A_585, %dma_start3A_586] : memref<2x200x64xf32, #tpu.memory_space<vmem>> -> memref<1x40x64xf32, #tpu.memory_space<vmem>>
        %dma_start3A_588 = tpu.memref_squeeze %dma_start3A_587 : memref<1x40x64xf32, #tpu.memory_space<vmem>> -> memref<40x64xf32, #tpu.memory_space<vmem>>
        %dma_start3A_589 = arith.constant 40 : i32
        %dma_start3A_590 = tpu.memref_slice %arg10[%dma_start3A_583, %dma_start3A_589] : memref<2x200xi32, #tpu.memory_space<vmem>> -> memref<1x40xi32, #tpu.memory_space<vmem>>
        %dma_start3A_591 = tpu.memref_squeeze %dma_start3A_590 : memref<1x40xi32, #tpu.memory_space<vmem>> -> memref<40xi32, #tpu.memory_space<vmem>>
        %dma_start3A_592 = arith.constant 0 : i32
        %dma_start3A_593 = arith.constant 0 : i32
        %dma_start3A_594 = tpu.memref_slice %arg3[%dma_start3A_592, %dma_start3A_593] : memref<1000000x64xf32, #tpu.memory_space<hbm>> -> memref<1000000x64xf32, #tpu.memory_space<hbm>>
        tpu.enqueue_indirect_dma source(%dma_start3A_594 : memref<1000000x64xf32, #tpu.memory_space<hbm>>) target(%dma_start3A_588 : memref<40x64xf32, #tpu.memory_space<vmem>>) offsets(%dma_start3A_591 : memref<40xi32, #tpu.memory_space<vmem>>) semaphore(%arg22 : memref<!tpu.dma_semaphore, #tpu.memory_space<semaphore_mem>>)
        %dma_start3A_595 = arith.constant 0 : i32
        %dma_start3A_596 = arith.constant 0 : i32
        %dma_start3A_597 = arith.constant 80 : i32
        %dma_start3A_598 = arith.constant 0 : i32
        %dma_start3A_599 = tpu.memref_slice %arg14[%dma_start3A_596, %dma_start3A_597, %dma_start3A_598] : memref<2x200x64xf32, #tpu.memory_space<vmem>> -> memref<1x40x64xf32, #tpu.memory_space<vmem>>
        %dma_start3A_600 = tpu.memref_squeeze %dma_start3A_599 : memref<1x40x64xf32, #tpu.memory_space<vmem>> -> memref<40x64xf32, #tpu.memory_space<vmem>>
        %dma_start3A_601 = arith.constant 80 : i32
        %dma_start3A_602 = tpu.memref_slice %arg10[%dma_start3A_595, %dma_start3A_601] : memref<2x200xi32, #tpu.memory_space<vmem>> -> memref<1x40xi32, #tpu.memory_space<vmem>>
        %dma_start3A_603 = tpu.memref_squeeze %dma_start3A_602 : memref<1x40xi32, #tpu.memory_space<vmem>> -> memref<40xi32, #tpu.memory_space<vmem>>
        %dma_start3A_604 = arith.constant 0 : i32
        %dma_start3A_605 = arith.constant 0 : i32
        %dma_start3A_606 = tpu.memref_slice %arg3[%dma_start3A_604, %dma_start3A_605] : memref<1000000x64xf32, #tpu.memory_space<hbm>> -> memref<1000000x64xf32, #tpu.memory_space<hbm>>
        tpu.enqueue_indirect_dma source(%dma_start3A_606 : memref<1000000x64xf32, #tpu.memory_space<hbm>>) target(%dma_start3A_600 : memref<40x64xf32, #tpu.memory_space<vmem>>) offsets(%dma_start3A_603 : memref<40xi32, #tpu.memory_space<vmem>>) semaphore(%arg22 : memref<!tpu.dma_semaphore, #tpu.memory_space<semaphore_mem>>)
        %dma_start3A_607 = arith.constant 0 : i32
        %dma_start3A_608 = arith.constant 0 : i32
        %dma_start3A_609 = arith.constant 120 : i32
        %dma_start3A_610 = arith.constant 0 : i32
        %dma_start3A_611 = tpu.memref_slice %arg14[%dma_start3A_608, %dma_start3A_609, %dma_start3A_610] : memref<2x200x64xf32, #tpu.memory_space<vmem>> -> memref<1x40x64xf32, #tpu.memory_space<vmem>>
        %dma_start3A_612 = tpu.memref_squeeze %dma_start3A_611 : memref<1x40x64xf32, #tpu.memory_space<vmem>> -> memref<40x64xf32, #tpu.memory_space<vmem>>
        %dma_start3A_613 = arith.constant 120 : i32
        %dma_start3A_614 = tpu.memref_slice %arg10[%dma_start3A_607, %dma_start3A_613] : memref<2x200xi32, #tpu.memory_space<vmem>> -> memref<1x40xi32, #tpu.memory_space<vmem>>
        %dma_start3A_615 = tpu.memref_squeeze %dma_start3A_614 : memref<1x40xi32, #tpu.memory_space<vmem>> -> memref<40xi32, #tpu.memory_space<vmem>>
        %dma_start3A_616 = arith.constant 0 : i32
        %dma_start3A_617 = arith.constant 0 : i32
        %dma_start3A_618 = tpu.memref_slice %arg3[%dma_start3A_616, %dma_start3A_617] : memref<1000000x64xf32, #tpu.memory_space<hbm>> -> memref<1000000x64xf32, #tpu.memory_space<hbm>>
        tpu.enqueue_indirect_dma source(%dma_start3A_618 : memref<1000000x64xf32, #tpu.memory_space<hbm>>) target(%dma_start3A_612 : memref<40x64xf32, #tpu.memory_space<vmem>>) offsets(%dma_start3A_615 : memref<40xi32, #tpu.memory_space<vmem>>) semaphore(%arg22 : memref<!tpu.dma_semaphore, #tpu.memory_space<semaphore_mem>>)
        %dma_start3A_619 = arith.constant 0 : i32
        %dma_start3A_620 = arith.constant 0 : i32
        %dma_start3A_621 = arith.constant 160 : i32
        %dma_start3A_622 = arith.constant 0 : i32
        %dma_start3A_623 = tpu.memref_slice %arg14[%dma_start3A_620, %dma_start3A_621, %dma_start3A_622] : memref<2x200x64xf32, #tpu.memory_space<vmem>> -> memref<1x40x64xf32, #tpu.memory_space<vmem>>
        %dma_start3A_624 = tpu.memref_squeeze %dma_start3A_623 : memref<1x40x64xf32, #tpu.memory_space<vmem>> -> memref<40x64xf32, #tpu.memory_space<vmem>>
        %dma_start3A_625 = arith.constant 160 : i32
        %dma_start3A_626 = tpu.memref_slice %arg10[%dma_start3A_619, %dma_start3A_625] : memref<2x200xi32, #tpu.memory_space<vmem>> -> memref<1x40xi32, #tpu.memory_space<vmem>>
        %dma_start3A_627 = tpu.memref_squeeze %dma_start3A_626 : memref<1x40xi32, #tpu.memory_space<vmem>> -> memref<40xi32, #tpu.memory_space<vmem>>
        %dma_start3A_628 = arith.constant 0 : i32
        %dma_start3A_629 = arith.constant 0 : i32
        %dma_start3A_630 = tpu.memref_slice %arg3[%dma_start3A_628, %dma_start3A_629] : memref<1000000x64xf32, #tpu.memory_space<hbm>> -> memref<1000000x64xf32, #tpu.memory_space<hbm>>
        tpu.enqueue_indirect_dma source(%dma_start3A_630 : memref<1000000x64xf32, #tpu.memory_space<hbm>>) target(%dma_start3A_624 : memref<40x64xf32, #tpu.memory_space<vmem>>) offsets(%dma_start3A_627 : memref<40xi32, #tpu.memory_space<vmem>>) semaphore(%arg22 : memref<!tpu.dma_semaphore, #tpu.memory_space<semaphore_mem>>)
        %dma_start3A_631 = arith.constant 1 : i32
        %dma_start3A_632 = arith.constant 1 : i32
        %dma_start3A_633 = arith.constant 0 : i32
        %dma_start3A_634 = arith.constant 0 : i32
        %dma_start3A_635 = tpu.memref_slice %arg14[%dma_start3A_632, %dma_start3A_633, %dma_start3A_634] : memref<2x200x64xf32, #tpu.memory_space<vmem>> -> memref<1x40x64xf32, #tpu.memory_space<vmem>>
        %dma_start3A_636 = tpu.memref_squeeze %dma_start3A_635 : memref<1x40x64xf32, #tpu.memory_space<vmem>> -> memref<40x64xf32, #tpu.memory_space<vmem>>
        %dma_start3A_637 = arith.constant 0 : i32
        %dma_start3A_638 = tpu.memref_slice %arg10[%dma_start3A_631, %dma_start3A_637] : memref<2x200xi32, #tpu.memory_space<vmem>> -> memref<1x40xi32, #tpu.memory_space<vmem>>
        %dma_start3A_639 = tpu.memref_squeeze %dma_start3A_638 : memref<1x40xi32, #tpu.memory_space<vmem>> -> memref<40xi32, #tpu.memory_space<vmem>>
        %dma_start3A_640 = arith.constant 0 : i32
        %dma_start3A_641 = arith.constant 0 : i32
        %dma_start3A_642 = tpu.memref_slice %arg3[%dma_start3A_640, %dma_start3A_641] : memref<1000000x64xf32, #tpu.memory_space<hbm>> -> memref<1000000x64xf32, #tpu.memory_space<hbm>>
        tpu.enqueue_indirect_dma source(%dma_start3A_642 : memref<1000000x64xf32, #tpu.memory_space<hbm>>) target(%dma_start3A_636 : memref<40x64xf32, #tpu.memory_space<vmem>>) offsets(%dma_start3A_639 : memref<40xi32, #tpu.memory_space<vmem>>) semaphore(%arg22 : memref<!tpu.dma_semaphore, #tpu.memory_space<semaphore_mem>>)
        %dma_start3A_643 = arith.constant 1 : i32
        %dma_start3A_644 = arith.constant 1 : i32
        %dma_start3A_645 = arith.constant 40 : i32
        %dma_start3A_646 = arith.constant 0 : i32
        %dma_start3A_647 = tpu.memref_slice %arg14[%dma_start3A_644, %dma_start3A_645, %dma_start3A_646] : memref<2x200x64xf32, #tpu.memory_space<vmem>> -> memref<1x40x64xf32, #tpu.memory_space<vmem>>
        %dma_start3A_648 = tpu.memref_squeeze %dma_start3A_647 : memref<1x40x64xf32, #tpu.memory_space<vmem>> -> memref<40x64xf32, #tpu.memory_space<vmem>>
        %dma_start3A_649 = arith.constant 40 : i32
        %dma_start3A_650 = tpu.memref_slice %arg10[%dma_start3A_643, %dma_start3A_649] : memref<2x200xi32, #tpu.memory_space<vmem>> -> memref<1x40xi32, #tpu.memory_space<vmem>>
        %dma_start3A_651 = tpu.memref_squeeze %dma_start3A_650 : memref<1x40xi32, #tpu.memory_space<vmem>> -> memref<40xi32, #tpu.memory_space<vmem>>
        %dma_start3A_652 = arith.constant 0 : i32
        %dma_start3A_653 = arith.constant 0 : i32
        %dma_start3A_654 = tpu.memref_slice %arg3[%dma_start3A_652, %dma_start3A_653] : memref<1000000x64xf32, #tpu.memory_space<hbm>> -> memref<1000000x64xf32, #tpu.memory_space<hbm>>
        tpu.enqueue_indirect_dma source(%dma_start3A_654 : memref<1000000x64xf32, #tpu.memory_space<hbm>>) target(%dma_start3A_648 : memref<40x64xf32, #tpu.memory_space<vmem>>) offsets(%dma_start3A_651 : memref<40xi32, #tpu.memory_space<vmem>>) semaphore(%arg22 : memref<!tpu.dma_semaphore, #tpu.memory_space<semaphore_mem>>)
        %dma_start3A_655 = arith.constant 1 : i32
        %dma_start3A_656 = arith.constant 1 : i32
        %dma_start3A_657 = arith.constant 80 : i32
        %dma_start3A_658 = arith.constant 0 : i32
        %dma_start3A_659 = tpu.memref_slice %arg14[%dma_start3A_656, %dma_start3A_657, %dma_start3A_658] : memref<2x200x64xf32, #tpu.memory_space<vmem>> -> memref<1x40x64xf32, #tpu.memory_space<vmem>>
        %dma_start3A_660 = tpu.memref_squeeze %dma_start3A_659 : memref<1x40x64xf32, #tpu.memory_space<vmem>> -> memref<40x64xf32, #tpu.memory_space<vmem>>
        %dma_start3A_661 = arith.constant 80 : i32
        %dma_start3A_662 = tpu.memref_slice %arg10[%dma_start3A_655, %dma_start3A_661] : memref<2x200xi32, #tpu.memory_space<vmem>> -> memref<1x40xi32, #tpu.memory_space<vmem>>
        %dma_start3A_663 = tpu.memref_squeeze %dma_start3A_662 : memref<1x40xi32, #tpu.memory_space<vmem>> -> memref<40xi32, #tpu.memory_space<vmem>>
        %dma_start3A_664 = arith.constant 0 : i32
        %dma_start3A_665 = arith.constant 0 : i32
        %dma_start3A_666 = tpu.memref_slice %arg3[%dma_start3A_664, %dma_start3A_665] : memref<1000000x64xf32, #tpu.memory_space<hbm>> -> memref<1000000x64xf32, #tpu.memory_space<hbm>>
        tpu.enqueue_indirect_dma source(%dma_start3A_666 : memref<1000000x64xf32, #tpu.memory_space<hbm>>) target(%dma_start3A_660 : memref<40x64xf32, #tpu.memory_space<vmem>>) offsets(%dma_start3A_663 : memref<40xi32, #tpu.memory_space<vmem>>) semaphore(%arg22 : memref<!tpu.dma_semaphore, #tpu.memory_space<semaphore_mem>>)
        %dma_start3A_667 = arith.constant 1 : i32
        %dma_start3A_668 = arith.constant 1 : i32
        %dma_start3A_669 = arith.constant 120 : i32
        %dma_start3A_670 = arith.constant 0 : i32
        %dma_start3A_671 = tpu.memref_slice %arg14[%dma_start3A_668, %dma_start3A_669, %dma_start3A_670] : memref<2x200x64xf32, #tpu.memory_space<vmem>> -> memref<1x40x64xf32, #tpu.memory_space<vmem>>
        %dma_start3A_672 = tpu.memref_squeeze %dma_start3A_671 : memref<1x40x64xf32, #tpu.memory_space<vmem>> -> memref<40x64xf32, #tpu.memory_space<vmem>>
        %dma_start3A_673 = arith.constant 120 : i32
        %dma_start3A_674 = tpu.memref_slice %arg10[%dma_start3A_667, %dma_start3A_673] : memref<2x200xi32, #tpu.memory_space<vmem>> -> memref<1x40xi32, #tpu.memory_space<vmem>>
        %dma_start3A_675 = tpu.memref_squeeze %dma_start3A_674 : memref<1x40xi32, #tpu.memory_space<vmem>> -> memref<40xi32, #tpu.memory_space<vmem>>
        %dma_start3A_676 = arith.constant 0 : i32
        %dma_start3A_677 = arith.constant 0 : i32
        %dma_start3A_678 = tpu.memref_slice %arg3[%dma_start3A_676, %dma_start3A_677] : memref<1000000x64xf32, #tpu.memory_space<hbm>> -> memref<1000000x64xf32, #tpu.memory_space<hbm>>
        tpu.enqueue_indirect_dma source(%dma_start3A_678 : memref<1000000x64xf32, #tpu.memory_space<hbm>>) target(%dma_start3A_672 : memref<40x64xf32, #tpu.memory_space<vmem>>) offsets(%dma_start3A_675 : memref<40xi32, #tpu.memory_space<vmem>>) semaphore(%arg22 : memref<!tpu.dma_semaphore, #tpu.memory_space<semaphore_mem>>)
        %dma_start3A_679 = arith.constant 1 : i32
        %dma_start3A_680 = arith.constant 1 : i32
        %dma_start3A_681 = arith.constant 160 : i32
        %dma_start3A_682 = arith.constant 0 : i32
        %dma_start3A_683 = tpu.memref_slice %arg14[%dma_start3A_680, %dma_start3A_681, %dma_start3A_682] : memref<2x200x64xf32, #tpu.memory_space<vmem>> -> memref<1x40x64xf32, #tpu.memory_space<vmem>>
        %dma_start3A_684 = tpu.memref_squeeze %dma_start3A_683 : memref<1x40x64xf32, #tpu.memory_space<vmem>> -> memref<40x64xf32, #tpu.memory_space<vmem>>
        %dma_start3A_685 = arith.constant 160 : i32
        %dma_start3A_686 = tpu.memref_slice %arg10[%dma_start3A_679, %dma_start3A_685] : memref<2x200xi32, #tpu.memory_space<vmem>> -> memref<1x40xi32, #tpu.memory_space<vmem>>
        %dma_start3A_687 = tpu.memref_squeeze %dma_start3A_686 : memref<1x40xi32, #tpu.memory_space<vmem>> -> memref<40xi32, #tpu.memory_space<vmem>>
        %dma_start3A_688 = arith.constant 0 : i32
        %dma_start3A_689 = arith.constant 0 : i32
        %dma_start3A_690 = tpu.memref_slice %arg3[%dma_start3A_688, %dma_start3A_689] : memref<1000000x64xf32, #tpu.memory_space<hbm>> -> memref<1000000x64xf32, #tpu.memory_space<hbm>>
        tpu.enqueue_indirect_dma source(%dma_start3A_690 : memref<1000000x64xf32, #tpu.memory_space<hbm>>) target(%dma_start3A_684 : memref<40x64xf32, #tpu.memory_space<vmem>>) offsets(%dma_start3A_687 : memref<40xi32, #tpu.memory_space<vmem>>) semaphore(%arg22 : memref<!tpu.dma_semaphore, #tpu.memory_space<semaphore_mem>>)
      } else {
      }
      %sub3A_541 = arith.constant 2 : i32
      %sub3A_542 = arith.subi %add3A_525, %sub3A_541 : i32
      %ge3A_543 = arith.constant 0 : i32
      %ge3A_544 = arith.cmpi sge, %sub3A_542, %ge3A_543 : i32
      %lt3A_545 = arith.constant 64 : i32
      %lt3A_546 = arith.cmpi slt, %sub3A_542, %lt3A_545 : i32
      %and3A_547 = arith.andi %ge3A_544, %lt3A_546 : i1
      %convert_element_type3A_548 = arith.extui %and3A_547 : i1 to i32
      %cond3A_549 = arith.constant 0 : i32
      %cond3A_550 = arith.cmpi ne, %convert_element_type3A_548, %cond3A_549 : i32
      scf.if %cond3A_550 {
        %dma_wait3A_561 = arith.constant 0 : i32
        %dma_wait3A_562 = arith.constant 0 : i32
        %dma_wait3A_563 = arith.constant 0 : i32
        %dma_wait3A_564 = tpu.memref_slice %arg13[%dma_wait3A_561, %dma_wait3A_562, %dma_wait3A_563] : memref<2x200x64xf32, #tpu.memory_space<vmem>> -> memref<1x40x64xf32, #tpu.memory_space<vmem>>
        %dma_wait3A_565 = tpu.memref_squeeze %dma_wait3A_564 : memref<1x40x64xf32, #tpu.memory_space<vmem>> -> memref<40x64xf32, #tpu.memory_space<vmem>>
        %dma_wait3A_566 = arith.constant 0 : i32
        %dma_wait3A_567 = arith.constant 0 : i32
        %dma_wait3A_568 = tpu.memref_slice %arg3[%dma_wait3A_566, %dma_wait3A_567] : memref<1000000x64xf32, #tpu.memory_space<hbm>> -> memref<40x64xf32, #tpu.memory_space<hbm>>
        %dma_wait3A_569 = arith.constant 0 : i32
        %dma_wait3A_570 = arith.constant 0 : i32
        %dma_wait3A_571 = tpu.memref_slice %arg13[%dma_wait3A_561, %dma_wait3A_569, %dma_wait3A_570] : memref<2x200x64xf32, #tpu.memory_space<vmem>> -> memref<1x40x64xf32, #tpu.memory_space<vmem>>
        %dma_wait3A_572 = tpu.memref_squeeze %dma_wait3A_571 : memref<1x40x64xf32, #tpu.memory_space<vmem>> -> memref<40x64xf32, #tpu.memory_space<vmem>>
        %dma_wait3A_573 = arith.constant 0 : i32
        %dma_wait3A_574 = arith.constant 0 : i32
        %dma_wait3A_575 = tpu.memref_slice %arg3[%dma_wait3A_573, %dma_wait3A_574] : memref<1000000x64xf32, #tpu.memory_space<hbm>> -> memref<40x64xf32, #tpu.memory_space<hbm>>
        tpu.wait_dma2 semaphore(%arg21 : memref<!tpu.dma_semaphore, #tpu.memory_space<semaphore_mem>>) src(%dma_wait3A_575 : memref<40x64xf32, #tpu.memory_space<hbm>>) dst(%dma_wait3A_572 : memref<40x64xf32, #tpu.memory_space<vmem>>)
        %dma_wait3A_576 = arith.constant 0 : i32
        %dma_wait3A_577 = arith.constant 40 : i32
        %dma_wait3A_578 = arith.constant 0 : i32
        %dma_wait3A_579 = tpu.memref_slice %arg13[%dma_wait3A_576, %dma_wait3A_577, %dma_wait3A_578] : memref<2x200x64xf32, #tpu.memory_space<vmem>> -> memref<1x40x64xf32, #tpu.memory_space<vmem>>
        %dma_wait3A_580 = tpu.memref_squeeze %dma_wait3A_579 : memref<1x40x64xf32, #tpu.memory_space<vmem>> -> memref<40x64xf32, #tpu.memory_space<vmem>>
        %dma_wait3A_581 = arith.constant 0 : i32
        %dma_wait3A_582 = arith.constant 0 : i32
        %dma_wait3A_583 = tpu.memref_slice %arg3[%dma_wait3A_581, %dma_wait3A_582] : memref<1000000x64xf32, #tpu.memory_space<hbm>> -> memref<40x64xf32, #tpu.memory_space<hbm>>
        %dma_wait3A_584 = arith.constant 40 : i32
        %dma_wait3A_585 = arith.constant 0 : i32
        %dma_wait3A_586 = tpu.memref_slice %arg13[%dma_wait3A_576, %dma_wait3A_584, %dma_wait3A_585] : memref<2x200x64xf32, #tpu.memory_space<vmem>> -> memref<1x40x64xf32, #tpu.memory_space<vmem>>
        %dma_wait3A_587 = tpu.memref_squeeze %dma_wait3A_586 : memref<1x40x64xf32, #tpu.memory_space<vmem>> -> memref<40x64xf32, #tpu.memory_space<vmem>>
        %dma_wait3A_588 = arith.constant 0 : i32
        %dma_wait3A_589 = arith.constant 0 : i32
        %dma_wait3A_590 = tpu.memref_slice %arg3[%dma_wait3A_588, %dma_wait3A_589] : memref<1000000x64xf32, #tpu.memory_space<hbm>> -> memref<40x64xf32, #tpu.memory_space<hbm>>
        tpu.wait_dma2 semaphore(%arg21 : memref<!tpu.dma_semaphore, #tpu.memory_space<semaphore_mem>>) src(%dma_wait3A_590 : memref<40x64xf32, #tpu.memory_space<hbm>>) dst(%dma_wait3A_587 : memref<40x64xf32, #tpu.memory_space<vmem>>)
        %dma_wait3A_591 = arith.constant 0 : i32
        %dma_wait3A_592 = arith.constant 80 : i32
        %dma_wait3A_593 = arith.constant 0 : i32
        %dma_wait3A_594 = tpu.memref_slice %arg13[%dma_wait3A_591, %dma_wait3A_592, %dma_wait3A_593] : memref<2x200x64xf32, #tpu.memory_space<vmem>> -> memref<1x40x64xf32, #tpu.memory_space<vmem>>
        %dma_wait3A_595 = tpu.memref_squeeze %dma_wait3A_594 : memref<1x40x64xf32, #tpu.memory_space<vmem>> -> memref<40x64xf32, #tpu.memory_space<vmem>>
        %dma_wait3A_596 = arith.constant 0 : i32
        %dma_wait3A_597 = arith.constant 0 : i32
        %dma_wait3A_598 = tpu.memref_slice %arg3[%dma_wait3A_596, %dma_wait3A_597] : memref<1000000x64xf32, #tpu.memory_space<hbm>> -> memref<40x64xf32, #tpu.memory_space<hbm>>
        %dma_wait3A_599 = arith.constant 80 : i32
        %dma_wait3A_600 = arith.constant 0 : i32
        %dma_wait3A_601 = tpu.memref_slice %arg13[%dma_wait3A_591, %dma_wait3A_599, %dma_wait3A_600] : memref<2x200x64xf32, #tpu.memory_space<vmem>> -> memref<1x40x64xf32, #tpu.memory_space<vmem>>
        %dma_wait3A_602 = tpu.memref_squeeze %dma_wait3A_601 : memref<1x40x64xf32, #tpu.memory_space<vmem>> -> memref<40x64xf32, #tpu.memory_space<vmem>>
        %dma_wait3A_603 = arith.constant 0 : i32
        %dma_wait3A_604 = arith.constant 0 : i32
        %dma_wait3A_605 = tpu.memref_slice %arg3[%dma_wait3A_603, %dma_wait3A_604] : memref<1000000x64xf32, #tpu.memory_space<hbm>> -> memref<40x64xf32, #tpu.memory_space<hbm>>
        tpu.wait_dma2 semaphore(%arg21 : memref<!tpu.dma_semaphore, #tpu.memory_space<semaphore_mem>>) src(%dma_wait3A_605 : memref<40x64xf32, #tpu.memory_space<hbm>>) dst(%dma_wait3A_602 : memref<40x64xf32, #tpu.memory_space<vmem>>)
        %dma_wait3A_606 = arith.constant 0 : i32
        %dma_wait3A_607 = arith.constant 120 : i32
        %dma_wait3A_608 = arith.constant 0 : i32
        %dma_wait3A_609 = tpu.memref_slice %arg13[%dma_wait3A_606, %dma_wait3A_607, %dma_wait3A_608] : memref<2x200x64xf32, #tpu.memory_space<vmem>> -> memref<1x40x64xf32, #tpu.memory_space<vmem>>
        %dma_wait3A_610 = tpu.memref_squeeze %dma_wait3A_609 : memref<1x40x64xf32, #tpu.memory_space<vmem>> -> memref<40x64xf32, #tpu.memory_space<vmem>>
        %dma_wait3A_611 = arith.constant 0 : i32
        %dma_wait3A_612 = arith.constant 0 : i32
        %dma_wait3A_613 = tpu.memref_slice %arg3[%dma_wait3A_611, %dma_wait3A_612] : memref<1000000x64xf32, #tpu.memory_space<hbm>> -> memref<40x64xf32, #tpu.memory_space<hbm>>
        %dma_wait3A_614 = arith.constant 120 : i32
        %dma_wait3A_615 = arith.constant 0 : i32
        %dma_wait3A_616 = tpu.memref_slice %arg13[%dma_wait3A_606, %dma_wait3A_614, %dma_wait3A_615] : memref<2x200x64xf32, #tpu.memory_space<vmem>> -> memref<1x40x64xf32, #tpu.memory_space<vmem>>
        %dma_wait3A_617 = tpu.memref_squeeze %dma_wait3A_616 : memref<1x40x64xf32, #tpu.memory_space<vmem>> -> memref<40x64xf32, #tpu.memory_space<vmem>>
        %dma_wait3A_618 = arith.constant 0 : i32
        %dma_wait3A_619 = arith.constant 0 : i32
        %dma_wait3A_620 = tpu.memref_slice %arg3[%dma_wait3A_618, %dma_wait3A_619] : memref<1000000x64xf32, #tpu.memory_space<hbm>> -> memref<40x64xf32, #tpu.memory_space<hbm>>
        tpu.wait_dma2 semaphore(%arg21 : memref<!tpu.dma_semaphore, #tpu.memory_space<semaphore_mem>>) src(%dma_wait3A_620 : memref<40x64xf32, #tpu.memory_space<hbm>>) dst(%dma_wait3A_617 : memref<40x64xf32, #tpu.memory_space<vmem>>)
        %dma_wait3A_621 = arith.constant 0 : i32
        %dma_wait3A_622 = arith.constant 160 : i32
        %dma_wait3A_623 = arith.constant 0 : i32
        %dma_wait3A_624 = tpu.memref_slice %arg13[%dma_wait3A_621, %dma_wait3A_622, %dma_wait3A_623] : memref<2x200x64xf32, #tpu.memory_space<vmem>> -> memref<1x40x64xf32, #tpu.memory_space<vmem>>
        %dma_wait3A_625 = tpu.memref_squeeze %dma_wait3A_624 : memref<1x40x64xf32, #tpu.memory_space<vmem>> -> memref<40x64xf32, #tpu.memory_space<vmem>>
        %dma_wait3A_626 = arith.constant 0 : i32
        %dma_wait3A_627 = arith.constant 0 : i32
        %dma_wait3A_628 = tpu.memref_slice %arg3[%dma_wait3A_626, %dma_wait3A_627] : memref<1000000x64xf32, #tpu.memory_space<hbm>> -> memref<40x64xf32, #tpu.memory_space<hbm>>
        %dma_wait3A_629 = arith.constant 160 : i32
        %dma_wait3A_630 = arith.constant 0 : i32
        %dma_wait3A_631 = tpu.memref_slice %arg13[%dma_wait3A_621, %dma_wait3A_629, %dma_wait3A_630] : memref<2x200x64xf32, #tpu.memory_space<vmem>> -> memref<1x40x64xf32, #tpu.memory_space<vmem>>
        %dma_wait3A_632 = tpu.memref_squeeze %dma_wait3A_631 : memref<1x40x64xf32, #tpu.memory_space<vmem>> -> memref<40x64xf32, #tpu.memory_space<vmem>>
        %dma_wait3A_633 = arith.constant 0 : i32
        %dma_wait3A_634 = arith.constant 0 : i32
        %dma_wait3A_635 = tpu.memref_slice %arg3[%dma_wait3A_633, %dma_wait3A_634] : memref<1000000x64xf32, #tpu.memory_space<hbm>> -> memref<40x64xf32, #tpu.memory_space<hbm>>
        tpu.wait_dma2 semaphore(%arg21 : memref<!tpu.dma_semaphore, #tpu.memory_space<semaphore_mem>>) src(%dma_wait3A_635 : memref<40x64xf32, #tpu.memory_space<hbm>>) dst(%dma_wait3A_632 : memref<40x64xf32, #tpu.memory_space<vmem>>)
        %dma_wait3A_636 = arith.constant 1 : i32
        %dma_wait3A_637 = arith.constant 0 : i32
        %dma_wait3A_638 = arith.constant 0 : i32
        %dma_wait3A_639 = tpu.memref_slice %arg13[%dma_wait3A_636, %dma_wait3A_637, %dma_wait3A_638] : memref<2x200x64xf32, #tpu.memory_space<vmem>> -> memref<1x40x64xf32, #tpu.memory_space<vmem>>
        %dma_wait3A_640 = tpu.memref_squeeze %dma_wait3A_639 : memref<1x40x64xf32, #tpu.memory_space<vmem>> -> memref<40x64xf32, #tpu.memory_space<vmem>>
        %dma_wait3A_641 = arith.constant 0 : i32
        %dma_wait3A_642 = arith.constant 0 : i32
        %dma_wait3A_643 = tpu.memref_slice %arg3[%dma_wait3A_641, %dma_wait3A_642] : memref<1000000x64xf32, #tpu.memory_space<hbm>> -> memref<40x64xf32, #tpu.memory_space<hbm>>
        %dma_wait3A_644 = arith.constant 0 : i32
        %dma_wait3A_645 = arith.constant 0 : i32
        %dma_wait3A_646 = tpu.memref_slice %arg13[%dma_wait3A_636, %dma_wait3A_644, %dma_wait3A_645] : memref<2x200x64xf32, #tpu.memory_space<vmem>> -> memref<1x40x64xf32, #tpu.memory_space<vmem>>
        %dma_wait3A_647 = tpu.memref_squeeze %dma_wait3A_646 : memref<1x40x64xf32, #tpu.memory_space<vmem>> -> memref<40x64xf32, #tpu.memory_space<vmem>>
        %dma_wait3A_648 = arith.constant 0 : i32
        %dma_wait3A_649 = arith.constant 0 : i32
        %dma_wait3A_650 = tpu.memref_slice %arg3[%dma_wait3A_648, %dma_wait3A_649] : memref<1000000x64xf32, #tpu.memory_space<hbm>> -> memref<40x64xf32, #tpu.memory_space<hbm>>
        tpu.wait_dma2 semaphore(%arg21 : memref<!tpu.dma_semaphore, #tpu.memory_space<semaphore_mem>>) src(%dma_wait3A_650 : memref<40x64xf32, #tpu.memory_space<hbm>>) dst(%dma_wait3A_647 : memref<40x64xf32, #tpu.memory_space<vmem>>)
        %dma_wait3A_651 = arith.constant 1 : i32
        %dma_wait3A_652 = arith.constant 40 : i32
        %dma_wait3A_653 = arith.constant 0 : i32
        %dma_wait3A_654 = tpu.memref_slice %arg13[%dma_wait3A_651, %dma_wait3A_652, %dma_wait3A_653] : memref<2x200x64xf32, #tpu.memory_space<vmem>> -> memref<1x40x64xf32, #tpu.memory_space<vmem>>
        %dma_wait3A_655 = tpu.memref_squeeze %dma_wait3A_654 : memref<1x40x64xf32, #tpu.memory_space<vmem>> -> memref<40x64xf32, #tpu.memory_space<vmem>>
        %dma_wait3A_656 = arith.constant 0 : i32
        %dma_wait3A_657 = arith.constant 0 : i32
        %dma_wait3A_658 = tpu.memref_slice %arg3[%dma_wait3A_656, %dma_wait3A_657] : memref<1000000x64xf32, #tpu.memory_space<hbm>> -> memref<40x64xf32, #tpu.memory_space<hbm>>
        %dma_wait3A_659 = arith.constant 40 : i32
        %dma_wait3A_660 = arith.constant 0 : i32
        %dma_wait3A_661 = tpu.memref_slice %arg13[%dma_wait3A_651, %dma_wait3A_659, %dma_wait3A_660] : memref<2x200x64xf32, #tpu.memory_space<vmem>> -> memref<1x40x64xf32, #tpu.memory_space<vmem>>
        %dma_wait3A_662 = tpu.memref_squeeze %dma_wait3A_661 : memref<1x40x64xf32, #tpu.memory_space<vmem>> -> memref<40x64xf32, #tpu.memory_space<vmem>>
        %dma_wait3A_663 = arith.constant 0 : i32
        %dma_wait3A_664 = arith.constant 0 : i32
        %dma_wait3A_665 = tpu.memref_slice %arg3[%dma_wait3A_663, %dma_wait3A_664] : memref<1000000x64xf32, #tpu.memory_space<hbm>> -> memref<40x64xf32, #tpu.memory_space<hbm>>
        tpu.wait_dma2 semaphore(%arg21 : memref<!tpu.dma_semaphore, #tpu.memory_space<semaphore_mem>>) src(%dma_wait3A_665 : memref<40x64xf32, #tpu.memory_space<hbm>>) dst(%dma_wait3A_662 : memref<40x64xf32, #tpu.memory_space<vmem>>)
        %dma_wait3A_666 = arith.constant 1 : i32
        %dma_wait3A_667 = arith.constant 80 : i32
        %dma_wait3A_668 = arith.constant 0 : i32
        %dma_wait3A_669 = tpu.memref_slice %arg13[%dma_wait3A_666, %dma_wait3A_667, %dma_wait3A_668] : memref<2x200x64xf32, #tpu.memory_space<vmem>> -> memref<1x40x64xf32, #tpu.memory_space<vmem>>
        %dma_wait3A_670 = tpu.memref_squeeze %dma_wait3A_669 : memref<1x40x64xf32, #tpu.memory_space<vmem>> -> memref<40x64xf32, #tpu.memory_space<vmem>>
        %dma_wait3A_671 = arith.constant 0 : i32
        %dma_wait3A_672 = arith.constant 0 : i32
        %dma_wait3A_673 = tpu.memref_slice %arg3[%dma_wait3A_671, %dma_wait3A_672] : memref<1000000x64xf32, #tpu.memory_space<hbm>> -> memref<40x64xf32, #tpu.memory_space<hbm>>
        %dma_wait3A_674 = arith.constant 80 : i32
        %dma_wait3A_675 = arith.constant 0 : i32
        %dma_wait3A_676 = tpu.memref_slice %arg13[%dma_wait3A_666, %dma_wait3A_674, %dma_wait3A_675] : memref<2x200x64xf32, #tpu.memory_space<vmem>> -> memref<1x40x64xf32, #tpu.memory_space<vmem>>
        %dma_wait3A_677 = tpu.memref_squeeze %dma_wait3A_676 : memref<1x40x64xf32, #tpu.memory_space<vmem>> -> memref<40x64xf32, #tpu.memory_space<vmem>>
        %dma_wait3A_678 = arith.constant 0 : i32
        %dma_wait3A_679 = arith.constant 0 : i32
        %dma_wait3A_680 = tpu.memref_slice %arg3[%dma_wait3A_678, %dma_wait3A_679] : memref<1000000x64xf32, #tpu.memory_space<hbm>> -> memref<40x64xf32, #tpu.memory_space<hbm>>
        tpu.wait_dma2 semaphore(%arg21 : memref<!tpu.dma_semaphore, #tpu.memory_space<semaphore_mem>>) src(%dma_wait3A_680 : memref<40x64xf32, #tpu.memory_space<hbm>>) dst(%dma_wait3A_677 : memref<40x64xf32, #tpu.memory_space<vmem>>)
        %dma_wait3A_681 = arith.constant 1 : i32
        %dma_wait3A_682 = arith.constant 120 : i32
        %dma_wait3A_683 = arith.constant 0 : i32
        %dma_wait3A_684 = tpu.memref_slice %arg13[%dma_wait3A_681, %dma_wait3A_682, %dma_wait3A_683] : memref<2x200x64xf32, #tpu.memory_space<vmem>> -> memref<1x40x64xf32, #tpu.memory_space<vmem>>
        %dma_wait3A_685 = tpu.memref_squeeze %dma_wait3A_684 : memref<1x40x64xf32, #tpu.memory_space<vmem>> -> memref<40x64xf32, #tpu.memory_space<vmem>>
        %dma_wait3A_686 = arith.constant 0 : i32
        %dma_wait3A_687 = arith.constant 0 : i32
        %dma_wait3A_688 = tpu.memref_slice %arg3[%dma_wait3A_686, %dma_wait3A_687] : memref<1000000x64xf32, #tpu.memory_space<hbm>> -> memref<40x64xf32, #tpu.memory_space<hbm>>
        %dma_wait3A_689 = arith.constant 120 : i32
        %dma_wait3A_690 = arith.constant 0 : i32
        %dma_wait3A_691 = tpu.memref_slice %arg13[%dma_wait3A_681, %dma_wait3A_689, %dma_wait3A_690] : memref<2x200x64xf32, #tpu.memory_space<vmem>> -> memref<1x40x64xf32, #tpu.memory_space<vmem>>
        %dma_wait3A_692 = tpu.memref_squeeze %dma_wait3A_691 : memref<1x40x64xf32, #tpu.memory_space<vmem>> -> memref<40x64xf32, #tpu.memory_space<vmem>>
        %dma_wait3A_693 = arith.constant 0 : i32
        %dma_wait3A_694 = arith.constant 0 : i32
        %dma_wait3A_695 = tpu.memref_slice %arg3[%dma_wait3A_693, %dma_wait3A_694] : memref<1000000x64xf32, #tpu.memory_space<hbm>> -> memref<40x64xf32, #tpu.memory_space<hbm>>
        tpu.wait_dma2 semaphore(%arg21 : memref<!tpu.dma_semaphore, #tpu.memory_space<semaphore_mem>>) src(%dma_wait3A_695 : memref<40x64xf32, #tpu.memory_space<hbm>>) dst(%dma_wait3A_692 : memref<40x64xf32, #tpu.memory_space<vmem>>)
        %dma_wait3A_696 = arith.constant 1 : i32
        %dma_wait3A_697 = arith.constant 160 : i32
        %dma_wait3A_698 = arith.constant 0 : i32
        %dma_wait3A_699 = tpu.memref_slice %arg13[%dma_wait3A_696, %dma_wait3A_697, %dma_wait3A_698] : memref<2x200x64xf32, #tpu.memory_space<vmem>> -> memref<1x40x64xf32, #tpu.memory_space<vmem>>
        %dma_wait3A_700 = tpu.memref_squeeze %dma_wait3A_699 : memref<1x40x64xf32, #tpu.memory_space<vmem>> -> memref<40x64xf32, #tpu.memory_space<vmem>>
        %dma_wait3A_701 = arith.constant 0 : i32
        %dma_wait3A_702 = arith.constant 0 : i32
        %dma_wait3A_703 = tpu.memref_slice %arg3[%dma_wait3A_701, %dma_wait3A_702] : memref<1000000x64xf32, #tpu.memory_space<hbm>> -> memref<40x64xf32, #tpu.memory_space<hbm>>
        %dma_wait3A_704 = arith.constant 160 : i32
        %dma_wait3A_705 = arith.constant 0 : i32
        %dma_wait3A_706 = tpu.memref_slice %arg13[%dma_wait3A_696, %dma_wait3A_704, %dma_wait3A_705] : memref<2x200x64xf32, #tpu.memory_space<vmem>> -> memref<1x40x64xf32, #tpu.memory_space<vmem>>
        %dma_wait3A_707 = tpu.memref_squeeze %dma_wait3A_706 : memref<1x40x64xf32, #tpu.memory_space<vmem>> -> memref<40x64xf32, #tpu.memory_space<vmem>>
        %dma_wait3A_708 = arith.constant 0 : i32
        %dma_wait3A_709 = arith.constant 0 : i32
        %dma_wait3A_710 = tpu.memref_slice %arg3[%dma_wait3A_708, %dma_wait3A_709] : memref<1000000x64xf32, #tpu.memory_space<hbm>> -> memref<40x64xf32, #tpu.memory_space<hbm>>
        tpu.wait_dma2 semaphore(%arg21 : memref<!tpu.dma_semaphore, #tpu.memory_space<semaphore_mem>>) src(%dma_wait3A_710 : memref<40x64xf32, #tpu.memory_space<hbm>>) dst(%dma_wait3A_707 : memref<40x64xf32, #tpu.memory_space<vmem>>)
        %dma_start3A = arith.constant 0 : i32
        %dma_start3A_711 = arith.constant 0 : i32
        %dma_start3A_712 = arith.constant 0 : i32
        %dma_start3A_713 = tpu.memref_slice %arg13[%dma_start3A, %dma_start3A_711, %dma_start3A_712] : memref<2x200x64xf32, #tpu.memory_space<vmem>> -> memref<1x40x64xf32, #tpu.memory_space<vmem>>
        %dma_start3A_714 = tpu.memref_squeeze %dma_start3A_713 : memref<1x40x64xf32, #tpu.memory_space<vmem>> -> memref<40x64xf32, #tpu.memory_space<vmem>>
        %dma_start3A_715 = arith.constant 0 : i32
        %dma_start3A_716 = tpu.memref_slice %arg6[%dma_start3A_715] : memref<400xi32, #tpu.memory_space<vmem>> -> memref<40xi32, #tpu.memory_space<vmem>>
        %dma_start3A_717 = arith.constant 0 : i32
        %dma_start3A_718 = arith.constant 0 : i32
        %dma_start3A_719 = tpu.memref_slice %arg7[%dma_start3A_717, %dma_start3A_718] : memref<200x64xf32, #tpu.memory_space<vmem_shared>> -> memref<200x64xf32, #tpu.memory_space<vmem_shared>>
        tpu.enqueue_indirect_dma source(%dma_start3A_719 : memref<200x64xf32, #tpu.memory_space<vmem_shared>>) target(%dma_start3A_714 : memref<40x64xf32, #tpu.memory_space<vmem>>) offsets(%dma_start3A_716 : memref<40xi32, #tpu.memory_space<vmem>>) semaphore(%arg25 : memref<!tpu.dma_semaphore, #tpu.memory_space<semaphore_mem>>) {add = true}
        %dma_start3A_720 = arith.constant 0 : i32
        %dma_start3A_721 = arith.constant 40 : i32
        %dma_start3A_722 = arith.constant 0 : i32
        %dma_start3A_723 = tpu.memref_slice %arg13[%dma_start3A_720, %dma_start3A_721, %dma_start3A_722] : memref<2x200x64xf32, #tpu.memory_space<vmem>> -> memref<1x40x64xf32, #tpu.memory_space<vmem>>
        %dma_start3A_724 = tpu.memref_squeeze %dma_start3A_723 : memref<1x40x64xf32, #tpu.memory_space<vmem>> -> memref<40x64xf32, #tpu.memory_space<vmem>>
        %dma_start3A_725 = arith.constant 40 : i32
        %dma_start3A_726 = tpu.memref_slice %arg6[%dma_start3A_725] : memref<400xi32, #tpu.memory_space<vmem>> -> memref<40xi32, #tpu.memory_space<vmem>>
        %dma_start3A_727 = arith.constant 0 : i32
        %dma_start3A_728 = arith.constant 0 : i32
        %dma_start3A_729 = tpu.memref_slice %arg7[%dma_start3A_727, %dma_start3A_728] : memref<200x64xf32, #tpu.memory_space<vmem_shared>> -> memref<200x64xf32, #tpu.memory_space<vmem_shared>>
        tpu.enqueue_indirect_dma source(%dma_start3A_729 : memref<200x64xf32, #tpu.memory_space<vmem_shared>>) target(%dma_start3A_724 : memref<40x64xf32, #tpu.memory_space<vmem>>) offsets(%dma_start3A_726 : memref<40xi32, #tpu.memory_space<vmem>>) semaphore(%arg25 : memref<!tpu.dma_semaphore, #tpu.memory_space<semaphore_mem>>) {add = true}
        %dma_start3A_730 = arith.constant 0 : i32
        %dma_start3A_731 = arith.constant 80 : i32
        %dma_start3A_732 = arith.constant 0 : i32
        %dma_start3A_733 = tpu.memref_slice %arg13[%dma_start3A_730, %dma_start3A_731, %dma_start3A_732] : memref<2x200x64xf32, #tpu.memory_space<vmem>> -> memref<1x40x64xf32, #tpu.memory_space<vmem>>
        %dma_start3A_734 = tpu.memref_squeeze %dma_start3A_733 : memref<1x40x64xf32, #tpu.memory_space<vmem>> -> memref<40x64xf32, #tpu.memory_space<vmem>>
        %dma_start3A_735 = arith.constant 80 : i32
        %dma_start3A_736 = tpu.memref_slice %arg6[%dma_start3A_735] : memref<400xi32, #tpu.memory_space<vmem>> -> memref<40xi32, #tpu.memory_space<vmem>>
        %dma_start3A_737 = arith.constant 0 : i32
        %dma_start3A_738 = arith.constant 0 : i32
        %dma_start3A_739 = tpu.memref_slice %arg7[%dma_start3A_737, %dma_start3A_738] : memref<200x64xf32, #tpu.memory_space<vmem_shared>> -> memref<200x64xf32, #tpu.memory_space<vmem_shared>>
        tpu.enqueue_indirect_dma source(%dma_start3A_739 : memref<200x64xf32, #tpu.memory_space<vmem_shared>>) target(%dma_start3A_734 : memref<40x64xf32, #tpu.memory_space<vmem>>) offsets(%dma_start3A_736 : memref<40xi32, #tpu.memory_space<vmem>>) semaphore(%arg25 : memref<!tpu.dma_semaphore, #tpu.memory_space<semaphore_mem>>) {add = true}
        %dma_start3A_740 = arith.constant 0 : i32
        %dma_start3A_741 = arith.constant 120 : i32
        %dma_start3A_742 = arith.constant 0 : i32
        %dma_start3A_743 = tpu.memref_slice %arg13[%dma_start3A_740, %dma_start3A_741, %dma_start3A_742] : memref<2x200x64xf32, #tpu.memory_space<vmem>> -> memref<1x40x64xf32, #tpu.memory_space<vmem>>
        %dma_start3A_744 = tpu.memref_squeeze %dma_start3A_743 : memref<1x40x64xf32, #tpu.memory_space<vmem>> -> memref<40x64xf32, #tpu.memory_space<vmem>>
        %dma_start3A_745 = arith.constant 120 : i32
        %dma_start3A_746 = tpu.memref_slice %arg6[%dma_start3A_745] : memref<400xi32, #tpu.memory_space<vmem>> -> memref<40xi32, #tpu.memory_space<vmem>>
        %dma_start3A_747 = arith.constant 0 : i32
        %dma_start3A_748 = arith.constant 0 : i32
        %dma_start3A_749 = tpu.memref_slice %arg7[%dma_start3A_747, %dma_start3A_748] : memref<200x64xf32, #tpu.memory_space<vmem_shared>> -> memref<200x64xf32, #tpu.memory_space<vmem_shared>>
        tpu.enqueue_indirect_dma source(%dma_start3A_749 : memref<200x64xf32, #tpu.memory_space<vmem_shared>>) target(%dma_start3A_744 : memref<40x64xf32, #tpu.memory_space<vmem>>) offsets(%dma_start3A_746 : memref<40xi32, #tpu.memory_space<vmem>>) semaphore(%arg25 : memref<!tpu.dma_semaphore, #tpu.memory_space<semaphore_mem>>) {add = true}
        %dma_start3A_750 = arith.constant 0 : i32
        %dma_start3A_751 = arith.constant 160 : i32
        %dma_start3A_752 = arith.constant 0 : i32
        %dma_start3A_753 = tpu.memref_slice %arg13[%dma_start3A_750, %dma_start3A_751, %dma_start3A_752] : memref<2x200x64xf32, #tpu.memory_space<vmem>> -> memref<1x40x64xf32, #tpu.memory_space<vmem>>
        %dma_start3A_754 = tpu.memref_squeeze %dma_start3A_753 : memref<1x40x64xf32, #tpu.memory_space<vmem>> -> memref<40x64xf32, #tpu.memory_space<vmem>>
        %dma_start3A_755 = arith.constant 160 : i32
        %dma_start3A_756 = tpu.memref_slice %arg6[%dma_start3A_755] : memref<400xi32, #tpu.memory_space<vmem>> -> memref<40xi32, #tpu.memory_space<vmem>>
        %dma_start3A_757 = arith.constant 0 : i32
        %dma_start3A_758 = arith.constant 0 : i32
        %dma_start3A_759 = tpu.memref_slice %arg7[%dma_start3A_757, %dma_start3A_758] : memref<200x64xf32, #tpu.memory_space<vmem_shared>> -> memref<200x64xf32, #tpu.memory_space<vmem_shared>>
        tpu.enqueue_indirect_dma source(%dma_start3A_759 : memref<200x64xf32, #tpu.memory_space<vmem_shared>>) target(%dma_start3A_754 : memref<40x64xf32, #tpu.memory_space<vmem>>) offsets(%dma_start3A_756 : memref<40xi32, #tpu.memory_space<vmem>>) semaphore(%arg25 : memref<!tpu.dma_semaphore, #tpu.memory_space<semaphore_mem>>) {add = true}
        %dma_start3A_760 = arith.constant 1 : i32
        %dma_start3A_761 = arith.constant 0 : i32
        %dma_start3A_762 = arith.constant 0 : i32
        %dma_start3A_763 = tpu.memref_slice %arg13[%dma_start3A_760, %dma_start3A_761, %dma_start3A_762] : memref<2x200x64xf32, #tpu.memory_space<vmem>> -> memref<1x40x64xf32, #tpu.memory_space<vmem>>
        %dma_start3A_764 = tpu.memref_squeeze %dma_start3A_763 : memref<1x40x64xf32, #tpu.memory_space<vmem>> -> memref<40x64xf32, #tpu.memory_space<vmem>>
        %dma_start3A_765 = arith.constant 200 : i32
        %dma_start3A_766 = tpu.memref_slice %arg6[%dma_start3A_765] : memref<400xi32, #tpu.memory_space<vmem>> -> memref<40xi32, #tpu.memory_space<vmem>>
        %dma_start3A_767 = arith.constant 0 : i32
        %dma_start3A_768 = arith.constant 0 : i32
        %dma_start3A_769 = tpu.memref_slice %arg7[%dma_start3A_767, %dma_start3A_768] : memref<200x64xf32, #tpu.memory_space<vmem_shared>> -> memref<200x64xf32, #tpu.memory_space<vmem_shared>>
        tpu.enqueue_indirect_dma source(%dma_start3A_769 : memref<200x64xf32, #tpu.memory_space<vmem_shared>>) target(%dma_start3A_764 : memref<40x64xf32, #tpu.memory_space<vmem>>) offsets(%dma_start3A_766 : memref<40xi32, #tpu.memory_space<vmem>>) semaphore(%arg25 : memref<!tpu.dma_semaphore, #tpu.memory_space<semaphore_mem>>) {add = true}
        %dma_start3A_770 = arith.constant 1 : i32
        %dma_start3A_771 = arith.constant 40 : i32
        %dma_start3A_772 = arith.constant 0 : i32
        %dma_start3A_773 = tpu.memref_slice %arg13[%dma_start3A_770, %dma_start3A_771, %dma_start3A_772] : memref<2x200x64xf32, #tpu.memory_space<vmem>> -> memref<1x40x64xf32, #tpu.memory_space<vmem>>
        %dma_start3A_774 = tpu.memref_squeeze %dma_start3A_773 : memref<1x40x64xf32, #tpu.memory_space<vmem>> -> memref<40x64xf32, #tpu.memory_space<vmem>>
        %dma_start3A_775 = arith.constant 240 : i32
        %dma_start3A_776 = tpu.memref_slice %arg6[%dma_start3A_775] : memref<400xi32, #tpu.memory_space<vmem>> -> memref<40xi32, #tpu.memory_space<vmem>>
        %dma_start3A_777 = arith.constant 0 : i32
        %dma_start3A_778 = arith.constant 0 : i32
        %dma_start3A_779 = tpu.memref_slice %arg7[%dma_start3A_777, %dma_start3A_778] : memref<200x64xf32, #tpu.memory_space<vmem_shared>> -> memref<200x64xf32, #tpu.memory_space<vmem_shared>>
        tpu.enqueue_indirect_dma source(%dma_start3A_779 : memref<200x64xf32, #tpu.memory_space<vmem_shared>>) target(%dma_start3A_774 : memref<40x64xf32, #tpu.memory_space<vmem>>) offsets(%dma_start3A_776 : memref<40xi32, #tpu.memory_space<vmem>>) semaphore(%arg25 : memref<!tpu.dma_semaphore, #tpu.memory_space<semaphore_mem>>) {add = true}
        %dma_start3A_780 = arith.constant 1 : i32
        %dma_start3A_781 = arith.constant 80 : i32
        %dma_start3A_782 = arith.constant 0 : i32
        %dma_start3A_783 = tpu.memref_slice %arg13[%dma_start3A_780, %dma_start3A_781, %dma_start3A_782] : memref<2x200x64xf32, #tpu.memory_space<vmem>> -> memref<1x40x64xf32, #tpu.memory_space<vmem>>
        %dma_start3A_784 = tpu.memref_squeeze %dma_start3A_783 : memref<1x40x64xf32, #tpu.memory_space<vmem>> -> memref<40x64xf32, #tpu.memory_space<vmem>>
        %dma_start3A_785 = arith.constant 280 : i32
        %dma_start3A_786 = tpu.memref_slice %arg6[%dma_start3A_785] : memref<400xi32, #tpu.memory_space<vmem>> -> memref<40xi32, #tpu.memory_space<vmem>>
        %dma_start3A_787 = arith.constant 0 : i32
        %dma_start3A_788 = arith.constant 0 : i32
        %dma_start3A_789 = tpu.memref_slice %arg7[%dma_start3A_787, %dma_start3A_788] : memref<200x64xf32, #tpu.memory_space<vmem_shared>> -> memref<200x64xf32, #tpu.memory_space<vmem_shared>>
        tpu.enqueue_indirect_dma source(%dma_start3A_789 : memref<200x64xf32, #tpu.memory_space<vmem_shared>>) target(%dma_start3A_784 : memref<40x64xf32, #tpu.memory_space<vmem>>) offsets(%dma_start3A_786 : memref<40xi32, #tpu.memory_space<vmem>>) semaphore(%arg25 : memref<!tpu.dma_semaphore, #tpu.memory_space<semaphore_mem>>) {add = true}
        %dma_start3A_790 = arith.constant 1 : i32
        %dma_start3A_791 = arith.constant 120 : i32
        %dma_start3A_792 = arith.constant 0 : i32
        %dma_start3A_793 = tpu.memref_slice %arg13[%dma_start3A_790, %dma_start3A_791, %dma_start3A_792] : memref<2x200x64xf32, #tpu.memory_space<vmem>> -> memref<1x40x64xf32, #tpu.memory_space<vmem>>
        %dma_start3A_794 = tpu.memref_squeeze %dma_start3A_793 : memref<1x40x64xf32, #tpu.memory_space<vmem>> -> memref<40x64xf32, #tpu.memory_space<vmem>>
        %dma_start3A_795 = arith.constant 320 : i32
        %dma_start3A_796 = tpu.memref_slice %arg6[%dma_start3A_795] : memref<400xi32, #tpu.memory_space<vmem>> -> memref<40xi32, #tpu.memory_space<vmem>>
        %dma_start3A_797 = arith.constant 0 : i32
        %dma_start3A_798 = arith.constant 0 : i32
        %dma_start3A_799 = tpu.memref_slice %arg7[%dma_start3A_797, %dma_start3A_798] : memref<200x64xf32, #tpu.memory_space<vmem_shared>> -> memref<200x64xf32, #tpu.memory_space<vmem_shared>>
        tpu.enqueue_indirect_dma source(%dma_start3A_799 : memref<200x64xf32, #tpu.memory_space<vmem_shared>>) target(%dma_start3A_794 : memref<40x64xf32, #tpu.memory_space<vmem>>) offsets(%dma_start3A_796 : memref<40xi32, #tpu.memory_space<vmem>>) semaphore(%arg25 : memref<!tpu.dma_semaphore, #tpu.memory_space<semaphore_mem>>) {add = true}
        %dma_start3A_800 = arith.constant 1 : i32
        %dma_start3A_801 = arith.constant 160 : i32
        %dma_start3A_802 = arith.constant 0 : i32
        %dma_start3A_803 = tpu.memref_slice %arg13[%dma_start3A_800, %dma_start3A_801, %dma_start3A_802] : memref<2x200x64xf32, #tpu.memory_space<vmem>> -> memref<1x40x64xf32, #tpu.memory_space<vmem>>
        %dma_start3A_804 = tpu.memref_squeeze %dma_start3A_803 : memref<1x40x64xf32, #tpu.memory_space<vmem>> -> memref<40x64xf32, #tpu.memory_space<vmem>>
        %dma_start3A_805 = arith.constant 360 : i32
        %dma_start3A_806 = tpu.memref_slice %arg6[%dma_start3A_805] : memref<400xi32, #tpu.memory_space<vmem>> -> memref<40xi32, #tpu.memory_space<vmem>>
        %dma_start3A_807 = arith.constant 0 : i32
        %dma_start3A_808 = arith.constant 0 : i32
        %dma_start3A_809 = tpu.memref_slice %arg7[%dma_start3A_807, %dma_start3A_808] : memref<200x64xf32, #tpu.memory_space<vmem_shared>> -> memref<200x64xf32, #tpu.memory_space<vmem_shared>>
        tpu.enqueue_indirect_dma source(%dma_start3A_809 : memref<200x64xf32, #tpu.memory_space<vmem_shared>>) target(%dma_start3A_804 : memref<40x64xf32, #tpu.memory_space<vmem>>) offsets(%dma_start3A_806 : memref<40xi32, #tpu.memory_space<vmem>>) semaphore(%arg25 : memref<!tpu.dma_semaphore, #tpu.memory_space<semaphore_mem>>) {add = true}
      } else {
      }
      %sub3A_551 = arith.constant 3 : i32
      %sub3A_552 = arith.subi %add3A_525, %sub3A_551 : i32
      %ge3A_553 = arith.constant 0 : i32
      %ge3A_554 = arith.cmpi sge, %sub3A_552, %ge3A_553 : i32
      %lt3A_555 = arith.constant 64 : i32
      %lt3A_556 = arith.cmpi slt, %sub3A_552, %lt3A_555 : i32
      %and3A_557 = arith.andi %ge3A_554, %lt3A_556 : i1
      %convert_element_type3A_558 = arith.extui %and3A_557 : i1 to i32
      %cond3A_559 = arith.constant 0 : i32
      %cond3A_560 = arith.cmpi ne, %convert_element_type3A_558, %cond3A_559 : i32
      scf.if %cond3A_560 {
        %dma_wait3A_561 = arith.constant 0 : i32
        %dma_wait3A_562 = arith.constant 0 : i32
        %dma_wait3A_563 = arith.constant 0 : i32
        %dma_wait3A_564 = tpu.memref_slice %arg12[%dma_wait3A_561, %dma_wait3A_562, %dma_wait3A_563] : memref<2x200x64xf32, #tpu.memory_space<vmem>> -> memref<1x40x64xf32, #tpu.memory_space<vmem>>
        %dma_wait3A_565 = tpu.memref_squeeze %dma_wait3A_564 : memref<1x40x64xf32, #tpu.memory_space<vmem>> -> memref<40x64xf32, #tpu.memory_space<vmem>>
        %dma_wait3A_566 = arith.constant 0 : i32
        %dma_wait3A_567 = arith.constant 0 : i32
        %dma_wait3A_568 = tpu.memref_slice %arg3[%dma_wait3A_566, %dma_wait3A_567] : memref<1000000x64xf32, #tpu.memory_space<hbm>> -> memref<40x64xf32, #tpu.memory_space<hbm>>
        %dma_wait3A_569 = arith.constant 0 : i32
        %dma_wait3A_570 = arith.constant 0 : i32
        %dma_wait3A_571 = tpu.memref_slice %arg12[%dma_wait3A_561, %dma_wait3A_569, %dma_wait3A_570] : memref<2x200x64xf32, #tpu.memory_space<vmem>> -> memref<1x40x64xf32, #tpu.memory_space<vmem>>
        %dma_wait3A_572 = tpu.memref_squeeze %dma_wait3A_571 : memref<1x40x64xf32, #tpu.memory_space<vmem>> -> memref<40x64xf32, #tpu.memory_space<vmem>>
        %dma_wait3A_573 = arith.constant 0 : i32
        %dma_wait3A_574 = arith.constant 0 : i32
        %dma_wait3A_575 = tpu.memref_slice %arg3[%dma_wait3A_573, %dma_wait3A_574] : memref<1000000x64xf32, #tpu.memory_space<hbm>> -> memref<40x64xf32, #tpu.memory_space<hbm>>
        tpu.wait_dma2 semaphore(%arg24 : memref<!tpu.dma_semaphore, #tpu.memory_space<semaphore_mem>>) src(%dma_wait3A_575 : memref<40x64xf32, #tpu.memory_space<hbm>>) dst(%dma_wait3A_572 : memref<40x64xf32, #tpu.memory_space<vmem>>)
        %dma_wait3A_576 = arith.constant 0 : i32
        %dma_wait3A_577 = arith.constant 40 : i32
        %dma_wait3A_578 = arith.constant 0 : i32
        %dma_wait3A_579 = tpu.memref_slice %arg12[%dma_wait3A_576, %dma_wait3A_577, %dma_wait3A_578] : memref<2x200x64xf32, #tpu.memory_space<vmem>> -> memref<1x40x64xf32, #tpu.memory_space<vmem>>
        %dma_wait3A_580 = tpu.memref_squeeze %dma_wait3A_579 : memref<1x40x64xf32, #tpu.memory_space<vmem>> -> memref<40x64xf32, #tpu.memory_space<vmem>>
        %dma_wait3A_581 = arith.constant 0 : i32
        %dma_wait3A_582 = arith.constant 0 : i32
        %dma_wait3A_583 = tpu.memref_slice %arg3[%dma_wait3A_581, %dma_wait3A_582] : memref<1000000x64xf32, #tpu.memory_space<hbm>> -> memref<40x64xf32, #tpu.memory_space<hbm>>
        %dma_wait3A_584 = arith.constant 40 : i32
        %dma_wait3A_585 = arith.constant 0 : i32
        %dma_wait3A_586 = tpu.memref_slice %arg12[%dma_wait3A_576, %dma_wait3A_584, %dma_wait3A_585] : memref<2x200x64xf32, #tpu.memory_space<vmem>> -> memref<1x40x64xf32, #tpu.memory_space<vmem>>
        %dma_wait3A_587 = tpu.memref_squeeze %dma_wait3A_586 : memref<1x40x64xf32, #tpu.memory_space<vmem>> -> memref<40x64xf32, #tpu.memory_space<vmem>>
        %dma_wait3A_588 = arith.constant 0 : i32
        %dma_wait3A_589 = arith.constant 0 : i32
        %dma_wait3A_590 = tpu.memref_slice %arg3[%dma_wait3A_588, %dma_wait3A_589] : memref<1000000x64xf32, #tpu.memory_space<hbm>> -> memref<40x64xf32, #tpu.memory_space<hbm>>
        tpu.wait_dma2 semaphore(%arg24 : memref<!tpu.dma_semaphore, #tpu.memory_space<semaphore_mem>>) src(%dma_wait3A_590 : memref<40x64xf32, #tpu.memory_space<hbm>>) dst(%dma_wait3A_587 : memref<40x64xf32, #tpu.memory_space<vmem>>)
        %dma_wait3A_591 = arith.constant 0 : i32
        %dma_wait3A_592 = arith.constant 80 : i32
        %dma_wait3A_593 = arith.constant 0 : i32
        %dma_wait3A_594 = tpu.memref_slice %arg12[%dma_wait3A_591, %dma_wait3A_592, %dma_wait3A_593] : memref<2x200x64xf32, #tpu.memory_space<vmem>> -> memref<1x40x64xf32, #tpu.memory_space<vmem>>
        %dma_wait3A_595 = tpu.memref_squeeze %dma_wait3A_594 : memref<1x40x64xf32, #tpu.memory_space<vmem>> -> memref<40x64xf32, #tpu.memory_space<vmem>>
        %dma_wait3A_596 = arith.constant 0 : i32
        %dma_wait3A_597 = arith.constant 0 : i32
        %dma_wait3A_598 = tpu.memref_slice %arg3[%dma_wait3A_596, %dma_wait3A_597] : memref<1000000x64xf32, #tpu.memory_space<hbm>> -> memref<40x64xf32, #tpu.memory_space<hbm>>
        %dma_wait3A_599 = arith.constant 80 : i32
        %dma_wait3A_600 = arith.constant 0 : i32
        %dma_wait3A_601 = tpu.memref_slice %arg12[%dma_wait3A_591, %dma_wait3A_599, %dma_wait3A_600] : memref<2x200x64xf32, #tpu.memory_space<vmem>> -> memref<1x40x64xf32, #tpu.memory_space<vmem>>
        %dma_wait3A_602 = tpu.memref_squeeze %dma_wait3A_601 : memref<1x40x64xf32, #tpu.memory_space<vmem>> -> memref<40x64xf32, #tpu.memory_space<vmem>>
        %dma_wait3A_603 = arith.constant 0 : i32
        %dma_wait3A_604 = arith.constant 0 : i32
        %dma_wait3A_605 = tpu.memref_slice %arg3[%dma_wait3A_603, %dma_wait3A_604] : memref<1000000x64xf32, #tpu.memory_space<hbm>> -> memref<40x64xf32, #tpu.memory_space<hbm>>
        tpu.wait_dma2 semaphore(%arg24 : memref<!tpu.dma_semaphore, #tpu.memory_space<semaphore_mem>>) src(%dma_wait3A_605 : memref<40x64xf32, #tpu.memory_space<hbm>>) dst(%dma_wait3A_602 : memref<40x64xf32, #tpu.memory_space<vmem>>)
        %dma_wait3A_606 = arith.constant 0 : i32
        %dma_wait3A_607 = arith.constant 120 : i32
        %dma_wait3A_608 = arith.constant 0 : i32
        %dma_wait3A_609 = tpu.memref_slice %arg12[%dma_wait3A_606, %dma_wait3A_607, %dma_wait3A_608] : memref<2x200x64xf32, #tpu.memory_space<vmem>> -> memref<1x40x64xf32, #tpu.memory_space<vmem>>
        %dma_wait3A_610 = tpu.memref_squeeze %dma_wait3A_609 : memref<1x40x64xf32, #tpu.memory_space<vmem>> -> memref<40x64xf32, #tpu.memory_space<vmem>>
        %dma_wait3A_611 = arith.constant 0 : i32
        %dma_wait3A_612 = arith.constant 0 : i32
        %dma_wait3A_613 = tpu.memref_slice %arg3[%dma_wait3A_611, %dma_wait3A_612] : memref<1000000x64xf32, #tpu.memory_space<hbm>> -> memref<40x64xf32, #tpu.memory_space<hbm>>
        %dma_wait3A_614 = arith.constant 120 : i32
        %dma_wait3A_615 = arith.constant 0 : i32
        %dma_wait3A_616 = tpu.memref_slice %arg12[%dma_wait3A_606, %dma_wait3A_614, %dma_wait3A_615] : memref<2x200x64xf32, #tpu.memory_space<vmem>> -> memref<1x40x64xf32, #tpu.memory_space<vmem>>
        %dma_wait3A_617 = tpu.memref_squeeze %dma_wait3A_616 : memref<1x40x64xf32, #tpu.memory_space<vmem>> -> memref<40x64xf32, #tpu.memory_space<vmem>>
        %dma_wait3A_618 = arith.constant 0 : i32
        %dma_wait3A_619 = arith.constant 0 : i32
        %dma_wait3A_620 = tpu.memref_slice %arg3[%dma_wait3A_618, %dma_wait3A_619] : memref<1000000x64xf32, #tpu.memory_space<hbm>> -> memref<40x64xf32, #tpu.memory_space<hbm>>
        tpu.wait_dma2 semaphore(%arg24 : memref<!tpu.dma_semaphore, #tpu.memory_space<semaphore_mem>>) src(%dma_wait3A_620 : memref<40x64xf32, #tpu.memory_space<hbm>>) dst(%dma_wait3A_617 : memref<40x64xf32, #tpu.memory_space<vmem>>)
        %dma_wait3A_621 = arith.constant 0 : i32
        %dma_wait3A_622 = arith.constant 160 : i32
        %dma_wait3A_623 = arith.constant 0 : i32
        %dma_wait3A_624 = tpu.memref_slice %arg12[%dma_wait3A_621, %dma_wait3A_622, %dma_wait3A_623] : memref<2x200x64xf32, #tpu.memory_space<vmem>> -> memref<1x40x64xf32, #tpu.memory_space<vmem>>
        %dma_wait3A_625 = tpu.memref_squeeze %dma_wait3A_624 : memref<1x40x64xf32, #tpu.memory_space<vmem>> -> memref<40x64xf32, #tpu.memory_space<vmem>>
        %dma_wait3A_626 = arith.constant 0 : i32
        %dma_wait3A_627 = arith.constant 0 : i32
        %dma_wait3A_628 = tpu.memref_slice %arg3[%dma_wait3A_626, %dma_wait3A_627] : memref<1000000x64xf32, #tpu.memory_space<hbm>> -> memref<40x64xf32, #tpu.memory_space<hbm>>
        %dma_wait3A_629 = arith.constant 160 : i32
        %dma_wait3A_630 = arith.constant 0 : i32
        %dma_wait3A_631 = tpu.memref_slice %arg12[%dma_wait3A_621, %dma_wait3A_629, %dma_wait3A_630] : memref<2x200x64xf32, #tpu.memory_space<vmem>> -> memref<1x40x64xf32, #tpu.memory_space<vmem>>
        %dma_wait3A_632 = tpu.memref_squeeze %dma_wait3A_631 : memref<1x40x64xf32, #tpu.memory_space<vmem>> -> memref<40x64xf32, #tpu.memory_space<vmem>>
        %dma_wait3A_633 = arith.constant 0 : i32
        %dma_wait3A_634 = arith.constant 0 : i32
        %dma_wait3A_635 = tpu.memref_slice %arg3[%dma_wait3A_633, %dma_wait3A_634] : memref<1000000x64xf32, #tpu.memory_space<hbm>> -> memref<40x64xf32, #tpu.memory_space<hbm>>
        tpu.wait_dma2 semaphore(%arg24 : memref<!tpu.dma_semaphore, #tpu.memory_space<semaphore_mem>>) src(%dma_wait3A_635 : memref<40x64xf32, #tpu.memory_space<hbm>>) dst(%dma_wait3A_632 : memref<40x64xf32, #tpu.memory_space<vmem>>)
        %dma_wait3A_636 = arith.constant 1 : i32
        %dma_wait3A_637 = arith.constant 0 : i32
        %dma_wait3A_638 = arith.constant 0 : i32
        %dma_wait3A_639 = tpu.memref_slice %arg12[%dma_wait3A_636, %dma_wait3A_637, %dma_wait3A_638] : memref<2x200x64xf32, #tpu.memory_space<vmem>> -> memref<1x40x64xf32, #tpu.memory_space<vmem>>
        %dma_wait3A_640 = tpu.memref_squeeze %dma_wait3A_639 : memref<1x40x64xf32, #tpu.memory_space<vmem>> -> memref<40x64xf32, #tpu.memory_space<vmem>>
        %dma_wait3A_641 = arith.constant 0 : i32
        %dma_wait3A_642 = arith.constant 0 : i32
        %dma_wait3A_643 = tpu.memref_slice %arg3[%dma_wait3A_641, %dma_wait3A_642] : memref<1000000x64xf32, #tpu.memory_space<hbm>> -> memref<40x64xf32, #tpu.memory_space<hbm>>
        %dma_wait3A_644 = arith.constant 0 : i32
        %dma_wait3A_645 = arith.constant 0 : i32
        %dma_wait3A_646 = tpu.memref_slice %arg12[%dma_wait3A_636, %dma_wait3A_644, %dma_wait3A_645] : memref<2x200x64xf32, #tpu.memory_space<vmem>> -> memref<1x40x64xf32, #tpu.memory_space<vmem>>
        %dma_wait3A_647 = tpu.memref_squeeze %dma_wait3A_646 : memref<1x40x64xf32, #tpu.memory_space<vmem>> -> memref<40x64xf32, #tpu.memory_space<vmem>>
        %dma_wait3A_648 = arith.constant 0 : i32
        %dma_wait3A_649 = arith.constant 0 : i32
        %dma_wait3A_650 = tpu.memref_slice %arg3[%dma_wait3A_648, %dma_wait3A_649] : memref<1000000x64xf32, #tpu.memory_space<hbm>> -> memref<40x64xf32, #tpu.memory_space<hbm>>
        tpu.wait_dma2 semaphore(%arg24 : memref<!tpu.dma_semaphore, #tpu.memory_space<semaphore_mem>>) src(%dma_wait3A_650 : memref<40x64xf32, #tpu.memory_space<hbm>>) dst(%dma_wait3A_647 : memref<40x64xf32, #tpu.memory_space<vmem>>)
        %dma_wait3A_651 = arith.constant 1 : i32
        %dma_wait3A_652 = arith.constant 40 : i32
        %dma_wait3A_653 = arith.constant 0 : i32
        %dma_wait3A_654 = tpu.memref_slice %arg12[%dma_wait3A_651, %dma_wait3A_652, %dma_wait3A_653] : memref<2x200x64xf32, #tpu.memory_space<vmem>> -> memref<1x40x64xf32, #tpu.memory_space<vmem>>
        %dma_wait3A_655 = tpu.memref_squeeze %dma_wait3A_654 : memref<1x40x64xf32, #tpu.memory_space<vmem>> -> memref<40x64xf32, #tpu.memory_space<vmem>>
        %dma_wait3A_656 = arith.constant 0 : i32
        %dma_wait3A_657 = arith.constant 0 : i32
        %dma_wait3A_658 = tpu.memref_slice %arg3[%dma_wait3A_656, %dma_wait3A_657] : memref<1000000x64xf32, #tpu.memory_space<hbm>> -> memref<40x64xf32, #tpu.memory_space<hbm>>
        %dma_wait3A_659 = arith.constant 40 : i32
        %dma_wait3A_660 = arith.constant 0 : i32
        %dma_wait3A_661 = tpu.memref_slice %arg12[%dma_wait3A_651, %dma_wait3A_659, %dma_wait3A_660] : memref<2x200x64xf32, #tpu.memory_space<vmem>> -> memref<1x40x64xf32, #tpu.memory_space<vmem>>
        %dma_wait3A_662 = tpu.memref_squeeze %dma_wait3A_661 : memref<1x40x64xf32, #tpu.memory_space<vmem>> -> memref<40x64xf32, #tpu.memory_space<vmem>>
        %dma_wait3A_663 = arith.constant 0 : i32
        %dma_wait3A_664 = arith.constant 0 : i32
        %dma_wait3A_665 = tpu.memref_slice %arg3[%dma_wait3A_663, %dma_wait3A_664] : memref<1000000x64xf32, #tpu.memory_space<hbm>> -> memref<40x64xf32, #tpu.memory_space<hbm>>
        tpu.wait_dma2 semaphore(%arg24 : memref<!tpu.dma_semaphore, #tpu.memory_space<semaphore_mem>>) src(%dma_wait3A_665 : memref<40x64xf32, #tpu.memory_space<hbm>>) dst(%dma_wait3A_662 : memref<40x64xf32, #tpu.memory_space<vmem>>)
        %dma_wait3A_666 = arith.constant 1 : i32
        %dma_wait3A_667 = arith.constant 80 : i32
        %dma_wait3A_668 = arith.constant 0 : i32
        %dma_wait3A_669 = tpu.memref_slice %arg12[%dma_wait3A_666, %dma_wait3A_667, %dma_wait3A_668] : memref<2x200x64xf32, #tpu.memory_space<vmem>> -> memref<1x40x64xf32, #tpu.memory_space<vmem>>
        %dma_wait3A_670 = tpu.memref_squeeze %dma_wait3A_669 : memref<1x40x64xf32, #tpu.memory_space<vmem>> -> memref<40x64xf32, #tpu.memory_space<vmem>>
        %dma_wait3A_671 = arith.constant 0 : i32
        %dma_wait3A_672 = arith.constant 0 : i32
        %dma_wait3A_673 = tpu.memref_slice %arg3[%dma_wait3A_671, %dma_wait3A_672] : memref<1000000x64xf32, #tpu.memory_space<hbm>> -> memref<40x64xf32, #tpu.memory_space<hbm>>
        %dma_wait3A_674 = arith.constant 80 : i32
        %dma_wait3A_675 = arith.constant 0 : i32
        %dma_wait3A_676 = tpu.memref_slice %arg12[%dma_wait3A_666, %dma_wait3A_674, %dma_wait3A_675] : memref<2x200x64xf32, #tpu.memory_space<vmem>> -> memref<1x40x64xf32, #tpu.memory_space<vmem>>
        %dma_wait3A_677 = tpu.memref_squeeze %dma_wait3A_676 : memref<1x40x64xf32, #tpu.memory_space<vmem>> -> memref<40x64xf32, #tpu.memory_space<vmem>>
        %dma_wait3A_678 = arith.constant 0 : i32
        %dma_wait3A_679 = arith.constant 0 : i32
        %dma_wait3A_680 = tpu.memref_slice %arg3[%dma_wait3A_678, %dma_wait3A_679] : memref<1000000x64xf32, #tpu.memory_space<hbm>> -> memref<40x64xf32, #tpu.memory_space<hbm>>
        tpu.wait_dma2 semaphore(%arg24 : memref<!tpu.dma_semaphore, #tpu.memory_space<semaphore_mem>>) src(%dma_wait3A_680 : memref<40x64xf32, #tpu.memory_space<hbm>>) dst(%dma_wait3A_677 : memref<40x64xf32, #tpu.memory_space<vmem>>)
        %dma_wait3A_681 = arith.constant 1 : i32
        %dma_wait3A_682 = arith.constant 120 : i32
        %dma_wait3A_683 = arith.constant 0 : i32
        %dma_wait3A_684 = tpu.memref_slice %arg12[%dma_wait3A_681, %dma_wait3A_682, %dma_wait3A_683] : memref<2x200x64xf32, #tpu.memory_space<vmem>> -> memref<1x40x64xf32, #tpu.memory_space<vmem>>
        %dma_wait3A_685 = tpu.memref_squeeze %dma_wait3A_684 : memref<1x40x64xf32, #tpu.memory_space<vmem>> -> memref<40x64xf32, #tpu.memory_space<vmem>>
        %dma_wait3A_686 = arith.constant 0 : i32
        %dma_wait3A_687 = arith.constant 0 : i32
        %dma_wait3A_688 = tpu.memref_slice %arg3[%dma_wait3A_686, %dma_wait3A_687] : memref<1000000x64xf32, #tpu.memory_space<hbm>> -> memref<40x64xf32, #tpu.memory_space<hbm>>
        %dma_wait3A_689 = arith.constant 120 : i32
        %dma_wait3A_690 = arith.constant 0 : i32
        %dma_wait3A_691 = tpu.memref_slice %arg12[%dma_wait3A_681, %dma_wait3A_689, %dma_wait3A_690] : memref<2x200x64xf32, #tpu.memory_space<vmem>> -> memref<1x40x64xf32, #tpu.memory_space<vmem>>
        %dma_wait3A_692 = tpu.memref_squeeze %dma_wait3A_691 : memref<1x40x64xf32, #tpu.memory_space<vmem>> -> memref<40x64xf32, #tpu.memory_space<vmem>>
        %dma_wait3A_693 = arith.constant 0 : i32
        %dma_wait3A_694 = arith.constant 0 : i32
        %dma_wait3A_695 = tpu.memref_slice %arg3[%dma_wait3A_693, %dma_wait3A_694] : memref<1000000x64xf32, #tpu.memory_space<hbm>> -> memref<40x64xf32, #tpu.memory_space<hbm>>
        tpu.wait_dma2 semaphore(%arg24 : memref<!tpu.dma_semaphore, #tpu.memory_space<semaphore_mem>>) src(%dma_wait3A_695 : memref<40x64xf32, #tpu.memory_space<hbm>>) dst(%dma_wait3A_692 : memref<40x64xf32, #tpu.memory_space<vmem>>)
        %dma_wait3A_696 = arith.constant 1 : i32
        %dma_wait3A_697 = arith.constant 160 : i32
        %dma_wait3A_698 = arith.constant 0 : i32
        %dma_wait3A_699 = tpu.memref_slice %arg12[%dma_wait3A_696, %dma_wait3A_697, %dma_wait3A_698] : memref<2x200x64xf32, #tpu.memory_space<vmem>> -> memref<1x40x64xf32, #tpu.memory_space<vmem>>
        %dma_wait3A_700 = tpu.memref_squeeze %dma_wait3A_699 : memref<1x40x64xf32, #tpu.memory_space<vmem>> -> memref<40x64xf32, #tpu.memory_space<vmem>>
        %dma_wait3A_701 = arith.constant 0 : i32
        %dma_wait3A_702 = arith.constant 0 : i32
        %dma_wait3A_703 = tpu.memref_slice %arg3[%dma_wait3A_701, %dma_wait3A_702] : memref<1000000x64xf32, #tpu.memory_space<hbm>> -> memref<40x64xf32, #tpu.memory_space<hbm>>
        %dma_wait3A_704 = arith.constant 160 : i32
        %dma_wait3A_705 = arith.constant 0 : i32
        %dma_wait3A_706 = tpu.memref_slice %arg12[%dma_wait3A_696, %dma_wait3A_704, %dma_wait3A_705] : memref<2x200x64xf32, #tpu.memory_space<vmem>> -> memref<1x40x64xf32, #tpu.memory_space<vmem>>
        %dma_wait3A_707 = tpu.memref_squeeze %dma_wait3A_706 : memref<1x40x64xf32, #tpu.memory_space<vmem>> -> memref<40x64xf32, #tpu.memory_space<vmem>>
        %dma_wait3A_708 = arith.constant 0 : i32
        %dma_wait3A_709 = arith.constant 0 : i32
        %dma_wait3A_710 = tpu.memref_slice %arg3[%dma_wait3A_708, %dma_wait3A_709] : memref<1000000x64xf32, #tpu.memory_space<hbm>> -> memref<40x64xf32, #tpu.memory_space<hbm>>
        tpu.wait_dma2 semaphore(%arg24 : memref<!tpu.dma_semaphore, #tpu.memory_space<semaphore_mem>>) src(%dma_wait3A_710 : memref<40x64xf32, #tpu.memory_space<hbm>>) dst(%dma_wait3A_707 : memref<40x64xf32, #tpu.memory_space<vmem>>)
        %mul3A_711 = arith.constant 2 : i32
        %mul3A_712 = arith.muli %mul3A_711, %sub3A_552 : i32
        %add3A_713 = arith.addi %mul3A_2, %mul3A_712 : i32
        %dma_start3A = arith.constant 0 : i32
        %dma_start3A_714 = arith.constant 0 : i32
        %dma_start3A_715 = tpu.memref_slice %arg5[%add3A_713, %dma_start3A, %dma_start3A_714] : memref<4096x200x64xf32, #tpu.memory_space<hbm>> -> memref<2x200x64xf32, #tpu.memory_space<hbm>>
        %dma_start3A_716 = arith.constant 0 : i32
        %dma_start3A_717 = arith.constant 0 : i32
        %dma_start3A_718 = tpu.memref_slice %arg5[%add3A_713, %dma_start3A_716, %dma_start3A_717] : memref<4096x200x64xf32, #tpu.memory_space<hbm>> -> memref<2x200x64xf32, #tpu.memory_space<hbm>>
        tpu.enqueue_dma source(%arg12 : memref<2x200x64xf32, #tpu.memory_space<vmem>>) target(%dma_start3A_718 : memref<2x200x64xf32, #tpu.memory_space<hbm>>) target_semaphore(%arg28 : memref<!tpu.dma_semaphore, #tpu.memory_space<semaphore_mem>>)
      } else {
      }
    }
    %scan3A_378 = arith.constant 17 : i32
    %dma_wait3A = arith.constant 0 : i32
    %dma_wait3A_379 = arith.constant 0 : i32
    %dma_wait3A_380 = tpu.memref_slice %arg5[%mul3A_2, %dma_wait3A, %dma_wait3A_379] : memref<4096x200x64xf32, #tpu.memory_space<hbm>> -> memref<2x200x64xf32, #tpu.memory_space<hbm>>
    %dma_wait3A_381 = arith.constant 0 : i32
    %dma_wait3A_382 = arith.constant 0 : i32
    %dma_wait3A_383 = tpu.memref_slice %arg5[%mul3A_2, %dma_wait3A_381, %dma_wait3A_382] : memref<4096x200x64xf32, #tpu.memory_space<hbm>> -> memref<2x200x64xf32, #tpu.memory_space<hbm>>
    tpu.wait_dma2 semaphore(%arg28 : memref<!tpu.dma_semaphore, #tpu.memory_space<semaphore_mem>>) src(%arg12 : memref<2x200x64xf32, #tpu.memory_space<vmem>>) dst(%dma_wait3A_383 : memref<2x200x64xf32, #tpu.memory_space<hbm>>)
    %dma_wait3A_384 = arith.constant 0 : i32
    %dma_wait3A_385 = arith.constant 0 : i32
    %dma_wait3A_386 = tpu.memref_slice %arg5[%mul3A_2, %dma_wait3A_384, %dma_wait3A_385] : memref<4096x200x64xf32, #tpu.memory_space<hbm>> -> memref<2x200x64xf32, #tpu.memory_space<hbm>>
    %dma_wait3A_387 = arith.constant 0 : i32
    %dma_wait3A_388 = arith.constant 0 : i32
    %dma_wait3A_389 = tpu.memref_slice %arg5[%mul3A_2, %dma_wait3A_387, %dma_wait3A_388] : memref<4096x200x64xf32, #tpu.memory_space<hbm>> -> memref<2x200x64xf32, #tpu.memory_space<hbm>>
    tpu.wait_dma2 semaphore(%arg29 : memref<!tpu.dma_semaphore, #tpu.memory_space<semaphore_mem>>) src(%arg13 : memref<2x200x64xf32, #tpu.memory_space<vmem>>) dst(%dma_wait3A_389 : memref<2x200x64xf32, #tpu.memory_space<hbm>>)
    %dma_wait3A_390 = arith.constant 0 : i32
    %dma_wait3A_391 = arith.constant 0 : i32
    %dma_wait3A_392 = tpu.memref_slice %arg5[%mul3A_2, %dma_wait3A_390, %dma_wait3A_391] : memref<4096x200x64xf32, #tpu.memory_space<hbm>> -> memref<2x200x64xf32, #tpu.memory_space<hbm>>
    %dma_wait3A_393 = arith.constant 0 : i32
    %dma_wait3A_394 = arith.constant 0 : i32
    %dma_wait3A_395 = tpu.memref_slice %arg5[%mul3A_2, %dma_wait3A_393, %dma_wait3A_394] : memref<4096x200x64xf32, #tpu.memory_space<hbm>> -> memref<2x200x64xf32, #tpu.memory_space<hbm>>
    tpu.wait_dma2 semaphore(%arg30 : memref<!tpu.dma_semaphore, #tpu.memory_space<semaphore_mem>>) src(%arg14 : memref<2x200x64xf32, #tpu.memory_space<vmem>>) dst(%dma_wait3A_395 : memref<2x200x64xf32, #tpu.memory_space<hbm>>)
    %dma_wait3A_396 = arith.constant 0 : i32
    %dma_wait3A_397 = arith.constant 0 : i32
    %dma_wait3A_398 = tpu.memref_slice %arg5[%mul3A_2, %dma_wait3A_396, %dma_wait3A_397] : memref<4096x200x64xf32, #tpu.memory_space<hbm>> -> memref<2x200x64xf32, #tpu.memory_space<hbm>>
    %dma_wait3A_399 = arith.constant 0 : i32
    %dma_wait3A_400 = arith.constant 0 : i32
    %dma_wait3A_401 = tpu.memref_slice %arg5[%mul3A_2, %dma_wait3A_399, %dma_wait3A_400] : memref<4096x200x64xf32, #tpu.memory_space<hbm>> -> memref<2x200x64xf32, #tpu.memory_space<hbm>>
    tpu.wait_dma2 semaphore(%arg31 : memref<!tpu.dma_semaphore, #tpu.memory_space<semaphore_mem>>) src(%arg15 : memref<2x200x64xf32, #tpu.memory_space<vmem>>) dst(%dma_wait3A_401 : memref<2x200x64xf32, #tpu.memory_space<hbm>>)
    return
  }
}

</mosaic_0001>

<sc_bundles>
// kernel: kernel.3.cloned.1.call-start
scs
__scs_entry_jumppad:
0x0: {  	(pc) =	sbr.rel $0x88, $3  }
0x1: {  	(tag) =	ssettag $0x0;
	lr =	simm.s32 $0x1  }
0x2: {  	[smem:$0x3F9E] =	sst lr;
	_ =	strace $0xD0000000  }
0x3: {  	_ = 	snop  }
0x4: {  	_ = 	snop  }
0x5: {  	_ = 	snop  }
0x6: {  	_ = 	snop  }
0x7: {  	_ = 	snop  }
__scs_overlays_trampoline_lowered:
0x8: {  	[smem:$0x3FAD] =	sst s0  }
0x9: {  	[smem:$0x3FAE] =	sst s1  }
0xa: {  	[smem:$0x3FAF] =	sst s2  }
0xb: {  	[smem:$0x3FB0] =	sst s3  }
0xc: {  	[smem:$0x3FB1] =	sst s4  }
0xd: {  	[smem:$0x3FB2] =	sst s5  }
0xe: {  	[smem:$0x3FB3] =	sst s6  }
0xf: {  	[smem:$0x3FB4] =	sst s7  }
0x10: {  	[smem:$0x3FB5] =	sst s8  }
0x11: {  	[smem:$0x3FB6] =	sst s9;
	s0 =	simm.s32 @!p0 $0x0  }
0x12: {  	s1 =	sld [smem:$0x3F9C];
	s0 =	simm.s32 @p0 $0x1  }
0x13: {  	[smem:$0x3FB7] =	sst s0;
	s0 =	simm.s32 @!p1 $0x0  }
0x14: {  	s2 =	sld [smem:$0x3F9B];
	s0 =	simm.s32 @p1 $0x1  }
0x15: {  	[smem:$0x3FB8] =	sst s0;
	s0 =	simm.s32 @!p2 $0x0  }
0x16: {  	s3 =	sld [smem:$0x3FDB];
	s0 =	simm.s32 @p2 $0x1  }
0x17: {  	s4 =	simm.s32 $0x1BF5;
	[smem:$0x3FBA] =	sst s0  }
0x18: {  	s0 =	sld [smem:$0x3F9D];
	_ =	swait.ge [sflag:s4], $0x0  }
0x19: {  	s7 =	sld [smem:$0x3F9E]  }
0x1a: {  	s8 =	sadd.s32 $0xFFFFE003, lr  }
0x1b: {  	s9 =	sadd.s32 $0xFFFFFEF7, lr;
	s5 =	simm.s32 $0xFFFFFFFF;
	p2 =	slt.u32 s8, $0xFFFFF086  }
0x1c: {  	p1 =	slt.u32 s9, $0xF7A;
	s5 =	simm.s32 @!p2 $0x0  }
0x1d: {  	s5 =	simm.s32 @p1 $0x1;
	p0 =	seq.s32 s7, s2  }
0x1e: {  	s7 =	smul.u32 @!p0 $0xF7A, s2;
	p2 =	seq.s32 @!p0 s5, $0x0  }
0x1f: {  	s9 =	smul.u32 $0xF7A, s1;
	s8 =	simm.s32 @!p0 $0x1BF5;
	p2 =	por !p2, p0  }
0x20: {  	[sflag:s8] =	ssyncset.s32 @!p0 $0xFFFFF086;
	s6 =	sadd.s32 @!p0 s3, s7;
	s7 =	simm.s32 @!p0 $0x108  }
0x21: {  	s3 =	sadd.s32 s3, s9;
	s6 =	sadd.s32 @!p0 $0x88, s6;
	s7 =	simm.s32 @p2 $0x1082  }
0x22: {  	[simem:s7], [sflag:s8] =	dma.local @!p0 [hbm:s6], $0xF7A  }
0x23: {  	s9 =	sor.u32 $0xD0000000, s2;
	s6 =	simm.s32 $0x108;
	_ =	swait.ge @!p0 [sflag:s8], $0x0  }
0x24: {  	s3 =	sadd.s32 $0x88, s3;
	s6 =	simm.s32 @!p1 $0x1082;
	[sflag:s4] =	ssyncset.s32 $0xFFFFF086  }
0x25: {  	[simem:s6], [sflag:s4] =	dma.local [hbm:s3], $0xF7A  }
0x26: {  	[smem:$0x3F9E] =	sst s1;
	(tag) =	ssettag s2;
	_ =	strace s9  }
0x27: {  	s1 =	sld [smem:$0x3FAE]  }
0x28: {  	s2 =	sld [smem:$0x3FAF]  }
0x29: {  	s4 =	sld [smem:$0x3FB1]  }
0x2a: {  	p0 =	seq.s32 s5, $0x0;
	s5 =	sld [smem:$0x3FB2]  }
0x2b: {  	s6 =	sld [smem:$0x3FB3]  }
0x2c: {  	s7 =	sld [smem:$0x3FB4]  }
0x2d: {  	s3 =	simm.s32 $0x108;
	s8 =	sld [smem:$0x3FB5]  }
0x2e: {  	s3 =	simm.s32 @!p0 $0x1082;
	s9 =	sld [smem:$0x3FB6]  }
0x2f: {  	lr =	sadd.s32 s0, s3;
	s0 =	sld [smem:$0x3FAD]  }
0x30: {  	s3 =	sld [smem:$0x3FB0]  }
0x31: {  	[smem:$0x3FB9] =	sst s10  }
0x32: {  	s10 =	sld [smem:$0x3FB7];
	_ =	sdelay $0x3  }
0x33: {  	p0 =	seq.s32 s10, $0x1;
	s10 =	sld [smem:$0x3FB9];
	_ =	sdelay $0x3  }
0x34: {  	[smem:$0x3FB9] =	sst s10  }
0x35: {  	s10 =	sld [smem:$0x3FB8];
	_ =	sdelay $0x3  }
0x36: {  	p1 =	seq.s32 s10, $0x1;
	s10 =	sld [smem:$0x3FB9];
	_ =	sdelay $0x3  }
0x37: {  	[smem:$0x3FB9] =	sst s10  }
0x38: {  	s10 =	sld [smem:$0x3FBA]  }
0x39: {  	_ = 	snop;
	(pc) =	sbr.ind lr, $3  }
0x3a: {  	_ = 	snop  }
0x3b: {  	_ = 	snop  }
0x3c: {  	p2 =	seq.s32 s10, $0x1;
	s10 =	sld [smem:$0x3FB9]  }
0x3d: {  	_ =	shalt  }
0x3e: {  	_ =	shalt  }
0x3f: {  	_ =	shalt  }
0x40: {  	_ =	shalt  }
0x41: {  	_ =	shalt  }
0x42: {  	_ =	shalt  }
0x43: {  	_ =	shalt  }
0x44: {  	_ =	shalt  }
0x45: {  	_ =	shalt  }
0x46: {  	_ =	shalt  }
0x47: {  	_ =	shalt  }
0x48: {  	_ =	shalt  }
0x49: {  	_ =	shalt  }
0x4a: {  	_ =	shalt  }
0x4b: {  	_ =	shalt  }
0x4c: {  	_ =	shalt  }
0x4d: {  	_ =	shalt  }
0x4e: {  	_ =	shalt  }
0x4f: {  	_ =	shalt  }
0x50: {  	_ =	shalt  }
0x51: {  	_ =	shalt  }
0x52: {  	_ =	shalt  }
0x53: {  	_ =	shalt  }
0x54: {  	_ =	shalt  }
0x55: {  	_ =	shalt  }
0x56: {  	_ =	shalt  }
0x57: {  	_ =	shalt  }
0x58: {  	_ =	shalt  }
0x59: {  	_ =	shalt  }
0x5a: {  	_ =	shalt  }
0x5b: {  	_ =	shalt  }
0x5c: {  	_ =	shalt  }
0x5d: {  	_ =	shalt  }
0x5e: {  	_ =	shalt  }
0x5f: {  	_ =	shalt  }
0x60: {  	_ =	shalt  }
0x61: {  	_ =	shalt  }
0x62: {  	_ =	shalt  }
0x63: {  	_ =	shalt  }
0x64: {  	_ =	shalt  }
0x65: {  	_ =	shalt  }
0x66: {  	_ =	shalt  }
0x67: {  	_ =	shalt  }
0x68: {  	_ =	shalt  }
0x69: {  	_ =	shalt  }
0x6a: {  	_ =	shalt  }
0x6b: {  	_ =	shalt  }
0x6c: {  	_ =	shalt  }
0x6d: {  	_ =	shalt  }
0x6e: {  	_ =	shalt  }
0x6f: {  	_ =	shalt  }
0x70: {  	_ =	shalt  }
0x71: {  	_ =	shalt  }
0x72: {  	_ =	shalt  }
0x73: {  	_ =	shalt  }
0x74: {  	_ =	shalt  }
0x75: {  	_ =	shalt  }
0x76: {  	_ =	shalt  }
0x77: {  	_ =	shalt  }
0x78: {  	_ =	shalt  }
0x79: {  	_ =	shalt  }
0x7a: {  	_ =	shalt  }
0x7b: {  	_ =	shalt  }
0x7c: {  	_ =	shalt  }
0x7d: {  	_ =	shalt  }
0x7e: {  	_ =	shalt  }
0x7f: {  	_ =	shalt  }
0x80: {  	_ =	shalt  }
0x81: {  	_ =	shalt  }
0x82: {  	_ =	shalt  }
0x83: {  	_ =	shalt  }
0x84: {  	_ =	shalt  }
0x85: {  	_ =	shalt  }
0x86: {  	_ =	shalt  }
0x87: {  	_ =	shalt  }
.Lfunc_end0:
.L_simem_size_0:
called_computation.1_lowered:
.L_overlay_start_0:
0x88: {  	s2 =	sld [smem:$0x3FD9]  }
0x89: {  	s3 =	sld [smem:$0x3FFE];
	_ =	sdelay $0x1  }
0x8a: {  	s1 =	srdreg.scid  }
0x8b: {  	s0 =	sand.u32 $0x1, s1  }
0x8c: {  	s17 =	sshll.u32 s0, $0xA;
	s2 =	sadd.s32 s3, s2  }
0x8d: {  	s2 =	sadd.s32 s2, s17  }
0x8e: {  	[smem:$0x3FC5] =	sst s2  }
0x8f: {  	_ = 	snop  }
0x90: {  	s2 =	sld [smem:$0x3FD0];
	(tm) =	ssettm $0x1  }
0x91: {  	s18 =	sld [smem:$0x3FFB];
	_ =	sdelay $0x3  }
0x92: {  	_ =	strace s18  }
0x93: {  	s3 =	sld [smem:$0x3FFC];
	_ =	sdelay $0x3  }
0x94: {  	_ =	strace s3  }
0x95: {  	s3 =	sld [smem:$0x3FFD];
	_ =	sdelay $0x3  }
0x96: {  	_ =	strace s3  }
0x97: {  	_ =	strace $0x8FFFFFFF  }
0x98: {  	s19 =	sld [smem:$0x3FDB];
	_ =	sdelay $0x1  }
0x99: {  	s4 =	simm.s32 $_scs_section_size  }
0x9a: {  	s5 =	simm.s32 $_size__tile_overlayer_lowered;
	s6 =	simm.s32 $_tile_overlayer_lowered  }
0x9b: {  	s22 =	simm.s32 $0x1BFF;
	s21 =	sshll.u32 s6, $0x1;
	s3 =	sadd.s32 s4, s19  }
0x9c: {  	s7 =	simm.s32 $0x0;
	s20 =	sshll.u32 s5, $0x1;
	s5 =	sadd.s32 s21, s3  }
0x9d: {  	[timem:s7], [sflag:s22] =	dma.local [hbm:s5], s20  }
0x9e: {  	_ =	swait.ge [sflag:s22], s20  }
0x9f: {  	s4 =	ssub.s32 $0x0, s20;
	[sflag:s22] =	ssyncset.done $0x0  }
0xa0: {  	[sflag:s22] =	ssyncadd.s32 s4;
	_ =	sdelay $0x1  }
0xa1: {  	s23 =	simm.s32 $0x1B8B  }
0xa2: {  	_ =	swait.ge [sflag:s23], $0x1  }
0xa3: {  	[sflag:s23] =	ssyncset.done $0x0  }
0xa4: {  	s25 =	simm.s32 $0x1B8E;
	s24 =	sld [smem:$0x3FFE];
	[sflag:s23] =	ssyncadd.s32 $0xFFFFFFFF  }
0xa5: {  	s26 =	simm.s32 $execute0_lowered;
	[smem:$0x3FD2] =	sst s25  }
0xa6: {  	s5 =	sshll.u32 s26, $0x1;
	_ =	strace $0x80000046;
	[dreg:$0x1] =	wrdreg $0xFFFFFFFF  }
0xa7: {  	s28 =	simm.s32 $_size_execute0_lowered;
	s3 =	sadd.s32 s3, s5;
	[dreg:$0x0] =	wrdreg $0x0  }
0xa8: {  	s5 =	sshll.u32 s28, $0x1;
	[dreg:$0x2] =	wrdreg s3  }
0xa9: {  	[dreg:$0x3] =	wrdreg s5  }
0xaa: {  	[dreg:$0x4] =	wrdreg $0xC0  }
0xab: {  	_ =	task [dreg:s7], $0x5FFFF  }
0xac: {  	[dreg:$0x1] =	wrdreg $0xFFFFFFFF  }
0xad: {  	[dreg:$0x0] =	wrdreg $0x60  }
0xae: {  	[dreg:$0x2] =	wrdreg s24  }
0xaf: {  	[dreg:$0x3] =	wrdreg s2  }
0xb0: {  	[dreg:$0x4] =	wrdreg $0x1900  }
0xb1: {  	[dreg:$0x5] =	wrdreg $0x9  }
0xb2: {  	_ =	task.clear_ibuf [dreg:s7], $0x6FFFF;
	_ =	strace $0x90000046  }
0xb3: {  	s29 =	simm.s32 $0x9;
	_ =	strace $0x80000048  }
0xb4: {  	_ =	swait.ge [sflag:s29], $0x1  }
0xb5: {  	[sflag:s29] =	ssyncadd.s32 $0xFFFFFFFF  }
0xb6: {  	_ =	strace $0x90000048  }
0xb7: {  	_ =	sfence  }
0xb8: {  	s30 =	sld [smem:$0x0];
	_ =	sdelay $0x2  }
0xb9: {  	s31 =	sshll.u32 s1, $0xD;
	s1 =	sshrl.u32 s1, $0x2  }
0xba: {  	s3 =	sand.u32 $0x4000, s31;
	s1 =	sadd.s32 s1, s30  }
0xbb: {  	s0 =	sor.u32 s3, s0;
	s1 =	sshll.u32 s1, $0x11  }
0xbc: {  	s0 =	sor.u32 s1, s0  }
0xbd: {  	s0 =	sadd.s32 $0x8F2B, s0  }
0xbe: {  	[sflag:s0] =	ssyncadd.remote.s32 $0x1  }
0xbf: {  	_ =	sfence.sel $0xFFFF  }
0xc0: {  	[dreg:$0x0] =	wrdreg $0xFFFFFFFF;
	(pc) =	sbr.abs _section_cstart, $3  }
0xc1: {  	[dreg:$0x1] =	wrdreg $0xFFFFFFFF  }
0xc2: {  	_ =	task.clear_ibuf [dreg:s7], $0x2FFFF;
	_ =	strace $0x9FFFFFFF  }
0xc3: {  	(tm) =	ssettm $0x7FFFFFFF  }
tec
execute0_lowered:
.L_overlay_start_1:
0x0: {  	(tag) =	ssettag $0x1  }
0x1: {  	s0 =	rddreg [dreg:$0x0]  }
0x2: {  	s28 =	rddreg [dreg:$0x1]  }
0x3: {  	s2 =	rddreg [dreg:$0x2];
	s3 =	simm.s32 $0x0  }
0x4: {  	s1 =	stileid.u32;
	s4 =	srdreg.scid;
	s12 =	simm.s32 $0x28  }
0x5: {  	s17 =	simm.s32 $0x78;
	s30 =	simm.s32 $0xF0;
	s16 =	simm.s32 $0x118  }
0x6: {  	s20 =	simm.s32 $0x140;
	s29 =	simm.s32 $0xB;
	s31 =	simm.s32 $0xC  }
0x7: {  	s15 =	simm.s32 $0x6;
	s19 =	simm.s32 $0x9;
	s18 =	simm.s32 $0x1  }
0x8: {  	v1 =	vimm.s32 $0x76543210;
	[smem:$0x7FF] =	sst s3;
	s5 =	smul.u32 $0x1900, s1;
	s7 =	sand.u32 $0x1, s4  }
0x9: {  	v2 =	vimm.s32 $0xC3C2C1C0;
	v3 =	vimm.s32 $0xC7C6C5C4;
	s4 =	sadd.s32 $0xF43000, s0;
	s22 =	smul.u32 $0x64000, s1;
	s23 =	sshll.u32 s1, $0x8  }
0xa: {  	v0 =	vlaneseq.u32;
	vm0 =	vcmask $0x1F10;
	p0 =	sne.s32 s1, $0x0;
	_ =	strace $0x80000047;
	s10 =	smul.u32 $0xC80, s7  }
0xb: {  	v4 =	vunpack.c.l.s4.s8 v1;
	v1 =	vor.u32 $0x10, v0;
	v5 =	vunpack.c.0.s8.s32 v2;
	s6 =	ssub.s32 $0x2, s7;
	s9 =	sshll.u32 s7, $0x7;
	s24 =	smul.u32 $0x32000, s7  }
0xc: {  	v6 =	vunpack.c.0.s8.s32 v3;
	v2 =	vor.u32 $0x20, v0;
	v3 =	vor.u32 $0x30, v0;
	s7 =	simm.s32 $0x7;
	s5 =	sadd.s32 s5, s0;
	s8 =	sshrl.u32 s6, $0x1  }
0xd: {  	v9 =	vor.u32 $0x90, v0;
	v10 =	vor.u32 $0xA0, v0;
	v11 =	vor.u32 $0xB0, v0;
	s0 =	sadd.s32 $0x19C00, s0;
	s25 =	sadd.s32 s22, s28;
	s22 =	simm.s32 $0x168  }
0xe: {  	v13 =	vadd.s32 $0x8, v0;
	v14 =	vadd.s32 $0x18, v0;
	v15 =	vadd.s32 $0x28, v0;
	[dreg:$0x4] =	wrdreg s0;
	s21 =	ssub.s32 s6, s8;
	s6 =	sor.u32 s9, s23  }
0xf: {  	v16 =	vadd.s32 $0x38, v0;
	v17 =	vadd.s32 $0x48, v0;
	v18 =	vadd.s32 $0x58, v0;
	s5 =	sadd.s32 s10, s5;
	s23 =	simm.s32 $0xAF0;
	s9 =	simm.s32 $0x0  }
.Ltmp0:
0x10: {  	v19 =	vadd.s32 $0x68, v0;
	v20 =	vadd.s32 $0x78, v0;
	v7 =	vunpack.c.0.s8.s32 v4;
	s0 =	smax.u32 s21, $0x1;
	[dreg:$0x5] =	wrdreg s6;
	(pc) =	sbr.rel .LBB2_1-.Ltmp0, $4  }
0x11: {  	v21 =	vadd.s32 $0x88, v0;
	v22 =	vadd.s32 $0x98, v0;
	v8 =	vsel vm0, v6, v5;
	s26 =	sadd.s32 $0xC96, s5;
	s21 =	simm.s32 $0xA0;
	[dreg:$0x6] =	wrdreg s0  }
0x12: {  	v23 =	vadd.s32 $0xA8, v0;
	v24 =	vadd.s32 $0xB8, v0;
	s5 =	simm.s32 $0x3;
	v12 =	vcombine.low v8, v7;
	s0 =	sadd.s32 s24, s25;
	[dreg:$0x8] =	wrdreg s26  }
0x13: {  	v4 =	vor.u32 $0x40, v0;
	v5 =	vor.u32 $0x50, v0;
	v6 =	vor.u32 $0x60, v0;
	s25 =	simm.s32 $0xC8;
	[dreg:$0x7] =	wrdreg s0;
	s0 =	sshrl.u32 @!p0 s2, $0x3  }
0x14: {  	v7 =	vor.u32 $0x70, v0;
	v8 =	vor.u32 $0x80, v0;
	s26 =	simm.s32 $0x8;
	v12 =	vand.u32 $0xFF, v12;
	[dreg:$0x9] =	wrdreg s0;
	s0 =	simm.s32 $0x5  }
.LBB2_16:
0x15: {  	s1 =	simm.s32 $0xD  }
0x16: {  	_ =	swait.ge [sflag:s1], $0x6400  }
0x17: {  	[sflag:s1] =	ssyncset.done $0x0  }
0x18: {  	s13 =	simm.s32 $0xE;
	[sflag:s1] =	ssyncadd.s32 $0xFFFF9C00  }
0x19: {  	_ =	swait.ge [sflag:s13], $0x6400  }
0x1a: {  	[sflag:s13] =	ssyncset.done $0x0  }
0x1b: {  	s14 =	simm.s32 $0xF;
	[sflag:s13] =	ssyncadd.s32 $0xFFFF9C00  }
0x1c: {  	_ =	swait.ge [sflag:s14], $0x6400  }
0x1d: {  	[sflag:s14] =	ssyncset.done $0x0  }
0x1e: {  	s8 =	simm.s32 $0x10;
	[sflag:s14] =	ssyncadd.s32 $0xFFFF9C00  }
0x1f: {  	_ =	swait.ge [sflag:s8], $0x6400  }
0x20: {  	s9 =	rddreg [dreg:$0xa]  }
0x21: {  	s24 =	rddreg [dreg:$0x6];
	s9 =	sadd.s32 $0x1, s9  }
0x22: {  	p1 =	sne.s32 s9, s24  }
.Ltmp1:
0x23: {  	_ = 	snop;
	(pc) =	sbr.rel @!p1 .LBB2_17-.Ltmp1, $3  }
0x24: {  	_ =	sdelay $0x1  }
0x25: {  	[sflag:s8] =	ssyncset.done $0x0  }
0x26: {  	[sflag:s8] =	ssyncadd.s32 $0xFFFF9C00  }
.LBB2_1:
0x27: {  	[tilespmem:$0x0] =	vst v0  }
0x28: {  	[tilespmem:$0x10] =	vst v1  }
0x29: {  	[tilespmem:$0x20] =	vst v2  }
0x2a: {  	[tilespmem:$0x30] =	vst v3  }
0x2b: {  	[tilespmem:$0x40] =	vst v4  }
0x2c: {  	[tilespmem:$0x50] =	vst v5  }
0x2d: {  	[tilespmem:$0x60] =	vst v6  }
0x2e: {  	[tilespmem:$0x70] =	vst v7  }
0x2f: {  	[tilespmem:$0x80] =	vst v8  }
0x30: {  	[tilespmem:$0x90] =	vst v9  }
0x31: {  	[tilespmem:$0xA0] =	vst v10  }
0x32: {  	[tilespmem:$0xB0] =	vst v11  }
0x33: {  	[tilespmem:$0xC0] =	vst v12  }
0x34: {  	[tilespmem:$0xD0] =	vst v13  }
0x35: {  	[tilespmem:$0xE0] =	vst v14  }
0x36: {  	[tilespmem:$0xF0] =	vst v15  }
0x37: {  	[tilespmem:$0x100] =	vst v16  }
0x38: {  	[tilespmem:$0x110] =	vst v17  }
0x39: {  	[tilespmem:$0x120] =	vst v18  }
0x3a: {  	[tilespmem:$0x130] =	vst v19  }
0x3b: {  	[tilespmem:$0x140] =	vst v20  }
0x3c: {  	[tilespmem:$0x150] =	vst v21  }
0x3d: {  	[dreg:$0xa] =	wrdreg s9;
	[tilespmem:$0x160] =	vst v22  }
0x3e: {  	[tilespmem:$0x170] =	vst v23;
	s6 =	rddreg [dreg:$0x4]  }
0x3f: {  	[tilespmem:$0x180] =	vst v24;
	s1 =	simm.s32 @!p0 $0x1C11;
	s8 =	rddreg [dreg:$0x9]  }
0x40: {  	[spmem:s8], [sflag:s1] =	dma.local @!p0 [hbm:s6], $0x640  }
0x41: {  	s1 =	simm.s32 @!p0 $0x11  }
0x42: {  	s6 =	rddreg [dreg:$0x5];
	_ =	swait.ge @!p0 [sflag:s1], $0x640  }
.Ltmp2:
0x43: {  	[sflag:s1] =	ssyncset.done @!p0 $0x0;
	(pc) =	sbr.rel .LBB2_2-.Ltmp2, $4  }
0x44: {  	[sflag:s1] =	ssyncadd.s32 @!p0 $0xFFFFF9C0  }
0x45: {  	[bflag:$0x0] =	sbarrier.arrive $0xFFFF  }
0x46: {  	s24 =	rddreg [dreg:$0x8]  }
0x47: {  	s11 =	simm.s32 $0x0;
	s8 =	simm.s32 $0xFFFFFFFF;
	s13 =	rddreg [dreg:$0x7]  }
.LBB2_13:
.Ltmp3:
0x48: {  	(pc) =	sbr.rel @!p2 .LBB2_16-.Ltmp3, $1  }
0x49: {  	_ =	sdelay $0x3  }
.LBB2_14:
0x4a: {  	_ =	swait.ge [sflag:s31], $0xA00  }
0x4b: {  	[sflag:s31] =	ssyncset.done $0x0  }
0x4c: {  	[sflag:s31] =	ssyncadd.s32 $0xFFFFF600  }
0x4d: {  	_ =	swait.ge [sflag:s31], $0xA00  }
0x4e: {  	[sflag:s31] =	ssyncset.done $0x0  }
0x4f: {  	[sflag:s31] =	ssyncadd.s32 $0xFFFFF600  }
0x50: {  	_ =	swait.ge [sflag:s31], $0xA00  }
0x51: {  	[sflag:s31] =	ssyncset.done $0x0  }
0x52: {  	[sflag:s31] =	ssyncadd.s32 $0xFFFFF600  }
0x53: {  	_ =	swait.ge [sflag:s31], $0xA00  }
0x54: {  	[sflag:s31] =	ssyncset.done $0x0  }
0x55: {  	[sflag:s31] =	ssyncadd.s32 $0xFFFFF600  }
0x56: {  	_ =	swait.ge [sflag:s31], $0xA00  }
0x57: {  	[sflag:s31] =	ssyncset.done $0x0  }
0x58: {  	[sflag:s31] =	ssyncadd.s32 $0xFFFFF600  }
0x59: {  	_ =	swait.ge [sflag:s31], $0xA00  }
0x5a: {  	[sflag:s31] =	ssyncset.done $0x0  }
0x5b: {  	[sflag:s31] =	ssyncadd.s32 $0xFFFFF600  }
0x5c: {  	_ =	swait.ge [sflag:s31], $0xA00  }
0x5d: {  	[sflag:s31] =	ssyncset.done $0x0  }
0x5e: {  	[sflag:s31] =	ssyncadd.s32 $0xFFFFF600  }
0x5f: {  	_ =	swait.ge [sflag:s31], $0xA00  }
0x60: {  	[sflag:s31] =	ssyncset.done $0x0  }
0x61: {  	[sflag:s31] =	ssyncadd.s32 $0xFFFFF600  }
0x62: {  	_ =	swait.ge [sflag:s31], $0xA00  }
0x63: {  	s1 =	sshll.u32 s1, $0x1;
	[sflag:s31] =	ssyncset.done $0x0  }
.Ltmp4:
0x64: {  	s1 =	sadd.s32 s6, s1;
	[sflag:s31] =	ssyncadd.s32 $0xFFFFF600;
	(pc) =	sbr.rel @p1 .LBB2_16-.Ltmp4, $4  }
0x65: {  	s1 =	smul.u32 $0x640, s1;
	_ =	swait.ge [sflag:s31], $0xA00  }
0x66: {  	[sflag:s31] =	ssyncset.done $0x0  }
0x67: {  	s10 =	simm.s32 $0x136F0;
	s1 =	sadd.s32 s28, s1;
	[sflag:s31] =	ssyncadd.s32 $0xFFFFF600  }
0x68: {  	[hbm4b:s1+s3] =	stream.linear.scatter [tilespmem:s10], [sflag:$0x10], $0x6400, $0x38;
	[tilespmem:$0x19AF0] =	vst v63  }
.LBB2_15:
0x69: {  	s1 =	simm.s32 $0x960  }
0x6a: {  	[tilespmem:s1], [sflag:$0x4] =	stream.linear.gather [hbm4b:s24+s3], $0x190, $0x38;
	[tilespmem:$0x19AF0] =	vst v63  }
0x6b: {  	_ =	swait.ge [sflag:s5], $0x190  }
0x6c: {  	p1 =	seq.s32 s11, $0x0;
	[sflag:s5] =	ssyncset.done $0x0  }
0x6d: {  	s1 =	simm.s32 @!p1 $0xF;
	[sflag:s5] =	ssyncadd.s32 $0xFFFFFE70  }
0x6e: {  	_ =	swait.ge @!p1 [sflag:s1], $0x6400  }
0x6f: {  	[sflag:s1] =	ssyncset.done @!p1 $0x0  }
0x70: {  	s9 =	simm.s32 $0xD2F0;
	s10 =	simm.s32 $0x7D0;
	[sflag:s1] =	ssyncadd.s32 @!p1 $0xFFFF9C00  }
0x71: {  	[tilespmem:s9], [sflag:$0x7] =	stream.indirect.gather [hbm4b:s4+s12], $0x40, s10, s12, $0xb8;
	[tilespmem:$0x19AF0] =	vst v63  }
0x72: {  	s14 =	simm.s32 $0xDCF0;
	s9 =	simm.s32 $0x7F8  }
0x73: {  	[tilespmem:s14], [sflag:$0x7] =	stream.indirect.gather [hbm4b:s4+s12], $0x40, s9, s12, $0xb8;
	[tilespmem:$0x19AF0] =	vst v63  }
0x74: {  	s14 =	simm.s32 $0xE6F0;
	s9 =	simm.s32 $0x820  }
0x75: {  	[tilespmem:s14], [sflag:$0x7] =	stream.indirect.gather [hbm4b:s4+s12], $0x40, s9, s12, $0xb8;
	[tilespmem:$0x19AF0] =	vst v63  }
0x76: {  	s14 =	simm.s32 $0xF0F0;
	s9 =	simm.s32 $0x848  }
0x77: {  	[tilespmem:s14], [sflag:$0x7] =	stream.indirect.gather [hbm4b:s4+s12], $0x40, s9, s12, $0xb8;
	[tilespmem:$0x19AF0] =	vst v63  }
0x78: {  	s14 =	simm.s32 $0xFAF0;
	s9 =	simm.s32 $0x870  }
0x79: {  	[tilespmem:s14], [sflag:$0x7] =	stream.indirect.gather [hbm4b:s4+s12], $0x40, s9, s12, $0xb8;
	[tilespmem:$0x19AF0] =	vst v63  }
0x7a: {  	s14 =	simm.s32 $0x104F0;
	s9 =	simm.s32 $0x898  }
0x7b: {  	[tilespmem:s14], [sflag:$0x7] =	stream.indirect.gather [hbm4b:s4+s12], $0x40, s9, s12, $0xb8;
	[tilespmem:$0x19AF0] =	vst v63  }
0x7c: {  	s14 =	simm.s32 $0x10EF0;
	s9 =	simm.s32 $0x8C0  }
0x7d: {  	[tilespmem:s14], [sflag:$0x7] =	stream.indirect.gather [hbm4b:s4+s12], $0x40, s9, s12, $0xb8;
	[tilespmem:$0x19AF0] =	vst v63  }
0x7e: {  	s14 =	simm.s32 $0x118F0;
	s9 =	simm.s32 $0x8E8  }
0x7f: {  	[tilespmem:s14], [sflag:$0x7] =	stream.indirect.gather [hbm4b:s4+s12], $0x40, s9, s12, $0xb8;
	[tilespmem:$0x19AF0] =	vst v63  }
0x80: {  	s14 =	simm.s32 $0x122F0;
	s9 =	simm.s32 $0x910  }
0x81: {  	[tilespmem:s14], [sflag:$0x7] =	stream.indirect.gather [hbm4b:s4+s12], $0x40, s9, s12, $0xb8;
	[tilespmem:$0x19AF0] =	vst v63  }
0x82: {  	s14 =	simm.s32 $0x12CF0;
	s9 =	simm.s32 $0x938  }
0x83: {  	[tilespmem:s14], [sflag:$0x7] =	stream.indirect.gather [hbm4b:s4+s12], $0x40, s9, s12, $0xb8;
	[tilespmem:$0x19AF0] =	vst v63  }
0x84: {  	_ =	swait.ge [sflag:s15], $0xA00  }
0x85: {  	[sflag:s15] =	ssyncset.done $0x0  }
0x86: {  	[sflag:s15] =	ssyncadd.s32 $0xFFFFF600  }
0x87: {  	_ =	swait.ge [sflag:s15], $0xA00  }
0x88: {  	[sflag:s15] =	ssyncset.done $0x0  }
0x89: {  	[sflag:s15] =	ssyncadd.s32 $0xFFFFF600  }
0x8a: {  	_ =	swait.ge [sflag:s15], $0xA00  }
0x8b: {  	[sflag:s15] =	ssyncset.done $0x0  }
0x8c: {  	[sflag:s15] =	ssyncadd.s32 $0xFFFFF600  }
0x8d: {  	_ =	swait.ge [sflag:s15], $0xA00  }
0x8e: {  	[sflag:s15] =	ssyncset.done $0x0  }
0x8f: {  	[sflag:s15] =	ssyncadd.s32 $0xFFFFF600  }
0x90: {  	_ =	swait.ge [sflag:s15], $0xA00  }
0x91: {  	[sflag:s15] =	ssyncset.done $0x0  }
0x92: {  	[sflag:s15] =	ssyncadd.s32 $0xFFFFF600  }
0x93: {  	_ =	swait.ge [sflag:s15], $0xA00  }
0x94: {  	[sflag:s15] =	ssyncset.done $0x0  }
0x95: {  	[sflag:s15] =	ssyncadd.s32 $0xFFFFF600  }
0x96: {  	_ =	swait.ge [sflag:s15], $0xA00  }
0x97: {  	[sflag:s15] =	ssyncset.done $0x0  }
0x98: {  	[sflag:s15] =	ssyncadd.s32 $0xFFFFF600  }
0x99: {  	_ =	swait.ge [sflag:s15], $0xA00  }
0x9a: {  	[sflag:s15] =	ssyncset.done $0x0  }
0x9b: {  	[sflag:s15] =	ssyncadd.s32 $0xFFFFF600  }
0x9c: {  	_ =	swait.ge [sflag:s15], $0xA00  }
0x9d: {  	[sflag:s15] =	ssyncset.done $0x0  }
0x9e: {  	[sflag:s15] =	ssyncadd.s32 $0xFFFFF600  }
0x9f: {  	_ =	swait.ge [sflag:s15], $0xA00  }
0xa0: {  	[sflag:s15] =	ssyncset.done $0x0  }
0xa1: {  	s14 =	simm.s32 $0x6EF0;
	[sflag:s15] =	ssyncadd.s32 $0xFFFFF600  }
0xa2: {  	[tilespmem:s14], [sflag:$0xA] =	stream.indirect.gather.add.f32 [spmem:s2], $0x40, s3, s12, $0xb8;
	[tilespmem:$0x19AF0] =	vst v63  }
0xa3: {  	s9 =	simm.s32 $0x78F0  }
0xa4: {  	[tilespmem:s9], [sflag:$0xA] =	stream.indirect.gather.add.f32 [spmem:s2], $0x40, s12, s12, $0xb8;
	[tilespmem:$0x19AF0] =	vst v63  }
0xa5: {  	s10 =	simm.s32 $0x82F0;
	s9 =	simm.s32 $0x50  }
0xa6: {  	[tilespmem:s10], [sflag:$0xA] =	stream.indirect.gather.add.f32 [spmem:s2], $0x40, s9, s12, $0xb8;
	[tilespmem:$0x19AF0] =	vst v63  }
0xa7: {  	s14 =	simm.s32 $0x8CF0  }
0xa8: {  	[tilespmem:s14], [sflag:$0xA] =	stream.indirect.gather.add.f32 [spmem:s2], $0x40, s17, s12, $0xb8;
	[tilespmem:$0x19AF0] =	vst v63  }
0xa9: {  	s9 =	simm.s32 $0x96F0  }
0xaa: {  	[tilespmem:s9], [sflag:$0xA] =	stream.indirect.gather.add.f32 [spmem:s2], $0x40, s21, s12, $0xb8;
	[tilespmem:$0x19AF0] =	vst v63  }
0xab: {  	s10 =	simm.s32 $0xA0F0  }
0xac: {  	[tilespmem:s10], [sflag:$0xA] =	stream.indirect.gather.add.f32 [spmem:s2], $0x40, s25, s12, $0xb8;
	[tilespmem:$0x19AF0] =	vst v63  }
0xad: {  	s14 =	simm.s32 $0xAAF0  }
0xae: {  	[tilespmem:s14], [sflag:$0xA] =	stream.indirect.gather.add.f32 [spmem:s2], $0x40, s30, s12, $0xb8;
	[tilespmem:$0x19AF0] =	vst v63  }
0xaf: {  	s9 =	simm.s32 $0xB4F0  }
0xb0: {  	[tilespmem:s9], [sflag:$0xA] =	stream.indirect.gather.add.f32 [spmem:s2], $0x40, s16, s12, $0xb8;
	[tilespmem:$0x19AF0] =	vst v63  }
0xb1: {  	s10 =	simm.s32 $0xBEF0  }
0xb2: {  	[tilespmem:s10], [sflag:$0xA] =	stream.indirect.gather.add.f32 [spmem:s2], $0x40, s20, s12, $0xb8;
	[tilespmem:$0x19AF0] =	vst v63  }
0xb3: {  	s14 =	simm.s32 $0xC8F0  }
0xb4: {  	[tilespmem:s14], [sflag:$0xA] =	stream.indirect.gather.add.f32 [spmem:s2], $0x40, s22, s12, $0xb8;
	[tilespmem:$0x19AF0] =	vst v63  }
0xb5: {  	_ =	swait.ge [sflag:s19], $0xA00  }
0xb6: {  	[sflag:s19] =	ssyncset.done $0x0  }
0xb7: {  	[sflag:s19] =	ssyncadd.s32 $0xFFFFF600  }
0xb8: {  	_ =	swait.ge [sflag:s19], $0xA00  }
0xb9: {  	[sflag:s19] =	ssyncset.done $0x0  }
0xba: {  	[sflag:s19] =	ssyncadd.s32 $0xFFFFF600  }
0xbb: {  	_ =	swait.ge [sflag:s19], $0xA00  }
0xbc: {  	[sflag:s19] =	ssyncset.done $0x0  }
0xbd: {  	[sflag:s19] =	ssyncadd.s32 $0xFFFFF600  }
0xbe: {  	_ =	swait.ge [sflag:s19], $0xA00  }
0xbf: {  	[sflag:s19] =	ssyncset.done $0x0  }
0xc0: {  	[sflag:s19] =	ssyncadd.s32 $0xFFFFF600  }
0xc1: {  	_ =	swait.ge [sflag:s19], $0xA00  }
0xc2: {  	[sflag:s19] =	ssyncset.done $0x0  }
0xc3: {  	[sflag:s19] =	ssyncadd.s32 $0xFFFFF600  }
0xc4: {  	_ =	swait.ge [sflag:s19], $0xA00  }
0xc5: {  	[sflag:s19] =	ssyncset.done $0x0  }
0xc6: {  	[sflag:s19] =	ssyncadd.s32 $0xFFFFF600  }
0xc7: {  	_ =	swait.ge [sflag:s19], $0xA00  }
0xc8: {  	[sflag:s19] =	ssyncset.done $0x0  }
0xc9: {  	[sflag:s19] =	ssyncadd.s32 $0xFFFFF600  }
0xca: {  	_ =	swait.ge [sflag:s19], $0xA00  }
0xcb: {  	[sflag:s19] =	ssyncset.done $0x0  }
0xcc: {  	[sflag:s19] =	ssyncadd.s32 $0xFFFFF600  }
0xcd: {  	_ =	swait.ge [sflag:s19], $0xA00  }
0xce: {  	[sflag:s19] =	ssyncset.done $0x0  }
0xcf: {  	[sflag:s19] =	ssyncadd.s32 $0xFFFFF600  }
0xd0: {  	_ =	swait.ge [sflag:s19], $0xA00  }
0xd1: {  	[sflag:s19] =	ssyncset.done $0x0  }
0xd2: {  	s11 =	sadd.s32 $0x1, s11;
	[sflag:s19] =	ssyncadd.s32 $0xFFFFF600  }
0xd3: {  	[hbm4b:s13+s3] =	stream.linear.scatter [tilespmem:s23], [sflag:$0xD], $0x6400, $0x38;
	[tilespmem:$0x19AF0] =	vst v63  }
0xd4: {  	s8 =	sadd.s32 $0x4, s8;
	s24 =	sadd.s32 $0xC8, s24;
	s13 =	sadd.s32 $0x3200, s13  }
.LBB2_2:
0xd5: {  	p1 =	seq.s32 s11, $0x10  }
0xd6: {  	p2 =	sgt.u32 @!p1 s8, $0x3F  }
0xd7: {  	p2 =	por p1, !p2  }
.Ltmp5:
0xd8: {  	_ = 	snop;
	(pc) =	sbr.rel @!p2 .LBB2_3-.Ltmp5, $3  }
0xd9: {  	_ =	sdelay $0x1  }
0xda: {  	s1 =	sadd.s32 @!p1 $0xFFFFFF6A, s24;
	s10 =	simm.s32 @!p1 $0x0;
	s14 =	simm.s32 @!p1 $0x4B0  }
0xdb: {  	[tilespmem:s14], [sflag:$0x1] =	stream.linear.gather @!p1 [hbm4b:s1+s10], $0x190, $0x38;
	[tilespmem:$0x19AF0] =	vst v63  }
0xdc: {  	s1 =	simm.s32 $0x4  }
0xdd: {  	_ =	swait.ge [sflag:s1], $0x190  }
0xde: {  	p2 =	slt.u32 s11, $0x2;
	[sflag:s1] =	ssyncset.done $0x0  }
0xdf: {  	[sflag:s1] =	ssyncadd.s32 $0xFFFFFE70;
	s1 =	simm.s32 @!p2 $0x10  }
0xe0: {  	_ =	swait.ge @!p2 [sflag:s1], $0x6400  }
0xe1: {  	[sflag:s1] =	ssyncset.done @!p2 $0x0  }
0xe2: {  	s9 =	simm.s32 $0x960;
	s10 =	simm.s32 $0x136F0;
	[sflag:s1] =	ssyncadd.s32 @!p2 $0xFFFF9C00  }
0xe3: {  	[tilespmem:s10], [sflag:$0x8] =	stream.indirect.gather [hbm4b:s4+s12], $0x40, s9, s12, $0xb8;
	[tilespmem:$0x19AF0] =	vst v63  }
0xe4: {  	s14 =	simm.s32 $0x988;
	s9 =	simm.s32 $0x140F0  }
0xe5: {  	[tilespmem:s9], [sflag:$0x8] =	stream.indirect.gather [hbm4b:s4+s12], $0x40, s14, s12, $0xb8;
	[tilespmem:$0x19AF0] =	vst v63  }
0xe6: {  	s14 =	simm.s32 $0x9B0;
	s9 =	simm.s32 $0x14AF0  }
0xe7: {  	[tilespmem:s9], [sflag:$0x8] =	stream.indirect.gather [hbm4b:s4+s12], $0x40, s14, s12, $0xb8;
	[tilespmem:$0x19AF0] =	vst v63  }
0xe8: {  	s14 =	simm.s32 $0x9D8;
	s9 =	simm.s32 $0x154F0  }
0xe9: {  	[tilespmem:s9], [sflag:$0x8] =	stream.indirect.gather [hbm4b:s4+s12], $0x40, s14, s12, $0xb8;
	[tilespmem:$0x19AF0] =	vst v63  }
0xea: {  	s14 =	simm.s32 $0xA00;
	s9 =	simm.s32 $0x15EF0  }
0xeb: {  	[tilespmem:s9], [sflag:$0x8] =	stream.indirect.gather [hbm4b:s4+s12], $0x40, s14, s12, $0xb8;
	[tilespmem:$0x19AF0] =	vst v63  }
0xec: {  	s14 =	simm.s32 $0xA28;
	s9 =	simm.s32 $0x168F0  }
0xed: {  	[tilespmem:s9], [sflag:$0x8] =	stream.indirect.gather [hbm4b:s4+s12], $0x40, s14, s12, $0xb8;
	[tilespmem:$0x19AF0] =	vst v63  }
0xee: {  	s14 =	simm.s32 $0xA50;
	s9 =	simm.s32 $0x172F0  }
0xef: {  	[tilespmem:s9], [sflag:$0x8] =	stream.indirect.gather [hbm4b:s4+s12], $0x40, s14, s12, $0xb8;
	[tilespmem:$0x19AF0] =	vst v63  }
0xf0: {  	s14 =	simm.s32 $0xA78;
	s9 =	simm.s32 $0x17CF0  }
0xf1: {  	[tilespmem:s9], [sflag:$0x8] =	stream.indirect.gather [hbm4b:s4+s12], $0x40, s14, s12, $0xb8;
	[tilespmem:$0x19AF0] =	vst v63  }
0xf2: {  	s14 =	simm.s32 $0xAA0;
	s9 =	simm.s32 $0x186F0  }
0xf3: {  	[tilespmem:s9], [sflag:$0x8] =	stream.indirect.gather [hbm4b:s4+s12], $0x40, s14, s12, $0xb8;
	[tilespmem:$0x19AF0] =	vst v63  }
0xf4: {  	s10 =	simm.s32 $0xAC8;
	s14 =	simm.s32 $0x190F0  }
0xf5: {  	[tilespmem:s14], [sflag:$0x8] =	stream.indirect.gather [hbm4b:s4+s12], $0x40, s10, s12, $0xb8;
	[tilespmem:$0x19AF0] =	vst v63  }
0xf6: {  	s10 =	sadd.s32 $0xFFFFFFFF, s8  }
0xf7: {  	p2 =	sgt.u32 s10, $0x3F  }
.Ltmp6:
0xf8: {  	_ = 	snop;
	(pc) =	sbr.rel @p2 .LBB2_6-.Ltmp6, $1  }
0xf9: {  	_ =	sdelay $0x3  }
0xfa: {  	_ =	swait.ge [sflag:s7], $0xA00  }
0xfb: {  	[sflag:s7] =	ssyncset.done $0x0  }
0xfc: {  	[sflag:s7] =	ssyncadd.s32 $0xFFFFF600  }
0xfd: {  	_ =	swait.ge [sflag:s7], $0xA00  }
0xfe: {  	[sflag:s7] =	ssyncset.done $0x0  }
0xff: {  	[sflag:s7] =	ssyncadd.s32 $0xFFFFF600  }
0x100: {  	_ =	swait.ge [sflag:s7], $0xA00  }
0x101: {  	[sflag:s7] =	ssyncset.done $0x0  }
0x102: {  	[sflag:s7] =	ssyncadd.s32 $0xFFFFF600  }
0x103: {  	_ =	swait.ge [sflag:s7], $0xA00  }
0x104: {  	[sflag:s7] =	ssyncset.done $0x0  }
0x105: {  	[sflag:s7] =	ssyncadd.s32 $0xFFFFF600  }
0x106: {  	_ =	swait.ge [sflag:s7], $0xA00  }
0x107: {  	[sflag:s7] =	ssyncset.done $0x0  }
0x108: {  	[sflag:s7] =	ssyncadd.s32 $0xFFFFF600  }
0x109: {  	_ =	swait.ge [sflag:s7], $0xA00  }
0x10a: {  	[sflag:s7] =	ssyncset.done $0x0  }
0x10b: {  	[sflag:s7] =	ssyncadd.s32 $0xFFFFF600  }
0x10c: {  	_ =	swait.ge [sflag:s7], $0xA00  }
0x10d: {  	[sflag:s7] =	ssyncset.done $0x0  }
0x10e: {  	[sflag:s7] =	ssyncadd.s32 $0xFFFFF600  }
0x10f: {  	_ =	swait.ge [sflag:s7], $0xA00  }
0x110: {  	[sflag:s7] =	ssyncset.done $0x0  }
0x111: {  	[sflag:s7] =	ssyncadd.s32 $0xFFFFF600  }
0x112: {  	_ =	swait.ge [sflag:s7], $0xA00  }
0x113: {  	[sflag:s7] =	ssyncset.done $0x0  }
0x114: {  	[sflag:s7] =	ssyncadd.s32 $0xFFFFF600  }
0x115: {  	_ =	swait.ge [sflag:s7], $0xA00  }
0x116: {  	[sflag:s7] =	ssyncset.done $0x0  }
0x117: {  	s1 =	simm.s32 $0xD2F0;
	[sflag:s7] =	ssyncadd.s32 $0xFFFFF600  }
0x118: {  	[tilespmem:s1], [sflag:$0xB] =	stream.indirect.gather.add.f32 [spmem:s2], $0x40, s3, s12, $0xb8;
	[tilespmem:$0x19AF0] =	vst v63  }
0x119: {  	s6 =	simm.s32 $0xDCF0  }
0x11a: {  	[tilespmem:s6], [sflag:$0xB] =	stream.indirect.gather.add.f32 [spmem:s2], $0x40, s12, s12, $0xb8;
	[tilespmem:$0x19AF0] =	vst v63  }
0x11b: {  	s9 =	simm.s32 $0xE6F0;
	s6 =	simm.s32 $0x50  }
0x11c: {  	[tilespmem:s9], [sflag:$0xB] =	stream.indirect.gather.add.f32 [spmem:s2], $0x40, s6, s12, $0xb8;
	[tilespmem:$0x19AF0] =	vst v63  }
0x11d: {  	s14 =	simm.s32 $0xF0F0  }
0x11e: {  	[tilespmem:s14], [sflag:$0xB] =	stream.indirect.gather.add.f32 [spmem:s2], $0x40, s17, s12, $0xb8;
	[tilespmem:$0x19AF0] =	vst v63  }
0x11f: {  	s6 =	simm.s32 $0xFAF0  }
0x120: {  	[tilespmem:s6], [sflag:$0xB] =	stream.indirect.gather.add.f32 [spmem:s2], $0x40, s21, s12, $0xb8;
	[tilespmem:$0x19AF0] =	vst v63  }
0x121: {  	s9 =	simm.s32 $0x104F0  }
0x122: {  	[tilespmem:s9], [sflag:$0xB] =	stream.indirect.gather.add.f32 [spmem:s2], $0x40, s25, s12, $0xb8;
	[tilespmem:$0x19AF0] =	vst v63  }
0x123: {  	s14 =	simm.s32 $0x10EF0  }
0x124: {  	[tilespmem:s14], [sflag:$0xB] =	stream.indirect.gather.add.f32 [spmem:s2], $0x40, s30, s12, $0xb8;
	[tilespmem:$0x19AF0] =	vst v63  }
0x125: {  	s6 =	simm.s32 $0x118F0  }
0x126: {  	[tilespmem:s6], [sflag:$0xB] =	stream.indirect.gather.add.f32 [spmem:s2], $0x40, s16, s12, $0xb8;
	[tilespmem:$0x19AF0] =	vst v63  }
0x127: {  	s6 =	sadd.s32 $0xFFFFFFFE, s8  }
0x128: {  	s9 =	simm.s32 $0x122F0;
	p2 =	sgt.u32 s6, $0x3F  }
0x129: {  	[tilespmem:s9], [sflag:$0xB] =	stream.indirect.gather.add.f32 [spmem:s2], $0x40, s20, s12, $0xb8;
	[tilespmem:$0x19AF0] =	vst v63  }
0x12a: {  	s14 =	simm.s32 $0x12CF0;
	s1 =	simm.s32 @!p2 $0xA  }
0x12b: {  	[tilespmem:s14], [sflag:$0xB] =	stream.indirect.gather.add.f32 [spmem:s2], $0x40, s22, s12, $0xb8;
	[tilespmem:$0x19AF0] =	vst v63  }
0x12c: {  	_ =	swait.ge @!p2 [sflag:s1], $0xA00  }
0x12d: {  	[sflag:s1] =	ssyncset.done @!p2 $0x0  }
0x12e: {  	[sflag:s1] =	ssyncadd.s32 @!p2 $0xFFFFF600  }
0x12f: {  	_ =	swait.ge @!p2 [sflag:s1], $0xA00  }
0x130: {  	[sflag:s1] =	ssyncset.done @!p2 $0x0  }
0x131: {  	[sflag:s1] =	ssyncadd.s32 @!p2 $0xFFFFF600  }
0x132: {  	_ =	swait.ge @!p2 [sflag:s1], $0xA00  }
0x133: {  	[sflag:s1] =	ssyncset.done @!p2 $0x0  }
0x134: {  	[sflag:s1] =	ssyncadd.s32 @!p2 $0xFFFFF600  }
0x135: {  	_ =	swait.ge @!p2 [sflag:s1], $0xA00  }
0x136: {  	[sflag:s1] =	ssyncset.done @!p2 $0x0  }
0x137: {  	[sflag:s1] =	ssyncadd.s32 @!p2 $0xFFFFF600  }
0x138: {  	_ =	swait.ge @!p2 [sflag:s1], $0xA00  }
0x139: {  	[sflag:s1] =	ssyncset.done @!p2 $0x0  }
0x13a: {  	[sflag:s1] =	ssyncadd.s32 @!p2 $0xFFFFF600  }
0x13b: {  	_ =	swait.ge @!p2 [sflag:s1], $0xA00  }
0x13c: {  	[sflag:s1] =	ssyncset.done @!p2 $0x0  }
0x13d: {  	[sflag:s1] =	ssyncadd.s32 @!p2 $0xFFFFF600  }
0x13e: {  	_ =	swait.ge @!p2 [sflag:s1], $0xA00  }
0x13f: {  	[sflag:s1] =	ssyncset.done @!p2 $0x0  }
0x140: {  	[sflag:s1] =	ssyncadd.s32 @!p2 $0xFFFFF600  }
0x141: {  	_ =	swait.ge @!p2 [sflag:s1], $0xA00  }
0x142: {  	[sflag:s1] =	ssyncset.done @!p2 $0x0  }
0x143: {  	[sflag:s1] =	ssyncadd.s32 @!p2 $0xFFFFF600  }
0x144: {  	_ =	swait.ge @!p2 [sflag:s1], $0xA00  }
0x145: {  	[sflag:s1] =	ssyncset.done @!p2 $0x0  }
0x146: {  	[sflag:s1] =	ssyncadd.s32 @!p2 $0xFFFFF600  }
0x147: {  	_ =	swait.ge @!p2 [sflag:s1], $0xA00  }
0x148: {  	s9 =	smov.u32 s28;
	s28 =	simm.s32 @!p2 $0x6EF0;
	[sflag:s1] =	ssyncset.done @!p2 $0x0  }
0x149: {  	s14 =	simm.s32 @!p2 $0x0;
	[sflag:s1] =	ssyncadd.s32 @!p2 $0xFFFFF600;
	s1 =	sadd.s32 @!p2 $0xFFFFDA80, s13  }
0x14a: {  	[hbm4b:s1+s14] =	stream.linear.scatter @!p2 [tilespmem:s28], [sflag:$0xE], $0x6400, $0x38;
	[tilespmem:$0x19AF0] =	vst v63  }
0x14b: {  	s6 =	rddreg [dreg:$0x5];
	s28 =	smov.u32 s9  }
.LBB2_6:
.Ltmp7:
0x14c: {  	(pc) =	sbr.rel @p1 .LBB2_8-.Ltmp7, $4  }
.Ltmp8:
0x14d: {  	(pc) =	sbr.rel @!p1 .LBB2_7-.Ltmp8, $4  }
0x14e: {  	_ = 	snop  }
0x14f: {  	s1 =	smov.u32 s8  }
0x150: {  	p3 =	slt.u32 s10, $0x40;
	p2 =	por $0x1, $0x1;
	s1 =	simm.s32 @p1 $0x3F  }
0x151: {  	_ = 	snop  }
.LBB2_3:
0x152: {  	s1 =	simm.s32 @!p1 $0xFFFFFFFF  }
0x153: {  	s10 =	simm.s32 @!p1 $0xFFFFFFFE;
	p3 =	por @!p1 $0x0, $0x0;
	p2 =	por @!p1 $0x0, $0x0  }
.LBB2_7:
0x154: {  	s14 =	sadd.s32 $0xFFFFFF9C, s24;
	s9 =	simm.s32 $0x640  }
0x155: {  	[tilespmem:s9], [sflag:$0x2] =	stream.linear.gather [hbm4b:s14+s3], $0x190, $0x38;
	[tilespmem:$0x19AF0] =	vst v63  }
0x156: {  	_ =	swait.ge [sflag:s18], $0x190  }
0x157: {  	p4 =	seq.s32 s11, $0x0;
	[sflag:s18] =	ssyncset.done $0x0  }
0x158: {  	s14 =	simm.s32 @!p4 $0xD;
	[sflag:s18] =	ssyncadd.s32 $0xFFFFFE70  }
0x159: {  	_ =	swait.ge @!p4 [sflag:s14], $0x6400  }
0x15a: {  	[sflag:s14] =	ssyncset.done @!p4 $0x0  }
0x15b: {  	[sflag:s14] =	ssyncadd.s32 @!p4 $0xFFFF9C00;
	s14 =	simm.s32 $0x4B0  }
0x15c: {  	[tilespmem:s23], [sflag:$0x5] =	stream.indirect.gather [hbm4b:s4+s12], $0x40, s14, s12, $0xb8;
	[tilespmem:$0x19AF0] =	vst v63  }
0x15d: {  	s9 =	simm.s32 $0x14F0;
	s14 =	simm.s32 $0x4D8  }
0x15e: {  	[tilespmem:s9], [sflag:$0x5] =	stream.indirect.gather [hbm4b:s4+s12], $0x40, s14, s12, $0xb8;
	[tilespmem:$0x19AF0] =	vst v63  }
0x15f: {  	s9 =	simm.s32 $0x1EF0;
	s14 =	simm.s32 $0x500  }
0x160: {  	[tilespmem:s9], [sflag:$0x5] =	stream.indirect.gather [hbm4b:s4+s12], $0x40, s14, s12, $0xb8;
	[tilespmem:$0x19AF0] =	vst v63  }
0x161: {  	s9 =	simm.s32 $0x28F0;
	s14 =	simm.s32 $0x528  }
0x162: {  	[tilespmem:s9], [sflag:$0x5] =	stream.indirect.gather [hbm4b:s4+s12], $0x40, s14, s12, $0xb8;
	[tilespmem:$0x19AF0] =	vst v63  }
0x163: {  	s9 =	simm.s32 $0x32F0;
	s14 =	simm.s32 $0x550  }
0x164: {  	[tilespmem:s9], [sflag:$0x5] =	stream.indirect.gather [hbm4b:s4+s12], $0x40, s14, s12, $0xb8;
	[tilespmem:$0x19AF0] =	vst v63  }
0x165: {  	s9 =	simm.s32 $0x3CF0;
	s14 =	simm.s32 $0x578  }
0x166: {  	[tilespmem:s9], [sflag:$0x5] =	stream.indirect.gather [hbm4b:s4+s12], $0x40, s14, s12, $0xb8;
	[tilespmem:$0x19AF0] =	vst v63  }
0x167: {  	s9 =	simm.s32 $0x46F0;
	s14 =	simm.s32 $0x5A0  }
0x168: {  	[tilespmem:s9], [sflag:$0x5] =	stream.indirect.gather [hbm4b:s4+s12], $0x40, s14, s12, $0xb8;
	[tilespmem:$0x19AF0] =	vst v63  }
0x169: {  	s9 =	simm.s32 $0x50F0;
	s14 =	simm.s32 $0x5C8  }
0x16a: {  	[tilespmem:s9], [sflag:$0x5] =	stream.indirect.gather [hbm4b:s4+s12], $0x40, s14, s12, $0xb8;
	[tilespmem:$0x19AF0] =	vst v63  }
.Ltmp9:
0x16b: {  	_ = 	snop;
	(pc) =	sbr.rel @!p2 .LBB2_9-.Ltmp9, $4  }
0x16c: {  	s9 =	simm.s32 $0x5AF0;
	s14 =	simm.s32 $0x5F0  }
0x16d: {  	[tilespmem:s9], [sflag:$0x5] =	stream.indirect.gather [hbm4b:s4+s12], $0x40, s14, s12, $0xb8;
	[tilespmem:$0x19AF0] =	vst v63  }
0x16e: {  	s9 =	simm.s32 $0x64F0;
	s14 =	simm.s32 $0x618  }
0x16f: {  	[tilespmem:s9], [sflag:$0x5] =	stream.indirect.gather [hbm4b:s4+s12], $0x40, s14, s12, $0xb8;
	[tilespmem:$0x19AF0] =	vst v63  }
.LBB2_8:
0x170: {  	_ =	swait.ge [sflag:s26], $0xA00  }
0x171: {  	[sflag:s26] =	ssyncset.done $0x0  }
0x172: {  	[sflag:s26] =	ssyncadd.s32 $0xFFFFF600  }
0x173: {  	_ =	swait.ge [sflag:s26], $0xA00  }
0x174: {  	[sflag:s26] =	ssyncset.done $0x0  }
0x175: {  	[sflag:s26] =	ssyncadd.s32 $0xFFFFF600  }
0x176: {  	_ =	swait.ge [sflag:s26], $0xA00  }
0x177: {  	[sflag:s26] =	ssyncset.done $0x0  }
0x178: {  	[sflag:s26] =	ssyncadd.s32 $0xFFFFF600  }
0x179: {  	_ =	swait.ge [sflag:s26], $0xA00  }
0x17a: {  	[sflag:s26] =	ssyncset.done $0x0  }
0x17b: {  	[sflag:s26] =	ssyncadd.s32 $0xFFFFF600  }
0x17c: {  	_ =	swait.ge [sflag:s26], $0xA00  }
0x17d: {  	[sflag:s26] =	ssyncset.done $0x0  }
0x17e: {  	[sflag:s26] =	ssyncadd.s32 $0xFFFFF600  }
0x17f: {  	_ =	swait.ge [sflag:s26], $0xA00  }
0x180: {  	[sflag:s26] =	ssyncset.done $0x0  }
0x181: {  	[sflag:s26] =	ssyncadd.s32 $0xFFFFF600  }
0x182: {  	_ =	swait.ge [sflag:s26], $0xA00  }
0x183: {  	[sflag:s26] =	ssyncset.done $0x0  }
0x184: {  	[sflag:s26] =	ssyncadd.s32 $0xFFFFF600  }
0x185: {  	_ =	swait.ge [sflag:s26], $0xA00  }
0x186: {  	[sflag:s26] =	ssyncset.done $0x0  }
0x187: {  	[sflag:s26] =	ssyncadd.s32 $0xFFFFF600  }
0x188: {  	_ =	swait.ge [sflag:s26], $0xA00  }
0x189: {  	[sflag:s26] =	ssyncset.done $0x0  }
0x18a: {  	[sflag:s26] =	ssyncadd.s32 $0xFFFFF600  }
0x18b: {  	_ =	swait.ge [sflag:s26], $0xA00  }
0x18c: {  	[sflag:s26] =	ssyncset.done $0x0  }
0x18d: {  	s14 =	simm.s32 $0x136F0;
	[sflag:s26] =	ssyncadd.s32 $0xFFFFF600  }
0x18e: {  	[tilespmem:s14], [sflag:$0xC] =	stream.indirect.gather.add.f32 [spmem:s2], $0x40, s3, s12, $0xb8;
	[tilespmem:$0x19AF0] =	vst v63  }
0x18f: {  	s9 =	simm.s32 $0x140F0  }
0x190: {  	[tilespmem:s9], [sflag:$0xC] =	stream.indirect.gather.add.f32 [spmem:s2], $0x40, s12, s12, $0xb8;
	[tilespmem:$0x19AF0] =	vst v63  }
0x191: {  	s14 =	simm.s32 $0x14AF0;
	s9 =	simm.s32 $0x50  }
0x192: {  	[tilespmem:s14], [sflag:$0xC] =	stream.indirect.gather.add.f32 [spmem:s2], $0x40, s9, s12, $0xb8;
	[tilespmem:$0x19AF0] =	vst v63  }
0x193: {  	s9 =	simm.s32 $0x154F0  }
0x194: {  	[tilespmem:s9], [sflag:$0xC] =	stream.indirect.gather.add.f32 [spmem:s2], $0x40, s17, s12, $0xb8;
	[tilespmem:$0x19AF0] =	vst v63  }
0x195: {  	s9 =	simm.s32 $0x15EF0  }
0x196: {  	[tilespmem:s9], [sflag:$0xC] =	stream.indirect.gather.add.f32 [spmem:s2], $0x40, s21, s12, $0xb8;
	[tilespmem:$0x19AF0] =	vst v63  }
0x197: {  	s9 =	simm.s32 $0x168F0  }
0x198: {  	[tilespmem:s9], [sflag:$0xC] =	stream.indirect.gather.add.f32 [spmem:s2], $0x40, s25, s12, $0xb8;
	[tilespmem:$0x19AF0] =	vst v63  }
0x199: {  	s9 =	simm.s32 $0x172F0  }
0x19a: {  	[tilespmem:s9], [sflag:$0xC] =	stream.indirect.gather.add.f32 [spmem:s2], $0x40, s30, s12, $0xb8;
	[tilespmem:$0x19AF0] =	vst v63  }
0x19b: {  	s9 =	simm.s32 $0x17CF0  }
0x19c: {  	[tilespmem:s9], [sflag:$0xC] =	stream.indirect.gather.add.f32 [spmem:s2], $0x40, s16, s12, $0xb8;
	[tilespmem:$0x19AF0] =	vst v63  }
.Ltmp10:
0x19d: {  	_ = 	snop;
	(pc) =	sbr.rel @p3 .LBB2_10-.Ltmp10, $4  }
.Ltmp11:
0x19e: {  	s9 =	simm.s32 $0x186F0;
	(pc) =	sbr.rel @!p3 .LBB2_11-.Ltmp11, $4  }
0x19f: {  	[tilespmem:s9], [sflag:$0xC] =	stream.indirect.gather.add.f32 [spmem:s2], $0x40, s20, s12, $0xb8;
	[tilespmem:$0x19AF0] =	vst v63  }
0x1a0: {  	p2 =	por $0x1, $0x1;
	s9 =	simm.s32 $0x190F0  }
0x1a1: {  	[tilespmem:s9], [sflag:$0xC] =	stream.indirect.gather.add.f32 [spmem:s2], $0x40, s22, s12, $0xb8;
	[tilespmem:$0x19AF0] =	vst v63  }
0x1a2: {  	_ = 	snop  }
.LBB2_9:
.Ltmp12:
0x1a3: {  	(pc) =	sbr.rel @!p3 .LBB2_12-.Ltmp12, $2  }
0x1a4: {  	_ =	sdelay $0x2  }
0x1a5: {  	p2 =	por $0x0, $0x0  }
.LBB2_10:
0x1a6: {  	_ =	swait.ge [sflag:s29], $0xA00  }
0x1a7: {  	[sflag:s29] =	ssyncset.done $0x0  }
0x1a8: {  	[sflag:s29] =	ssyncadd.s32 $0xFFFFF600  }
0x1a9: {  	_ =	swait.ge [sflag:s29], $0xA00  }
0x1aa: {  	[sflag:s29] =	ssyncset.done $0x0  }
0x1ab: {  	[sflag:s29] =	ssyncadd.s32 $0xFFFFF600  }
0x1ac: {  	_ =	swait.ge [sflag:s29], $0xA00  }
0x1ad: {  	[sflag:s29] =	ssyncset.done $0x0  }
0x1ae: {  	[sflag:s29] =	ssyncadd.s32 $0xFFFFF600  }
0x1af: {  	_ =	swait.ge [sflag:s29], $0xA00  }
0x1b0: {  	[sflag:s29] =	ssyncset.done $0x0  }
0x1b1: {  	[sflag:s29] =	ssyncadd.s32 $0xFFFFF600  }
0x1b2: {  	_ =	swait.ge [sflag:s29], $0xA00  }
0x1b3: {  	[sflag:s29] =	ssyncset.done $0x0  }
0x1b4: {  	[sflag:s29] =	ssyncadd.s32 $0xFFFFF600  }
0x1b5: {  	_ =	swait.ge [sflag:s29], $0xA00  }
0x1b6: {  	[sflag:s29] =	ssyncset.done $0x0  }
0x1b7: {  	[sflag:s29] =	ssyncadd.s32 $0xFFFFF600  }
0x1b8: {  	_ =	swait.ge [sflag:s29], $0xA00  }
0x1b9: {  	[sflag:s29] =	ssyncset.done $0x0  }
0x1ba: {  	[sflag:s29] =	ssyncadd.s32 $0xFFFFF600  }
0x1bb: {  	_ =	swait.ge [sflag:s29], $0xA00  }
0x1bc: {  	[sflag:s29] =	ssyncset.done $0x0  }
0x1bd: {  	[sflag:s29] =	ssyncadd.s32 $0xFFFFF600  }
0x1be: {  	_ =	swait.ge [sflag:s29], $0xA00  }
0x1bf: {  	s10 =	sshll.u32 s10, $0x1;
	[sflag:s29] =	ssyncset.done $0x0  }
0x1c0: {  	s10 =	sadd.s32 s6, s10;
	[sflag:s29] =	ssyncadd.s32 $0xFFFFF600  }
0x1c1: {  	s10 =	smul.u32 $0x640, s10;
	_ =	swait.ge [sflag:s29], $0xA00  }
0x1c2: {  	[sflag:s29] =	ssyncset.done $0x0  }
0x1c3: {  	s14 =	simm.s32 $0xD2F0;
	s10 =	sadd.s32 s28, s10;
	[sflag:s29] =	ssyncadd.s32 $0xFFFFF600  }
0x1c4: {  	[hbm4b:s10+s3] =	stream.linear.scatter [tilespmem:s14], [sflag:$0xF], $0x6400, $0x38;
	[tilespmem:$0x19AF0] =	vst v63  }
.LBB2_11:
.Ltmp13:
0x1c5: {  	(pc) =	sbr.rel @p1 .LBB2_13-.Ltmp13, $1  }
0x1c6: {  	_ =	sdelay $0x3  }
.LBB2_12:
0x1c7: {  	s10 =	sadd.s32 $0xFFFFFFCE, s24;
	s14 =	simm.s32 $0x7D0;
	s9 =	simm.s32 $0x2  }
0x1c8: {  	[tilespmem:s14], [sflag:$0x3] =	stream.linear.gather [hbm4b:s10+s3], $0x190, $0x38;
	[tilespmem:$0x19AF0] =	vst v63  }
0x1c9: {  	_ =	swait.ge [sflag:s9], $0x190  }
0x1ca: {  	p3 =	seq.s32 s11, $0x0;
	[sflag:s9] =	ssyncset.done $0x0  }
0x1cb: {  	s10 =	simm.s32 @!p3 $0xE;
	[sflag:s9] =	ssyncadd.s32 $0xFFFFFE70  }
0x1cc: {  	_ =	swait.ge @!p3 [sflag:s10], $0x6400  }
0x1cd: {  	[sflag:s10] =	ssyncset.done @!p3 $0x0  }
0x1ce: {  	s14 =	simm.s32 $0x6EF0;
	s9 =	simm.s32 $0x640;
	[sflag:s10] =	ssyncadd.s32 @!p3 $0xFFFF9C00  }
0x1cf: {  	[tilespmem:s14], [sflag:$0x6] =	stream.indirect.gather [hbm4b:s4+s12], $0x40, s9, s12, $0xb8;
	[tilespmem:$0x19AF0] =	vst v63  }
0x1d0: {  	s9 =	simm.s32 $0x78F0;
	s14 =	simm.s32 $0x668  }
0x1d1: {  	[tilespmem:s9], [sflag:$0x6] =	stream.indirect.gather [hbm4b:s4+s12], $0x40, s14, s12, $0xb8;
	[tilespmem:$0x19AF0] =	vst v63  }
0x1d2: {  	s9 =	simm.s32 $0x82F0;
	s14 =	simm.s32 $0x690  }
0x1d3: {  	[tilespmem:s9], [sflag:$0x6] =	stream.indirect.gather [hbm4b:s4+s12], $0x40, s14, s12, $0xb8;
	[tilespmem:$0x19AF0] =	vst v63  }
0x1d4: {  	s9 =	simm.s32 $0x8CF0;
	s14 =	simm.s32 $0x6B8  }
0x1d5: {  	[tilespmem:s9], [sflag:$0x6] =	stream.indirect.gather [hbm4b:s4+s12], $0x40, s14, s12, $0xb8;
	[tilespmem:$0x19AF0] =	vst v63  }
0x1d6: {  	s9 =	simm.s32 $0x96F0;
	s14 =	simm.s32 $0x6E0  }
0x1d7: {  	[tilespmem:s9], [sflag:$0x6] =	stream.indirect.gather [hbm4b:s4+s12], $0x40, s14, s12, $0xb8;
	[tilespmem:$0x19AF0] =	vst v63  }
0x1d8: {  	s9 =	simm.s32 $0xA0F0;
	s14 =	simm.s32 $0x708  }
0x1d9: {  	[tilespmem:s9], [sflag:$0x6] =	stream.indirect.gather [hbm4b:s4+s12], $0x40, s14, s12, $0xb8;
	[tilespmem:$0x19AF0] =	vst v63  }
0x1da: {  	s9 =	simm.s32 $0xAAF0;
	s14 =	simm.s32 $0x730  }
0x1db: {  	[tilespmem:s9], [sflag:$0x6] =	stream.indirect.gather [hbm4b:s4+s12], $0x40, s14, s12, $0xb8;
	[tilespmem:$0x19AF0] =	vst v63  }
0x1dc: {  	s9 =	simm.s32 $0xB4F0;
	s14 =	simm.s32 $0x758  }
0x1dd: {  	[tilespmem:s9], [sflag:$0x6] =	stream.indirect.gather [hbm4b:s4+s12], $0x40, s14, s12, $0xb8;
	[tilespmem:$0x19AF0] =	vst v63  }
0x1de: {  	s9 =	simm.s32 $0xBEF0;
	s14 =	simm.s32 $0x780  }
0x1df: {  	[tilespmem:s9], [sflag:$0x6] =	stream.indirect.gather [hbm4b:s4+s12], $0x40, s14, s12, $0xb8;
	[tilespmem:$0x19AF0] =	vst v63  }
0x1e0: {  	s9 =	simm.s32 $0xC8F0;
	s14 =	simm.s32 $0x7A8  }
0x1e1: {  	[tilespmem:s9], [sflag:$0x6] =	stream.indirect.gather [hbm4b:s4+s12], $0x40, s14, s12, $0xb8;
	[tilespmem:$0x19AF0] =	vst v63  }
0x1e2: {  	_ =	swait.ge [sflag:s0], $0xA00  }
0x1e3: {  	[sflag:s0] =	ssyncset.done $0x0  }
0x1e4: {  	[sflag:s0] =	ssyncadd.s32 $0xFFFFF600  }
0x1e5: {  	_ =	swait.ge [sflag:s0], $0xA00  }
0x1e6: {  	[sflag:s0] =	ssyncset.done $0x0  }
0x1e7: {  	[sflag:s0] =	ssyncadd.s32 $0xFFFFF600  }
0x1e8: {  	_ =	swait.ge [sflag:s0], $0xA00  }
0x1e9: {  	[sflag:s0] =	ssyncset.done $0x0  }
0x1ea: {  	[sflag:s0] =	ssyncadd.s32 $0xFFFFF600  }
0x1eb: {  	_ =	swait.ge [sflag:s0], $0xA00  }
0x1ec: {  	[sflag:s0] =	ssyncset.done $0x0  }
0x1ed: {  	[sflag:s0] =	ssyncadd.s32 $0xFFFFF600  }
0x1ee: {  	_ =	swait.ge [sflag:s0], $0xA00  }
0x1ef: {  	[sflag:s0] =	ssyncset.done $0x0  }
0x1f0: {  	[sflag:s0] =	ssyncadd.s32 $0xFFFFF600  }
0x1f1: {  	_ =	swait.ge [sflag:s0], $0xA00  }
0x1f2: {  	[sflag:s0] =	ssyncset.done $0x0  }
0x1f3: {  	[sflag:s0] =	ssyncadd.s32 $0xFFFFF600  }
0x1f4: {  	_ =	swait.ge [sflag:s0], $0xA00  }
0x1f5: {  	[sflag:s0] =	ssyncset.done $0x0  }
0x1f6: {  	[sflag:s0] =	ssyncadd.s32 $0xFFFFF600  }
0x1f7: {  	_ =	swait.ge [sflag:s0], $0xA00  }
0x1f8: {  	[sflag:s0] =	ssyncset.done $0x0  }
0x1f9: {  	[sflag:s0] =	ssyncadd.s32 $0xFFFFF600  }
0x1fa: {  	_ =	swait.ge [sflag:s0], $0xA00  }
0x1fb: {  	[sflag:s0] =	ssyncset.done $0x0  }
0x1fc: {  	[sflag:s0] =	ssyncadd.s32 $0xFFFFF600  }
0x1fd: {  	_ =	swait.ge [sflag:s0], $0xA00  }
0x1fe: {  	[sflag:s0] =	ssyncset.done $0x0  }
0x1ff: {  	[sflag:s0] =	ssyncadd.s32 $0xFFFFF600  }
0x200: {  	[tilespmem:s23], [sflag:$0x9] =	stream.indirect.gather.add.f32 [spmem:s2], $0x40, s3, s12, $0xb8;
	[tilespmem:$0x19AF0] =	vst v63  }
0x201: {  	s14 =	simm.s32 $0x14F0  }
0x202: {  	[tilespmem:s14], [sflag:$0x9] =	stream.indirect.gather.add.f32 [spmem:s2], $0x40, s12, s12, $0xb8;
	[tilespmem:$0x19AF0] =	vst v63  }
0x203: {  	s10 =	simm.s32 $0x50;
	s14 =	simm.s32 $0x1EF0  }
0x204: {  	[tilespmem:s14], [sflag:$0x9] =	stream.indirect.gather.add.f32 [spmem:s2], $0x40, s10, s12, $0xb8;
	[tilespmem:$0x19AF0] =	vst v63  }
0x205: {  	s14 =	simm.s32 $0x28F0  }
0x206: {  	[tilespmem:s14], [sflag:$0x9] =	stream.indirect.gather.add.f32 [spmem:s2], $0x40, s17, s12, $0xb8;
	[tilespmem:$0x19AF0] =	vst v63  }
0x207: {  	s10 =	simm.s32 $0x32F0  }
0x208: {  	[tilespmem:s10], [sflag:$0x9] =	stream.indirect.gather.add.f32 [spmem:s2], $0x40, s21, s12, $0xb8;
	[tilespmem:$0x19AF0] =	vst v63  }
0x209: {  	s14 =	simm.s32 $0x3CF0  }
0x20a: {  	[tilespmem:s14], [sflag:$0x9] =	stream.indirect.gather.add.f32 [spmem:s2], $0x40, s25, s12, $0xb8;
	[tilespmem:$0x19AF0] =	vst v63  }
0x20b: {  	s10 =	simm.s32 $0x46F0  }
0x20c: {  	[tilespmem:s10], [sflag:$0x9] =	stream.indirect.gather.add.f32 [spmem:s2], $0x40, s30, s12, $0xb8;
	[tilespmem:$0x19AF0] =	vst v63  }
0x20d: {  	s14 =	simm.s32 $0x50F0  }
0x20e: {  	[tilespmem:s14], [sflag:$0x9] =	stream.indirect.gather.add.f32 [spmem:s2], $0x40, s16, s12, $0xb8;
	[tilespmem:$0x19AF0] =	vst v63  }
.Ltmp14:
0x20f: {  	_ = 	snop;
	(pc) =	sbr.rel @p2 .LBB2_14-.Ltmp14, $4  }
.Ltmp15:
0x210: {  	s10 =	simm.s32 $0x5AF0;
	(pc) =	sbr.rel @!p2 .LBB2_15-.Ltmp15, $4  }
0x211: {  	[tilespmem:s10], [sflag:$0x9] =	stream.indirect.gather.add.f32 [spmem:s2], $0x40, s20, s12, $0xb8;
	[tilespmem:$0x19AF0] =	vst v63  }
0x212: {  	s14 =	simm.s32 $0x64F0  }
0x213: {  	[tilespmem:s14], [sflag:$0x9] =	stream.indirect.gather.add.f32 [spmem:s2], $0x40, s22, s12, $0xb8;
	[tilespmem:$0x19AF0] =	vst v63  }
0x214: {  	_ = 	snop  }
.LBB2_17:
0x215: {  	_ =	sfence.sel $0x180000  }
0x216: {  	[bflag:$0x0] =	sbarrier.arrive $0xFFFF  }
0x217: {  	_ =	strace $0x90000047  }
0x218: {  	[bflag:$0x2] =	sbarrier.arrive $0xFFFF  }
0x219: {  	s0 =	rddreg [dreg:$0x3]  }
0x21a: {  	s0 =	sadd.s32 @!p0 $0x100000, s0  }
0x21b: {  	[sflag:s0] =	ssyncadd.tile.s32 @!p0 $0x1;
	_ =	shalt  }
.Lfunc_end2:
_tile_overlayer_lowered:
.L_overlay_start_2:
0x21c: {  	(tag) =	ssettag $0x2  }
0x21d: {  	s0 =	rddreg [dreg:$0x0];
	s2 =	stileid.u32  }
0x21e: {  	s1 =	rddreg [dreg:$0x1];
	p0 =	sne.s32 s2, $0x0  }
0x21f: {  	s3 =	rddreg [dreg:$0x2];
	[bflag:$0x3] =	sbarrier.arrive $0xFFFF;
	s2 =	simm.s32 @!p0 $0x1C11  }
0x220: {  	[timem:s3], [sflag:s2] =	dma.local @!p0 [hbm:s0], s1  }
0x221: {  	s0 =	simm.s32 @!p0 $0x11  }
0x222: {  	_ =	swait.ge @!p0 [sflag:s0], s1  }
0x223: {  	s1 =	ssub.s32 @!p0 $0x0, s1;
	[sflag:s0] =	ssyncset.done @!p0 $0x0  }
0x224: {  	[sflag:s0] =	ssyncadd.s32 @!p0 s1  }
0x225: {  	[bflag:$0x3] =	sbarrier.arrive $0xFFFF  }
0x226: {  	_ =	shalt  }

// kernel: sparse-core-data-format-call.cloned.1.call-start
scs
called_computation_lowered:
.L_overlay_start_0:
0x0: {  	s2 =	sld [smem:$0x3FD9]  }
0x1: {  	s3 =	sld [smem:$0x3FFE];
	_ =	sdelay $0x1  }
0x2: {  	s1 =	srdreg.scid  }
0x3: {  	s0 =	sand.u32 $0x1, s1  }
0x4: {  	s18 =	sshll.u32 s0, $0xA;
	s2 =	sadd.s32 s3, s2  }
0x5: {  	s2 =	sadd.s32 s2, s18  }
0x6: {  	[smem:$0x3FC5] =	sst s2  }
0x7: {  	_ = 	snop  }
0x8: {  	s2 =	sld [smem:$0x3FD0];
	(tm) =	ssettm $0x1  }
0x9: {  	s19 =	sld [smem:$0x3FFB];
	_ =	sdelay $0x3  }
0xa: {  	_ =	strace s19  }
0xb: {  	s3 =	sld [smem:$0x3FFC];
	_ =	sdelay $0x3  }
0xc: {  	_ =	strace s3  }
0xd: {  	s3 =	sld [smem:$0x3FFD];
	_ =	sdelay $0x3  }
0xe: {  	_ =	strace s3  }
0xf: {  	_ =	strace $0x8FFFFFFF  }
0x10: {  	s20 =	sld [smem:$0x3FDB];
	_ =	sdelay $0x1  }
0x11: {  	s4 =	simm.s32 $_scs_section_size  }
0x12: {  	s5 =	simm.s32 $_size__tile_overlayer_lowered;
	s6 =	simm.s32 $_tile_overlayer_lowered  }
0x13: {  	s23 =	simm.s32 $0x1BFF;
	s22 =	sshll.u32 s6, $0x1;
	s3 =	sadd.s32 s4, s20  }
0x14: {  	s7 =	simm.s32 $0x0;
	s21 =	sshll.u32 s5, $0x1;
	s5 =	sadd.s32 s22, s3  }
0x15: {  	[timem:s7], [sflag:s23] =	dma.local [hbm:s5], s21  }
0x16: {  	_ =	swait.ge [sflag:s23], s21  }
0x17: {  	s4 =	ssub.s32 $0x0, s21;
	[sflag:s23] =	ssyncset.done $0x0  }
0x18: {  	[sflag:s23] =	ssyncadd.s32 s4;
	_ =	sdelay $0x1  }
0x19: {  	s24 =	simm.s32 $0x1B8B  }
0x1a: {  	_ =	swait.ge [sflag:s24], $0x1  }
0x1b: {  	[sflag:s24] =	ssyncset.done $0x0  }
0x1c: {  	s26 =	simm.s32 $0x1B8E;
	s25 =	sld [smem:$0x3FFE];
	[sflag:s24] =	ssyncadd.s32 $0xFFFFFFFF  }
0x1d: {  	s27 =	simm.s32 $execute0_lowered;
	[smem:$0x3FD2] =	sst s26  }
0x1e: {  	s5 =	sshll.u32 s27, $0x1;
	_ =	strace $0x80000049;
	[dreg:$0x1] =	wrdreg $0xFFFFFFFF  }
0x1f: {  	s28 =	simm.s32 $_size_execute0_lowered;
	s3 =	sadd.s32 s3, s5;
	[dreg:$0x0] =	wrdreg $0x0  }
0x20: {  	s5 =	sshll.u32 s28, $0x1;
	[dreg:$0x2] =	wrdreg s3  }
0x21: {  	[dreg:$0x3] =	wrdreg s5  }
0x22: {  	[dreg:$0x4] =	wrdreg $0xC0  }
0x23: {  	_ =	task [dreg:s7], $0x5FFFF  }
0x24: {  	[dreg:$0x1] =	wrdreg $0xFFFFFFFF  }
0x25: {  	[dreg:$0x0] =	wrdreg $0x60  }
0x26: {  	[dreg:$0x2] =	wrdreg s25  }
0x27: {  	[dreg:$0x3] =	wrdreg s2  }
0x28: {  	[dreg:$0x4] =	wrdreg $0x9  }
0x29: {  	_ =	task.clear_ibuf [dreg:s7], $0x5FFFF;
	_ =	strace $0x90000049  }
0x2a: {  	s29 =	simm.s32 $0x9;
	_ =	strace $0x8000004B  }
0x2b: {  	_ =	swait.ge [sflag:s29], $0x1  }
0x2c: {  	[sflag:s29] =	ssyncadd.s32 $0xFFFFFFFF  }
0x2d: {  	_ =	strace $0x9000004B  }
0x2e: {  	_ =	sfence  }
0x2f: {  	s30 =	sld [smem:$0x0];
	_ =	sdelay $0x2  }
0x30: {  	s31 =	sshll.u32 s1, $0xD;
	s1 =	sshrl.u32 s1, $0x2  }
0x31: {  	s3 =	sand.u32 $0x4000, s31;
	s1 =	sadd.s32 s1, s30  }
0x32: {  	s0 =	sor.u32 s3, s0;
	s1 =	sshll.u32 s1, $0x11  }
0x33: {  	s0 =	sor.u32 s1, s0  }
0x34: {  	s0 =	sadd.s32 $0x8F2B, s0  }
0x35: {  	[sflag:s0] =	ssyncadd.remote.s32 $0x1  }
0x36: {  	_ =	sfence.sel $0xFFFF  }
0x37: {  	[dreg:$0x0] =	wrdreg $0xFFFFFFFF;
	(pc) =	sbr.abs _section_cstart, $3  }
0x38: {  	[dreg:$0x1] =	wrdreg $0xFFFFFFFF  }
0x39: {  	_ =	task.clear_ibuf [dreg:s7], $0x2FFFF;
	_ =	strace $0x9FFFFFFF  }
0x3a: {  	(tm) =	ssettm $0x7FFFFFFF  }
0x3b: {  	_ =	shalt  }
tec
execute0_lowered:
.L_overlay_start_1:
0x0: {  	(tag) =	ssettag $0x1  }
0x1: {  	s0 =	srdreg.scid  }
0x2: {  	s1 =	sshll.u32 s0, $0x4  }
0x3: {  	s0 =	stileid.u32;
	s1 =	sand.u32 $0x10, s1  }
0x4: {  	s1 =	sor.u32 s0, s1  }
0x5: {  	s6 =	rddreg [dreg:$0x0];
	s4 =	simm.s32 $0x1;
	s2 =	sshll.u32 s1, $0x7  }
0x6: {  	s7 =	simm.s32 $0x2;
	s12 =	simm.s32 $0x0;
	s1 =	ssub.s32 $0x1000, s2  }
0x7: {  	s8 =	simm.s32 $0x8000;
	s13 =	simm.s32 $0x0;
	s3 =	sand.u32 $0xF80, s1  }
0x8: {  	s9 =	simm.s32 $0x0;
	s5 =	sshrl.u32 s1, $0xC;
	p0 =	sne.s32 s3, $0x0  }
.Ltmp0:
0x9: {  	s1 =	rddreg [dreg:$0x2];
	s4 =	simm.s32 @!p0 $0x0;
	(pc) =	sbr.rel .LBB1_1-.Ltmp0, $4  }
0xa: {  	s11 =	simm.s32 $0x0;
	s3 =	rddreg [dreg:$0x1];
	s5 =	sadd.s32 s4, s5  }
0xb: {  	_ =	strace $0x8000004A;
	s4 =	simm.s32 $0x1;
	s5 =	smul.u32 $0xC8, s5  }
0xc: {  	s6 =	sadd.s32 $0xC00, s6;
	s10 =	smov.u32 s2;
	[sflag:s4] =	ssyncpa.u1 $0x0  }
0xd: {  	p0 =	por $0x0, $0x0;
	[sflag:s7] =	ssyncpa.u1 $0x0;
	s7 =	sor.u32 $0x1, s5  }
.LBB1_4:
0xe: {  	s16 =	sshll.u32 s13, $0x3;
	s17 =	sand.u32 $0x78, s13  }
0xf: {  	s30 =	sand.u32 $0x7E00, s13;
	s12 =	sshll.u32 s12, $0xF;
	s16 =	sand.u32 $0xC00, s16  }
0x10: {  	[tilespmem:s15+$0x810 ss:$0x81] =	vst.msk $0xffff, v2;
	s31 =	sand.u32 $0x7, s13;
	s16 =	sor.u32 s17, s16;
	s17 =	sadd.s32 s3, s30  }
0x11: {  	[tilespmem:s15+$0x1020 ss:$0x81] =	vst.msk $0xffff, v0;
	s13 =	sshll.u32 s31, $0x12;
	s12 =	sadd.s32 s12, s17;
	s16 =	sshrl.u32 s16, $0x3  }
0x12: {  	[tilespmem:s15+$0x0 ss:$0x81] =	vst.msk $0xffff, v1;
	s13 =	sor.u32 $0x400, s13;
	s12 =	sadd.s32 s16, s12  }
0x13: {  	[hbm4b:s12+s13] =	stream.strided.scatter [tilespmem:s14], [sflag:$0x2], $0x2000, s8, s13, $0x20;
	[tilespmem:$0x8080] =	vst v63  }
.LBB1_5:
0x14: {  	s14 =	sadd.s32 $0x1, s9  }
0x15: {  	s12 =	sadd.s32 $0x1000, s10;
	s16 =	smov.u32 s10;
	p2 =	sgt.s32 s14, $0xC7  }
0x16: {  	s16 =	smov.u32 @p2 s12  }
0x17: {  	s14 =	simm.s32 @p2 $0x0;
	p2 =	sgt.s32 s16, $0xFFF  }
0x18: {  	s16 =	smov.u32 @p2 s2;
	p2 =	sne.s32 s11, s7  }
.Ltmp1:
0x19: {  	p1 =	slt.u32 s11, $0x2;
	(pc) =	sbr.rel @!p2 .LBB1_6-.Ltmp1, $4  }
0x1a: {  	s15 =	simm.s32 @!p1 $0x2  }
0x1b: {  	s13 =	smov.u32 s10;
	p0 =	por !p0, !p0;
	_ =	swait.ge @!p1 [sflag:s15], $0x2000  }
0x1c: {  	s12 =	smov.u32 s9;
	[sflag:s15] =	ssyncset.done @!p1 $0x0;
	s9 =	smov.u32 s14  }
0x1d: {  	s11 =	sadd.s32 $0x1, s11;
	[sflag:s15] =	ssyncadd.s32 @!p1 $0xFFFFE000;
	s10 =	smov.u32 s16  }
.LBB1_1:
0x1e: {  	p1 =	sge.u32 s11, s5  }
0x1f: {  	s14 =	sand.u32 @!p1 $0x1FFFFFF, s9  }
0x20: {  	s15 =	smulhi.u32 @!p1 $0x147AE15, s14;
	_ =	sdelay $0x1  }
0x21: {  	s15 =	smul.u32 @!p1 $0xC8, s15  }
0x22: {  	s16 =	sxor.u32 @!p1 $0xFFFFFFFF, s11;
	s17 =	smul.u32 @!p1 $0xC80, s10  }
0x23: {  	s31 =	sadd.s32 $0xFFFFFFFF, s11;
	s16 =	sshll.u32 @!p1 s16, $0xD;
	s14 =	ssub.s32 @!p1 s14, s15  }
0x24: {  	s15 =	sand.u32 @!p1 $0x2000, s16;
	s16 =	sadd.s32 @!p1 s6, s17;
	s14 =	sshll.u32 @!p1 s14, $0x4  }
0x25: {  	s17 =	simm.s32 @!p1 $0x6400;
	s14 =	sadd.s32 @!p1 s14, s16;
	s16 =	simm.s32 @!p1 $0x40  }
0x26: {  	[tilespmem:s15], [sflag:$0x1] =	stream.strided.gather @!p1 [hbm4b:s14+s16], $0x2000, s17, s16, $0x38;
	[tilespmem:$0x8080] =	vst v63  }
0x27: {  	p1 =	sge.u32 s31, s5  }
.Ltmp2:
0x28: {  	_ = 	snop;
	(pc) =	sbr.rel @p1 .LBB1_5-.Ltmp2, $1  }
0x29: {  	_ =	sdelay $0x3  }
0x2a: {  	s14 =	simm.s32 $0x1  }
0x2b: {  	_ =	swait.ge [sflag:s4], $0x2000;
	s14 =	simm.s32 @!p0 $0x0  }
0x2c: {  	[sflag:s4] =	ssyncset.done $0x0;
	s15 =	sshll.u32 s14, $0xD  }
0x2d: {  	[sflag:s4] =	ssyncadd.s32 $0xFFFFE000;
	s18 =	sor.u32 $0x20, s15  }
0x2e: {  	s14 =	smul.u32 $0x8100, s14;
	v3 =	vld [tilespmem:s18+$0x10]  }
0x2f: {  	s30 =	sand.u32 $0x1, s11;
	v2 =	vld [tilespmem:s18+$0xFFFFFFF0]  }
0x30: {  	s15 =	smul.u32 $0x8100, s30;
	s14 =	sshrl.u32 s14, $0x2;
	v0 =	vld [tilespmem:s18+$0x0]  }
0x31: {  	v1 =	vld [tilespmem:s18+$0xFFFFFFE0];
	s16 =	sor.u32 $0x4000, s14  }
0x32: {  	s31 =	sshrl.u32 s15, $0x2;
	s15 =	sadd.s32 $0x0, s16  }
0x33: {  	s17 =	simm.s32 $0x4;
	s18 =	sadd.s32 $0x40, s18;
	s14 =	sor.u32 $0x4000, s31;
	[tilespmem:s15+$0x1830 ss:$0x81] =	vst.msk $0xffff, v3  }
.LBB1_3:
0x34: {  	v3 =	vld [tilespmem:s18+$0x10];
	p1 =	sne.s32 s17, $0x1FC;
	[tilespmem:s15+$0x810 ss:$0x81] =	vst.msk $0xffff, v2;
	s19 =	smov.u32 s17;
	s17 =	sadd.s32 $0x4, s17  }
.Ltmp3:
0x35: {  	v2 =	vld [tilespmem:s18+$0xFFFFFFF0];
	[tilespmem:s15+$0x1020 ss:$0x81] =	vst.msk $0xffff, v0;
	(pc) =	sbr.rel @p1 .LBB1_3-.Ltmp3, $4  }
0x36: {  	v0 =	vld [tilespmem:s18+$0x0];
	[tilespmem:s15+$0x0 ss:$0x81] =	vst.msk $0xffff, v1  }
0x37: {  	s15 =	sshra.s32 s19, $0x2;
	v1 =	vld [tilespmem:s18+$0xFFFFFFE0]  }
0x38: {  	s15 =	sadd.s32 s15, s16  }
0x39: {  	s18 =	sadd.s32 $0x40, s18;
	[tilespmem:s15+$0x1830 ss:$0x81] =	vst.msk $0xffff, v3  }
.Ltmp4:
0x3a: {  	_ = 	snop;
	(pc) =	sbr.rel .LBB1_4-.Ltmp4, $1  }
0x3b: {  	_ =	sdelay $0x3  }
.LBB1_6:
0x3c: {  	_ =	sfence.sel $0x180000  }
0x3d: {  	s2 =	simm.s32 $0x1;
	[bflag:$0x0] =	sbarrier.arrive $0xFFFF  }
0x3e: {  	s31 =	simm.s32 $0x2;
	[sflag:s2] =	ssyncpa.u1 $0x1  }
0x3f: {  	[sflag:s31] =	ssyncpa.u1 $0x1  }
0x40: {  	p0 =	sne.s32 s0, $0x0;
	_ =	strace $0x9000004A  }
0x41: {  	s0 =	sadd.s32 @!p0 $0x100000, s1;
	[bflag:$0x2] =	sbarrier.arrive $0xFFFF  }
0x42: {  	[sflag:s0] =	ssyncadd.tile.s32 @!p0 $0x1;
	_ =	shalt  }
.Lfunc_end1:
_tile_overlayer_lowered:
.L_overlay_start_2:
0x43: {  	(tag) =	ssettag $0x2  }
0x44: {  	s0 =	rddreg [dreg:$0x0];
	s2 =	stileid.u32  }
0x45: {  	s1 =	rddreg [dreg:$0x1];
	p0 =	sne.s32 s2, $0x0  }
0x46: {  	s3 =	rddreg [dreg:$0x2];
	[bflag:$0x3] =	sbarrier.arrive $0xFFFF;
	s2 =	simm.s32 @!p0 $0x1C01  }
0x47: {  	[timem:s3], [sflag:s2] =	dma.local @!p0 [hbm:s0], s1  }
0x48: {  	s0 =	simm.s32 @!p0 $0x1  }
0x49: {  	_ =	swait.ge @!p0 [sflag:s0], s1  }
0x4a: {  	s1 =	ssub.s32 @!p0 $0x0, s1;
	[sflag:s0] =	ssyncset.done @!p0 $0x0  }
0x4b: {  	[sflag:s0] =	ssyncadd.s32 @!p0 s1  }
0x4c: {  	[bflag:$0x3] =	sbarrier.arrive $0xFFFF  }
0x4d: {  	_ =	shalt  }

</sc_bundles>
